<compile_context>
chip_gen: v7x
topology: tpu7x:2x2x1
jax: 0.10.2.dev20260603
libtpu: 0.0.44.dev20260713+nightly
codegen_flags: <defaults>
</compile_context>

<pallas_src>
import functools

import jax
import jax.numpy as jnp
from jax import lax
from jax.experimental import pallas as pl
from jax.experimental.pallas import tpu as pltpu
from jax.experimental.pallas import tpu_sc as plsc

_BB = 128
_HB = 8
_LANES = 16
_OW = 137
_G = 5


def _body(L, H, B, tasks_per_worker, num_cores,
          xt_hbm, emb_hbm, pos_hbm, out_hbm,
          idx_v, pos_v, rows0, rows1, obuf0, obuf1,
          sem_g0, sem_g1, sem_o0, sem_o1):
  wid = lax.axis_index("s") * num_cores + lax.axis_index("c")
  t0 = wid * tasks_per_worker
  n_groups = tasks_per_worker // _G
  grp_rows = _G * _BB

  rows = (rows0, rows1)
  obufs = (obuf0, obuf1)
  gsems = (sem_g0, sem_g1)
  osems = (sem_o0, sem_o1)
  n_tb = B // _BB

  pltpu.sync_copy(xt_hbm.at[pl.ds(t0 * _BB, tasks_per_worker * _BB)], idx_v)
  pltpu.sync_copy(pos_hbm, pos_v)

  lane = jnp.arange(_LANES, dtype=jnp.int32)
  thv = [(lane + 16 * h4) // _HB for h4 in range(H // _LANES)]
  hhv = [lax.rem(lane + 16 * h4, _HB) for h4 in range(H // _LANES)]

  def gather_group(buf_i, g):
    goff = lax.rem(g, n_groups)
    return pltpu.async_copy(
        emb_hbm.at[idx_v.at[pl.ds(goff * grp_rows, grp_rows)]],
        rows[buf_i], gsems[buf_i])

  def wait_gather(buf_i):
    pltpu.make_async_copy(
        emb_hbm.at[idx_v.at[pl.ds(0, grp_rows)]], rows[buf_i],
        gsems[buf_i]).wait()

  def drain_out(o_i):
    pltpu.make_async_copy(
        obufs[o_i].at[:, :, pl.ds(0, _BB)], out_hbm.at[0, :, 0],
        osems[o_i]).wait()

  def transpose_add(buf_i, o_i, i, l):
    rbuf = rows[buf_i]
    obuf = obufs[o_i]
    pv = [pos_v[l, pl.ds(h4 * _LANES, _LANES)] for h4 in range(H // _LANES)]

    @plsc.parallel_loop(0, _BB, step=1, unroll=8)
    def _(b):
      bs = jnp.full((_LANES,), b, jnp.int32)
      for h4 in range(H // _LANES):
        v = rbuf[i * _BB + b, pl.ds(h4 * _LANES, _LANES)] + pv[h4]
        plsc.store_scatter(obuf, [thv[h4], hhv[h4], bs], v)

  def write_out(o_i, l, tb):
    pltpu.async_copy(
        obufs[o_i].at[:, :, pl.ds(0, _BB)], out_hbm.at[l, :, tb],
        osems[o_i])

  gather_group(0, 0)

  def group_pair(gp, _):
    for par in range(2):
      g = gp * 2 + par
      wait_gather(par)
      gather_group(1 - par, g + 1)
      for i in range(_G):
        k = g * _G + i
        t = t0 + k
        l = t // n_tb
        tb = lax.rem(t, n_tb)
        oi = (par * _G + i) % 2

        @pl.when(k >= 2)
        def _():
          drain_out(oi)

        transpose_add(par, oi, i, l)
        write_out(oi, l, tb)
    return 0

  lax.fori_loop(0, n_groups // 2, group_pair, 0)

  wait_gather(0)
  drain_out(0)
  drain_out(1)


def kernel(x, emb_table, pos_table):
  B, L = x.shape
  V, H = emb_table.shape
  info = plsc.get_sparse_core_info()
  nw = info.num_cores * info.num_subcores
  n_tb = B // _BB
  tasks_per_worker = (L * n_tb) // nw

  mesh = plsc.VectorSubcoreMesh(core_axis_name="c", subcore_axis_name="s")
  body = functools.partial(_body, L, H, B, tasks_per_worker, info.num_cores)
  run = pl.kernel(
      body,
      out_type=jax.ShapeDtypeStruct((L, H // _HB, n_tb, _HB, _BB),
                                    jnp.float32),
      mesh=mesh,
      scratch_types=[
          pltpu.VMEM((tasks_per_worker * _BB,), jnp.int32),
          pltpu.VMEM((L, H), jnp.float32),
          pltpu.VMEM((_G * _BB, H), jnp.float32),
          pltpu.VMEM((_G * _BB, H), jnp.float32),
          pltpu.VMEM((H // _HB, _HB, _OW), jnp.float32),
          pltpu.VMEM((H // _HB, _HB, _OW), jnp.float32),
          pltpu.SemaphoreType.DMA,
          pltpu.SemaphoreType.DMA,
          pltpu.SemaphoreType.DMA,
          pltpu.SemaphoreType.DMA,
      ],
      compiler_params=pltpu.CompilerParams(use_tc_tiling_on_sc=False,
                                           needs_layout_passes=False),
  )
  xt = jnp.swapaxes(x, 0, 1).reshape(-1)
  out5 = run(xt, emb_table, pos_table)
  return out5.transpose(2, 4, 0, 1, 3).reshape(B, L, H)

# --- scband reference (transcript-rebuilt; emitter-appended) ---
"""Pipeline reference for scband-token-embedding-6837587935424 (READ-ONLY COPY).

The authoritative reference and input builder live on the scoring server;
editing this copy changes nothing except your own understanding.
"""

import jax, jax.numpy as jnp
import numpy as np

NUM_VOCAB = 100000
MAXLEN = 200
NUM_HID = 64
BATCH = 1024
SEQ = 200

def setup_inputs(seed: int = 0) -> dict:
    key = jax.random.key(seed)
    k1, k2, k3 = jax.random.split(key, 3)
    x = jax.random.randint(k1, (BATCH, SEQ), 0, NUM_VOCAB, dtype=jnp.int64 if jax.config.read('jax_enable_x64') else jnp.int32)
    emb_table = jax.random.normal(k2, (NUM_VOCAB, NUM_HID), dtype=jnp.float32) * 0.02
    pos_table = jax.random.normal(k3, (MAXLEN, NUM_HID), dtype=jnp.float32) * 0.02
    return {"x": x, "emb_table": emb_table, "pos_table": pos_table}

def reference(x, emb_table, pos_table):
    # token embedding lookup: gather rows from emb_table
    tok = jnp.take(emb_table, x, axis=0)  # [B, L, H]
    L = x.shape[-1]
    positions = jnp.arange(0, L)
    pos = jnp.take(pos_table, positions, axis=0)  # [L, H]
    return tok + pos[None, :, :]

if __name__ == "__main__":
    import jax
    _d = setup_inputs()
    print(jax.jit(kernel)(*tuple(_d.values())))

</pallas_src>

<mosaic_0001>
#map = affine_map<(d0, d1) -> (0)>
#map1 = affine_map<(d0, d1) -> (0, 0)>
#map2 = affine_map<(d0, d1) -> (0, 0, 0, 0, 0)>
module attributes {stable_mosaic.version = 14 : i64} {
  func.func @_body(%arg0: i32, %arg1: i32, %arg2: memref<204800xi32, #tpu.memory_space<hbm>>, %arg3: memref<100000x64xf32, #tpu.memory_space<hbm>>, %arg4: memref<200x64xf32, #tpu.memory_space<hbm>>, %arg5: memref<200x8x8x8x128xf32, #tpu.memory_space<hbm>>, %arg6: memref<6400xi32, #tpu.memory_space<vmem>>, %arg7: memref<200x64xf32, #tpu.memory_space<vmem>>, %arg8: memref<640x64xf32, #tpu.memory_space<vmem>>, %arg9: memref<640x64xf32, #tpu.memory_space<vmem>>, %arg10: memref<8x8x137xf32, #tpu.memory_space<vmem>>, %arg11: memref<8x8x137xf32, #tpu.memory_space<vmem>>, %arg12: memref<!tpu.dma_semaphore, #tpu.memory_space<semaphore_mem>>, %arg13: memref<!tpu.dma_semaphore, #tpu.memory_space<semaphore_mem>>, %arg14: memref<!tpu.dma_semaphore, #tpu.memory_space<semaphore_mem>>, %arg15: memref<!tpu.dma_semaphore, #tpu.memory_space<semaphore_mem>>) attributes {dimension_semantics = [#tpu.dimension_semantics<core_parallel>, #tpu.dimension_semantics<subcore_parallel>], iteration_bounds = array<i64: 2, 16>, scalar_prefetch = 0 : i64, scratch_operands = 10 : i64, tpu.core_type = #tpu.core_type<sc_vector_subcore>, window_params = [{transform_indices = #map}, {transform_indices = #map1}, {transform_indices = #map1}, {transform_indices = #map2}]} {
    %mul3A = arith.constant 2 : i32
    %mul3A_0 = arith.muli %arg1, %mul3A : i32
    %add3A = arith.addi %mul3A_0, %arg0 : i32
    %mul3A_1 = arith.constant 50 : i32
    %mul3A_2 = arith.muli %add3A, %mul3A_1 : i32
    %mul3A_3 = arith.constant 128 : i32
    %mul3A_4 = arith.muli %mul3A_2, %mul3A_3 : i32
    "tpu.region"() ({
      %run_scoped3A = tpu.sem_alloc : memref<!tpu.dma_semaphore, #tpu.memory_space<semaphore_mem>>
      %dma_start3A_215 = tpu.memref_slice %arg2[%mul3A_4] : memref<204800xi32, #tpu.memory_space<hbm>> -> memref<6400xi32, #tpu.memory_space<hbm>>
      %dma_start3A_216 = tpu.memref_slice %arg2[%mul3A_4] : memref<204800xi32, #tpu.memory_space<hbm>> -> memref<6400xi32, #tpu.memory_space<hbm>>
      tpu.enqueue_dma source(%dma_start3A_216 : memref<6400xi32, #tpu.memory_space<hbm>>) target(%arg6 : memref<6400xi32, #tpu.memory_space<vmem>>) target_semaphore(%run_scoped3A : memref<!tpu.dma_semaphore, #tpu.memory_space<semaphore_mem>>)
      %dma_wait3A_217 = tpu.memref_slice %arg2[%mul3A_4] : memref<204800xi32, #tpu.memory_space<hbm>> -> memref<6400xi32, #tpu.memory_space<hbm>>
      %dma_wait3A_218 = tpu.memref_slice %arg2[%mul3A_4] : memref<204800xi32, #tpu.memory_space<hbm>> -> memref<6400xi32, #tpu.memory_space<hbm>>
      tpu.wait_dma2 semaphore(%run_scoped3A : memref<!tpu.dma_semaphore, #tpu.memory_space<semaphore_mem>>) src(%dma_wait3A_218 : memref<6400xi32, #tpu.memory_space<hbm>>) dst(%arg6 : memref<6400xi32, #tpu.memory_space<vmem>>)
      tpu.yield
    }) : () -> ()
    "tpu.region"() ({
      %run_scoped3A = tpu.sem_alloc : memref<!tpu.dma_semaphore, #tpu.memory_space<semaphore_mem>>
      tpu.enqueue_dma source(%arg4 : memref<200x64xf32, #tpu.memory_space<hbm>>) target(%arg7 : memref<200x64xf32, #tpu.memory_space<vmem>>) target_semaphore(%run_scoped3A : memref<!tpu.dma_semaphore, #tpu.memory_space<semaphore_mem>>)
      tpu.wait_dma2 semaphore(%run_scoped3A : memref<!tpu.dma_semaphore, #tpu.memory_space<semaphore_mem>>) src(%arg4 : memref<200x64xf32, #tpu.memory_space<hbm>>) dst(%arg7 : memref<200x64xf32, #tpu.memory_space<vmem>>)
      tpu.yield
    }) : () -> ()
    %iota3A = tpu.iota {dimensions = array<i32: 0>} : vector<16xi32>
    %add3A_5 = arith.constant 0 : i32
    %add3A_6 = vector.broadcast %add3A_5 : i32 to vector<16xi32>
    %add3A_7 = arith.addi %iota3A, %add3A_6 : vector<16xi32>
    %jit3A = arith.constant 8 : i32
    %div3A = vector.broadcast %jit3A : i32 to vector<16xi32>
    %div3A_8 = arith.divsi %add3A_7, %div3A : vector<16xi32>
    %sign3A = arith.constant 0 : i32
    %sign3A_9 = vector.broadcast %sign3A : i32 to vector<16xi32>
    %sign3A_10 = arith.cmpi sgt, %add3A_7, %sign3A_9 : vector<16xi32>
    %sign3A_11 = arith.extui %sign3A_10 : vector<16xi1> to vector<16xi32>
    %sign3A_12 = arith.constant 0 : i32
    %sign3A_13 = vector.broadcast %sign3A_12 : i32 to vector<16xi32>
    %sign3A_14 = arith.cmpi slt, %add3A_7, %sign3A_13 : vector<16xi32>
    %sign3A_15 = arith.extui %sign3A_14 : vector<16xi1> to vector<16xi32>
    %sign3A_16 = arith.subi %sign3A_11, %sign3A_15 : vector<16xi32>
    %sign3A_17 = arith.constant 0 : i32
    %sign3A_18 = arith.cmpi sgt, %jit3A, %sign3A_17 : i32
    %sign3A_19 = arith.extui %sign3A_18 : i1 to i32
    %sign3A_20 = arith.constant 0 : i32
    %sign3A_21 = arith.cmpi slt, %jit3A, %sign3A_20 : i32
    %sign3A_22 = arith.extui %sign3A_21 : i1 to i32
    %sign3A_23 = arith.subi %sign3A_19, %sign3A_22 : i32
    %ne3A = vector.broadcast %sign3A_23 : i32 to vector<16xi32>
    %ne3A_24 = arith.cmpi ne, %sign3A_16, %ne3A : vector<16xi32>
    %rem3A = vector.broadcast %jit3A : i32 to vector<16xi32>
    %rem3A_25 = arith.remsi %add3A_7, %rem3A : vector<16xi32>
    %ne3A_26 = arith.constant 0 : i32
    %ne3A_27 = vector.broadcast %ne3A_26 : i32 to vector<16xi32>
    %ne3A_28 = arith.cmpi ne, %rem3A_25, %ne3A_27 : vector<16xi32>
    %and3A = arith.andi %ne3A_24, %ne3A_28 : vector<16xi1>
    %sub3A = arith.constant 1 : i32
    %sub3A_29 = vector.broadcast %sub3A : i32 to vector<16xi32>
    %sub3A_30 = arith.subi %div3A_8, %sub3A_29 : vector<16xi32>
    %select_n3A = arith.select %and3A, %sub3A_30, %div3A_8 : vector<16xi1>, vector<16xi32>
    %add3A_31 = arith.constant 16 : i32
    %add3A_32 = vector.broadcast %add3A_31 : i32 to vector<16xi32>
    %add3A_33 = arith.addi %iota3A, %add3A_32 : vector<16xi32>
    %jit3A_34 = arith.constant 8 : i32
    %div3A_35 = vector.broadcast %jit3A_34 : i32 to vector<16xi32>
    %div3A_36 = arith.divsi %add3A_33, %div3A_35 : vector<16xi32>
    %sign3A_37 = arith.constant 0 : i32
    %sign3A_38 = vector.broadcast %sign3A_37 : i32 to vector<16xi32>
    %sign3A_39 = arith.cmpi sgt, %add3A_33, %sign3A_38 : vector<16xi32>
    %sign3A_40 = arith.extui %sign3A_39 : vector<16xi1> to vector<16xi32>
    %sign3A_41 = arith.constant 0 : i32
    %sign3A_42 = vector.broadcast %sign3A_41 : i32 to vector<16xi32>
    %sign3A_43 = arith.cmpi slt, %add3A_33, %sign3A_42 : vector<16xi32>
    %sign3A_44 = arith.extui %sign3A_43 : vector<16xi1> to vector<16xi32>
    %sign3A_45 = arith.subi %sign3A_40, %sign3A_44 : vector<16xi32>
    %sign3A_46 = arith.constant 0 : i32
    %sign3A_47 = arith.cmpi sgt, %jit3A_34, %sign3A_46 : i32
    %sign3A_48 = arith.extui %sign3A_47 : i1 to i32
    %sign3A_49 = arith.constant 0 : i32
    %sign3A_50 = arith.cmpi slt, %jit3A_34, %sign3A_49 : i32
    %sign3A_51 = arith.extui %sign3A_50 : i1 to i32
    %sign3A_52 = arith.subi %sign3A_48, %sign3A_51 : i32
    %ne3A_53 = vector.broadcast %sign3A_52 : i32 to vector<16xi32>
    %ne3A_54 = arith.cmpi ne, %sign3A_45, %ne3A_53 : vector<16xi32>
    %rem3A_55 = vector.broadcast %jit3A_34 : i32 to vector<16xi32>
    %rem3A_56 = arith.remsi %add3A_33, %rem3A_55 : vector<16xi32>
    %ne3A_57 = arith.constant 0 : i32
    %ne3A_58 = vector.broadcast %ne3A_57 : i32 to vector<16xi32>
    %ne3A_59 = arith.cmpi ne, %rem3A_56, %ne3A_58 : vector<16xi32>
    %and3A_60 = arith.andi %ne3A_54, %ne3A_59 : vector<16xi1>
    %sub3A_61 = arith.constant 1 : i32
    %sub3A_62 = vector.broadcast %sub3A_61 : i32 to vector<16xi32>
    %sub3A_63 = arith.subi %div3A_36, %sub3A_62 : vector<16xi32>
    %select_n3A_64 = arith.select %and3A_60, %sub3A_63, %div3A_36 : vector<16xi1>, vector<16xi32>
    %add3A_65 = arith.constant 32 : i32
    %add3A_66 = vector.broadcast %add3A_65 : i32 to vector<16xi32>
    %add3A_67 = arith.addi %iota3A, %add3A_66 : vector<16xi32>
    %jit3A_68 = arith.constant 8 : i32
    %div3A_69 = vector.broadcast %jit3A_68 : i32 to vector<16xi32>
    %div3A_70 = arith.divsi %add3A_67, %div3A_69 : vector<16xi32>
    %sign3A_71 = arith.constant 0 : i32
    %sign3A_72 = vector.broadcast %sign3A_71 : i32 to vector<16xi32>
    %sign3A_73 = arith.cmpi sgt, %add3A_67, %sign3A_72 : vector<16xi32>
    %sign3A_74 = arith.extui %sign3A_73 : vector<16xi1> to vector<16xi32>
    %sign3A_75 = arith.constant 0 : i32
    %sign3A_76 = vector.broadcast %sign3A_75 : i32 to vector<16xi32>
    %sign3A_77 = arith.cmpi slt, %add3A_67, %sign3A_76 : vector<16xi32>
    %sign3A_78 = arith.extui %sign3A_77 : vector<16xi1> to vector<16xi32>
    %sign3A_79 = arith.subi %sign3A_74, %sign3A_78 : vector<16xi32>
    %sign3A_80 = arith.constant 0 : i32
    %sign3A_81 = arith.cmpi sgt, %jit3A_68, %sign3A_80 : i32
    %sign3A_82 = arith.extui %sign3A_81 : i1 to i32
    %sign3A_83 = arith.constant 0 : i32
    %sign3A_84 = arith.cmpi slt, %jit3A_68, %sign3A_83 : i32
    %sign3A_85 = arith.extui %sign3A_84 : i1 to i32
    %sign3A_86 = arith.subi %sign3A_82, %sign3A_85 : i32
    %ne3A_87 = vector.broadcast %sign3A_86 : i32 to vector<16xi32>
    %ne3A_88 = arith.cmpi ne, %sign3A_79, %ne3A_87 : vector<16xi32>
    %rem3A_89 = vector.broadcast %jit3A_68 : i32 to vector<16xi32>
    %rem3A_90 = arith.remsi %add3A_67, %rem3A_89 : vector<16xi32>
    %ne3A_91 = arith.constant 0 : i32
    %ne3A_92 = vector.broadcast %ne3A_91 : i32 to vector<16xi32>
    %ne3A_93 = arith.cmpi ne, %rem3A_90, %ne3A_92 : vector<16xi32>
    %and3A_94 = arith.andi %ne3A_88, %ne3A_93 : vector<16xi1>
    %sub3A_95 = arith.constant 1 : i32
    %sub3A_96 = vector.broadcast %sub3A_95 : i32 to vector<16xi32>
    %sub3A_97 = arith.subi %div3A_70, %sub3A_96 : vector<16xi32>
    %select_n3A_98 = arith.select %and3A_94, %sub3A_97, %div3A_70 : vector<16xi1>, vector<16xi32>
    %add3A_99 = arith.constant 48 : i32
    %add3A_100 = vector.broadcast %add3A_99 : i32 to vector<16xi32>
    %add3A_101 = arith.addi %iota3A, %add3A_100 : vector<16xi32>
    %jit3A_102 = arith.constant 8 : i32
    %div3A_103 = vector.broadcast %jit3A_102 : i32 to vector<16xi32>
    %div3A_104 = arith.divsi %add3A_101, %div3A_103 : vector<16xi32>
    %sign3A_105 = arith.constant 0 : i32
    %sign3A_106 = vector.broadcast %sign3A_105 : i32 to vector<16xi32>
    %sign3A_107 = arith.cmpi sgt, %add3A_101, %sign3A_106 : vector<16xi32>
    %sign3A_108 = arith.extui %sign3A_107 : vector<16xi1> to vector<16xi32>
    %sign3A_109 = arith.constant 0 : i32
    %sign3A_110 = vector.broadcast %sign3A_109 : i32 to vector<16xi32>
    %sign3A_111 = arith.cmpi slt, %add3A_101, %sign3A_110 : vector<16xi32>
    %sign3A_112 = arith.extui %sign3A_111 : vector<16xi1> to vector<16xi32>
    %sign3A_113 = arith.subi %sign3A_108, %sign3A_112 : vector<16xi32>
    %sign3A_114 = arith.constant 0 : i32
    %sign3A_115 = arith.cmpi sgt, %jit3A_102, %sign3A_114 : i32
    %sign3A_116 = arith.extui %sign3A_115 : i1 to i32
    %sign3A_117 = arith.constant 0 : i32
    %sign3A_118 = arith.cmpi slt, %jit3A_102, %sign3A_117 : i32
    %sign3A_119 = arith.extui %sign3A_118 : i1 to i32
    %sign3A_120 = arith.subi %sign3A_116, %sign3A_119 : i32
    %ne3A_121 = vector.broadcast %sign3A_120 : i32 to vector<16xi32>
    %ne3A_122 = arith.cmpi ne, %sign3A_113, %ne3A_121 : vector<16xi32>
    %rem3A_123 = vector.broadcast %jit3A_102 : i32 to vector<16xi32>
    %rem3A_124 = arith.remsi %add3A_101, %rem3A_123 : vector<16xi32>
    %ne3A_125 = arith.constant 0 : i32
    %ne3A_126 = vector.broadcast %ne3A_125 : i32 to vector<16xi32>
    %ne3A_127 = arith.cmpi ne, %rem3A_124, %ne3A_126 : vector<16xi32>
    %and3A_128 = arith.andi %ne3A_122, %ne3A_127 : vector<16xi1>
    %sub3A_129 = arith.constant 1 : i32
    %sub3A_130 = vector.broadcast %sub3A_129 : i32 to vector<16xi32>
    %sub3A_131 = arith.subi %div3A_104, %sub3A_130 : vector<16xi32>
    %select_n3A_132 = arith.select %and3A_128, %sub3A_131, %div3A_104 : vector<16xi1>, vector<16xi32>
    %add3A_133 = arith.constant 0 : i32
    %add3A_134 = vector.broadcast %add3A_133 : i32 to vector<16xi32>
    %add3A_135 = arith.addi %iota3A, %add3A_134 : vector<16xi32>
    %rem3A_136 = arith.constant 8 : i32
    %rem3A_137 = vector.broadcast %rem3A_136 : i32 to vector<16xi32>
    %rem3A_138 = arith.remsi %add3A_135, %rem3A_137 : vector<16xi32>
    %add3A_139 = arith.constant 16 : i32
    %add3A_140 = vector.broadcast %add3A_139 : i32 to vector<16xi32>
    %add3A_141 = arith.addi %iota3A, %add3A_140 : vector<16xi32>
    %rem3A_142 = arith.constant 8 : i32
    %rem3A_143 = vector.broadcast %rem3A_142 : i32 to vector<16xi32>
    %rem3A_144 = arith.remsi %add3A_141, %rem3A_143 : vector<16xi32>
    %add3A_145 = arith.constant 32 : i32
    %add3A_146 = vector.broadcast %add3A_145 : i32 to vector<16xi32>
    %add3A_147 = arith.addi %iota3A, %add3A_146 : vector<16xi32>
    %rem3A_148 = arith.constant 8 : i32
    %rem3A_149 = vector.broadcast %rem3A_148 : i32 to vector<16xi32>
    %rem3A_150 = arith.remsi %add3A_147, %rem3A_149 : vector<16xi32>
    %add3A_151 = arith.constant 48 : i32
    %add3A_152 = vector.broadcast %add3A_151 : i32 to vector<16xi32>
    %add3A_153 = arith.addi %iota3A, %add3A_152 : vector<16xi32>
    %rem3A_154 = arith.constant 8 : i32
    %rem3A_155 = vector.broadcast %rem3A_154 : i32 to vector<16xi32>
    %rem3A_156 = arith.remsi %add3A_153, %rem3A_155 : vector<16xi32>
    %rem3A_157 = arith.constant 0 : i32
    %rem3A_158 = arith.constant 10 : i32
    %rem3A_159 = arith.remsi %rem3A_157, %rem3A_158 : i32
    %mul3A_160 = arith.constant 640 : i32
    %mul3A_161 = arith.muli %rem3A_159, %mul3A_160 : i32
    %dma_start3A = tpu.memref_slice %arg6[%mul3A_161] : memref<6400xi32, #tpu.memory_space<vmem>> -> memref<640xi32, #tpu.memory_space<vmem>>
    %dma_start3A_162 = arith.constant 0 : i32
    %dma_start3A_163 = arith.constant 0 : i32
    %dma_start3A_164 = tpu.memref_slice %arg3[%dma_start3A_162, %dma_start3A_163] : memref<100000x64xf32, #tpu.memory_space<hbm>> -> memref<100000x64xf32, #tpu.memory_space<hbm>>
    tpu.enqueue_indirect_dma source(%dma_start3A_164 : memref<100000x64xf32, #tpu.memory_space<hbm>>) target(%arg8 : memref<640x64xf32, #tpu.memory_space<vmem>>) offsets(%dma_start3A : memref<640xi32, #tpu.memory_space<vmem>>) semaphore(%arg12 : memref<!tpu.dma_semaphore, #tpu.memory_space<semaphore_mem>>)
    %scan3A = arith.constant 0 : i32
    %scan3A_165 = arith.constant 0 : i32
    %scan3A_166 = arith.constant 5 : i32
    %scan3A_167 = arith.addi %scan3A_165, %scan3A_166 : i32
    %scan3A_168 = arith.constant 1 : i32
    %scan3A_169 = scf.for %scan3A_215 = %scan3A_165 to %scan3A_167 step %scan3A_168 iter_args(%scan3A_216 = %scan3A) -> (i32)  : i32 {
      %mul3A_217 = arith.constant 2 : i32
      %mul3A_218 = arith.muli %scan3A_215, %mul3A_217 : i32
      %add3A_219 = arith.constant 0 : i32
      %add3A_220 = arith.addi %mul3A_218, %add3A_219 : i32
      %dma_wait3A_221 = arith.constant 0 : i32
      %dma_wait3A_222 = tpu.memref_slice %arg6[%dma_wait3A_221] : memref<6400xi32, #tpu.memory_space<vmem>> -> memref<640xi32, #tpu.memory_space<vmem>>
      %dma_wait3A_223 = arith.constant 0 : i32
      %dma_wait3A_224 = arith.constant 0 : i32
      %dma_wait3A_225 = tpu.memref_slice %arg3[%dma_wait3A_223, %dma_wait3A_224] : memref<100000x64xf32, #tpu.memory_space<hbm>> -> memref<100000x64xf32, #tpu.memory_space<hbm>>
      tpu.wait_indirect_dma semaphore(%arg12 : memref<!tpu.dma_semaphore, #tpu.memory_space<semaphore_mem>>) src(%dma_wait3A_225 : memref<100000x64xf32, #tpu.memory_space<hbm>>) dst(%arg8 : memref<640x64xf32, #tpu.memory_space<vmem>>)
      %add3A_226 = arith.constant 1 : i32
      %add3A_227 = arith.addi %add3A_220, %add3A_226 : i32
      %rem3A_228 = arith.constant 10 : i32
      %rem3A_229 = arith.remsi %add3A_227, %rem3A_228 : i32
      %mul3A_230 = arith.constant 640 : i32
      %mul3A_231 = arith.muli %rem3A_229, %mul3A_230 : i32
      %dma_start3A_232 = tpu.memref_slice %arg6[%mul3A_231] : memref<6400xi32, #tpu.memory_space<vmem>> -> memref<640xi32, #tpu.memory_space<vmem>>
      %dma_start3A_233 = arith.constant 0 : i32
      %dma_start3A_234 = arith.constant 0 : i32
      %dma_start3A_235 = tpu.memref_slice %arg3[%dma_start3A_233, %dma_start3A_234] : memref<100000x64xf32, #tpu.memory_space<hbm>> -> memref<100000x64xf32, #tpu.memory_space<hbm>>
      tpu.enqueue_indirect_dma source(%dma_start3A_235 : memref<100000x64xf32, #tpu.memory_space<hbm>>) target(%arg9 : memref<640x64xf32, #tpu.memory_space<vmem>>) offsets(%dma_start3A_232 : memref<640xi32, #tpu.memory_space<vmem>>) semaphore(%arg13 : memref<!tpu.dma_semaphore, #tpu.memory_space<semaphore_mem>>)
      %mul3A_236 = arith.constant 5 : i32
      %mul3A_237 = arith.muli %add3A_220, %mul3A_236 : i32
      %add3A_238 = arith.constant 0 : i32
      %add3A_239 = arith.addi %mul3A_237, %add3A_238 : i32
      %add3A_240 = arith.addi %mul3A_2, %add3A_239 : i32
      %jit3A_241 = arith.constant 8 : i32
      %div3A_242 = arith.divsi %add3A_240, %jit3A_241 : i32
      %sign3A_243 = arith.constant 0 : i32
      %sign3A_244 = arith.cmpi sgt, %add3A_240, %sign3A_243 : i32
      %sign3A_245 = arith.extui %sign3A_244 : i1 to i32
      %sign3A_246 = arith.constant 0 : i32
      %sign3A_247 = arith.cmpi slt, %add3A_240, %sign3A_246 : i32
      %sign3A_248 = arith.extui %sign3A_247 : i1 to i32
      %sign3A_249 = arith.subi %sign3A_245, %sign3A_248 : i32
      %sign3A_250 = arith.constant 0 : i32
      %sign3A_251 = arith.cmpi sgt, %jit3A_241, %sign3A_250 : i32
      %sign3A_252 = arith.extui %sign3A_251 : i1 to i32
      %sign3A_253 = arith.constant 0 : i32
      %sign3A_254 = arith.cmpi slt, %jit3A_241, %sign3A_253 : i32
      %sign3A_255 = arith.extui %sign3A_254 : i1 to i32
      %sign3A_256 = arith.subi %sign3A_252, %sign3A_255 : i32
      %ne3A_257 = arith.cmpi ne, %sign3A_249, %sign3A_256 : i32
      %rem3A_258 = arith.remsi %add3A_240, %jit3A_241 : i32
      %ne3A_259 = arith.constant 0 : i32
      %ne3A_260 = arith.cmpi ne, %rem3A_258, %ne3A_259 : i32
      %and3A_261 = arith.andi %ne3A_257, %ne3A_260 : i1
      %sub3A_262 = arith.constant 1 : i32
      %sub3A_263 = arith.subi %div3A_242, %sub3A_262 : i32
      %select_n3A_264 = arith.select %and3A_261, %sub3A_263, %div3A_242 : i32
      %rem3A_265 = arith.constant 8 : i32
      %rem3A_266 = arith.remsi %add3A_240, %rem3A_265 : i32
      %ge3A = arith.constant 2 : i32
      %ge3A_267 = arith.cmpi sge, %add3A_239, %ge3A : i32
      %convert_element_type3A = arith.extui %ge3A_267 : i1 to i32
      %cond3A = arith.constant 0 : i32
      %cond3A_268 = arith.cmpi ne, %convert_element_type3A, %cond3A : i32
      scf.if %cond3A_268 {
        %dma_wait3A_941 = arith.constant 0 : i32
        %dma_wait3A_942 = arith.constant 0 : i32
        %dma_wait3A_943 = arith.constant 0 : i32
        %dma_wait3A_944 = arith.constant 0 : i32
        %dma_wait3A_945 = arith.constant 0 : i32
        %dma_wait3A_946 = tpu.memref_slice %arg10[%dma_wait3A_943, %dma_wait3A_944, %dma_wait3A_945] : memref<8x8x137xf32, #tpu.memory_space<vmem>> -> memref<8x8x128xf32, #tpu.memory_space<vmem>>
        %dma_wait3A_947 = arith.constant 0 : i32
        %dma_wait3A_948 = arith.constant 0 : i32
        %dma_wait3A_949 = arith.constant 0 : i32
        %dma_wait3A_950 = tpu.memref_slice %arg5[%dma_wait3A_941, %dma_wait3A_947, %dma_wait3A_942, %dma_wait3A_948, %dma_wait3A_949] : memref<200x8x8x8x128xf32, #tpu.memory_space<hbm>> -> memref<1x8x1x8x128xf32, #tpu.memory_space<hbm>>
        %dma_wait3A_951 = tpu.memref_squeeze %dma_wait3A_950 : memref<1x8x1x8x128xf32, #tpu.memory_space<hbm>> -> memref<8x8x128xf32, #tpu.memory_space<hbm>>
        %dma_wait3A_952 = arith.constant 0 : i32
        %dma_wait3A_953 = arith.constant 0 : i32
        %dma_wait3A_954 = arith.constant 0 : i32
        %dma_wait3A_955 = tpu.memref_slice %arg5[%dma_wait3A_941, %dma_wait3A_952, %dma_wait3A_942, %dma_wait3A_953, %dma_wait3A_954] : memref<200x8x8x8x128xf32, #tpu.memory_space<hbm>> -> memref<1x8x1x8x128xf32, #tpu.memory_space<hbm>>
        %dma_wait3A_956 = tpu.memref_squeeze %dma_wait3A_955 : memref<1x8x1x8x128xf32, #tpu.memory_space<hbm>> -> memref<8x8x128xf32, #tpu.memory_space<hbm>>
        %dma_wait3A_957 = arith.constant 0 : i32
        %dma_wait3A_958 = arith.constant 0 : i32
        %dma_wait3A_959 = arith.constant 0 : i32
        %dma_wait3A_960 = tpu.memref_slice %arg10[%dma_wait3A_957, %dma_wait3A_958, %dma_wait3A_959] : memref<8x8x137xf32, #tpu.memory_space<vmem>> -> memref<8x8x128xf32, #tpu.memory_space<vmem>>
        tpu.wait_dma2 semaphore(%arg14 : memref<!tpu.dma_semaphore, #tpu.memory_space<semaphore_mem>>) src(%dma_wait3A_960 : memref<8x8x128xf32, #tpu.memory_space<vmem>>) dst(%dma_wait3A_956 : memref<8x8x128xf32, #tpu.memory_space<hbm>>)
      } else {
      }
      %get3A = arith.index_cast %select_n3A_264 : i32 to index
      %get3A_269 = arith.constant 0 : index
      %get3A_270 = tpu.vector_load %arg7[%get3A, %get3A_269] {strides = array<i32>} : memref<200x64xf32, #tpu.memory_space<vmem>>, vector<16xf32>,
      %get3A_271 = arith.index_cast %select_n3A_264 : i32 to index
      %get3A_272 = arith.constant 16 : index
      %get3A_273 = tpu.vector_load %arg7[%get3A_271, %get3A_272] {strides = array<i32>} : memref<200x64xf32, #tpu.memory_space<vmem>>, vector<16xf32>,
      %get3A_274 = arith.index_cast %select_n3A_264 : i32 to index
      %get3A_275 = arith.constant 32 : index
      %get3A_276 = tpu.vector_load %arg7[%get3A_274, %get3A_275] {strides = array<i32>} : memref<200x64xf32, #tpu.memory_space<vmem>>, vector<16xf32>,
      %get3A_277 = arith.index_cast %select_n3A_264 : i32 to index
      %get3A_278 = arith.constant 48 : index
      %get3A_279 = tpu.vector_load %arg7[%get3A_277, %get3A_278] {strides = array<i32>} : memref<200x64xf32, #tpu.memory_space<vmem>>, vector<16xf32>,
      %parallel_loop3A = arith.constant 0 : i32
      %parallel_loop3A_280 = arith.constant 128 : i32
      %parallel_loop3A_281 = arith.constant 1 : i32
      scf.for %parallel_loop3A_941 = %parallel_loop3A to %parallel_loop3A_280 step %parallel_loop3A_281  : i32 {
        %parallel_loop3A_942 = vector.broadcast %parallel_loop3A_941 : i32 to vector<16xi32>
        %parallel_loop3A_943 = arith.constant 0 : i32
        %parallel_loop3A_944 = arith.addi %parallel_loop3A_943, %parallel_loop3A_941 : i32
        %parallel_loop3A_945 = arith.index_cast %parallel_loop3A_944 : i32 to index
        %parallel_loop3A_946 = arith.constant 0 : index
        %parallel_loop3A_947 = tpu.vector_load %arg8[%parallel_loop3A_945, %parallel_loop3A_946] {strides = array<i32>} : memref<640x64xf32, #tpu.memory_space<vmem>>, vector<16xf32>,
        %parallel_loop3A_948 = arith.addf %parallel_loop3A_947, %get3A_270 : vector<16xf32>
        tpu.vector_store_idx %arg10[%select_n3A, %rem3A_138, %parallel_loop3A_942], %parallel_loop3A_948 : memref<8x8x137xf32, #tpu.memory_space<vmem>>[vector<16xi32>, vector<16xi32>, vector<16xi32>], vector<16xf32>,
        %parallel_loop3A_949 = arith.constant 0 : i32
        %parallel_loop3A_950 = arith.addi %parallel_loop3A_949, %parallel_loop3A_941 : i32
        %parallel_loop3A_951 = arith.index_cast %parallel_loop3A_950 : i32 to index
        %parallel_loop3A_952 = arith.constant 16 : index
        %parallel_loop3A_953 = tpu.vector_load %arg8[%parallel_loop3A_951, %parallel_loop3A_952] {strides = array<i32>} : memref<640x64xf32, #tpu.memory_space<vmem>>, vector<16xf32>,
        %parallel_loop3A_954 = arith.addf %parallel_loop3A_953, %get3A_273 : vector<16xf32>
        tpu.vector_store_idx %arg10[%select_n3A_64, %rem3A_144, %parallel_loop3A_942], %parallel_loop3A_954 : memref<8x8x137xf32, #tpu.memory_space<vmem>>[vector<16xi32>, vector<16xi32>, vector<16xi32>], vector<16xf32>,
        %parallel_loop3A_955 = arith.constant 0 : i32
        %parallel_loop3A_956 = arith.addi %parallel_loop3A_955, %parallel_loop3A_941 : i32
        %parallel_loop3A_957 = arith.index_cast %parallel_loop3A_956 : i32 to index
        %parallel_loop3A_958 = arith.constant 32 : index
        %parallel_loop3A_959 = tpu.vector_load %arg8[%parallel_loop3A_957, %parallel_loop3A_958] {strides = array<i32>} : memref<640x64xf32, #tpu.memory_space<vmem>>, vector<16xf32>,
        %parallel_loop3A_960 = arith.addf %parallel_loop3A_959, %get3A_276 : vector<16xf32>
        tpu.vector_store_idx %arg10[%select_n3A_98, %rem3A_150, %parallel_loop3A_942], %parallel_loop3A_960 : memref<8x8x137xf32, #tpu.memory_space<vmem>>[vector<16xi32>, vector<16xi32>, vector<16xi32>], vector<16xf32>,
        %parallel_loop3A_961 = arith.constant 0 : i32
        %parallel_loop3A_962 = arith.addi %parallel_loop3A_961, %parallel_loop3A_941 : i32
        %parallel_loop3A_963 = arith.index_cast %parallel_loop3A_962 : i32 to index
        %parallel_loop3A_964 = arith.constant 48 : index
        %parallel_loop3A_965 = tpu.vector_load %arg8[%parallel_loop3A_963, %parallel_loop3A_964] {strides = array<i32>} : memref<640x64xf32, #tpu.memory_space<vmem>>, vector<16xf32>,
        %parallel_loop3A_966 = arith.addf %parallel_loop3A_965, %get3A_279 : vector<16xf32>
        tpu.vector_store_idx %arg10[%select_n3A_132, %rem3A_156, %parallel_loop3A_942], %parallel_loop3A_966 : memref<8x8x137xf32, #tpu.memory_space<vmem>>[vector<16xi32>, vector<16xi32>, vector<16xi32>], vector<16xf32>,
      } {sc.loop_unroll_factor = 8 : i64, sc.parallel_access}
      %dma_start3A_282 = arith.constant 0 : i32
      %dma_start3A_283 = arith.constant 0 : i32
      %dma_start3A_284 = arith.constant 0 : i32
      %dma_start3A_285 = tpu.memref_slice %arg10[%dma_start3A_282, %dma_start3A_283, %dma_start3A_284] : memref<8x8x137xf32, #tpu.memory_space<vmem>> -> memref<8x8x128xf32, #tpu.memory_space<vmem>>
      %dma_start3A_286 = arith.constant 0 : i32
      %dma_start3A_287 = arith.constant 0 : i32
      %dma_start3A_288 = arith.constant 0 : i32
      %dma_start3A_289 = tpu.memref_slice %arg5[%select_n3A_264, %dma_start3A_286, %rem3A_266, %dma_start3A_287, %dma_start3A_288] : memref<200x8x8x8x128xf32, #tpu.memory_space<hbm>> -> memref<1x8x1x8x128xf32, #tpu.memory_space<hbm>>
      %dma_start3A_290 = tpu.memref_squeeze %dma_start3A_289 : memref<1x8x1x8x128xf32, #tpu.memory_space<hbm>> -> memref<8x8x128xf32, #tpu.memory_space<hbm>>
      %dma_start3A_291 = arith.constant 0 : i32
      %dma_start3A_292 = arith.constant 0 : i32
      %dma_start3A_293 = arith.constant 0 : i32
      %dma_start3A_294 = tpu.memref_slice %arg5[%select_n3A_264, %dma_start3A_291, %rem3A_266, %dma_start3A_292, %dma_start3A_293] : memref<200x8x8x8x128xf32, #tpu.memory_space<hbm>> -> memref<1x8x1x8x128xf32, #tpu.memory_space<hbm>>
      %dma_start3A_295 = tpu.memref_squeeze %dma_start3A_294 : memref<1x8x1x8x128xf32, #tpu.memory_space<hbm>> -> memref<8x8x128xf32, #tpu.memory_space<hbm>>
      %dma_start3A_296 = arith.constant 0 : i32
      %dma_start3A_297 = arith.constant 0 : i32
      %dma_start3A_298 = arith.constant 0 : i32
      %dma_start3A_299 = tpu.memref_slice %arg10[%dma_start3A_296, %dma_start3A_297, %dma_start3A_298] : memref<8x8x137xf32, #tpu.memory_space<vmem>> -> memref<8x8x128xf32, #tpu.memory_space<vmem>>
      tpu.enqueue_dma source(%dma_start3A_299 : memref<8x8x128xf32, #tpu.memory_space<vmem>>) target(%dma_start3A_295 : memref<8x8x128xf32, #tpu.memory_space<hbm>>) target_semaphore(%arg14 : memref<!tpu.dma_semaphore, #tpu.memory_space<semaphore_mem>>)
      %mul3A_300 = arith.constant 5 : i32
      %mul3A_301 = arith.muli %add3A_220, %mul3A_300 : i32
      %add3A_302 = arith.constant 1 : i32
      %add3A_303 = arith.addi %mul3A_301, %add3A_302 : i32
      %add3A_304 = arith.addi %mul3A_2, %add3A_303 : i32
      %jit3A_305 = arith.constant 8 : i32
      %div3A_306 = arith.divsi %add3A_304, %jit3A_305 : i32
      %sign3A_307 = arith.constant 0 : i32
      %sign3A_308 = arith.cmpi sgt, %add3A_304, %sign3A_307 : i32
      %sign3A_309 = arith.extui %sign3A_308 : i1 to i32
      %sign3A_310 = arith.constant 0 : i32
      %sign3A_311 = arith.cmpi slt, %add3A_304, %sign3A_310 : i32
      %sign3A_312 = arith.extui %sign3A_311 : i1 to i32
      %sign3A_313 = arith.subi %sign3A_309, %sign3A_312 : i32
      %sign3A_314 = arith.constant 0 : i32
      %sign3A_315 = arith.cmpi sgt, %jit3A_305, %sign3A_314 : i32
      %sign3A_316 = arith.extui %sign3A_315 : i1 to i32
      %sign3A_317 = arith.constant 0 : i32
      %sign3A_318 = arith.cmpi slt, %jit3A_305, %sign3A_317 : i32
      %sign3A_319 = arith.extui %sign3A_318 : i1 to i32
      %sign3A_320 = arith.subi %sign3A_316, %sign3A_319 : i32
      %ne3A_321 = arith.cmpi ne, %sign3A_313, %sign3A_320 : i32
      %rem3A_322 = arith.remsi %add3A_304, %jit3A_305 : i32
      %ne3A_323 = arith.constant 0 : i32
      %ne3A_324 = arith.cmpi ne, %rem3A_322, %ne3A_323 : i32
      %and3A_325 = arith.andi %ne3A_321, %ne3A_324 : i1
      %sub3A_326 = arith.constant 1 : i32
      %sub3A_327 = arith.subi %div3A_306, %sub3A_326 : i32
      %select_n3A_328 = arith.select %and3A_325, %sub3A_327, %div3A_306 : i32
      %rem3A_329 = arith.constant 8 : i32
      %rem3A_330 = arith.remsi %add3A_304, %rem3A_329 : i32
      %ge3A_331 = arith.constant 2 : i32
      %ge3A_332 = arith.cmpi sge, %add3A_303, %ge3A_331 : i32
      %convert_element_type3A_333 = arith.extui %ge3A_332 : i1 to i32
      %cond3A_334 = arith.constant 0 : i32
      %cond3A_335 = arith.cmpi ne, %convert_element_type3A_333, %cond3A_334 : i32
      scf.if %cond3A_335 {
        %dma_wait3A_941 = arith.constant 0 : i32
        %dma_wait3A_942 = arith.constant 0 : i32
        %dma_wait3A_943 = arith.constant 0 : i32
        %dma_wait3A_944 = arith.constant 0 : i32
        %dma_wait3A_945 = arith.constant 0 : i32
        %dma_wait3A_946 = tpu.memref_slice %arg11[%dma_wait3A_943, %dma_wait3A_944, %dma_wait3A_945] : memref<8x8x137xf32, #tpu.memory_space<vmem>> -> memref<8x8x128xf32, #tpu.memory_space<vmem>>
        %dma_wait3A_947 = arith.constant 0 : i32
        %dma_wait3A_948 = arith.constant 0 : i32
        %dma_wait3A_949 = arith.constant 0 : i32
        %dma_wait3A_950 = tpu.memref_slice %arg5[%dma_wait3A_941, %dma_wait3A_947, %dma_wait3A_942, %dma_wait3A_948, %dma_wait3A_949] : memref<200x8x8x8x128xf32, #tpu.memory_space<hbm>> -> memref<1x8x1x8x128xf32, #tpu.memory_space<hbm>>
        %dma_wait3A_951 = tpu.memref_squeeze %dma_wait3A_950 : memref<1x8x1x8x128xf32, #tpu.memory_space<hbm>> -> memref<8x8x128xf32, #tpu.memory_space<hbm>>
        %dma_wait3A_952 = arith.constant 0 : i32
        %dma_wait3A_953 = arith.constant 0 : i32
        %dma_wait3A_954 = arith.constant 0 : i32
        %dma_wait3A_955 = tpu.memref_slice %arg5[%dma_wait3A_941, %dma_wait3A_952, %dma_wait3A_942, %dma_wait3A_953, %dma_wait3A_954] : memref<200x8x8x8x128xf32, #tpu.memory_space<hbm>> -> memref<1x8x1x8x128xf32, #tpu.memory_space<hbm>>
        %dma_wait3A_956 = tpu.memref_squeeze %dma_wait3A_955 : memref<1x8x1x8x128xf32, #tpu.memory_space<hbm>> -> memref<8x8x128xf32, #tpu.memory_space<hbm>>
        %dma_wait3A_957 = arith.constant 0 : i32
        %dma_wait3A_958 = arith.constant 0 : i32
        %dma_wait3A_959 = arith.constant 0 : i32
        %dma_wait3A_960 = tpu.memref_slice %arg11[%dma_wait3A_957, %dma_wait3A_958, %dma_wait3A_959] : memref<8x8x137xf32, #tpu.memory_space<vmem>> -> memref<8x8x128xf32, #tpu.memory_space<vmem>>
        tpu.wait_dma2 semaphore(%arg15 : memref<!tpu.dma_semaphore, #tpu.memory_space<semaphore_mem>>) src(%dma_wait3A_960 : memref<8x8x128xf32, #tpu.memory_space<vmem>>) dst(%dma_wait3A_956 : memref<8x8x128xf32, #tpu.memory_space<hbm>>)
      } else {
      }
      %get3A_336 = arith.index_cast %select_n3A_328 : i32 to index
      %get3A_337 = arith.constant 0 : index
      %get3A_338 = tpu.vector_load %arg7[%get3A_336, %get3A_337] {strides = array<i32>} : memref<200x64xf32, #tpu.memory_space<vmem>>, vector<16xf32>,
      %get3A_339 = arith.index_cast %select_n3A_328 : i32 to index
      %get3A_340 = arith.constant 16 : index
      %get3A_341 = tpu.vector_load %arg7[%get3A_339, %get3A_340] {strides = array<i32>} : memref<200x64xf32, #tpu.memory_space<vmem>>, vector<16xf32>,
      %get3A_342 = arith.index_cast %select_n3A_328 : i32 to index
      %get3A_343 = arith.constant 32 : index
      %get3A_344 = tpu.vector_load %arg7[%get3A_342, %get3A_343] {strides = array<i32>} : memref<200x64xf32, #tpu.memory_space<vmem>>, vector<16xf32>,
      %get3A_345 = arith.index_cast %select_n3A_328 : i32 to index
      %get3A_346 = arith.constant 48 : index
      %get3A_347 = tpu.vector_load %arg7[%get3A_345, %get3A_346] {strides = array<i32>} : memref<200x64xf32, #tpu.memory_space<vmem>>, vector<16xf32>,
      %parallel_loop3A_348 = arith.constant 0 : i32
      %parallel_loop3A_349 = arith.constant 128 : i32
      %parallel_loop3A_350 = arith.constant 1 : i32
      scf.for %parallel_loop3A_941 = %parallel_loop3A_348 to %parallel_loop3A_349 step %parallel_loop3A_350  : i32 {
        %parallel_loop3A_942 = vector.broadcast %parallel_loop3A_941 : i32 to vector<16xi32>
        %parallel_loop3A_943 = arith.constant 128 : i32
        %parallel_loop3A_944 = arith.addi %parallel_loop3A_943, %parallel_loop3A_941 : i32
        %parallel_loop3A_945 = arith.index_cast %parallel_loop3A_944 : i32 to index
        %parallel_loop3A_946 = arith.constant 0 : index
        %parallel_loop3A_947 = tpu.vector_load %arg8[%parallel_loop3A_945, %parallel_loop3A_946] {strides = array<i32>} : memref<640x64xf32, #tpu.memory_space<vmem>>, vector<16xf32>,
        %parallel_loop3A_948 = arith.addf %parallel_loop3A_947, %get3A_338 : vector<16xf32>
        tpu.vector_store_idx %arg11[%select_n3A, %rem3A_138, %parallel_loop3A_942], %parallel_loop3A_948 : memref<8x8x137xf32, #tpu.memory_space<vmem>>[vector<16xi32>, vector<16xi32>, vector<16xi32>], vector<16xf32>,
        %parallel_loop3A_949 = arith.constant 128 : i32
        %parallel_loop3A_950 = arith.addi %parallel_loop3A_949, %parallel_loop3A_941 : i32
        %parallel_loop3A_951 = arith.index_cast %parallel_loop3A_950 : i32 to index
        %parallel_loop3A_952 = arith.constant 16 : index
        %parallel_loop3A_953 = tpu.vector_load %arg8[%parallel_loop3A_951, %parallel_loop3A_952] {strides = array<i32>} : memref<640x64xf32, #tpu.memory_space<vmem>>, vector<16xf32>,
        %parallel_loop3A_954 = arith.addf %parallel_loop3A_953, %get3A_341 : vector<16xf32>
        tpu.vector_store_idx %arg11[%select_n3A_64, %rem3A_144, %parallel_loop3A_942], %parallel_loop3A_954 : memref<8x8x137xf32, #tpu.memory_space<vmem>>[vector<16xi32>, vector<16xi32>, vector<16xi32>], vector<16xf32>,
        %parallel_loop3A_955 = arith.constant 128 : i32
        %parallel_loop3A_956 = arith.addi %parallel_loop3A_955, %parallel_loop3A_941 : i32
        %parallel_loop3A_957 = arith.index_cast %parallel_loop3A_956 : i32 to index
        %parallel_loop3A_958 = arith.constant 32 : index
        %parallel_loop3A_959 = tpu.vector_load %arg8[%parallel_loop3A_957, %parallel_loop3A_958] {strides = array<i32>} : memref<640x64xf32, #tpu.memory_space<vmem>>, vector<16xf32>,
        %parallel_loop3A_960 = arith.addf %parallel_loop3A_959, %get3A_344 : vector<16xf32>
        tpu.vector_store_idx %arg11[%select_n3A_98, %rem3A_150, %parallel_loop3A_942], %parallel_loop3A_960 : memref<8x8x137xf32, #tpu.memory_space<vmem>>[vector<16xi32>, vector<16xi32>, vector<16xi32>], vector<16xf32>,
        %parallel_loop3A_961 = arith.constant 128 : i32
        %parallel_loop3A_962 = arith.addi %parallel_loop3A_961, %parallel_loop3A_941 : i32
        %parallel_loop3A_963 = arith.index_cast %parallel_loop3A_962 : i32 to index
        %parallel_loop3A_964 = arith.constant 48 : index
        %parallel_loop3A_965 = tpu.vector_load %arg8[%parallel_loop3A_963, %parallel_loop3A_964] {strides = array<i32>} : memref<640x64xf32, #tpu.memory_space<vmem>>, vector<16xf32>,
        %parallel_loop3A_966 = arith.addf %parallel_loop3A_965, %get3A_347 : vector<16xf32>
        tpu.vector_store_idx %arg11[%select_n3A_132, %rem3A_156, %parallel_loop3A_942], %parallel_loop3A_966 : memref<8x8x137xf32, #tpu.memory_space<vmem>>[vector<16xi32>, vector<16xi32>, vector<16xi32>], vector<16xf32>,
      } {sc.loop_unroll_factor = 8 : i64, sc.parallel_access}
      %dma_start3A_351 = arith.constant 0 : i32
      %dma_start3A_352 = arith.constant 0 : i32
      %dma_start3A_353 = arith.constant 0 : i32
      %dma_start3A_354 = tpu.memref_slice %arg11[%dma_start3A_351, %dma_start3A_352, %dma_start3A_353] : memref<8x8x137xf32, #tpu.memory_space<vmem>> -> memref<8x8x128xf32, #tpu.memory_space<vmem>>
      %dma_start3A_355 = arith.constant 0 : i32
      %dma_start3A_356 = arith.constant 0 : i32
      %dma_start3A_357 = arith.constant 0 : i32
      %dma_start3A_358 = tpu.memref_slice %arg5[%select_n3A_328, %dma_start3A_355, %rem3A_330, %dma_start3A_356, %dma_start3A_357] : memref<200x8x8x8x128xf32, #tpu.memory_space<hbm>> -> memref<1x8x1x8x128xf32, #tpu.memory_space<hbm>>
      %dma_start3A_359 = tpu.memref_squeeze %dma_start3A_358 : memref<1x8x1x8x128xf32, #tpu.memory_space<hbm>> -> memref<8x8x128xf32, #tpu.memory_space<hbm>>
      %dma_start3A_360 = arith.constant 0 : i32
      %dma_start3A_361 = arith.constant 0 : i32
      %dma_start3A_362 = arith.constant 0 : i32
      %dma_start3A_363 = tpu.memref_slice %arg5[%select_n3A_328, %dma_start3A_360, %rem3A_330, %dma_start3A_361, %dma_start3A_362] : memref<200x8x8x8x128xf32, #tpu.memory_space<hbm>> -> memref<1x8x1x8x128xf32, #tpu.memory_space<hbm>>
      %dma_start3A_364 = tpu.memref_squeeze %dma_start3A_363 : memref<1x8x1x8x128xf32, #tpu.memory_space<hbm>> -> memref<8x8x128xf32, #tpu.memory_space<hbm>>
      %dma_start3A_365 = arith.constant 0 : i32
      %dma_start3A_366 = arith.constant 0 : i32
      %dma_start3A_367 = arith.constant 0 : i32
      %dma_start3A_368 = tpu.memref_slice %arg11[%dma_start3A_365, %dma_start3A_366, %dma_start3A_367] : memref<8x8x137xf32, #tpu.memory_space<vmem>> -> memref<8x8x128xf32, #tpu.memory_space<vmem>>
      tpu.enqueue_dma source(%dma_start3A_368 : memref<8x8x128xf32, #tpu.memory_space<vmem>>) target(%dma_start3A_364 : memref<8x8x128xf32, #tpu.memory_space<hbm>>) target_semaphore(%arg15 : memref<!tpu.dma_semaphore, #tpu.memory_space<semaphore_mem>>)
      %mul3A_369 = arith.constant 5 : i32
      %mul3A_370 = arith.muli %add3A_220, %mul3A_369 : i32
      %add3A_371 = arith.constant 2 : i32
      %add3A_372 = arith.addi %mul3A_370, %add3A_371 : i32
      %add3A_373 = arith.addi %mul3A_2, %add3A_372 : i32
      %jit3A_374 = arith.constant 8 : i32
      %div3A_375 = arith.divsi %add3A_373, %jit3A_374 : i32
      %sign3A_376 = arith.constant 0 : i32
      %sign3A_377 = arith.cmpi sgt, %add3A_373, %sign3A_376 : i32
      %sign3A_378 = arith.extui %sign3A_377 : i1 to i32
      %sign3A_379 = arith.constant 0 : i32
      %sign3A_380 = arith.cmpi slt, %add3A_373, %sign3A_379 : i32
      %sign3A_381 = arith.extui %sign3A_380 : i1 to i32
      %sign3A_382 = arith.subi %sign3A_378, %sign3A_381 : i32
      %sign3A_383 = arith.constant 0 : i32
      %sign3A_384 = arith.cmpi sgt, %jit3A_374, %sign3A_383 : i32
      %sign3A_385 = arith.extui %sign3A_384 : i1 to i32
      %sign3A_386 = arith.constant 0 : i32
      %sign3A_387 = arith.cmpi slt, %jit3A_374, %sign3A_386 : i32
      %sign3A_388 = arith.extui %sign3A_387 : i1 to i32
      %sign3A_389 = arith.subi %sign3A_385, %sign3A_388 : i32
      %ne3A_390 = arith.cmpi ne, %sign3A_382, %sign3A_389 : i32
      %rem3A_391 = arith.remsi %add3A_373, %jit3A_374 : i32
      %ne3A_392 = arith.constant 0 : i32
      %ne3A_393 = arith.cmpi ne, %rem3A_391, %ne3A_392 : i32
      %and3A_394 = arith.andi %ne3A_390, %ne3A_393 : i1
      %sub3A_395 = arith.constant 1 : i32
      %sub3A_396 = arith.subi %div3A_375, %sub3A_395 : i32
      %select_n3A_397 = arith.select %and3A_394, %sub3A_396, %div3A_375 : i32
      %rem3A_398 = arith.constant 8 : i32
      %rem3A_399 = arith.remsi %add3A_373, %rem3A_398 : i32
      %ge3A_400 = arith.constant 2 : i32
      %ge3A_401 = arith.cmpi sge, %add3A_372, %ge3A_400 : i32
      %convert_element_type3A_402 = arith.extui %ge3A_401 : i1 to i32
      %cond3A_403 = arith.constant 0 : i32
      %cond3A_404 = arith.cmpi ne, %convert_element_type3A_402, %cond3A_403 : i32
      scf.if %cond3A_404 {
        %dma_wait3A_941 = arith.constant 0 : i32
        %dma_wait3A_942 = arith.constant 0 : i32
        %dma_wait3A_943 = arith.constant 0 : i32
        %dma_wait3A_944 = arith.constant 0 : i32
        %dma_wait3A_945 = arith.constant 0 : i32
        %dma_wait3A_946 = tpu.memref_slice %arg10[%dma_wait3A_943, %dma_wait3A_944, %dma_wait3A_945] : memref<8x8x137xf32, #tpu.memory_space<vmem>> -> memref<8x8x128xf32, #tpu.memory_space<vmem>>
        %dma_wait3A_947 = arith.constant 0 : i32
        %dma_wait3A_948 = arith.constant 0 : i32
        %dma_wait3A_949 = arith.constant 0 : i32
        %dma_wait3A_950 = tpu.memref_slice %arg5[%dma_wait3A_941, %dma_wait3A_947, %dma_wait3A_942, %dma_wait3A_948, %dma_wait3A_949] : memref<200x8x8x8x128xf32, #tpu.memory_space<hbm>> -> memref<1x8x1x8x128xf32, #tpu.memory_space<hbm>>
        %dma_wait3A_951 = tpu.memref_squeeze %dma_wait3A_950 : memref<1x8x1x8x128xf32, #tpu.memory_space<hbm>> -> memref<8x8x128xf32, #tpu.memory_space<hbm>>
        %dma_wait3A_952 = arith.constant 0 : i32
        %dma_wait3A_953 = arith.constant 0 : i32
        %dma_wait3A_954 = arith.constant 0 : i32
        %dma_wait3A_955 = tpu.memref_slice %arg5[%dma_wait3A_941, %dma_wait3A_952, %dma_wait3A_942, %dma_wait3A_953, %dma_wait3A_954] : memref<200x8x8x8x128xf32, #tpu.memory_space<hbm>> -> memref<1x8x1x8x128xf32, #tpu.memory_space<hbm>>
        %dma_wait3A_956 = tpu.memref_squeeze %dma_wait3A_955 : memref<1x8x1x8x128xf32, #tpu.memory_space<hbm>> -> memref<8x8x128xf32, #tpu.memory_space<hbm>>
        %dma_wait3A_957 = arith.constant 0 : i32
        %dma_wait3A_958 = arith.constant 0 : i32
        %dma_wait3A_959 = arith.constant 0 : i32
        %dma_wait3A_960 = tpu.memref_slice %arg10[%dma_wait3A_957, %dma_wait3A_958, %dma_wait3A_959] : memref<8x8x137xf32, #tpu.memory_space<vmem>> -> memref<8x8x128xf32, #tpu.memory_space<vmem>>
        tpu.wait_dma2 semaphore(%arg14 : memref<!tpu.dma_semaphore, #tpu.memory_space<semaphore_mem>>) src(%dma_wait3A_960 : memref<8x8x128xf32, #tpu.memory_space<vmem>>) dst(%dma_wait3A_956 : memref<8x8x128xf32, #tpu.memory_space<hbm>>)
      } else {
      }
      %get3A_405 = arith.index_cast %select_n3A_397 : i32 to index
      %get3A_406 = arith.constant 0 : index
      %get3A_407 = tpu.vector_load %arg7[%get3A_405, %get3A_406] {strides = array<i32>} : memref<200x64xf32, #tpu.memory_space<vmem>>, vector<16xf32>,
      %get3A_408 = arith.index_cast %select_n3A_397 : i32 to index
      %get3A_409 = arith.constant 16 : index
      %get3A_410 = tpu.vector_load %arg7[%get3A_408, %get3A_409] {strides = array<i32>} : memref<200x64xf32, #tpu.memory_space<vmem>>, vector<16xf32>,
      %get3A_411 = arith.index_cast %select_n3A_397 : i32 to index
      %get3A_412 = arith.constant 32 : index
      %get3A_413 = tpu.vector_load %arg7[%get3A_411, %get3A_412] {strides = array<i32>} : memref<200x64xf32, #tpu.memory_space<vmem>>, vector<16xf32>,
      %get3A_414 = arith.index_cast %select_n3A_397 : i32 to index
      %get3A_415 = arith.constant 48 : index
      %get3A_416 = tpu.vector_load %arg7[%get3A_414, %get3A_415] {strides = array<i32>} : memref<200x64xf32, #tpu.memory_space<vmem>>, vector<16xf32>,
      %parallel_loop3A_417 = arith.constant 0 : i32
      %parallel_loop3A_418 = arith.constant 128 : i32
      %parallel_loop3A_419 = arith.constant 1 : i32
      scf.for %parallel_loop3A_941 = %parallel_loop3A_417 to %parallel_loop3A_418 step %parallel_loop3A_419  : i32 {
        %parallel_loop3A_942 = vector.broadcast %parallel_loop3A_941 : i32 to vector<16xi32>
        %parallel_loop3A_943 = arith.constant 256 : i32
        %parallel_loop3A_944 = arith.addi %parallel_loop3A_943, %parallel_loop3A_941 : i32
        %parallel_loop3A_945 = arith.index_cast %parallel_loop3A_944 : i32 to index
        %parallel_loop3A_946 = arith.constant 0 : index
        %parallel_loop3A_947 = tpu.vector_load %arg8[%parallel_loop3A_945, %parallel_loop3A_946] {strides = array<i32>} : memref<640x64xf32, #tpu.memory_space<vmem>>, vector<16xf32>,
        %parallel_loop3A_948 = arith.addf %parallel_loop3A_947, %get3A_407 : vector<16xf32>
        tpu.vector_store_idx %arg10[%select_n3A, %rem3A_138, %parallel_loop3A_942], %parallel_loop3A_948 : memref<8x8x137xf32, #tpu.memory_space<vmem>>[vector<16xi32>, vector<16xi32>, vector<16xi32>], vector<16xf32>,
        %parallel_loop3A_949 = arith.constant 256 : i32
        %parallel_loop3A_950 = arith.addi %parallel_loop3A_949, %parallel_loop3A_941 : i32
        %parallel_loop3A_951 = arith.index_cast %parallel_loop3A_950 : i32 to index
        %parallel_loop3A_952 = arith.constant 16 : index
        %parallel_loop3A_953 = tpu.vector_load %arg8[%parallel_loop3A_951, %parallel_loop3A_952] {strides = array<i32>} : memref<640x64xf32, #tpu.memory_space<vmem>>, vector<16xf32>,
        %parallel_loop3A_954 = arith.addf %parallel_loop3A_953, %get3A_410 : vector<16xf32>
        tpu.vector_store_idx %arg10[%select_n3A_64, %rem3A_144, %parallel_loop3A_942], %parallel_loop3A_954 : memref<8x8x137xf32, #tpu.memory_space<vmem>>[vector<16xi32>, vector<16xi32>, vector<16xi32>], vector<16xf32>,
        %parallel_loop3A_955 = arith.constant 256 : i32
        %parallel_loop3A_956 = arith.addi %parallel_loop3A_955, %parallel_loop3A_941 : i32
        %parallel_loop3A_957 = arith.index_cast %parallel_loop3A_956 : i32 to index
        %parallel_loop3A_958 = arith.constant 32 : index
        %parallel_loop3A_959 = tpu.vector_load %arg8[%parallel_loop3A_957, %parallel_loop3A_958] {strides = array<i32>} : memref<640x64xf32, #tpu.memory_space<vmem>>, vector<16xf32>,
        %parallel_loop3A_960 = arith.addf %parallel_loop3A_959, %get3A_413 : vector<16xf32>
        tpu.vector_store_idx %arg10[%select_n3A_98, %rem3A_150, %parallel_loop3A_942], %parallel_loop3A_960 : memref<8x8x137xf32, #tpu.memory_space<vmem>>[vector<16xi32>, vector<16xi32>, vector<16xi32>], vector<16xf32>,
        %parallel_loop3A_961 = arith.constant 256 : i32
        %parallel_loop3A_962 = arith.addi %parallel_loop3A_961, %parallel_loop3A_941 : i32
        %parallel_loop3A_963 = arith.index_cast %parallel_loop3A_962 : i32 to index
        %parallel_loop3A_964 = arith.constant 48 : index
        %parallel_loop3A_965 = tpu.vector_load %arg8[%parallel_loop3A_963, %parallel_loop3A_964] {strides = array<i32>} : memref<640x64xf32, #tpu.memory_space<vmem>>, vector<16xf32>,
        %parallel_loop3A_966 = arith.addf %parallel_loop3A_965, %get3A_416 : vector<16xf32>
        tpu.vector_store_idx %arg10[%select_n3A_132, %rem3A_156, %parallel_loop3A_942], %parallel_loop3A_966 : memref<8x8x137xf32, #tpu.memory_space<vmem>>[vector<16xi32>, vector<16xi32>, vector<16xi32>], vector<16xf32>,
      } {sc.loop_unroll_factor = 8 : i64, sc.parallel_access}
      %dma_start3A_420 = arith.constant 0 : i32
      %dma_start3A_421 = arith.constant 0 : i32
      %dma_start3A_422 = arith.constant 0 : i32
      %dma_start3A_423 = tpu.memref_slice %arg10[%dma_start3A_420, %dma_start3A_421, %dma_start3A_422] : memref<8x8x137xf32, #tpu.memory_space<vmem>> -> memref<8x8x128xf32, #tpu.memory_space<vmem>>
      %dma_start3A_424 = arith.constant 0 : i32
      %dma_start3A_425 = arith.constant 0 : i32
      %dma_start3A_426 = arith.constant 0 : i32
      %dma_start3A_427 = tpu.memref_slice %arg5[%select_n3A_397, %dma_start3A_424, %rem3A_399, %dma_start3A_425, %dma_start3A_426] : memref<200x8x8x8x128xf32, #tpu.memory_space<hbm>> -> memref<1x8x1x8x128xf32, #tpu.memory_space<hbm>>
      %dma_start3A_428 = tpu.memref_squeeze %dma_start3A_427 : memref<1x8x1x8x128xf32, #tpu.memory_space<hbm>> -> memref<8x8x128xf32, #tpu.memory_space<hbm>>
      %dma_start3A_429 = arith.constant 0 : i32
      %dma_start3A_430 = arith.constant 0 : i32
      %dma_start3A_431 = arith.constant 0 : i32
      %dma_start3A_432 = tpu.memref_slice %arg5[%select_n3A_397, %dma_start3A_429, %rem3A_399, %dma_start3A_430, %dma_start3A_431] : memref<200x8x8x8x128xf32, #tpu.memory_space<hbm>> -> memref<1x8x1x8x128xf32, #tpu.memory_space<hbm>>
      %dma_start3A_433 = tpu.memref_squeeze %dma_start3A_432 : memref<1x8x1x8x128xf32, #tpu.memory_space<hbm>> -> memref<8x8x128xf32, #tpu.memory_space<hbm>>
      %dma_start3A_434 = arith.constant 0 : i32
      %dma_start3A_435 = arith.constant 0 : i32
      %dma_start3A_436 = arith.constant 0 : i32
      %dma_start3A_437 = tpu.memref_slice %arg10[%dma_start3A_434, %dma_start3A_435, %dma_start3A_436] : memref<8x8x137xf32, #tpu.memory_space<vmem>> -> memref<8x8x128xf32, #tpu.memory_space<vmem>>
      tpu.enqueue_dma source(%dma_start3A_437 : memref<8x8x128xf32, #tpu.memory_space<vmem>>) target(%dma_start3A_433 : memref<8x8x128xf32, #tpu.memory_space<hbm>>) target_semaphore(%arg14 : memref<!tpu.dma_semaphore, #tpu.memory_space<semaphore_mem>>)
      %mul3A_438 = arith.constant 5 : i32
      %mul3A_439 = arith.muli %add3A_220, %mul3A_438 : i32
      %add3A_440 = arith.constant 3 : i32
      %add3A_441 = arith.addi %mul3A_439, %add3A_440 : i32
      %add3A_442 = arith.addi %mul3A_2, %add3A_441 : i32
      %jit3A_443 = arith.constant 8 : i32
      %div3A_444 = arith.divsi %add3A_442, %jit3A_443 : i32
      %sign3A_445 = arith.constant 0 : i32
      %sign3A_446 = arith.cmpi sgt, %add3A_442, %sign3A_445 : i32
      %sign3A_447 = arith.extui %sign3A_446 : i1 to i32
      %sign3A_448 = arith.constant 0 : i32
      %sign3A_449 = arith.cmpi slt, %add3A_442, %sign3A_448 : i32
      %sign3A_450 = arith.extui %sign3A_449 : i1 to i32
      %sign3A_451 = arith.subi %sign3A_447, %sign3A_450 : i32
      %sign3A_452 = arith.constant 0 : i32
      %sign3A_453 = arith.cmpi sgt, %jit3A_443, %sign3A_452 : i32
      %sign3A_454 = arith.extui %sign3A_453 : i1 to i32
      %sign3A_455 = arith.constant 0 : i32
      %sign3A_456 = arith.cmpi slt, %jit3A_443, %sign3A_455 : i32
      %sign3A_457 = arith.extui %sign3A_456 : i1 to i32
      %sign3A_458 = arith.subi %sign3A_454, %sign3A_457 : i32
      %ne3A_459 = arith.cmpi ne, %sign3A_451, %sign3A_458 : i32
      %rem3A_460 = arith.remsi %add3A_442, %jit3A_443 : i32
      %ne3A_461 = arith.constant 0 : i32
      %ne3A_462 = arith.cmpi ne, %rem3A_460, %ne3A_461 : i32
      %and3A_463 = arith.andi %ne3A_459, %ne3A_462 : i1
      %sub3A_464 = arith.constant 1 : i32
      %sub3A_465 = arith.subi %div3A_444, %sub3A_464 : i32
      %select_n3A_466 = arith.select %and3A_463, %sub3A_465, %div3A_444 : i32
      %rem3A_467 = arith.constant 8 : i32
      %rem3A_468 = arith.remsi %add3A_442, %rem3A_467 : i32
      %ge3A_469 = arith.constant 2 : i32
      %ge3A_470 = arith.cmpi sge, %add3A_441, %ge3A_469 : i32
      %convert_element_type3A_471 = arith.extui %ge3A_470 : i1 to i32
      %cond3A_472 = arith.constant 0 : i32
      %cond3A_473 = arith.cmpi ne, %convert_element_type3A_471, %cond3A_472 : i32
      scf.if %cond3A_473 {
        %dma_wait3A_941 = arith.constant 0 : i32
        %dma_wait3A_942 = arith.constant 0 : i32
        %dma_wait3A_943 = arith.constant 0 : i32
        %dma_wait3A_944 = arith.constant 0 : i32
        %dma_wait3A_945 = arith.constant 0 : i32
        %dma_wait3A_946 = tpu.memref_slice %arg11[%dma_wait3A_943, %dma_wait3A_944, %dma_wait3A_945] : memref<8x8x137xf32, #tpu.memory_space<vmem>> -> memref<8x8x128xf32, #tpu.memory_space<vmem>>
        %dma_wait3A_947 = arith.constant 0 : i32
        %dma_wait3A_948 = arith.constant 0 : i32
        %dma_wait3A_949 = arith.constant 0 : i32
        %dma_wait3A_950 = tpu.memref_slice %arg5[%dma_wait3A_941, %dma_wait3A_947, %dma_wait3A_942, %dma_wait3A_948, %dma_wait3A_949] : memref<200x8x8x8x128xf32, #tpu.memory_space<hbm>> -> memref<1x8x1x8x128xf32, #tpu.memory_space<hbm>>
        %dma_wait3A_951 = tpu.memref_squeeze %dma_wait3A_950 : memref<1x8x1x8x128xf32, #tpu.memory_space<hbm>> -> memref<8x8x128xf32, #tpu.memory_space<hbm>>
        %dma_wait3A_952 = arith.constant 0 : i32
        %dma_wait3A_953 = arith.constant 0 : i32
        %dma_wait3A_954 = arith.constant 0 : i32
        %dma_wait3A_955 = tpu.memref_slice %arg5[%dma_wait3A_941, %dma_wait3A_952, %dma_wait3A_942, %dma_wait3A_953, %dma_wait3A_954] : memref<200x8x8x8x128xf32, #tpu.memory_space<hbm>> -> memref<1x8x1x8x128xf32, #tpu.memory_space<hbm>>
        %dma_wait3A_956 = tpu.memref_squeeze %dma_wait3A_955 : memref<1x8x1x8x128xf32, #tpu.memory_space<hbm>> -> memref<8x8x128xf32, #tpu.memory_space<hbm>>
        %dma_wait3A_957 = arith.constant 0 : i32
        %dma_wait3A_958 = arith.constant 0 : i32
        %dma_wait3A_959 = arith.constant 0 : i32
        %dma_wait3A_960 = tpu.memref_slice %arg11[%dma_wait3A_957, %dma_wait3A_958, %dma_wait3A_959] : memref<8x8x137xf32, #tpu.memory_space<vmem>> -> memref<8x8x128xf32, #tpu.memory_space<vmem>>
        tpu.wait_dma2 semaphore(%arg15 : memref<!tpu.dma_semaphore, #tpu.memory_space<semaphore_mem>>) src(%dma_wait3A_960 : memref<8x8x128xf32, #tpu.memory_space<vmem>>) dst(%dma_wait3A_956 : memref<8x8x128xf32, #tpu.memory_space<hbm>>)
      } else {
      }
      %get3A_474 = arith.index_cast %select_n3A_466 : i32 to index
      %get3A_475 = arith.constant 0 : index
      %get3A_476 = tpu.vector_load %arg7[%get3A_474, %get3A_475] {strides = array<i32>} : memref<200x64xf32, #tpu.memory_space<vmem>>, vector<16xf32>,
      %get3A_477 = arith.index_cast %select_n3A_466 : i32 to index
      %get3A_478 = arith.constant 16 : index
      %get3A_479 = tpu.vector_load %arg7[%get3A_477, %get3A_478] {strides = array<i32>} : memref<200x64xf32, #tpu.memory_space<vmem>>, vector<16xf32>,
      %get3A_480 = arith.index_cast %select_n3A_466 : i32 to index
      %get3A_481 = arith.constant 32 : index
      %get3A_482 = tpu.vector_load %arg7[%get3A_480, %get3A_481] {strides = array<i32>} : memref<200x64xf32, #tpu.memory_space<vmem>>, vector<16xf32>,
      %get3A_483 = arith.index_cast %select_n3A_466 : i32 to index
      %get3A_484 = arith.constant 48 : index
      %get3A_485 = tpu.vector_load %arg7[%get3A_483, %get3A_484] {strides = array<i32>} : memref<200x64xf32, #tpu.memory_space<vmem>>, vector<16xf32>,
      %parallel_loop3A_486 = arith.constant 0 : i32
      %parallel_loop3A_487 = arith.constant 128 : i32
      %parallel_loop3A_488 = arith.constant 1 : i32
      scf.for %parallel_loop3A_941 = %parallel_loop3A_486 to %parallel_loop3A_487 step %parallel_loop3A_488  : i32 {
        %parallel_loop3A_942 = vector.broadcast %parallel_loop3A_941 : i32 to vector<16xi32>
        %parallel_loop3A_943 = arith.constant 384 : i32
        %parallel_loop3A_944 = arith.addi %parallel_loop3A_943, %parallel_loop3A_941 : i32
        %parallel_loop3A_945 = arith.index_cast %parallel_loop3A_944 : i32 to index
        %parallel_loop3A_946 = arith.constant 0 : index
        %parallel_loop3A_947 = tpu.vector_load %arg8[%parallel_loop3A_945, %parallel_loop3A_946] {strides = array<i32>} : memref<640x64xf32, #tpu.memory_space<vmem>>, vector<16xf32>,
        %parallel_loop3A_948 = arith.addf %parallel_loop3A_947, %get3A_476 : vector<16xf32>
        tpu.vector_store_idx %arg11[%select_n3A, %rem3A_138, %parallel_loop3A_942], %parallel_loop3A_948 : memref<8x8x137xf32, #tpu.memory_space<vmem>>[vector<16xi32>, vector<16xi32>, vector<16xi32>], vector<16xf32>,
        %parallel_loop3A_949 = arith.constant 384 : i32
        %parallel_loop3A_950 = arith.addi %parallel_loop3A_949, %parallel_loop3A_941 : i32
        %parallel_loop3A_951 = arith.index_cast %parallel_loop3A_950 : i32 to index
        %parallel_loop3A_952 = arith.constant 16 : index
        %parallel_loop3A_953 = tpu.vector_load %arg8[%parallel_loop3A_951, %parallel_loop3A_952] {strides = array<i32>} : memref<640x64xf32, #tpu.memory_space<vmem>>, vector<16xf32>,
        %parallel_loop3A_954 = arith.addf %parallel_loop3A_953, %get3A_479 : vector<16xf32>
        tpu.vector_store_idx %arg11[%select_n3A_64, %rem3A_144, %parallel_loop3A_942], %parallel_loop3A_954 : memref<8x8x137xf32, #tpu.memory_space<vmem>>[vector<16xi32>, vector<16xi32>, vector<16xi32>], vector<16xf32>,
        %parallel_loop3A_955 = arith.constant 384 : i32
        %parallel_loop3A_956 = arith.addi %parallel_loop3A_955, %parallel_loop3A_941 : i32
        %parallel_loop3A_957 = arith.index_cast %parallel_loop3A_956 : i32 to index
        %parallel_loop3A_958 = arith.constant 32 : index
        %parallel_loop3A_959 = tpu.vector_load %arg8[%parallel_loop3A_957, %parallel_loop3A_958] {strides = array<i32>} : memref<640x64xf32, #tpu.memory_space<vmem>>, vector<16xf32>,
        %parallel_loop3A_960 = arith.addf %parallel_loop3A_959, %get3A_482 : vector<16xf32>
        tpu.vector_store_idx %arg11[%select_n3A_98, %rem3A_150, %parallel_loop3A_942], %parallel_loop3A_960 : memref<8x8x137xf32, #tpu.memory_space<vmem>>[vector<16xi32>, vector<16xi32>, vector<16xi32>], vector<16xf32>,
        %parallel_loop3A_961 = arith.constant 384 : i32
        %parallel_loop3A_962 = arith.addi %parallel_loop3A_961, %parallel_loop3A_941 : i32
        %parallel_loop3A_963 = arith.index_cast %parallel_loop3A_962 : i32 to index
        %parallel_loop3A_964 = arith.constant 48 : index
        %parallel_loop3A_965 = tpu.vector_load %arg8[%parallel_loop3A_963, %parallel_loop3A_964] {strides = array<i32>} : memref<640x64xf32, #tpu.memory_space<vmem>>, vector<16xf32>,
        %parallel_loop3A_966 = arith.addf %parallel_loop3A_965, %get3A_485 : vector<16xf32>
        tpu.vector_store_idx %arg11[%select_n3A_132, %rem3A_156, %parallel_loop3A_942], %parallel_loop3A_966 : memref<8x8x137xf32, #tpu.memory_space<vmem>>[vector<16xi32>, vector<16xi32>, vector<16xi32>], vector<16xf32>,
      } {sc.loop_unroll_factor = 8 : i64, sc.parallel_access}
      %dma_start3A_489 = arith.constant 0 : i32
      %dma_start3A_490 = arith.constant 0 : i32
      %dma_start3A_491 = arith.constant 0 : i32
      %dma_start3A_492 = tpu.memref_slice %arg11[%dma_start3A_489, %dma_start3A_490, %dma_start3A_491] : memref<8x8x137xf32, #tpu.memory_space<vmem>> -> memref<8x8x128xf32, #tpu.memory_space<vmem>>
      %dma_start3A_493 = arith.constant 0 : i32
      %dma_start3A_494 = arith.constant 0 : i32
      %dma_start3A_495 = arith.constant 0 : i32
      %dma_start3A_496 = tpu.memref_slice %arg5[%select_n3A_466, %dma_start3A_493, %rem3A_468, %dma_start3A_494, %dma_start3A_495] : memref<200x8x8x8x128xf32, #tpu.memory_space<hbm>> -> memref<1x8x1x8x128xf32, #tpu.memory_space<hbm>>
      %dma_start3A_497 = tpu.memref_squeeze %dma_start3A_496 : memref<1x8x1x8x128xf32, #tpu.memory_space<hbm>> -> memref<8x8x128xf32, #tpu.memory_space<hbm>>
      %dma_start3A_498 = arith.constant 0 : i32
      %dma_start3A_499 = arith.constant 0 : i32
      %dma_start3A_500 = arith.constant 0 : i32
      %dma_start3A_501 = tpu.memref_slice %arg5[%select_n3A_466, %dma_start3A_498, %rem3A_468, %dma_start3A_499, %dma_start3A_500] : memref<200x8x8x8x128xf32, #tpu.memory_space<hbm>> -> memref<1x8x1x8x128xf32, #tpu.memory_space<hbm>>
      %dma_start3A_502 = tpu.memref_squeeze %dma_start3A_501 : memref<1x8x1x8x128xf32, #tpu.memory_space<hbm>> -> memref<8x8x128xf32, #tpu.memory_space<hbm>>
      %dma_start3A_503 = arith.constant 0 : i32
      %dma_start3A_504 = arith.constant 0 : i32
      %dma_start3A_505 = arith.constant 0 : i32
      %dma_start3A_506 = tpu.memref_slice %arg11[%dma_start3A_503, %dma_start3A_504, %dma_start3A_505] : memref<8x8x137xf32, #tpu.memory_space<vmem>> -> memref<8x8x128xf32, #tpu.memory_space<vmem>>
      tpu.enqueue_dma source(%dma_start3A_506 : memref<8x8x128xf32, #tpu.memory_space<vmem>>) target(%dma_start3A_502 : memref<8x8x128xf32, #tpu.memory_space<hbm>>) target_semaphore(%arg15 : memref<!tpu.dma_semaphore, #tpu.memory_space<semaphore_mem>>)
      %mul3A_507 = arith.constant 5 : i32
      %mul3A_508 = arith.muli %add3A_220, %mul3A_507 : i32
      %add3A_509 = arith.constant 4 : i32
      %add3A_510 = arith.addi %mul3A_508, %add3A_509 : i32
      %add3A_511 = arith.addi %mul3A_2, %add3A_510 : i32
      %jit3A_512 = arith.constant 8 : i32
      %div3A_513 = arith.divsi %add3A_511, %jit3A_512 : i32
      %sign3A_514 = arith.constant 0 : i32
      %sign3A_515 = arith.cmpi sgt, %add3A_511, %sign3A_514 : i32
      %sign3A_516 = arith.extui %sign3A_515 : i1 to i32
      %sign3A_517 = arith.constant 0 : i32
      %sign3A_518 = arith.cmpi slt, %add3A_511, %sign3A_517 : i32
      %sign3A_519 = arith.extui %sign3A_518 : i1 to i32
      %sign3A_520 = arith.subi %sign3A_516, %sign3A_519 : i32
      %sign3A_521 = arith.constant 0 : i32
      %sign3A_522 = arith.cmpi sgt, %jit3A_512, %sign3A_521 : i32
      %sign3A_523 = arith.extui %sign3A_522 : i1 to i32
      %sign3A_524 = arith.constant 0 : i32
      %sign3A_525 = arith.cmpi slt, %jit3A_512, %sign3A_524 : i32
      %sign3A_526 = arith.extui %sign3A_525 : i1 to i32
      %sign3A_527 = arith.subi %sign3A_523, %sign3A_526 : i32
      %ne3A_528 = arith.cmpi ne, %sign3A_520, %sign3A_527 : i32
      %rem3A_529 = arith.remsi %add3A_511, %jit3A_512 : i32
      %ne3A_530 = arith.constant 0 : i32
      %ne3A_531 = arith.cmpi ne, %rem3A_529, %ne3A_530 : i32
      %and3A_532 = arith.andi %ne3A_528, %ne3A_531 : i1
      %sub3A_533 = arith.constant 1 : i32
      %sub3A_534 = arith.subi %div3A_513, %sub3A_533 : i32
      %select_n3A_535 = arith.select %and3A_532, %sub3A_534, %div3A_513 : i32
      %rem3A_536 = arith.constant 8 : i32
      %rem3A_537 = arith.remsi %add3A_511, %rem3A_536 : i32
      %ge3A_538 = arith.constant 2 : i32
      %ge3A_539 = arith.cmpi sge, %add3A_510, %ge3A_538 : i32
      %convert_element_type3A_540 = arith.extui %ge3A_539 : i1 to i32
      %cond3A_541 = arith.constant 0 : i32
      %cond3A_542 = arith.cmpi ne, %convert_element_type3A_540, %cond3A_541 : i32
      scf.if %cond3A_542 {
        %dma_wait3A_941 = arith.constant 0 : i32
        %dma_wait3A_942 = arith.constant 0 : i32
        %dma_wait3A_943 = arith.constant 0 : i32
        %dma_wait3A_944 = arith.constant 0 : i32
        %dma_wait3A_945 = arith.constant 0 : i32
        %dma_wait3A_946 = tpu.memref_slice %arg10[%dma_wait3A_943, %dma_wait3A_944, %dma_wait3A_945] : memref<8x8x137xf32, #tpu.memory_space<vmem>> -> memref<8x8x128xf32, #tpu.memory_space<vmem>>
        %dma_wait3A_947 = arith.constant 0 : i32
        %dma_wait3A_948 = arith.constant 0 : i32
        %dma_wait3A_949 = arith.constant 0 : i32
        %dma_wait3A_950 = tpu.memref_slice %arg5[%dma_wait3A_941, %dma_wait3A_947, %dma_wait3A_942, %dma_wait3A_948, %dma_wait3A_949] : memref<200x8x8x8x128xf32, #tpu.memory_space<hbm>> -> memref<1x8x1x8x128xf32, #tpu.memory_space<hbm>>
        %dma_wait3A_951 = tpu.memref_squeeze %dma_wait3A_950 : memref<1x8x1x8x128xf32, #tpu.memory_space<hbm>> -> memref<8x8x128xf32, #tpu.memory_space<hbm>>
        %dma_wait3A_952 = arith.constant 0 : i32
        %dma_wait3A_953 = arith.constant 0 : i32
        %dma_wait3A_954 = arith.constant 0 : i32
        %dma_wait3A_955 = tpu.memref_slice %arg5[%dma_wait3A_941, %dma_wait3A_952, %dma_wait3A_942, %dma_wait3A_953, %dma_wait3A_954] : memref<200x8x8x8x128xf32, #tpu.memory_space<hbm>> -> memref<1x8x1x8x128xf32, #tpu.memory_space<hbm>>
        %dma_wait3A_956 = tpu.memref_squeeze %dma_wait3A_955 : memref<1x8x1x8x128xf32, #tpu.memory_space<hbm>> -> memref<8x8x128xf32, #tpu.memory_space<hbm>>
        %dma_wait3A_957 = arith.constant 0 : i32
        %dma_wait3A_958 = arith.constant 0 : i32
        %dma_wait3A_959 = arith.constant 0 : i32
        %dma_wait3A_960 = tpu.memref_slice %arg10[%dma_wait3A_957, %dma_wait3A_958, %dma_wait3A_959] : memref<8x8x137xf32, #tpu.memory_space<vmem>> -> memref<8x8x128xf32, #tpu.memory_space<vmem>>
        tpu.wait_dma2 semaphore(%arg14 : memref<!tpu.dma_semaphore, #tpu.memory_space<semaphore_mem>>) src(%dma_wait3A_960 : memref<8x8x128xf32, #tpu.memory_space<vmem>>) dst(%dma_wait3A_956 : memref<8x8x128xf32, #tpu.memory_space<hbm>>)
      } else {
      }
      %get3A_543 = arith.index_cast %select_n3A_535 : i32 to index
      %get3A_544 = arith.constant 0 : index
      %get3A_545 = tpu.vector_load %arg7[%get3A_543, %get3A_544] {strides = array<i32>} : memref<200x64xf32, #tpu.memory_space<vmem>>, vector<16xf32>,
      %get3A_546 = arith.index_cast %select_n3A_535 : i32 to index
      %get3A_547 = arith.constant 16 : index
      %get3A_548 = tpu.vector_load %arg7[%get3A_546, %get3A_547] {strides = array<i32>} : memref<200x64xf32, #tpu.memory_space<vmem>>, vector<16xf32>,
      %get3A_549 = arith.index_cast %select_n3A_535 : i32 to index
      %get3A_550 = arith.constant 32 : index
      %get3A_551 = tpu.vector_load %arg7[%get3A_549, %get3A_550] {strides = array<i32>} : memref<200x64xf32, #tpu.memory_space<vmem>>, vector<16xf32>,
      %get3A_552 = arith.index_cast %select_n3A_535 : i32 to index
      %get3A_553 = arith.constant 48 : index
      %get3A_554 = tpu.vector_load %arg7[%get3A_552, %get3A_553] {strides = array<i32>} : memref<200x64xf32, #tpu.memory_space<vmem>>, vector<16xf32>,
      %parallel_loop3A_555 = arith.constant 0 : i32
      %parallel_loop3A_556 = arith.constant 128 : i32
      %parallel_loop3A_557 = arith.constant 1 : i32
      scf.for %parallel_loop3A_941 = %parallel_loop3A_555 to %parallel_loop3A_556 step %parallel_loop3A_557  : i32 {
        %parallel_loop3A_942 = vector.broadcast %parallel_loop3A_941 : i32 to vector<16xi32>
        %parallel_loop3A_943 = arith.constant 512 : i32
        %parallel_loop3A_944 = arith.addi %parallel_loop3A_943, %parallel_loop3A_941 : i32
        %parallel_loop3A_945 = arith.index_cast %parallel_loop3A_944 : i32 to index
        %parallel_loop3A_946 = arith.constant 0 : index
        %parallel_loop3A_947 = tpu.vector_load %arg8[%parallel_loop3A_945, %parallel_loop3A_946] {strides = array<i32>} : memref<640x64xf32, #tpu.memory_space<vmem>>, vector<16xf32>,
        %parallel_loop3A_948 = arith.addf %parallel_loop3A_947, %get3A_545 : vector<16xf32>
        tpu.vector_store_idx %arg10[%select_n3A, %rem3A_138, %parallel_loop3A_942], %parallel_loop3A_948 : memref<8x8x137xf32, #tpu.memory_space<vmem>>[vector<16xi32>, vector<16xi32>, vector<16xi32>], vector<16xf32>,
        %parallel_loop3A_949 = arith.constant 512 : i32
        %parallel_loop3A_950 = arith.addi %parallel_loop3A_949, %parallel_loop3A_941 : i32
        %parallel_loop3A_951 = arith.index_cast %parallel_loop3A_950 : i32 to index
        %parallel_loop3A_952 = arith.constant 16 : index
        %parallel_loop3A_953 = tpu.vector_load %arg8[%parallel_loop3A_951, %parallel_loop3A_952] {strides = array<i32>} : memref<640x64xf32, #tpu.memory_space<vmem>>, vector<16xf32>,
        %parallel_loop3A_954 = arith.addf %parallel_loop3A_953, %get3A_548 : vector<16xf32>
        tpu.vector_store_idx %arg10[%select_n3A_64, %rem3A_144, %parallel_loop3A_942], %parallel_loop3A_954 : memref<8x8x137xf32, #tpu.memory_space<vmem>>[vector<16xi32>, vector<16xi32>, vector<16xi32>], vector<16xf32>,
        %parallel_loop3A_955 = arith.constant 512 : i32
        %parallel_loop3A_956 = arith.addi %parallel_loop3A_955, %parallel_loop3A_941 : i32
        %parallel_loop3A_957 = arith.index_cast %parallel_loop3A_956 : i32 to index
        %parallel_loop3A_958 = arith.constant 32 : index
        %parallel_loop3A_959 = tpu.vector_load %arg8[%parallel_loop3A_957, %parallel_loop3A_958] {strides = array<i32>} : memref<640x64xf32, #tpu.memory_space<vmem>>, vector<16xf32>,
        %parallel_loop3A_960 = arith.addf %parallel_loop3A_959, %get3A_551 : vector<16xf32>
        tpu.vector_store_idx %arg10[%select_n3A_98, %rem3A_150, %parallel_loop3A_942], %parallel_loop3A_960 : memref<8x8x137xf32, #tpu.memory_space<vmem>>[vector<16xi32>, vector<16xi32>, vector<16xi32>], vector<16xf32>,
        %parallel_loop3A_961 = arith.constant 512 : i32
        %parallel_loop3A_962 = arith.addi %parallel_loop3A_961, %parallel_loop3A_941 : i32
        %parallel_loop3A_963 = arith.index_cast %parallel_loop3A_962 : i32 to index
        %parallel_loop3A_964 = arith.constant 48 : index
        %parallel_loop3A_965 = tpu.vector_load %arg8[%parallel_loop3A_963, %parallel_loop3A_964] {strides = array<i32>} : memref<640x64xf32, #tpu.memory_space<vmem>>, vector<16xf32>,
        %parallel_loop3A_966 = arith.addf %parallel_loop3A_965, %get3A_554 : vector<16xf32>
        tpu.vector_store_idx %arg10[%select_n3A_132, %rem3A_156, %parallel_loop3A_942], %parallel_loop3A_966 : memref<8x8x137xf32, #tpu.memory_space<vmem>>[vector<16xi32>, vector<16xi32>, vector<16xi32>], vector<16xf32>,
      } {sc.loop_unroll_factor = 8 : i64, sc.parallel_access}
      %dma_start3A_558 = arith.constant 0 : i32
      %dma_start3A_559 = arith.constant 0 : i32
      %dma_start3A_560 = arith.constant 0 : i32
      %dma_start3A_561 = tpu.memref_slice %arg10[%dma_start3A_558, %dma_start3A_559, %dma_start3A_560] : memref<8x8x137xf32, #tpu.memory_space<vmem>> -> memref<8x8x128xf32, #tpu.memory_space<vmem>>
      %dma_start3A_562 = arith.constant 0 : i32
      %dma_start3A_563 = arith.constant 0 : i32
      %dma_start3A_564 = arith.constant 0 : i32
      %dma_start3A_565 = tpu.memref_slice %arg5[%select_n3A_535, %dma_start3A_562, %rem3A_537, %dma_start3A_563, %dma_start3A_564] : memref<200x8x8x8x128xf32, #tpu.memory_space<hbm>> -> memref<1x8x1x8x128xf32, #tpu.memory_space<hbm>>
      %dma_start3A_566 = tpu.memref_squeeze %dma_start3A_565 : memref<1x8x1x8x128xf32, #tpu.memory_space<hbm>> -> memref<8x8x128xf32, #tpu.memory_space<hbm>>
      %dma_start3A_567 = arith.constant 0 : i32
      %dma_start3A_568 = arith.constant 0 : i32
      %dma_start3A_569 = arith.constant 0 : i32
      %dma_start3A_570 = tpu.memref_slice %arg5[%select_n3A_535, %dma_start3A_567, %rem3A_537, %dma_start3A_568, %dma_start3A_569] : memref<200x8x8x8x128xf32, #tpu.memory_space<hbm>> -> memref<1x8x1x8x128xf32, #tpu.memory_space<hbm>>
      %dma_start3A_571 = tpu.memref_squeeze %dma_start3A_570 : memref<1x8x1x8x128xf32, #tpu.memory_space<hbm>> -> memref<8x8x128xf32, #tpu.memory_space<hbm>>
      %dma_start3A_572 = arith.constant 0 : i32
      %dma_start3A_573 = arith.constant 0 : i32
      %dma_start3A_574 = arith.constant 0 : i32
      %dma_start3A_575 = tpu.memref_slice %arg10[%dma_start3A_572, %dma_start3A_573, %dma_start3A_574] : memref<8x8x137xf32, #tpu.memory_space<vmem>> -> memref<8x8x128xf32, #tpu.memory_space<vmem>>
      tpu.enqueue_dma source(%dma_start3A_575 : memref<8x8x128xf32, #tpu.memory_space<vmem>>) target(%dma_start3A_571 : memref<8x8x128xf32, #tpu.memory_space<hbm>>) target_semaphore(%arg14 : memref<!tpu.dma_semaphore, #tpu.memory_space<semaphore_mem>>)
      %mul3A_576 = arith.constant 2 : i32
      %mul3A_577 = arith.muli %scan3A_215, %mul3A_576 : i32
      %add3A_578 = arith.constant 1 : i32
      %add3A_579 = arith.addi %mul3A_577, %add3A_578 : i32
      %dma_wait3A_580 = arith.constant 0 : i32
      %dma_wait3A_581 = tpu.memref_slice %arg6[%dma_wait3A_580] : memref<6400xi32, #tpu.memory_space<vmem>> -> memref<640xi32, #tpu.memory_space<vmem>>
      %dma_wait3A_582 = arith.constant 0 : i32
      %dma_wait3A_583 = arith.constant 0 : i32
      %dma_wait3A_584 = tpu.memref_slice %arg3[%dma_wait3A_582, %dma_wait3A_583] : memref<100000x64xf32, #tpu.memory_space<hbm>> -> memref<100000x64xf32, #tpu.memory_space<hbm>>
      tpu.wait_indirect_dma semaphore(%arg13 : memref<!tpu.dma_semaphore, #tpu.memory_space<semaphore_mem>>) src(%dma_wait3A_584 : memref<100000x64xf32, #tpu.memory_space<hbm>>) dst(%arg9 : memref<640x64xf32, #tpu.memory_space<vmem>>)
      %add3A_585 = arith.constant 1 : i32
      %add3A_586 = arith.addi %add3A_579, %add3A_585 : i32
      %rem3A_587 = arith.constant 10 : i32
      %rem3A_588 = arith.remsi %add3A_586, %rem3A_587 : i32
      %mul3A_589 = arith.constant 640 : i32
      %mul3A_590 = arith.muli %rem3A_588, %mul3A_589 : i32
      %dma_start3A_591 = tpu.memref_slice %arg6[%mul3A_590] : memref<6400xi32, #tpu.memory_space<vmem>> -> memref<640xi32, #tpu.memory_space<vmem>>
      %dma_start3A_592 = arith.constant 0 : i32
      %dma_start3A_593 = arith.constant 0 : i32
      %dma_start3A_594 = tpu.memref_slice %arg3[%dma_start3A_592, %dma_start3A_593] : memref<100000x64xf32, #tpu.memory_space<hbm>> -> memref<100000x64xf32, #tpu.memory_space<hbm>>
      tpu.enqueue_indirect_dma source(%dma_start3A_594 : memref<100000x64xf32, #tpu.memory_space<hbm>>) target(%arg8 : memref<640x64xf32, #tpu.memory_space<vmem>>) offsets(%dma_start3A_591 : memref<640xi32, #tpu.memory_space<vmem>>) semaphore(%arg12 : memref<!tpu.dma_semaphore, #tpu.memory_space<semaphore_mem>>)
      %mul3A_595 = arith.constant 5 : i32
      %mul3A_596 = arith.muli %add3A_579, %mul3A_595 : i32
      %add3A_597 = arith.constant 0 : i32
      %add3A_598 = arith.addi %mul3A_596, %add3A_597 : i32
      %add3A_599 = arith.addi %mul3A_2, %add3A_598 : i32
      %jit3A_600 = arith.constant 8 : i32
      %div3A_601 = arith.divsi %add3A_599, %jit3A_600 : i32
      %sign3A_602 = arith.constant 0 : i32
      %sign3A_603 = arith.cmpi sgt, %add3A_599, %sign3A_602 : i32
      %sign3A_604 = arith.extui %sign3A_603 : i1 to i32
      %sign3A_605 = arith.constant 0 : i32
      %sign3A_606 = arith.cmpi slt, %add3A_599, %sign3A_605 : i32
      %sign3A_607 = arith.extui %sign3A_606 : i1 to i32
      %sign3A_608 = arith.subi %sign3A_604, %sign3A_607 : i32
      %sign3A_609 = arith.constant 0 : i32
      %sign3A_610 = arith.cmpi sgt, %jit3A_600, %sign3A_609 : i32
      %sign3A_611 = arith.extui %sign3A_610 : i1 to i32
      %sign3A_612 = arith.constant 0 : i32
      %sign3A_613 = arith.cmpi slt, %jit3A_600, %sign3A_612 : i32
      %sign3A_614 = arith.extui %sign3A_613 : i1 to i32
      %sign3A_615 = arith.subi %sign3A_611, %sign3A_614 : i32
      %ne3A_616 = arith.cmpi ne, %sign3A_608, %sign3A_615 : i32
      %rem3A_617 = arith.remsi %add3A_599, %jit3A_600 : i32
      %ne3A_618 = arith.constant 0 : i32
      %ne3A_619 = arith.cmpi ne, %rem3A_617, %ne3A_618 : i32
      %and3A_620 = arith.andi %ne3A_616, %ne3A_619 : i1
      %sub3A_621 = arith.constant 1 : i32
      %sub3A_622 = arith.subi %div3A_601, %sub3A_621 : i32
      %select_n3A_623 = arith.select %and3A_620, %sub3A_622, %div3A_601 : i32
      %rem3A_624 = arith.constant 8 : i32
      %rem3A_625 = arith.remsi %add3A_599, %rem3A_624 : i32
      %ge3A_626 = arith.constant 2 : i32
      %ge3A_627 = arith.cmpi sge, %add3A_598, %ge3A_626 : i32
      %convert_element_type3A_628 = arith.extui %ge3A_627 : i1 to i32
      %cond3A_629 = arith.constant 0 : i32
      %cond3A_630 = arith.cmpi ne, %convert_element_type3A_628, %cond3A_629 : i32
      scf.if %cond3A_630 {
        %dma_wait3A_941 = arith.constant 0 : i32
        %dma_wait3A_942 = arith.constant 0 : i32
        %dma_wait3A_943 = arith.constant 0 : i32
        %dma_wait3A_944 = arith.constant 0 : i32
        %dma_wait3A_945 = arith.constant 0 : i32
        %dma_wait3A_946 = tpu.memref_slice %arg11[%dma_wait3A_943, %dma_wait3A_944, %dma_wait3A_945] : memref<8x8x137xf32, #tpu.memory_space<vmem>> -> memref<8x8x128xf32, #tpu.memory_space<vmem>>
        %dma_wait3A_947 = arith.constant 0 : i32
        %dma_wait3A_948 = arith.constant 0 : i32
        %dma_wait3A_949 = arith.constant 0 : i32
        %dma_wait3A_950 = tpu.memref_slice %arg5[%dma_wait3A_941, %dma_wait3A_947, %dma_wait3A_942, %dma_wait3A_948, %dma_wait3A_949] : memref<200x8x8x8x128xf32, #tpu.memory_space<hbm>> -> memref<1x8x1x8x128xf32, #tpu.memory_space<hbm>>
        %dma_wait3A_951 = tpu.memref_squeeze %dma_wait3A_950 : memref<1x8x1x8x128xf32, #tpu.memory_space<hbm>> -> memref<8x8x128xf32, #tpu.memory_space<hbm>>
        %dma_wait3A_952 = arith.constant 0 : i32
        %dma_wait3A_953 = arith.constant 0 : i32
        %dma_wait3A_954 = arith.constant 0 : i32
        %dma_wait3A_955 = tpu.memref_slice %arg5[%dma_wait3A_941, %dma_wait3A_952, %dma_wait3A_942, %dma_wait3A_953, %dma_wait3A_954] : memref<200x8x8x8x128xf32, #tpu.memory_space<hbm>> -> memref<1x8x1x8x128xf32, #tpu.memory_space<hbm>>
        %dma_wait3A_956 = tpu.memref_squeeze %dma_wait3A_955 : memref<1x8x1x8x128xf32, #tpu.memory_space<hbm>> -> memref<8x8x128xf32, #tpu.memory_space<hbm>>
        %dma_wait3A_957 = arith.constant 0 : i32
        %dma_wait3A_958 = arith.constant 0 : i32
        %dma_wait3A_959 = arith.constant 0 : i32
        %dma_wait3A_960 = tpu.memref_slice %arg11[%dma_wait3A_957, %dma_wait3A_958, %dma_wait3A_959] : memref<8x8x137xf32, #tpu.memory_space<vmem>> -> memref<8x8x128xf32, #tpu.memory_space<vmem>>
        tpu.wait_dma2 semaphore(%arg15 : memref<!tpu.dma_semaphore, #tpu.memory_space<semaphore_mem>>) src(%dma_wait3A_960 : memref<8x8x128xf32, #tpu.memory_space<vmem>>) dst(%dma_wait3A_956 : memref<8x8x128xf32, #tpu.memory_space<hbm>>)
      } else {
      }
      %get3A_631 = arith.index_cast %select_n3A_623 : i32 to index
      %get3A_632 = arith.constant 0 : index
      %get3A_633 = tpu.vector_load %arg7[%get3A_631, %get3A_632] {strides = array<i32>} : memref<200x64xf32, #tpu.memory_space<vmem>>, vector<16xf32>,
      %get3A_634 = arith.index_cast %select_n3A_623 : i32 to index
      %get3A_635 = arith.constant 16 : index
      %get3A_636 = tpu.vector_load %arg7[%get3A_634, %get3A_635] {strides = array<i32>} : memref<200x64xf32, #tpu.memory_space<vmem>>, vector<16xf32>,
      %get3A_637 = arith.index_cast %select_n3A_623 : i32 to index
      %get3A_638 = arith.constant 32 : index
      %get3A_639 = tpu.vector_load %arg7[%get3A_637, %get3A_638] {strides = array<i32>} : memref<200x64xf32, #tpu.memory_space<vmem>>, vector<16xf32>,
      %get3A_640 = arith.index_cast %select_n3A_623 : i32 to index
      %get3A_641 = arith.constant 48 : index
      %get3A_642 = tpu.vector_load %arg7[%get3A_640, %get3A_641] {strides = array<i32>} : memref<200x64xf32, #tpu.memory_space<vmem>>, vector<16xf32>,
      %parallel_loop3A_643 = arith.constant 0 : i32
      %parallel_loop3A_644 = arith.constant 128 : i32
      %parallel_loop3A_645 = arith.constant 1 : i32
      scf.for %parallel_loop3A_941 = %parallel_loop3A_643 to %parallel_loop3A_644 step %parallel_loop3A_645  : i32 {
        %parallel_loop3A_942 = vector.broadcast %parallel_loop3A_941 : i32 to vector<16xi32>
        %parallel_loop3A_943 = arith.constant 0 : i32
        %parallel_loop3A_944 = arith.addi %parallel_loop3A_943, %parallel_loop3A_941 : i32
        %parallel_loop3A_945 = arith.index_cast %parallel_loop3A_944 : i32 to index
        %parallel_loop3A_946 = arith.constant 0 : index
        %parallel_loop3A_947 = tpu.vector_load %arg9[%parallel_loop3A_945, %parallel_loop3A_946] {strides = array<i32>} : memref<640x64xf32, #tpu.memory_space<vmem>>, vector<16xf32>,
        %parallel_loop3A_948 = arith.addf %parallel_loop3A_947, %get3A_633 : vector<16xf32>
        tpu.vector_store_idx %arg11[%select_n3A, %rem3A_138, %parallel_loop3A_942], %parallel_loop3A_948 : memref<8x8x137xf32, #tpu.memory_space<vmem>>[vector<16xi32>, vector<16xi32>, vector<16xi32>], vector<16xf32>,
        %parallel_loop3A_949 = arith.constant 0 : i32
        %parallel_loop3A_950 = arith.addi %parallel_loop3A_949, %parallel_loop3A_941 : i32
        %parallel_loop3A_951 = arith.index_cast %parallel_loop3A_950 : i32 to index
        %parallel_loop3A_952 = arith.constant 16 : index
        %parallel_loop3A_953 = tpu.vector_load %arg9[%parallel_loop3A_951, %parallel_loop3A_952] {strides = array<i32>} : memref<640x64xf32, #tpu.memory_space<vmem>>, vector<16xf32>,
        %parallel_loop3A_954 = arith.addf %parallel_loop3A_953, %get3A_636 : vector<16xf32>
        tpu.vector_store_idx %arg11[%select_n3A_64, %rem3A_144, %parallel_loop3A_942], %parallel_loop3A_954 : memref<8x8x137xf32, #tpu.memory_space<vmem>>[vector<16xi32>, vector<16xi32>, vector<16xi32>], vector<16xf32>,
        %parallel_loop3A_955 = arith.constant 0 : i32
        %parallel_loop3A_956 = arith.addi %parallel_loop3A_955, %parallel_loop3A_941 : i32
        %parallel_loop3A_957 = arith.index_cast %parallel_loop3A_956 : i32 to index
        %parallel_loop3A_958 = arith.constant 32 : index
        %parallel_loop3A_959 = tpu.vector_load %arg9[%parallel_loop3A_957, %parallel_loop3A_958] {strides = array<i32>} : memref<640x64xf32, #tpu.memory_space<vmem>>, vector<16xf32>,
        %parallel_loop3A_960 = arith.addf %parallel_loop3A_959, %get3A_639 : vector<16xf32>
        tpu.vector_store_idx %arg11[%select_n3A_98, %rem3A_150, %parallel_loop3A_942], %parallel_loop3A_960 : memref<8x8x137xf32, #tpu.memory_space<vmem>>[vector<16xi32>, vector<16xi32>, vector<16xi32>], vector<16xf32>,
        %parallel_loop3A_961 = arith.constant 0 : i32
        %parallel_loop3A_962 = arith.addi %parallel_loop3A_961, %parallel_loop3A_941 : i32
        %parallel_loop3A_963 = arith.index_cast %parallel_loop3A_962 : i32 to index
        %parallel_loop3A_964 = arith.constant 48 : index
        %parallel_loop3A_965 = tpu.vector_load %arg9[%parallel_loop3A_963, %parallel_loop3A_964] {strides = array<i32>} : memref<640x64xf32, #tpu.memory_space<vmem>>, vector<16xf32>,
        %parallel_loop3A_966 = arith.addf %parallel_loop3A_965, %get3A_642 : vector<16xf32>
        tpu.vector_store_idx %arg11[%select_n3A_132, %rem3A_156, %parallel_loop3A_942], %parallel_loop3A_966 : memref<8x8x137xf32, #tpu.memory_space<vmem>>[vector<16xi32>, vector<16xi32>, vector<16xi32>], vector<16xf32>,
      } {sc.loop_unroll_factor = 8 : i64, sc.parallel_access}
      %dma_start3A_646 = arith.constant 0 : i32
      %dma_start3A_647 = arith.constant 0 : i32
      %dma_start3A_648 = arith.constant 0 : i32
      %dma_start3A_649 = tpu.memref_slice %arg11[%dma_start3A_646, %dma_start3A_647, %dma_start3A_648] : memref<8x8x137xf32, #tpu.memory_space<vmem>> -> memref<8x8x128xf32, #tpu.memory_space<vmem>>
      %dma_start3A_650 = arith.constant 0 : i32
      %dma_start3A_651 = arith.constant 0 : i32
      %dma_start3A_652 = arith.constant 0 : i32
      %dma_start3A_653 = tpu.memref_slice %arg5[%select_n3A_623, %dma_start3A_650, %rem3A_625, %dma_start3A_651, %dma_start3A_652] : memref<200x8x8x8x128xf32, #tpu.memory_space<hbm>> -> memref<1x8x1x8x128xf32, #tpu.memory_space<hbm>>
      %dma_start3A_654 = tpu.memref_squeeze %dma_start3A_653 : memref<1x8x1x8x128xf32, #tpu.memory_space<hbm>> -> memref<8x8x128xf32, #tpu.memory_space<hbm>>
      %dma_start3A_655 = arith.constant 0 : i32
      %dma_start3A_656 = arith.constant 0 : i32
      %dma_start3A_657 = arith.constant 0 : i32
      %dma_start3A_658 = tpu.memref_slice %arg5[%select_n3A_623, %dma_start3A_655, %rem3A_625, %dma_start3A_656, %dma_start3A_657] : memref<200x8x8x8x128xf32, #tpu.memory_space<hbm>> -> memref<1x8x1x8x128xf32, #tpu.memory_space<hbm>>
      %dma_start3A_659 = tpu.memref_squeeze %dma_start3A_658 : memref<1x8x1x8x128xf32, #tpu.memory_space<hbm>> -> memref<8x8x128xf32, #tpu.memory_space<hbm>>
      %dma_start3A_660 = arith.constant 0 : i32
      %dma_start3A_661 = arith.constant 0 : i32
      %dma_start3A_662 = arith.constant 0 : i32
      %dma_start3A_663 = tpu.memref_slice %arg11[%dma_start3A_660, %dma_start3A_661, %dma_start3A_662] : memref<8x8x137xf32, #tpu.memory_space<vmem>> -> memref<8x8x128xf32, #tpu.memory_space<vmem>>
      tpu.enqueue_dma source(%dma_start3A_663 : memref<8x8x128xf32, #tpu.memory_space<vmem>>) target(%dma_start3A_659 : memref<8x8x128xf32, #tpu.memory_space<hbm>>) target_semaphore(%arg15 : memref<!tpu.dma_semaphore, #tpu.memory_space<semaphore_mem>>)
      %mul3A_664 = arith.constant 5 : i32
      %mul3A_665 = arith.muli %add3A_579, %mul3A_664 : i32
      %add3A_666 = arith.constant 1 : i32
      %add3A_667 = arith.addi %mul3A_665, %add3A_666 : i32
      %add3A_668 = arith.addi %mul3A_2, %add3A_667 : i32
      %jit3A_669 = arith.constant 8 : i32
      %div3A_670 = arith.divsi %add3A_668, %jit3A_669 : i32
      %sign3A_671 = arith.constant 0 : i32
      %sign3A_672 = arith.cmpi sgt, %add3A_668, %sign3A_671 : i32
      %sign3A_673 = arith.extui %sign3A_672 : i1 to i32
      %sign3A_674 = arith.constant 0 : i32
      %sign3A_675 = arith.cmpi slt, %add3A_668, %sign3A_674 : i32
      %sign3A_676 = arith.extui %sign3A_675 : i1 to i32
      %sign3A_677 = arith.subi %sign3A_673, %sign3A_676 : i32
      %sign3A_678 = arith.constant 0 : i32
      %sign3A_679 = arith.cmpi sgt, %jit3A_669, %sign3A_678 : i32
      %sign3A_680 = arith.extui %sign3A_679 : i1 to i32
      %sign3A_681 = arith.constant 0 : i32
      %sign3A_682 = arith.cmpi slt, %jit3A_669, %sign3A_681 : i32
      %sign3A_683 = arith.extui %sign3A_682 : i1 to i32
      %sign3A_684 = arith.subi %sign3A_680, %sign3A_683 : i32
      %ne3A_685 = arith.cmpi ne, %sign3A_677, %sign3A_684 : i32
      %rem3A_686 = arith.remsi %add3A_668, %jit3A_669 : i32
      %ne3A_687 = arith.constant 0 : i32
      %ne3A_688 = arith.cmpi ne, %rem3A_686, %ne3A_687 : i32
      %and3A_689 = arith.andi %ne3A_685, %ne3A_688 : i1
      %sub3A_690 = arith.constant 1 : i32
      %sub3A_691 = arith.subi %div3A_670, %sub3A_690 : i32
      %select_n3A_692 = arith.select %and3A_689, %sub3A_691, %div3A_670 : i32
      %rem3A_693 = arith.constant 8 : i32
      %rem3A_694 = arith.remsi %add3A_668, %rem3A_693 : i32
      %ge3A_695 = arith.constant 2 : i32
      %ge3A_696 = arith.cmpi sge, %add3A_667, %ge3A_695 : i32
      %convert_element_type3A_697 = arith.extui %ge3A_696 : i1 to i32
      %cond3A_698 = arith.constant 0 : i32
      %cond3A_699 = arith.cmpi ne, %convert_element_type3A_697, %cond3A_698 : i32
      scf.if %cond3A_699 {
        %dma_wait3A_941 = arith.constant 0 : i32
        %dma_wait3A_942 = arith.constant 0 : i32
        %dma_wait3A_943 = arith.constant 0 : i32
        %dma_wait3A_944 = arith.constant 0 : i32
        %dma_wait3A_945 = arith.constant 0 : i32
        %dma_wait3A_946 = tpu.memref_slice %arg10[%dma_wait3A_943, %dma_wait3A_944, %dma_wait3A_945] : memref<8x8x137xf32, #tpu.memory_space<vmem>> -> memref<8x8x128xf32, #tpu.memory_space<vmem>>
        %dma_wait3A_947 = arith.constant 0 : i32
        %dma_wait3A_948 = arith.constant 0 : i32
        %dma_wait3A_949 = arith.constant 0 : i32
        %dma_wait3A_950 = tpu.memref_slice %arg5[%dma_wait3A_941, %dma_wait3A_947, %dma_wait3A_942, %dma_wait3A_948, %dma_wait3A_949] : memref<200x8x8x8x128xf32, #tpu.memory_space<hbm>> -> memref<1x8x1x8x128xf32, #tpu.memory_space<hbm>>
        %dma_wait3A_951 = tpu.memref_squeeze %dma_wait3A_950 : memref<1x8x1x8x128xf32, #tpu.memory_space<hbm>> -> memref<8x8x128xf32, #tpu.memory_space<hbm>>
        %dma_wait3A_952 = arith.constant 0 : i32
        %dma_wait3A_953 = arith.constant 0 : i32
        %dma_wait3A_954 = arith.constant 0 : i32
        %dma_wait3A_955 = tpu.memref_slice %arg5[%dma_wait3A_941, %dma_wait3A_952, %dma_wait3A_942, %dma_wait3A_953, %dma_wait3A_954] : memref<200x8x8x8x128xf32, #tpu.memory_space<hbm>> -> memref<1x8x1x8x128xf32, #tpu.memory_space<hbm>>
        %dma_wait3A_956 = tpu.memref_squeeze %dma_wait3A_955 : memref<1x8x1x8x128xf32, #tpu.memory_space<hbm>> -> memref<8x8x128xf32, #tpu.memory_space<hbm>>
        %dma_wait3A_957 = arith.constant 0 : i32
        %dma_wait3A_958 = arith.constant 0 : i32
        %dma_wait3A_959 = arith.constant 0 : i32
        %dma_wait3A_960 = tpu.memref_slice %arg10[%dma_wait3A_957, %dma_wait3A_958, %dma_wait3A_959] : memref<8x8x137xf32, #tpu.memory_space<vmem>> -> memref<8x8x128xf32, #tpu.memory_space<vmem>>
        tpu.wait_dma2 semaphore(%arg14 : memref<!tpu.dma_semaphore, #tpu.memory_space<semaphore_mem>>) src(%dma_wait3A_960 : memref<8x8x128xf32, #tpu.memory_space<vmem>>) dst(%dma_wait3A_956 : memref<8x8x128xf32, #tpu.memory_space<hbm>>)
      } else {
      }
      %get3A_700 = arith.index_cast %select_n3A_692 : i32 to index
      %get3A_701 = arith.constant 0 : index
      %get3A_702 = tpu.vector_load %arg7[%get3A_700, %get3A_701] {strides = array<i32>} : memref<200x64xf32, #tpu.memory_space<vmem>>, vector<16xf32>,
      %get3A_703 = arith.index_cast %select_n3A_692 : i32 to index
      %get3A_704 = arith.constant 16 : index
      %get3A_705 = tpu.vector_load %arg7[%get3A_703, %get3A_704] {strides = array<i32>} : memref<200x64xf32, #tpu.memory_space<vmem>>, vector<16xf32>,
      %get3A_706 = arith.index_cast %select_n3A_692 : i32 to index
      %get3A_707 = arith.constant 32 : index
      %get3A_708 = tpu.vector_load %arg7[%get3A_706, %get3A_707] {strides = array<i32>} : memref<200x64xf32, #tpu.memory_space<vmem>>, vector<16xf32>,
      %get3A_709 = arith.index_cast %select_n3A_692 : i32 to index
      %get3A_710 = arith.constant 48 : index
      %get3A_711 = tpu.vector_load %arg7[%get3A_709, %get3A_710] {strides = array<i32>} : memref<200x64xf32, #tpu.memory_space<vmem>>, vector<16xf32>,
      %parallel_loop3A_712 = arith.constant 0 : i32
      %parallel_loop3A_713 = arith.constant 128 : i32
      %parallel_loop3A_714 = arith.constant 1 : i32
      scf.for %parallel_loop3A_941 = %parallel_loop3A_712 to %parallel_loop3A_713 step %parallel_loop3A_714  : i32 {
        %parallel_loop3A_942 = vector.broadcast %parallel_loop3A_941 : i32 to vector<16xi32>
        %parallel_loop3A_943 = arith.constant 128 : i32
        %parallel_loop3A_944 = arith.addi %parallel_loop3A_943, %parallel_loop3A_941 : i32
        %parallel_loop3A_945 = arith.index_cast %parallel_loop3A_944 : i32 to index
        %parallel_loop3A_946 = arith.constant 0 : index
        %parallel_loop3A_947 = tpu.vector_load %arg9[%parallel_loop3A_945, %parallel_loop3A_946] {strides = array<i32>} : memref<640x64xf32, #tpu.memory_space<vmem>>, vector<16xf32>,
        %parallel_loop3A_948 = arith.addf %parallel_loop3A_947, %get3A_702 : vector<16xf32>
        tpu.vector_store_idx %arg10[%select_n3A, %rem3A_138, %parallel_loop3A_942], %parallel_loop3A_948 : memref<8x8x137xf32, #tpu.memory_space<vmem>>[vector<16xi32>, vector<16xi32>, vector<16xi32>], vector<16xf32>,
        %parallel_loop3A_949 = arith.constant 128 : i32
        %parallel_loop3A_950 = arith.addi %parallel_loop3A_949, %parallel_loop3A_941 : i32
        %parallel_loop3A_951 = arith.index_cast %parallel_loop3A_950 : i32 to index
        %parallel_loop3A_952 = arith.constant 16 : index
        %parallel_loop3A_953 = tpu.vector_load %arg9[%parallel_loop3A_951, %parallel_loop3A_952] {strides = array<i32>} : memref<640x64xf32, #tpu.memory_space<vmem>>, vector<16xf32>,
        %parallel_loop3A_954 = arith.addf %parallel_loop3A_953, %get3A_705 : vector<16xf32>
        tpu.vector_store_idx %arg10[%select_n3A_64, %rem3A_144, %parallel_loop3A_942], %parallel_loop3A_954 : memref<8x8x137xf32, #tpu.memory_space<vmem>>[vector<16xi32>, vector<16xi32>, vector<16xi32>], vector<16xf32>,
        %parallel_loop3A_955 = arith.constant 128 : i32
        %parallel_loop3A_956 = arith.addi %parallel_loop3A_955, %parallel_loop3A_941 : i32
        %parallel_loop3A_957 = arith.index_cast %parallel_loop3A_956 : i32 to index
        %parallel_loop3A_958 = arith.constant 32 : index
        %parallel_loop3A_959 = tpu.vector_load %arg9[%parallel_loop3A_957, %parallel_loop3A_958] {strides = array<i32>} : memref<640x64xf32, #tpu.memory_space<vmem>>, vector<16xf32>,
        %parallel_loop3A_960 = arith.addf %parallel_loop3A_959, %get3A_708 : vector<16xf32>
        tpu.vector_store_idx %arg10[%select_n3A_98, %rem3A_150, %parallel_loop3A_942], %parallel_loop3A_960 : memref<8x8x137xf32, #tpu.memory_space<vmem>>[vector<16xi32>, vector<16xi32>, vector<16xi32>], vector<16xf32>,
        %parallel_loop3A_961 = arith.constant 128 : i32
        %parallel_loop3A_962 = arith.addi %parallel_loop3A_961, %parallel_loop3A_941 : i32
        %parallel_loop3A_963 = arith.index_cast %parallel_loop3A_962 : i32 to index
        %parallel_loop3A_964 = arith.constant 48 : index
        %parallel_loop3A_965 = tpu.vector_load %arg9[%parallel_loop3A_963, %parallel_loop3A_964] {strides = array<i32>} : memref<640x64xf32, #tpu.memory_space<vmem>>, vector<16xf32>,
        %parallel_loop3A_966 = arith.addf %parallel_loop3A_965, %get3A_711 : vector<16xf32>
        tpu.vector_store_idx %arg10[%select_n3A_132, %rem3A_156, %parallel_loop3A_942], %parallel_loop3A_966 : memref<8x8x137xf32, #tpu.memory_space<vmem>>[vector<16xi32>, vector<16xi32>, vector<16xi32>], vector<16xf32>,
      } {sc.loop_unroll_factor = 8 : i64, sc.parallel_access}
      %dma_start3A_715 = arith.constant 0 : i32
      %dma_start3A_716 = arith.constant 0 : i32
      %dma_start3A_717 = arith.constant 0 : i32
      %dma_start3A_718 = tpu.memref_slice %arg10[%dma_start3A_715, %dma_start3A_716, %dma_start3A_717] : memref<8x8x137xf32, #tpu.memory_space<vmem>> -> memref<8x8x128xf32, #tpu.memory_space<vmem>>
      %dma_start3A_719 = arith.constant 0 : i32
      %dma_start3A_720 = arith.constant 0 : i32
      %dma_start3A_721 = arith.constant 0 : i32
      %dma_start3A_722 = tpu.memref_slice %arg5[%select_n3A_692, %dma_start3A_719, %rem3A_694, %dma_start3A_720, %dma_start3A_721] : memref<200x8x8x8x128xf32, #tpu.memory_space<hbm>> -> memref<1x8x1x8x128xf32, #tpu.memory_space<hbm>>
      %dma_start3A_723 = tpu.memref_squeeze %dma_start3A_722 : memref<1x8x1x8x128xf32, #tpu.memory_space<hbm>> -> memref<8x8x128xf32, #tpu.memory_space<hbm>>
      %dma_start3A_724 = arith.constant 0 : i32
      %dma_start3A_725 = arith.constant 0 : i32
      %dma_start3A_726 = arith.constant 0 : i32
      %dma_start3A_727 = tpu.memref_slice %arg5[%select_n3A_692, %dma_start3A_724, %rem3A_694, %dma_start3A_725, %dma_start3A_726] : memref<200x8x8x8x128xf32, #tpu.memory_space<hbm>> -> memref<1x8x1x8x128xf32, #tpu.memory_space<hbm>>
      %dma_start3A_728 = tpu.memref_squeeze %dma_start3A_727 : memref<1x8x1x8x128xf32, #tpu.memory_space<hbm>> -> memref<8x8x128xf32, #tpu.memory_space<hbm>>
      %dma_start3A_729 = arith.constant 0 : i32
      %dma_start3A_730 = arith.constant 0 : i32
      %dma_start3A_731 = arith.constant 0 : i32
      %dma_start3A_732 = tpu.memref_slice %arg10[%dma_start3A_729, %dma_start3A_730, %dma_start3A_731] : memref<8x8x137xf32, #tpu.memory_space<vmem>> -> memref<8x8x128xf32, #tpu.memory_space<vmem>>
      tpu.enqueue_dma source(%dma_start3A_732 : memref<8x8x128xf32, #tpu.memory_space<vmem>>) target(%dma_start3A_728 : memref<8x8x128xf32, #tpu.memory_space<hbm>>) target_semaphore(%arg14 : memref<!tpu.dma_semaphore, #tpu.memory_space<semaphore_mem>>)
      %mul3A_733 = arith.constant 5 : i32
      %mul3A_734 = arith.muli %add3A_579, %mul3A_733 : i32
      %add3A_735 = arith.constant 2 : i32
      %add3A_736 = arith.addi %mul3A_734, %add3A_735 : i32
      %add3A_737 = arith.addi %mul3A_2, %add3A_736 : i32
      %jit3A_738 = arith.constant 8 : i32
      %div3A_739 = arith.divsi %add3A_737, %jit3A_738 : i32
      %sign3A_740 = arith.constant 0 : i32
      %sign3A_741 = arith.cmpi sgt, %add3A_737, %sign3A_740 : i32
      %sign3A_742 = arith.extui %sign3A_741 : i1 to i32
      %sign3A_743 = arith.constant 0 : i32
      %sign3A_744 = arith.cmpi slt, %add3A_737, %sign3A_743 : i32
      %sign3A_745 = arith.extui %sign3A_744 : i1 to i32
      %sign3A_746 = arith.subi %sign3A_742, %sign3A_745 : i32
      %sign3A_747 = arith.constant 0 : i32
      %sign3A_748 = arith.cmpi sgt, %jit3A_738, %sign3A_747 : i32
      %sign3A_749 = arith.extui %sign3A_748 : i1 to i32
      %sign3A_750 = arith.constant 0 : i32
      %sign3A_751 = arith.cmpi slt, %jit3A_738, %sign3A_750 : i32
      %sign3A_752 = arith.extui %sign3A_751 : i1 to i32
      %sign3A_753 = arith.subi %sign3A_749, %sign3A_752 : i32
      %ne3A_754 = arith.cmpi ne, %sign3A_746, %sign3A_753 : i32
      %rem3A_755 = arith.remsi %add3A_737, %jit3A_738 : i32
      %ne3A_756 = arith.constant 0 : i32
      %ne3A_757 = arith.cmpi ne, %rem3A_755, %ne3A_756 : i32
      %and3A_758 = arith.andi %ne3A_754, %ne3A_757 : i1
      %sub3A_759 = arith.constant 1 : i32
      %sub3A_760 = arith.subi %div3A_739, %sub3A_759 : i32
      %select_n3A_761 = arith.select %and3A_758, %sub3A_760, %div3A_739 : i32
      %rem3A_762 = arith.constant 8 : i32
      %rem3A_763 = arith.remsi %add3A_737, %rem3A_762 : i32
      %ge3A_764 = arith.constant 2 : i32
      %ge3A_765 = arith.cmpi sge, %add3A_736, %ge3A_764 : i32
      %convert_element_type3A_766 = arith.extui %ge3A_765 : i1 to i32
      %cond3A_767 = arith.constant 0 : i32
      %cond3A_768 = arith.cmpi ne, %convert_element_type3A_766, %cond3A_767 : i32
      scf.if %cond3A_768 {
        %dma_wait3A_941 = arith.constant 0 : i32
        %dma_wait3A_942 = arith.constant 0 : i32
        %dma_wait3A_943 = arith.constant 0 : i32
        %dma_wait3A_944 = arith.constant 0 : i32
        %dma_wait3A_945 = arith.constant 0 : i32
        %dma_wait3A_946 = tpu.memref_slice %arg11[%dma_wait3A_943, %dma_wait3A_944, %dma_wait3A_945] : memref<8x8x137xf32, #tpu.memory_space<vmem>> -> memref<8x8x128xf32, #tpu.memory_space<vmem>>
        %dma_wait3A_947 = arith.constant 0 : i32
        %dma_wait3A_948 = arith.constant 0 : i32
        %dma_wait3A_949 = arith.constant 0 : i32
        %dma_wait3A_950 = tpu.memref_slice %arg5[%dma_wait3A_941, %dma_wait3A_947, %dma_wait3A_942, %dma_wait3A_948, %dma_wait3A_949] : memref<200x8x8x8x128xf32, #tpu.memory_space<hbm>> -> memref<1x8x1x8x128xf32, #tpu.memory_space<hbm>>
        %dma_wait3A_951 = tpu.memref_squeeze %dma_wait3A_950 : memref<1x8x1x8x128xf32, #tpu.memory_space<hbm>> -> memref<8x8x128xf32, #tpu.memory_space<hbm>>
        %dma_wait3A_952 = arith.constant 0 : i32
        %dma_wait3A_953 = arith.constant 0 : i32
        %dma_wait3A_954 = arith.constant 0 : i32
        %dma_wait3A_955 = tpu.memref_slice %arg5[%dma_wait3A_941, %dma_wait3A_952, %dma_wait3A_942, %dma_wait3A_953, %dma_wait3A_954] : memref<200x8x8x8x128xf32, #tpu.memory_space<hbm>> -> memref<1x8x1x8x128xf32, #tpu.memory_space<hbm>>
        %dma_wait3A_956 = tpu.memref_squeeze %dma_wait3A_955 : memref<1x8x1x8x128xf32, #tpu.memory_space<hbm>> -> memref<8x8x128xf32, #tpu.memory_space<hbm>>
        %dma_wait3A_957 = arith.constant 0 : i32
        %dma_wait3A_958 = arith.constant 0 : i32
        %dma_wait3A_959 = arith.constant 0 : i32
        %dma_wait3A_960 = tpu.memref_slice %arg11[%dma_wait3A_957, %dma_wait3A_958, %dma_wait3A_959] : memref<8x8x137xf32, #tpu.memory_space<vmem>> -> memref<8x8x128xf32, #tpu.memory_space<vmem>>
        tpu.wait_dma2 semaphore(%arg15 : memref<!tpu.dma_semaphore, #tpu.memory_space<semaphore_mem>>) src(%dma_wait3A_960 : memref<8x8x128xf32, #tpu.memory_space<vmem>>) dst(%dma_wait3A_956 : memref<8x8x128xf32, #tpu.memory_space<hbm>>)
      } else {
      }
      %get3A_769 = arith.index_cast %select_n3A_761 : i32 to index
      %get3A_770 = arith.constant 0 : index
      %get3A_771 = tpu.vector_load %arg7[%get3A_769, %get3A_770] {strides = array<i32>} : memref<200x64xf32, #tpu.memory_space<vmem>>, vector<16xf32>,
      %get3A_772 = arith.index_cast %select_n3A_761 : i32 to index
      %get3A_773 = arith.constant 16 : index
      %get3A_774 = tpu.vector_load %arg7[%get3A_772, %get3A_773] {strides = array<i32>} : memref<200x64xf32, #tpu.memory_space<vmem>>, vector<16xf32>,
      %get3A_775 = arith.index_cast %select_n3A_761 : i32 to index
      %get3A_776 = arith.constant 32 : index
      %get3A_777 = tpu.vector_load %arg7[%get3A_775, %get3A_776] {strides = array<i32>} : memref<200x64xf32, #tpu.memory_space<vmem>>, vector<16xf32>,
      %get3A_778 = arith.index_cast %select_n3A_761 : i32 to index
      %get3A_779 = arith.constant 48 : index
      %get3A_780 = tpu.vector_load %arg7[%get3A_778, %get3A_779] {strides = array<i32>} : memref<200x64xf32, #tpu.memory_space<vmem>>, vector<16xf32>,
      %parallel_loop3A_781 = arith.constant 0 : i32
      %parallel_loop3A_782 = arith.constant 128 : i32
      %parallel_loop3A_783 = arith.constant 1 : i32
      scf.for %parallel_loop3A_941 = %parallel_loop3A_781 to %parallel_loop3A_782 step %parallel_loop3A_783  : i32 {
        %parallel_loop3A_942 = vector.broadcast %parallel_loop3A_941 : i32 to vector<16xi32>
        %parallel_loop3A_943 = arith.constant 256 : i32
        %parallel_loop3A_944 = arith.addi %parallel_loop3A_943, %parallel_loop3A_941 : i32
        %parallel_loop3A_945 = arith.index_cast %parallel_loop3A_944 : i32 to index
        %parallel_loop3A_946 = arith.constant 0 : index
        %parallel_loop3A_947 = tpu.vector_load %arg9[%parallel_loop3A_945, %parallel_loop3A_946] {strides = array<i32>} : memref<640x64xf32, #tpu.memory_space<vmem>>, vector<16xf32>,
        %parallel_loop3A_948 = arith.addf %parallel_loop3A_947, %get3A_771 : vector<16xf32>
        tpu.vector_store_idx %arg11[%select_n3A, %rem3A_138, %parallel_loop3A_942], %parallel_loop3A_948 : memref<8x8x137xf32, #tpu.memory_space<vmem>>[vector<16xi32>, vector<16xi32>, vector<16xi32>], vector<16xf32>,
        %parallel_loop3A_949 = arith.constant 256 : i32
        %parallel_loop3A_950 = arith.addi %parallel_loop3A_949, %parallel_loop3A_941 : i32
        %parallel_loop3A_951 = arith.index_cast %parallel_loop3A_950 : i32 to index
        %parallel_loop3A_952 = arith.constant 16 : index
        %parallel_loop3A_953 = tpu.vector_load %arg9[%parallel_loop3A_951, %parallel_loop3A_952] {strides = array<i32>} : memref<640x64xf32, #tpu.memory_space<vmem>>, vector<16xf32>,
        %parallel_loop3A_954 = arith.addf %parallel_loop3A_953, %get3A_774 : vector<16xf32>
        tpu.vector_store_idx %arg11[%select_n3A_64, %rem3A_144, %parallel_loop3A_942], %parallel_loop3A_954 : memref<8x8x137xf32, #tpu.memory_space<vmem>>[vector<16xi32>, vector<16xi32>, vector<16xi32>], vector<16xf32>,
        %parallel_loop3A_955 = arith.constant 256 : i32
        %parallel_loop3A_956 = arith.addi %parallel_loop3A_955, %parallel_loop3A_941 : i32
        %parallel_loop3A_957 = arith.index_cast %parallel_loop3A_956 : i32 to index
        %parallel_loop3A_958 = arith.constant 32 : index
        %parallel_loop3A_959 = tpu.vector_load %arg9[%parallel_loop3A_957, %parallel_loop3A_958] {strides = array<i32>} : memref<640x64xf32, #tpu.memory_space<vmem>>, vector<16xf32>,
        %parallel_loop3A_960 = arith.addf %parallel_loop3A_959, %get3A_777 : vector<16xf32>
        tpu.vector_store_idx %arg11[%select_n3A_98, %rem3A_150, %parallel_loop3A_942], %parallel_loop3A_960 : memref<8x8x137xf32, #tpu.memory_space<vmem>>[vector<16xi32>, vector<16xi32>, vector<16xi32>], vector<16xf32>,
        %parallel_loop3A_961 = arith.constant 256 : i32
        %parallel_loop3A_962 = arith.addi %parallel_loop3A_961, %parallel_loop3A_941 : i32
        %parallel_loop3A_963 = arith.index_cast %parallel_loop3A_962 : i32 to index
        %parallel_loop3A_964 = arith.constant 48 : index
        %parallel_loop3A_965 = tpu.vector_load %arg9[%parallel_loop3A_963, %parallel_loop3A_964] {strides = array<i32>} : memref<640x64xf32, #tpu.memory_space<vmem>>, vector<16xf32>,
        %parallel_loop3A_966 = arith.addf %parallel_loop3A_965, %get3A_780 : vector<16xf32>
        tpu.vector_store_idx %arg11[%select_n3A_132, %rem3A_156, %parallel_loop3A_942], %parallel_loop3A_966 : memref<8x8x137xf32, #tpu.memory_space<vmem>>[vector<16xi32>, vector<16xi32>, vector<16xi32>], vector<16xf32>,
      } {sc.loop_unroll_factor = 8 : i64, sc.parallel_access}
      %dma_start3A_784 = arith.constant 0 : i32
      %dma_start3A_785 = arith.constant 0 : i32
      %dma_start3A_786 = arith.constant 0 : i32
      %dma_start3A_787 = tpu.memref_slice %arg11[%dma_start3A_784, %dma_start3A_785, %dma_start3A_786] : memref<8x8x137xf32, #tpu.memory_space<vmem>> -> memref<8x8x128xf32, #tpu.memory_space<vmem>>
      %dma_start3A_788 = arith.constant 0 : i32
      %dma_start3A_789 = arith.constant 0 : i32
      %dma_start3A_790 = arith.constant 0 : i32
      %dma_start3A_791 = tpu.memref_slice %arg5[%select_n3A_761, %dma_start3A_788, %rem3A_763, %dma_start3A_789, %dma_start3A_790] : memref<200x8x8x8x128xf32, #tpu.memory_space<hbm>> -> memref<1x8x1x8x128xf32, #tpu.memory_space<hbm>>
      %dma_start3A_792 = tpu.memref_squeeze %dma_start3A_791 : memref<1x8x1x8x128xf32, #tpu.memory_space<hbm>> -> memref<8x8x128xf32, #tpu.memory_space<hbm>>
      %dma_start3A_793 = arith.constant 0 : i32
      %dma_start3A_794 = arith.constant 0 : i32
      %dma_start3A_795 = arith.constant 0 : i32
      %dma_start3A_796 = tpu.memref_slice %arg5[%select_n3A_761, %dma_start3A_793, %rem3A_763, %dma_start3A_794, %dma_start3A_795] : memref<200x8x8x8x128xf32, #tpu.memory_space<hbm>> -> memref<1x8x1x8x128xf32, #tpu.memory_space<hbm>>
      %dma_start3A_797 = tpu.memref_squeeze %dma_start3A_796 : memref<1x8x1x8x128xf32, #tpu.memory_space<hbm>> -> memref<8x8x128xf32, #tpu.memory_space<hbm>>
      %dma_start3A_798 = arith.constant 0 : i32
      %dma_start3A_799 = arith.constant 0 : i32
      %dma_start3A_800 = arith.constant 0 : i32
      %dma_start3A_801 = tpu.memref_slice %arg11[%dma_start3A_798, %dma_start3A_799, %dma_start3A_800] : memref<8x8x137xf32, #tpu.memory_space<vmem>> -> memref<8x8x128xf32, #tpu.memory_space<vmem>>
      tpu.enqueue_dma source(%dma_start3A_801 : memref<8x8x128xf32, #tpu.memory_space<vmem>>) target(%dma_start3A_797 : memref<8x8x128xf32, #tpu.memory_space<hbm>>) target_semaphore(%arg15 : memref<!tpu.dma_semaphore, #tpu.memory_space<semaphore_mem>>)
      %mul3A_802 = arith.constant 5 : i32
      %mul3A_803 = arith.muli %add3A_579, %mul3A_802 : i32
      %add3A_804 = arith.constant 3 : i32
      %add3A_805 = arith.addi %mul3A_803, %add3A_804 : i32
      %add3A_806 = arith.addi %mul3A_2, %add3A_805 : i32
      %jit3A_807 = arith.constant 8 : i32
      %div3A_808 = arith.divsi %add3A_806, %jit3A_807 : i32
      %sign3A_809 = arith.constant 0 : i32
      %sign3A_810 = arith.cmpi sgt, %add3A_806, %sign3A_809 : i32
      %sign3A_811 = arith.extui %sign3A_810 : i1 to i32
      %sign3A_812 = arith.constant 0 : i32
      %sign3A_813 = arith.cmpi slt, %add3A_806, %sign3A_812 : i32
      %sign3A_814 = arith.extui %sign3A_813 : i1 to i32
      %sign3A_815 = arith.subi %sign3A_811, %sign3A_814 : i32
      %sign3A_816 = arith.constant 0 : i32
      %sign3A_817 = arith.cmpi sgt, %jit3A_807, %sign3A_816 : i32
      %sign3A_818 = arith.extui %sign3A_817 : i1 to i32
      %sign3A_819 = arith.constant 0 : i32
      %sign3A_820 = arith.cmpi slt, %jit3A_807, %sign3A_819 : i32
      %sign3A_821 = arith.extui %sign3A_820 : i1 to i32
      %sign3A_822 = arith.subi %sign3A_818, %sign3A_821 : i32
      %ne3A_823 = arith.cmpi ne, %sign3A_815, %sign3A_822 : i32
      %rem3A_824 = arith.remsi %add3A_806, %jit3A_807 : i32
      %ne3A_825 = arith.constant 0 : i32
      %ne3A_826 = arith.cmpi ne, %rem3A_824, %ne3A_825 : i32
      %and3A_827 = arith.andi %ne3A_823, %ne3A_826 : i1
      %sub3A_828 = arith.constant 1 : i32
      %sub3A_829 = arith.subi %div3A_808, %sub3A_828 : i32
      %select_n3A_830 = arith.select %and3A_827, %sub3A_829, %div3A_808 : i32
      %rem3A_831 = arith.constant 8 : i32
      %rem3A_832 = arith.remsi %add3A_806, %rem3A_831 : i32
      %ge3A_833 = arith.constant 2 : i32
      %ge3A_834 = arith.cmpi sge, %add3A_805, %ge3A_833 : i32
      %convert_element_type3A_835 = arith.extui %ge3A_834 : i1 to i32
      %cond3A_836 = arith.constant 0 : i32
      %cond3A_837 = arith.cmpi ne, %convert_element_type3A_835, %cond3A_836 : i32
      scf.if %cond3A_837 {
        %dma_wait3A_941 = arith.constant 0 : i32
        %dma_wait3A_942 = arith.constant 0 : i32
        %dma_wait3A_943 = arith.constant 0 : i32
        %dma_wait3A_944 = arith.constant 0 : i32
        %dma_wait3A_945 = arith.constant 0 : i32
        %dma_wait3A_946 = tpu.memref_slice %arg10[%dma_wait3A_943, %dma_wait3A_944, %dma_wait3A_945] : memref<8x8x137xf32, #tpu.memory_space<vmem>> -> memref<8x8x128xf32, #tpu.memory_space<vmem>>
        %dma_wait3A_947 = arith.constant 0 : i32
        %dma_wait3A_948 = arith.constant 0 : i32
        %dma_wait3A_949 = arith.constant 0 : i32
        %dma_wait3A_950 = tpu.memref_slice %arg5[%dma_wait3A_941, %dma_wait3A_947, %dma_wait3A_942, %dma_wait3A_948, %dma_wait3A_949] : memref<200x8x8x8x128xf32, #tpu.memory_space<hbm>> -> memref<1x8x1x8x128xf32, #tpu.memory_space<hbm>>
        %dma_wait3A_951 = tpu.memref_squeeze %dma_wait3A_950 : memref<1x8x1x8x128xf32, #tpu.memory_space<hbm>> -> memref<8x8x128xf32, #tpu.memory_space<hbm>>
        %dma_wait3A_952 = arith.constant 0 : i32
        %dma_wait3A_953 = arith.constant 0 : i32
        %dma_wait3A_954 = arith.constant 0 : i32
        %dma_wait3A_955 = tpu.memref_slice %arg5[%dma_wait3A_941, %dma_wait3A_952, %dma_wait3A_942, %dma_wait3A_953, %dma_wait3A_954] : memref<200x8x8x8x128xf32, #tpu.memory_space<hbm>> -> memref<1x8x1x8x128xf32, #tpu.memory_space<hbm>>
        %dma_wait3A_956 = tpu.memref_squeeze %dma_wait3A_955 : memref<1x8x1x8x128xf32, #tpu.memory_space<hbm>> -> memref<8x8x128xf32, #tpu.memory_space<hbm>>
        %dma_wait3A_957 = arith.constant 0 : i32
        %dma_wait3A_958 = arith.constant 0 : i32
        %dma_wait3A_959 = arith.constant 0 : i32
        %dma_wait3A_960 = tpu.memref_slice %arg10[%dma_wait3A_957, %dma_wait3A_958, %dma_wait3A_959] : memref<8x8x137xf32, #tpu.memory_space<vmem>> -> memref<8x8x128xf32, #tpu.memory_space<vmem>>
        tpu.wait_dma2 semaphore(%arg14 : memref<!tpu.dma_semaphore, #tpu.memory_space<semaphore_mem>>) src(%dma_wait3A_960 : memref<8x8x128xf32, #tpu.memory_space<vmem>>) dst(%dma_wait3A_956 : memref<8x8x128xf32, #tpu.memory_space<hbm>>)
      } else {
      }
      %get3A_838 = arith.index_cast %select_n3A_830 : i32 to index
      %get3A_839 = arith.constant 0 : index
      %get3A_840 = tpu.vector_load %arg7[%get3A_838, %get3A_839] {strides = array<i32>} : memref<200x64xf32, #tpu.memory_space<vmem>>, vector<16xf32>,
      %get3A_841 = arith.index_cast %select_n3A_830 : i32 to index
      %get3A_842 = arith.constant 16 : index
      %get3A_843 = tpu.vector_load %arg7[%get3A_841, %get3A_842] {strides = array<i32>} : memref<200x64xf32, #tpu.memory_space<vmem>>, vector<16xf32>,
      %get3A_844 = arith.index_cast %select_n3A_830 : i32 to index
      %get3A_845 = arith.constant 32 : index
      %get3A_846 = tpu.vector_load %arg7[%get3A_844, %get3A_845] {strides = array<i32>} : memref<200x64xf32, #tpu.memory_space<vmem>>, vector<16xf32>,
      %get3A_847 = arith.index_cast %select_n3A_830 : i32 to index
      %get3A_848 = arith.constant 48 : index
      %get3A_849 = tpu.vector_load %arg7[%get3A_847, %get3A_848] {strides = array<i32>} : memref<200x64xf32, #tpu.memory_space<vmem>>, vector<16xf32>,
      %parallel_loop3A_850 = arith.constant 0 : i32
      %parallel_loop3A_851 = arith.constant 128 : i32
      %parallel_loop3A_852 = arith.constant 1 : i32
      scf.for %parallel_loop3A_941 = %parallel_loop3A_850 to %parallel_loop3A_851 step %parallel_loop3A_852  : i32 {
        %parallel_loop3A_942 = vector.broadcast %parallel_loop3A_941 : i32 to vector<16xi32>
        %parallel_loop3A_943 = arith.constant 384 : i32
        %parallel_loop3A_944 = arith.addi %parallel_loop3A_943, %parallel_loop3A_941 : i32
        %parallel_loop3A_945 = arith.index_cast %parallel_loop3A_944 : i32 to index
        %parallel_loop3A_946 = arith.constant 0 : index
        %parallel_loop3A_947 = tpu.vector_load %arg9[%parallel_loop3A_945, %parallel_loop3A_946] {strides = array<i32>} : memref<640x64xf32, #tpu.memory_space<vmem>>, vector<16xf32>,
        %parallel_loop3A_948 = arith.addf %parallel_loop3A_947, %get3A_840 : vector<16xf32>
        tpu.vector_store_idx %arg10[%select_n3A, %rem3A_138, %parallel_loop3A_942], %parallel_loop3A_948 : memref<8x8x137xf32, #tpu.memory_space<vmem>>[vector<16xi32>, vector<16xi32>, vector<16xi32>], vector<16xf32>,
        %parallel_loop3A_949 = arith.constant 384 : i32
        %parallel_loop3A_950 = arith.addi %parallel_loop3A_949, %parallel_loop3A_941 : i32
        %parallel_loop3A_951 = arith.index_cast %parallel_loop3A_950 : i32 to index
        %parallel_loop3A_952 = arith.constant 16 : index
        %parallel_loop3A_953 = tpu.vector_load %arg9[%parallel_loop3A_951, %parallel_loop3A_952] {strides = array<i32>} : memref<640x64xf32, #tpu.memory_space<vmem>>, vector<16xf32>,
        %parallel_loop3A_954 = arith.addf %parallel_loop3A_953, %get3A_843 : vector<16xf32>
        tpu.vector_store_idx %arg10[%select_n3A_64, %rem3A_144, %parallel_loop3A_942], %parallel_loop3A_954 : memref<8x8x137xf32, #tpu.memory_space<vmem>>[vector<16xi32>, vector<16xi32>, vector<16xi32>], vector<16xf32>,
        %parallel_loop3A_955 = arith.constant 384 : i32
        %parallel_loop3A_956 = arith.addi %parallel_loop3A_955, %parallel_loop3A_941 : i32
        %parallel_loop3A_957 = arith.index_cast %parallel_loop3A_956 : i32 to index
        %parallel_loop3A_958 = arith.constant 32 : index
        %parallel_loop3A_959 = tpu.vector_load %arg9[%parallel_loop3A_957, %parallel_loop3A_958] {strides = array<i32>} : memref<640x64xf32, #tpu.memory_space<vmem>>, vector<16xf32>,
        %parallel_loop3A_960 = arith.addf %parallel_loop3A_959, %get3A_846 : vector<16xf32>
        tpu.vector_store_idx %arg10[%select_n3A_98, %rem3A_150, %parallel_loop3A_942], %parallel_loop3A_960 : memref<8x8x137xf32, #tpu.memory_space<vmem>>[vector<16xi32>, vector<16xi32>, vector<16xi32>], vector<16xf32>,
        %parallel_loop3A_961 = arith.constant 384 : i32
        %parallel_loop3A_962 = arith.addi %parallel_loop3A_961, %parallel_loop3A_941 : i32
        %parallel_loop3A_963 = arith.index_cast %parallel_loop3A_962 : i32 to index
        %parallel_loop3A_964 = arith.constant 48 : index
        %parallel_loop3A_965 = tpu.vector_load %arg9[%parallel_loop3A_963, %parallel_loop3A_964] {strides = array<i32>} : memref<640x64xf32, #tpu.memory_space<vmem>>, vector<16xf32>,
        %parallel_loop3A_966 = arith.addf %parallel_loop3A_965, %get3A_849 : vector<16xf32>
        tpu.vector_store_idx %arg10[%select_n3A_132, %rem3A_156, %parallel_loop3A_942], %parallel_loop3A_966 : memref<8x8x137xf32, #tpu.memory_space<vmem>>[vector<16xi32>, vector<16xi32>, vector<16xi32>], vector<16xf32>,
      } {sc.loop_unroll_factor = 8 : i64, sc.parallel_access}
      %dma_start3A_853 = arith.constant 0 : i32
      %dma_start3A_854 = arith.constant 0 : i32
      %dma_start3A_855 = arith.constant 0 : i32
      %dma_start3A_856 = tpu.memref_slice %arg10[%dma_start3A_853, %dma_start3A_854, %dma_start3A_855] : memref<8x8x137xf32, #tpu.memory_space<vmem>> -> memref<8x8x128xf32, #tpu.memory_space<vmem>>
      %dma_start3A_857 = arith.constant 0 : i32
      %dma_start3A_858 = arith.constant 0 : i32
      %dma_start3A_859 = arith.constant 0 : i32
      %dma_start3A_860 = tpu.memref_slice %arg5[%select_n3A_830, %dma_start3A_857, %rem3A_832, %dma_start3A_858, %dma_start3A_859] : memref<200x8x8x8x128xf32, #tpu.memory_space<hbm>> -> memref<1x8x1x8x128xf32, #tpu.memory_space<hbm>>
      %dma_start3A_861 = tpu.memref_squeeze %dma_start3A_860 : memref<1x8x1x8x128xf32, #tpu.memory_space<hbm>> -> memref<8x8x128xf32, #tpu.memory_space<hbm>>
      %dma_start3A_862 = arith.constant 0 : i32
      %dma_start3A_863 = arith.constant 0 : i32
      %dma_start3A_864 = arith.constant 0 : i32
      %dma_start3A_865 = tpu.memref_slice %arg5[%select_n3A_830, %dma_start3A_862, %rem3A_832, %dma_start3A_863, %dma_start3A_864] : memref<200x8x8x8x128xf32, #tpu.memory_space<hbm>> -> memref<1x8x1x8x128xf32, #tpu.memory_space<hbm>>
      %dma_start3A_866 = tpu.memref_squeeze %dma_start3A_865 : memref<1x8x1x8x128xf32, #tpu.memory_space<hbm>> -> memref<8x8x128xf32, #tpu.memory_space<hbm>>
      %dma_start3A_867 = arith.constant 0 : i32
      %dma_start3A_868 = arith.constant 0 : i32
      %dma_start3A_869 = arith.constant 0 : i32
      %dma_start3A_870 = tpu.memref_slice %arg10[%dma_start3A_867, %dma_start3A_868, %dma_start3A_869] : memref<8x8x137xf32, #tpu.memory_space<vmem>> -> memref<8x8x128xf32, #tpu.memory_space<vmem>>
      tpu.enqueue_dma source(%dma_start3A_870 : memref<8x8x128xf32, #tpu.memory_space<vmem>>) target(%dma_start3A_866 : memref<8x8x128xf32, #tpu.memory_space<hbm>>) target_semaphore(%arg14 : memref<!tpu.dma_semaphore, #tpu.memory_space<semaphore_mem>>)
      %mul3A_871 = arith.constant 5 : i32
      %mul3A_872 = arith.muli %add3A_579, %mul3A_871 : i32
      %add3A_873 = arith.constant 4 : i32
      %add3A_874 = arith.addi %mul3A_872, %add3A_873 : i32
      %add3A_875 = arith.addi %mul3A_2, %add3A_874 : i32
      %jit3A_876 = arith.constant 8 : i32
      %div3A_877 = arith.divsi %add3A_875, %jit3A_876 : i32
      %sign3A_878 = arith.constant 0 : i32
      %sign3A_879 = arith.cmpi sgt, %add3A_875, %sign3A_878 : i32
      %sign3A_880 = arith.extui %sign3A_879 : i1 to i32
      %sign3A_881 = arith.constant 0 : i32
      %sign3A_882 = arith.cmpi slt, %add3A_875, %sign3A_881 : i32
      %sign3A_883 = arith.extui %sign3A_882 : i1 to i32
      %sign3A_884 = arith.subi %sign3A_880, %sign3A_883 : i32
      %sign3A_885 = arith.constant 0 : i32
      %sign3A_886 = arith.cmpi sgt, %jit3A_876, %sign3A_885 : i32
      %sign3A_887 = arith.extui %sign3A_886 : i1 to i32
      %sign3A_888 = arith.constant 0 : i32
      %sign3A_889 = arith.cmpi slt, %jit3A_876, %sign3A_888 : i32
      %sign3A_890 = arith.extui %sign3A_889 : i1 to i32
      %sign3A_891 = arith.subi %sign3A_887, %sign3A_890 : i32
      %ne3A_892 = arith.cmpi ne, %sign3A_884, %sign3A_891 : i32
      %rem3A_893 = arith.remsi %add3A_875, %jit3A_876 : i32
      %ne3A_894 = arith.constant 0 : i32
      %ne3A_895 = arith.cmpi ne, %rem3A_893, %ne3A_894 : i32
      %and3A_896 = arith.andi %ne3A_892, %ne3A_895 : i1
      %sub3A_897 = arith.constant 1 : i32
      %sub3A_898 = arith.subi %div3A_877, %sub3A_897 : i32
      %select_n3A_899 = arith.select %and3A_896, %sub3A_898, %div3A_877 : i32
      %rem3A_900 = arith.constant 8 : i32
      %rem3A_901 = arith.remsi %add3A_875, %rem3A_900 : i32
      %ge3A_902 = arith.constant 2 : i32
      %ge3A_903 = arith.cmpi sge, %add3A_874, %ge3A_902 : i32
      %convert_element_type3A_904 = arith.extui %ge3A_903 : i1 to i32
      %cond3A_905 = arith.constant 0 : i32
      %cond3A_906 = arith.cmpi ne, %convert_element_type3A_904, %cond3A_905 : i32
      scf.if %cond3A_906 {
        %dma_wait3A_941 = arith.constant 0 : i32
        %dma_wait3A_942 = arith.constant 0 : i32
        %dma_wait3A_943 = arith.constant 0 : i32
        %dma_wait3A_944 = arith.constant 0 : i32
        %dma_wait3A_945 = arith.constant 0 : i32
        %dma_wait3A_946 = tpu.memref_slice %arg11[%dma_wait3A_943, %dma_wait3A_944, %dma_wait3A_945] : memref<8x8x137xf32, #tpu.memory_space<vmem>> -> memref<8x8x128xf32, #tpu.memory_space<vmem>>
        %dma_wait3A_947 = arith.constant 0 : i32
        %dma_wait3A_948 = arith.constant 0 : i32
        %dma_wait3A_949 = arith.constant 0 : i32
        %dma_wait3A_950 = tpu.memref_slice %arg5[%dma_wait3A_941, %dma_wait3A_947, %dma_wait3A_942, %dma_wait3A_948, %dma_wait3A_949] : memref<200x8x8x8x128xf32, #tpu.memory_space<hbm>> -> memref<1x8x1x8x128xf32, #tpu.memory_space<hbm>>
        %dma_wait3A_951 = tpu.memref_squeeze %dma_wait3A_950 : memref<1x8x1x8x128xf32, #tpu.memory_space<hbm>> -> memref<8x8x128xf32, #tpu.memory_space<hbm>>
        %dma_wait3A_952 = arith.constant 0 : i32
        %dma_wait3A_953 = arith.constant 0 : i32
        %dma_wait3A_954 = arith.constant 0 : i32
        %dma_wait3A_955 = tpu.memref_slice %arg5[%dma_wait3A_941, %dma_wait3A_952, %dma_wait3A_942, %dma_wait3A_953, %dma_wait3A_954] : memref<200x8x8x8x128xf32, #tpu.memory_space<hbm>> -> memref<1x8x1x8x128xf32, #tpu.memory_space<hbm>>
        %dma_wait3A_956 = tpu.memref_squeeze %dma_wait3A_955 : memref<1x8x1x8x128xf32, #tpu.memory_space<hbm>> -> memref<8x8x128xf32, #tpu.memory_space<hbm>>
        %dma_wait3A_957 = arith.constant 0 : i32
        %dma_wait3A_958 = arith.constant 0 : i32
        %dma_wait3A_959 = arith.constant 0 : i32
        %dma_wait3A_960 = tpu.memref_slice %arg11[%dma_wait3A_957, %dma_wait3A_958, %dma_wait3A_959] : memref<8x8x137xf32, #tpu.memory_space<vmem>> -> memref<8x8x128xf32, #tpu.memory_space<vmem>>
        tpu.wait_dma2 semaphore(%arg15 : memref<!tpu.dma_semaphore, #tpu.memory_space<semaphore_mem>>) src(%dma_wait3A_960 : memref<8x8x128xf32, #tpu.memory_space<vmem>>) dst(%dma_wait3A_956 : memref<8x8x128xf32, #tpu.memory_space<hbm>>)
      } else {
      }
      %get3A_907 = arith.index_cast %select_n3A_899 : i32 to index
      %get3A_908 = arith.constant 0 : index
      %get3A_909 = tpu.vector_load %arg7[%get3A_907, %get3A_908] {strides = array<i32>} : memref<200x64xf32, #tpu.memory_space<vmem>>, vector<16xf32>,
      %get3A_910 = arith.index_cast %select_n3A_899 : i32 to index
      %get3A_911 = arith.constant 16 : index
      %get3A_912 = tpu.vector_load %arg7[%get3A_910, %get3A_911] {strides = array<i32>} : memref<200x64xf32, #tpu.memory_space<vmem>>, vector<16xf32>,
      %get3A_913 = arith.index_cast %select_n3A_899 : i32 to index
      %get3A_914 = arith.constant 32 : index
      %get3A_915 = tpu.vector_load %arg7[%get3A_913, %get3A_914] {strides = array<i32>} : memref<200x64xf32, #tpu.memory_space<vmem>>, vector<16xf32>,
      %get3A_916 = arith.index_cast %select_n3A_899 : i32 to index
      %get3A_917 = arith.constant 48 : index
      %get3A_918 = tpu.vector_load %arg7[%get3A_916, %get3A_917] {strides = array<i32>} : memref<200x64xf32, #tpu.memory_space<vmem>>, vector<16xf32>,
      %parallel_loop3A_919 = arith.constant 0 : i32
      %parallel_loop3A_920 = arith.constant 128 : i32
      %parallel_loop3A_921 = arith.constant 1 : i32
      scf.for %parallel_loop3A_941 = %parallel_loop3A_919 to %parallel_loop3A_920 step %parallel_loop3A_921  : i32 {
        %parallel_loop3A_942 = vector.broadcast %parallel_loop3A_941 : i32 to vector<16xi32>
        %parallel_loop3A_943 = arith.constant 512 : i32
        %parallel_loop3A_944 = arith.addi %parallel_loop3A_943, %parallel_loop3A_941 : i32
        %parallel_loop3A_945 = arith.index_cast %parallel_loop3A_944 : i32 to index
        %parallel_loop3A_946 = arith.constant 0 : index
        %parallel_loop3A_947 = tpu.vector_load %arg9[%parallel_loop3A_945, %parallel_loop3A_946] {strides = array<i32>} : memref<640x64xf32, #tpu.memory_space<vmem>>, vector<16xf32>,
        %parallel_loop3A_948 = arith.addf %parallel_loop3A_947, %get3A_909 : vector<16xf32>
        tpu.vector_store_idx %arg11[%select_n3A, %rem3A_138, %parallel_loop3A_942], %parallel_loop3A_948 : memref<8x8x137xf32, #tpu.memory_space<vmem>>[vector<16xi32>, vector<16xi32>, vector<16xi32>], vector<16xf32>,
        %parallel_loop3A_949 = arith.constant 512 : i32
        %parallel_loop3A_950 = arith.addi %parallel_loop3A_949, %parallel_loop3A_941 : i32
        %parallel_loop3A_951 = arith.index_cast %parallel_loop3A_950 : i32 to index
        %parallel_loop3A_952 = arith.constant 16 : index
        %parallel_loop3A_953 = tpu.vector_load %arg9[%parallel_loop3A_951, %parallel_loop3A_952] {strides = array<i32>} : memref<640x64xf32, #tpu.memory_space<vmem>>, vector<16xf32>,
        %parallel_loop3A_954 = arith.addf %parallel_loop3A_953, %get3A_912 : vector<16xf32>
        tpu.vector_store_idx %arg11[%select_n3A_64, %rem3A_144, %parallel_loop3A_942], %parallel_loop3A_954 : memref<8x8x137xf32, #tpu.memory_space<vmem>>[vector<16xi32>, vector<16xi32>, vector<16xi32>], vector<16xf32>,
        %parallel_loop3A_955 = arith.constant 512 : i32
        %parallel_loop3A_956 = arith.addi %parallel_loop3A_955, %parallel_loop3A_941 : i32
        %parallel_loop3A_957 = arith.index_cast %parallel_loop3A_956 : i32 to index
        %parallel_loop3A_958 = arith.constant 32 : index
        %parallel_loop3A_959 = tpu.vector_load %arg9[%parallel_loop3A_957, %parallel_loop3A_958] {strides = array<i32>} : memref<640x64xf32, #tpu.memory_space<vmem>>, vector<16xf32>,
        %parallel_loop3A_960 = arith.addf %parallel_loop3A_959, %get3A_915 : vector<16xf32>
        tpu.vector_store_idx %arg11[%select_n3A_98, %rem3A_150, %parallel_loop3A_942], %parallel_loop3A_960 : memref<8x8x137xf32, #tpu.memory_space<vmem>>[vector<16xi32>, vector<16xi32>, vector<16xi32>], vector<16xf32>,
        %parallel_loop3A_961 = arith.constant 512 : i32
        %parallel_loop3A_962 = arith.addi %parallel_loop3A_961, %parallel_loop3A_941 : i32
        %parallel_loop3A_963 = arith.index_cast %parallel_loop3A_962 : i32 to index
        %parallel_loop3A_964 = arith.constant 48 : index
        %parallel_loop3A_965 = tpu.vector_load %arg9[%parallel_loop3A_963, %parallel_loop3A_964] {strides = array<i32>} : memref<640x64xf32, #tpu.memory_space<vmem>>, vector<16xf32>,
        %parallel_loop3A_966 = arith.addf %parallel_loop3A_965, %get3A_918 : vector<16xf32>
        tpu.vector_store_idx %arg11[%select_n3A_132, %rem3A_156, %parallel_loop3A_942], %parallel_loop3A_966 : memref<8x8x137xf32, #tpu.memory_space<vmem>>[vector<16xi32>, vector<16xi32>, vector<16xi32>], vector<16xf32>,
      } {sc.loop_unroll_factor = 8 : i64, sc.parallel_access}
      %dma_start3A_922 = arith.constant 0 : i32
      %dma_start3A_923 = arith.constant 0 : i32
      %dma_start3A_924 = arith.constant 0 : i32
      %dma_start3A_925 = tpu.memref_slice %arg11[%dma_start3A_922, %dma_start3A_923, %dma_start3A_924] : memref<8x8x137xf32, #tpu.memory_space<vmem>> -> memref<8x8x128xf32, #tpu.memory_space<vmem>>
      %dma_start3A_926 = arith.constant 0 : i32
      %dma_start3A_927 = arith.constant 0 : i32
      %dma_start3A_928 = arith.constant 0 : i32
      %dma_start3A_929 = tpu.memref_slice %arg5[%select_n3A_899, %dma_start3A_926, %rem3A_901, %dma_start3A_927, %dma_start3A_928] : memref<200x8x8x8x128xf32, #tpu.memory_space<hbm>> -> memref<1x8x1x8x128xf32, #tpu.memory_space<hbm>>
      %dma_start3A_930 = tpu.memref_squeeze %dma_start3A_929 : memref<1x8x1x8x128xf32, #tpu.memory_space<hbm>> -> memref<8x8x128xf32, #tpu.memory_space<hbm>>
      %dma_start3A_931 = arith.constant 0 : i32
      %dma_start3A_932 = arith.constant 0 : i32
      %dma_start3A_933 = arith.constant 0 : i32
      %dma_start3A_934 = tpu.memref_slice %arg5[%select_n3A_899, %dma_start3A_931, %rem3A_901, %dma_start3A_932, %dma_start3A_933] : memref<200x8x8x8x128xf32, #tpu.memory_space<hbm>> -> memref<1x8x1x8x128xf32, #tpu.memory_space<hbm>>
      %dma_start3A_935 = tpu.memref_squeeze %dma_start3A_934 : memref<1x8x1x8x128xf32, #tpu.memory_space<hbm>> -> memref<8x8x128xf32, #tpu.memory_space<hbm>>
      %dma_start3A_936 = arith.constant 0 : i32
      %dma_start3A_937 = arith.constant 0 : i32
      %dma_start3A_938 = arith.constant 0 : i32
      %dma_start3A_939 = tpu.memref_slice %arg11[%dma_start3A_936, %dma_start3A_937, %dma_start3A_938] : memref<8x8x137xf32, #tpu.memory_space<vmem>> -> memref<8x8x128xf32, #tpu.memory_space<vmem>>
      tpu.enqueue_dma source(%dma_start3A_939 : memref<8x8x128xf32, #tpu.memory_space<vmem>>) target(%dma_start3A_935 : memref<8x8x128xf32, #tpu.memory_space<hbm>>) target_semaphore(%arg15 : memref<!tpu.dma_semaphore, #tpu.memory_space<semaphore_mem>>)
      %scan3A_940 = arith.constant 0 : i32
      scf.yield %scan3A_940 : i32
    }
    %scan3A_170 = arith.constant 5 : i32
    %dma_wait3A = arith.constant 0 : i32
    %dma_wait3A_171 = tpu.memref_slice %arg6[%dma_wait3A] : memref<6400xi32, #tpu.memory_space<vmem>> -> memref<640xi32, #tpu.memory_space<vmem>>
    %dma_wait3A_172 = arith.constant 0 : i32
    %dma_wait3A_173 = arith.constant 0 : i32
    %dma_wait3A_174 = tpu.memref_slice %arg3[%dma_wait3A_172, %dma_wait3A_173] : memref<100000x64xf32, #tpu.memory_space<hbm>> -> memref<100000x64xf32, #tpu.memory_space<hbm>>
    tpu.wait_indirect_dma semaphore(%arg12 : memref<!tpu.dma_semaphore, #tpu.memory_space<semaphore_mem>>) src(%dma_wait3A_174 : memref<100000x64xf32, #tpu.memory_space<hbm>>) dst(%arg8 : memref<640x64xf32, #tpu.memory_space<vmem>>)
    %dma_wait3A_175 = arith.constant 0 : i32
    %dma_wait3A_176 = arith.constant 0 : i32
    %dma_wait3A_177 = arith.constant 0 : i32
    %dma_wait3A_178 = arith.constant 0 : i32
    %dma_wait3A_179 = arith.constant 0 : i32
    %dma_wait3A_180 = tpu.memref_slice %arg10[%dma_wait3A_177, %dma_wait3A_178, %dma_wait3A_179] : memref<8x8x137xf32, #tpu.memory_space<vmem>> -> memref<8x8x128xf32, #tpu.memory_space<vmem>>
    %dma_wait3A_181 = arith.constant 0 : i32
    %dma_wait3A_182 = arith.constant 0 : i32
    %dma_wait3A_183 = arith.constant 0 : i32
    %dma_wait3A_184 = tpu.memref_slice %arg5[%dma_wait3A_175, %dma_wait3A_181, %dma_wait3A_176, %dma_wait3A_182, %dma_wait3A_183] : memref<200x8x8x8x128xf32, #tpu.memory_space<hbm>> -> memref<1x8x1x8x128xf32, #tpu.memory_space<hbm>>
    %dma_wait3A_185 = tpu.memref_squeeze %dma_wait3A_184 : memref<1x8x1x8x128xf32, #tpu.memory_space<hbm>> -> memref<8x8x128xf32, #tpu.memory_space<hbm>>
    %dma_wait3A_186 = arith.constant 0 : i32
    %dma_wait3A_187 = arith.constant 0 : i32
    %dma_wait3A_188 = arith.constant 0 : i32
    %dma_wait3A_189 = tpu.memref_slice %arg5[%dma_wait3A_175, %dma_wait3A_186, %dma_wait3A_176, %dma_wait3A_187, %dma_wait3A_188] : memref<200x8x8x8x128xf32, #tpu.memory_space<hbm>> -> memref<1x8x1x8x128xf32, #tpu.memory_space<hbm>>
    %dma_wait3A_190 = tpu.memref_squeeze %dma_wait3A_189 : memref<1x8x1x8x128xf32, #tpu.memory_space<hbm>> -> memref<8x8x128xf32, #tpu.memory_space<hbm>>
    %dma_wait3A_191 = arith.constant 0 : i32
    %dma_wait3A_192 = arith.constant 0 : i32
    %dma_wait3A_193 = arith.constant 0 : i32
    %dma_wait3A_194 = tpu.memref_slice %arg10[%dma_wait3A_191, %dma_wait3A_192, %dma_wait3A_193] : memref<8x8x137xf32, #tpu.memory_space<vmem>> -> memref<8x8x128xf32, #tpu.memory_space<vmem>>
    tpu.wait_dma2 semaphore(%arg14 : memref<!tpu.dma_semaphore, #tpu.memory_space<semaphore_mem>>) src(%dma_wait3A_194 : memref<8x8x128xf32, #tpu.memory_space<vmem>>) dst(%dma_wait3A_190 : memref<8x8x128xf32, #tpu.memory_space<hbm>>)
    %dma_wait3A_195 = arith.constant 0 : i32
    %dma_wait3A_196 = arith.constant 0 : i32
    %dma_wait3A_197 = arith.constant 0 : i32
    %dma_wait3A_198 = arith.constant 0 : i32
    %dma_wait3A_199 = arith.constant 0 : i32
    %dma_wait3A_200 = tpu.memref_slice %arg11[%dma_wait3A_197, %dma_wait3A_198, %dma_wait3A_199] : memref<8x8x137xf32, #tpu.memory_space<vmem>> -> memref<8x8x128xf32, #tpu.memory_space<vmem>>
    %dma_wait3A_201 = arith.constant 0 : i32
    %dma_wait3A_202 = arith.constant 0 : i32
    %dma_wait3A_203 = arith.constant 0 : i32
    %dma_wait3A_204 = tpu.memref_slice %arg5[%dma_wait3A_195, %dma_wait3A_201, %dma_wait3A_196, %dma_wait3A_202, %dma_wait3A_203] : memref<200x8x8x8x128xf32, #tpu.memory_space<hbm>> -> memref<1x8x1x8x128xf32, #tpu.memory_space<hbm>>
    %dma_wait3A_205 = tpu.memref_squeeze %dma_wait3A_204 : memref<1x8x1x8x128xf32, #tpu.memory_space<hbm>> -> memref<8x8x128xf32, #tpu.memory_space<hbm>>
    %dma_wait3A_206 = arith.constant 0 : i32
    %dma_wait3A_207 = arith.constant 0 : i32
    %dma_wait3A_208 = arith.constant 0 : i32
    %dma_wait3A_209 = tpu.memref_slice %arg5[%dma_wait3A_195, %dma_wait3A_206, %dma_wait3A_196, %dma_wait3A_207, %dma_wait3A_208] : memref<200x8x8x8x128xf32, #tpu.memory_space<hbm>> -> memref<1x8x1x8x128xf32, #tpu.memory_space<hbm>>
    %dma_wait3A_210 = tpu.memref_squeeze %dma_wait3A_209 : memref<1x8x1x8x128xf32, #tpu.memory_space<hbm>> -> memref<8x8x128xf32, #tpu.memory_space<hbm>>
    %dma_wait3A_211 = arith.constant 0 : i32
    %dma_wait3A_212 = arith.constant 0 : i32
    %dma_wait3A_213 = arith.constant 0 : i32
    %dma_wait3A_214 = tpu.memref_slice %arg11[%dma_wait3A_211, %dma_wait3A_212, %dma_wait3A_213] : memref<8x8x137xf32, #tpu.memory_space<vmem>> -> memref<8x8x128xf32, #tpu.memory_space<vmem>>
    tpu.wait_dma2 semaphore(%arg15 : memref<!tpu.dma_semaphore, #tpu.memory_space<semaphore_mem>>) src(%dma_wait3A_214 : memref<8x8x128xf32, #tpu.memory_space<vmem>>) dst(%dma_wait3A_210 : memref<8x8x128xf32, #tpu.memory_space<hbm>>)
    return
  }
}

</mosaic_0001>

<sc_bundles>
// kernel: kernel.3.cloned.1.call-start
scs
__scs_entry_jumppad:
0x0: {  	(pc) =	sbr.rel $0x88, $3  }
0x1: {  	(tag) =	ssettag $0x0;
	lr =	simm.s32 $0x1  }
0x2: {  	[smem:$0x3F9E] =	sst lr;
	_ =	strace $0xD0000000  }
0x3: {  	_ = 	snop  }
0x4: {  	_ = 	snop  }
0x5: {  	_ = 	snop  }
0x6: {  	_ = 	snop  }
0x7: {  	_ = 	snop  }
__scs_overlays_trampoline_lowered:
0x8: {  	[smem:$0x3FAD] =	sst s0  }
0x9: {  	[smem:$0x3FAE] =	sst s1  }
0xa: {  	[smem:$0x3FAF] =	sst s2  }
0xb: {  	[smem:$0x3FB0] =	sst s3  }
0xc: {  	[smem:$0x3FB1] =	sst s4  }
0xd: {  	[smem:$0x3FB2] =	sst s5  }
0xe: {  	[smem:$0x3FB3] =	sst s6  }
0xf: {  	[smem:$0x3FB4] =	sst s7  }
0x10: {  	[smem:$0x3FB5] =	sst s8  }
0x11: {  	[smem:$0x3FB6] =	sst s9;
	s0 =	simm.s32 @!p0 $0x0  }
0x12: {  	s1 =	sld [smem:$0x3F9C];
	s0 =	simm.s32 @p0 $0x1  }
0x13: {  	[smem:$0x3FB7] =	sst s0;
	s0 =	simm.s32 @!p1 $0x0  }
0x14: {  	s2 =	sld [smem:$0x3F9B];
	s0 =	simm.s32 @p1 $0x1  }
0x15: {  	[smem:$0x3FB8] =	sst s0;
	s0 =	simm.s32 @!p2 $0x0  }
0x16: {  	s3 =	sld [smem:$0x3FDB];
	s0 =	simm.s32 @p2 $0x1  }
0x17: {  	s4 =	simm.s32 $0x1BF5;
	[smem:$0x3FBA] =	sst s0  }
0x18: {  	s0 =	sld [smem:$0x3F9D];
	_ =	swait.ge [sflag:s4], $0x0  }
0x19: {  	s7 =	sld [smem:$0x3F9E]  }
0x1a: {  	s8 =	sadd.s32 $0xFFFFE003, lr  }
0x1b: {  	s9 =	sadd.s32 $0xFFFFFEF7, lr;
	s5 =	simm.s32 $0xFFFFFFFF;
	p2 =	slt.u32 s8, $0xFFFFF086  }
0x1c: {  	p1 =	slt.u32 s9, $0xF7A;
	s5 =	simm.s32 @!p2 $0x0  }
0x1d: {  	s5 =	simm.s32 @p1 $0x1;
	p0 =	seq.s32 s7, s2  }
0x1e: {  	s7 =	smul.u32 @!p0 $0xF7A, s2;
	p2 =	seq.s32 @!p0 s5, $0x0  }
0x1f: {  	s9 =	smul.u32 $0xF7A, s1;
	s8 =	simm.s32 @!p0 $0x1BF5;
	p2 =	por !p2, p0  }
0x20: {  	[sflag:s8] =	ssyncset.s32 @!p0 $0xFFFFF086;
	s6 =	sadd.s32 @!p0 s3, s7;
	s7 =	simm.s32 @!p0 $0x108  }
0x21: {  	s3 =	sadd.s32 s3, s9;
	s6 =	sadd.s32 @!p0 $0x88, s6;
	s7 =	simm.s32 @p2 $0x1082  }
0x22: {  	[simem:s7], [sflag:s8] =	dma.local @!p0 [hbm:s6], $0xF7A  }
0x23: {  	s9 =	sor.u32 $0xD0000000, s2;
	s6 =	simm.s32 $0x108;
	_ =	swait.ge @!p0 [sflag:s8], $0x0  }
0x24: {  	s3 =	sadd.s32 $0x88, s3;
	s6 =	simm.s32 @!p1 $0x1082;
	[sflag:s4] =	ssyncset.s32 $0xFFFFF086  }
0x25: {  	[simem:s6], [sflag:s4] =	dma.local [hbm:s3], $0xF7A  }
0x26: {  	[smem:$0x3F9E] =	sst s1;
	(tag) =	ssettag s2;
	_ =	strace s9  }
0x27: {  	s1 =	sld [smem:$0x3FAE]  }
0x28: {  	s2 =	sld [smem:$0x3FAF]  }
0x29: {  	s4 =	sld [smem:$0x3FB1]  }
0x2a: {  	p0 =	seq.s32 s5, $0x0;
	s5 =	sld [smem:$0x3FB2]  }
0x2b: {  	s6 =	sld [smem:$0x3FB3]  }
0x2c: {  	s7 =	sld [smem:$0x3FB4]  }
0x2d: {  	s3 =	simm.s32 $0x108;
	s8 =	sld [smem:$0x3FB5]  }
0x2e: {  	s3 =	simm.s32 @!p0 $0x1082;
	s9 =	sld [smem:$0x3FB6]  }
0x2f: {  	lr =	sadd.s32 s0, s3;
	s0 =	sld [smem:$0x3FAD]  }
0x30: {  	s3 =	sld [smem:$0x3FB0]  }
0x31: {  	[smem:$0x3FB9] =	sst s10  }
0x32: {  	s10 =	sld [smem:$0x3FB7];
	_ =	sdelay $0x3  }
0x33: {  	p0 =	seq.s32 s10, $0x1;
	s10 =	sld [smem:$0x3FB9];
	_ =	sdelay $0x3  }
0x34: {  	[smem:$0x3FB9] =	sst s10  }
0x35: {  	s10 =	sld [smem:$0x3FB8];
	_ =	sdelay $0x3  }
0x36: {  	p1 =	seq.s32 s10, $0x1;
	s10 =	sld [smem:$0x3FB9];
	_ =	sdelay $0x3  }
0x37: {  	[smem:$0x3FB9] =	sst s10  }
0x38: {  	s10 =	sld [smem:$0x3FBA]  }
0x39: {  	_ = 	snop;
	(pc) =	sbr.ind lr, $3  }
0x3a: {  	_ = 	snop  }
0x3b: {  	_ = 	snop  }
0x3c: {  	p2 =	seq.s32 s10, $0x1;
	s10 =	sld [smem:$0x3FB9]  }
0x3d: {  	_ =	shalt  }
0x3e: {  	_ =	shalt  }
0x3f: {  	_ =	shalt  }
0x40: {  	_ =	shalt  }
0x41: {  	_ =	shalt  }
0x42: {  	_ =	shalt  }
0x43: {  	_ =	shalt  }
0x44: {  	_ =	shalt  }
0x45: {  	_ =	shalt  }
0x46: {  	_ =	shalt  }
0x47: {  	_ =	shalt  }
0x48: {  	_ =	shalt  }
0x49: {  	_ =	shalt  }
0x4a: {  	_ =	shalt  }
0x4b: {  	_ =	shalt  }
0x4c: {  	_ =	shalt  }
0x4d: {  	_ =	shalt  }
0x4e: {  	_ =	shalt  }
0x4f: {  	_ =	shalt  }
0x50: {  	_ =	shalt  }
0x51: {  	_ =	shalt  }
0x52: {  	_ =	shalt  }
0x53: {  	_ =	shalt  }
0x54: {  	_ =	shalt  }
0x55: {  	_ =	shalt  }
0x56: {  	_ =	shalt  }
0x57: {  	_ =	shalt  }
0x58: {  	_ =	shalt  }
0x59: {  	_ =	shalt  }
0x5a: {  	_ =	shalt  }
0x5b: {  	_ =	shalt  }
0x5c: {  	_ =	shalt  }
0x5d: {  	_ =	shalt  }
0x5e: {  	_ =	shalt  }
0x5f: {  	_ =	shalt  }
0x60: {  	_ =	shalt  }
0x61: {  	_ =	shalt  }
0x62: {  	_ =	shalt  }
0x63: {  	_ =	shalt  }
0x64: {  	_ =	shalt  }
0x65: {  	_ =	shalt  }
0x66: {  	_ =	shalt  }
0x67: {  	_ =	shalt  }
0x68: {  	_ =	shalt  }
0x69: {  	_ =	shalt  }
0x6a: {  	_ =	shalt  }
0x6b: {  	_ =	shalt  }
0x6c: {  	_ =	shalt  }
0x6d: {  	_ =	shalt  }
0x6e: {  	_ =	shalt  }
0x6f: {  	_ =	shalt  }
0x70: {  	_ =	shalt  }
0x71: {  	_ =	shalt  }
0x72: {  	_ =	shalt  }
0x73: {  	_ =	shalt  }
0x74: {  	_ =	shalt  }
0x75: {  	_ =	shalt  }
0x76: {  	_ =	shalt  }
0x77: {  	_ =	shalt  }
0x78: {  	_ =	shalt  }
0x79: {  	_ =	shalt  }
0x7a: {  	_ =	shalt  }
0x7b: {  	_ =	shalt  }
0x7c: {  	_ =	shalt  }
0x7d: {  	_ =	shalt  }
0x7e: {  	_ =	shalt  }
0x7f: {  	_ =	shalt  }
0x80: {  	_ =	shalt  }
0x81: {  	_ =	shalt  }
0x82: {  	_ =	shalt  }
0x83: {  	_ =	shalt  }
0x84: {  	_ =	shalt  }
0x85: {  	_ =	shalt  }
0x86: {  	_ =	shalt  }
0x87: {  	_ =	shalt  }
.Lfunc_end0:
.L_simem_size_0:
called_computation_lowered:
.L_overlay_start_0:
0x88: {  	s2 =	sld [smem:$0x3FD9]  }
0x89: {  	s3 =	sld [smem:$0x3FFE];
	_ =	sdelay $0x1  }
0x8a: {  	s1 =	srdreg.scid  }
0x8b: {  	s0 =	sand.u32 $0x1, s1  }
0x8c: {  	s17 =	sshll.u32 s0, $0xA;
	s2 =	sadd.s32 s3, s2  }
0x8d: {  	s2 =	sadd.s32 s2, s17  }
0x8e: {  	[smem:$0x3FC5] =	sst s2  }
0x8f: {  	_ = 	snop  }
0x90: {  	s2 =	sld [smem:$0x3FD0];
	(tm) =	ssettm $0x1  }
0x91: {  	s18 =	sld [smem:$0x3FFB];
	_ =	sdelay $0x3  }
0x92: {  	_ =	strace s18  }
0x93: {  	s3 =	sld [smem:$0x3FFC];
	_ =	sdelay $0x3  }
0x94: {  	_ =	strace s3  }
0x95: {  	s3 =	sld [smem:$0x3FFD];
	_ =	sdelay $0x3  }
0x96: {  	_ =	strace s3  }
0x97: {  	_ =	strace $0x8FFFFFFF  }
0x98: {  	s19 =	sld [smem:$0x3FDB];
	_ =	sdelay $0x1  }
0x99: {  	s4 =	simm.s32 $_scs_section_size  }
0x9a: {  	s5 =	simm.s32 $_size__tile_overlayer_lowered;
	s6 =	simm.s32 $_tile_overlayer_lowered  }
0x9b: {  	s22 =	simm.s32 $0x1BFF;
	s21 =	sshll.u32 s6, $0x1;
	s3 =	sadd.s32 s4, s19  }
0x9c: {  	s7 =	simm.s32 $0x0;
	s20 =	sshll.u32 s5, $0x1;
	s5 =	sadd.s32 s21, s3  }
0x9d: {  	[timem:s7], [sflag:s22] =	dma.local [hbm:s5], s20  }
0x9e: {  	_ =	swait.ge [sflag:s22], s20  }
0x9f: {  	s4 =	ssub.s32 $0x0, s20;
	[sflag:s22] =	ssyncset.done $0x0  }
0xa0: {  	[sflag:s22] =	ssyncadd.s32 s4;
	_ =	sdelay $0x1  }
0xa1: {  	s23 =	simm.s32 $0x1B8B  }
0xa2: {  	_ =	swait.ge [sflag:s23], $0x1  }
0xa3: {  	[sflag:s23] =	ssyncset.done $0x0  }
0xa4: {  	s25 =	simm.s32 $0x1B8E;
	s24 =	sld [smem:$0x3FFE];
	[sflag:s23] =	ssyncadd.s32 $0xFFFFFFFF  }
0xa5: {  	s26 =	simm.s32 $execute0_lowered;
	[smem:$0x3FD2] =	sst s25  }
0xa6: {  	s5 =	sshll.u32 s26, $0x1;
	_ =	strace $0x80000046;
	[dreg:$0x1] =	wrdreg $0xFFFFFFFF  }
0xa7: {  	s28 =	simm.s32 $_size_execute0_lowered;
	s3 =	sadd.s32 s3, s5;
	[dreg:$0x0] =	wrdreg $0x0  }
0xa8: {  	s5 =	sshll.u32 s28, $0x1;
	[dreg:$0x2] =	wrdreg s3  }
0xa9: {  	[dreg:$0x3] =	wrdreg s5  }
0xaa: {  	[dreg:$0x4] =	wrdreg $0xC0  }
0xab: {  	_ =	task [dreg:s7], $0x5FFFF  }
0xac: {  	[dreg:$0x1] =	wrdreg $0xFFFFFFFF  }
0xad: {  	[dreg:$0x0] =	wrdreg $0x60  }
0xae: {  	[dreg:$0x2] =	wrdreg s24  }
0xaf: {  	[dreg:$0x3] =	wrdreg s2  }
0xb0: {  	[dreg:$0x4] =	wrdreg $0x9  }
0xb1: {  	_ =	task.clear_ibuf [dreg:s7], $0x5FFFF;
	_ =	strace $0x90000046  }
0xb2: {  	s29 =	simm.s32 $0x9;
	_ =	strace $0x80000048  }
0xb3: {  	_ =	swait.ge [sflag:s29], $0x1  }
0xb4: {  	[sflag:s29] =	ssyncadd.s32 $0xFFFFFFFF  }
0xb5: {  	_ =	strace $0x90000048  }
0xb6: {  	_ =	sfence  }
0xb7: {  	s30 =	sld [smem:$0x0];
	_ =	sdelay $0x2  }
0xb8: {  	s31 =	sshll.u32 s1, $0xD;
	s1 =	sshrl.u32 s1, $0x2  }
0xb9: {  	s3 =	sand.u32 $0x4000, s31;
	s1 =	sadd.s32 s1, s30  }
0xba: {  	s0 =	sor.u32 s3, s0;
	s1 =	sshll.u32 s1, $0x11  }
0xbb: {  	s0 =	sor.u32 s1, s0  }
0xbc: {  	s0 =	sadd.s32 $0x8F2B, s0  }
0xbd: {  	[sflag:s0] =	ssyncadd.remote.s32 $0x1  }
0xbe: {  	_ =	sfence.sel $0xFFFF  }
0xbf: {  	[dreg:$0x0] =	wrdreg $0xFFFFFFFF;
	(pc) =	sbr.abs _section_cstart, $3  }
0xc0: {  	[dreg:$0x1] =	wrdreg $0xFFFFFFFF  }
0xc1: {  	_ =	task.clear_ibuf [dreg:s7], $0x2FFFF;
	_ =	strace $0x9FFFFFFF  }
0xc2: {  	(tm) =	ssettm $0x7FFFFFFF  }
0xc3: {  	_ =	shalt  }
tec
execute0_lowered:
.L_overlay_start_1:
0x0: {  	(tag) =	ssettag $0x1  }
0x1: {  	v0 =	vlaneseq.u32  }
0x2: {  	v25 =	vmul.u32 $0x90, v0  }
0x3: {  	vm0 =	vcmask $0x300;
	v0 =	vimm.s32 $0x0  }
0x4: {  	s3 =	stileid.u32;
	v18 =	vsel vm0, $0x3, v0;
	v0 =	vadd.s32 $0x1200, v25  }
0x5: {  	s0 =	rddreg [dreg:$0x0];
	s4 =	sshll.u32 s3, $0x1;
	s3 =	simm.s32 $0x0;
	[tilespmem:$0x1FDF0] =	vst v0;
	v0 =	vadd.s32 $0x1B00, v25  }
0x6: {  	[smem:$0x7FF] =	sst s3;
	[tilespmem:$0x1FE00] =	vst v0;
	v0 =	vadd.s32 $0x1201, v25  }
0x7: {  	s2 =	rddreg [dreg:$0x1];
	_ =	strace $0x80000047;
	[tilespmem:$0x1FE10] =	vst v0  }
0x8: {  	v1 =	vor.u32 $0x2, v25;
	[tilespmem:$0x1FEB0] =	vst v25  }
0x9: {  	v41 =	vadd.s32 $0x902, v25;
	[tilespmem:$0x1FEC0] =	vst v1  }
0xa: {  	v29 =	vadd.s32 $0x1202, v25;
	[tilespmem:$0x1FED0] =	vst v41  }
0xb: {  	[tilespmem:$0x1FEE0] =	vst v29  }
0xc: {  	v20 =	vadd.s32 $0x1B02, v25;
	[tilespmem:$0x1FEF0] =	vst v18  }
0xd: {  	v63 =	vor.u32 $0x3, v25;
	[tilespmem:$0x1FF00] =	vst v20  }
0xe: {  	v28 =	vadd.s32 $0x903, v25;
	[tilespmem:$0x1FF10] =	vst v63  }
0xf: {  	v21 =	vadd.s32 $0x1203, v25;
	[tilespmem:$0x1FF20] =	vst v28  }
0x10: {  	v31 =	vor.u32 $0x4, v25;
	[tilespmem:$0x1FF30] =	vst v21  }
0x11: {  	v61 =	vadd.s32 $0x904, v25;
	[tilespmem:$0x1FF40] =	vst v31  }
0x12: {  	v40 =	vor.u32 $0x5, v25;
	[tilespmem:$0x1FF50] =	vst v61  }
0x13: {  	v38 =	vadd.s32 $0x905, v25;
	[tilespmem:$0x1FF60] =	vst v40  }
0x14: {  	v51 =	vadd.s32 $0x1205, v25;
	[tilespmem:$0x1FF70] =	vst v38  }
0x15: {  	v53 =	vor.u32 $0x6, v25;
	[tilespmem:$0x1FF80] =	vst v51  }
0x16: {  	v27 =	vadd.s32 $0x906, v25;
	[tilespmem:$0x1FF90] =	vst v53  }
0x17: {  	v30 =	vor.u32 $0x7, v25;
	[tilespmem:$0x1FFA0] =	vst v27  }
0x18: {  	v58 =	vadd.s32 $0x901, v25;
	[tilespmem:$0x1FFB0] =	vst v30  }
0x19: {  	v26 =	vor.u32 $0x1, v25;
	[tilespmem:$0x1FFC0] =	vst v58  }
0x1a: {  	v24 =	vadd.s32 $0x900, v25;
	[tilespmem:$0x1FFD0] =	vst v26  }
0x1b: {  	v23 =	vadd.s32 $0x1204, v25;
	[tilespmem:$0x1FFE0] =	vst v24  }
0x1c: {  	s1 =	srdreg.scid;
	s15 =	simm.s32 $0x280;
	v0 =	vadd.s32 $0x1B01, v25;
	[tilespmem:$0x1FFF0] =	vst v23  }
0x1d: {  	s16 =	simm.s32 $0x4B00;
	s17 =	simm.s32 $0x1;
	s19 =	simm.s32 $0x18B00;
	[tilespmem:$0x1FE20] =	vst v0;
	v0 =	vadd.s32 $0x1B03, v25  }
0x1e: {  	s20 =	simm.s32 $0x1AF00;
	s21 =	simm.s32 $0x3;
	s1 =	sand.u32 $0x1, s1;
	[tilespmem:$0x1FE30] =	vst v0;
	v0 =	vadd.s32 $0x1B04, v25  }
0x1f: {  	s22 =	simm.s32 $0x4;
	s4 =	sor.u32 s1, s4;
	s1 =	ssub.s32 $0x2, s1;
	[tilespmem:$0x1FE40] =	vst v0;
	v0 =	vadd.s32 $0x1B05, v25  }
0x20: {  	s23 =	simm.s32 $0x2;
	s5 =	smul.u32 $0x320, s4;
	s7 =	sshrl.u32 s1, $0x1;
	[tilespmem:$0x1FE50] =	vst v0;
	v0 =	vadd.s32 $0x1206, v25  }
0x21: {  	s4 =	smul.u32 $0x32, s4;
	s30 =	ssub.s32 s1, s7;
	s1 =	simm.s32 $0x0;
	[tilespmem:$0x1FE60] =	vst v0;
	v0 =	vadd.s32 $0x1B06, v25  }
0x22: {  	s6 =	sadd.s32 s5, s0;
	s5 =	sadd.s32 $0x7000, s0;
	s0 =	sadd.s32 $0x400, s0;
	[tilespmem:$0x1FE70] =	vst v0;
	v0 =	vadd.s32 $0x907, v25  }
0x23: {  	s8 =	sadd.s32 $0x2, s4;
	[dreg:$0x3] =	wrdreg s0;
	s31 =	sadd.s32 $0xC00, s6;
	[tilespmem:$0x1FE80] =	vst v0;
	v0 =	vadd.s32 $0x1207, v25  }
0x24: {  	s9 =	sadd.s32 $0x3, s4;
	s0 =	smax.u32 s30, $0x1;
	[dreg:$0x4] =	wrdreg s31;
	[tilespmem:$0x1FE90] =	vst v0;
	v0 =	vadd.s32 $0x1B07, v25  }
0x25: {  	s10 =	sadd.s32 $0x4, s4;
	s11 =	sor.u32 $0x1, s4;
	[dreg:$0x5] =	wrdreg s0;
	[tilespmem:$0x1FEA0] =	vst v0  }
.LBB2_1:
0x26: {  	[dreg:$0x6] =	wrdreg s1  }
0x27: {  	s0 =	rddreg [dreg:$0x4];
	s30 =	simm.s32 $0x5  }
0x28: {  	[tilespmem:s3], [sflag:$0x5] =	stream.linear.gather [hbm4b:s0+s3], $0x1900, $0x38;
	[tilespmem:$0x1D300] =	vst v63  }
0x29: {  	_ =	swait.ge [sflag:s30], $0x1900  }
0x2a: {  	[sflag:s30] =	ssyncset.done $0x0  }
0x2b: {  	s6 =	simm.s32 $0x1900;
	s31 =	rddreg [dreg:$0x3];
	[sflag:s30] =	ssyncadd.s32 $0xFFFFE700  }
0x2c: {  	[tilespmem:s6], [sflag:$0x5] =	stream.linear.gather [hbm4b:s31+s3], $0x3200, $0x38;
	[tilespmem:$0x1D300] =	vst v63  }
0x2d: {  	_ =	swait.ge [sflag:s30], $0x3200  }
0x2e: {  	[sflag:s30] =	ssyncset.done $0x0  }
0x2f: {  	s25 =	simm.s32 $0x0;
	[sflag:s30] =	ssyncadd.s32 $0xFFFFCE00  }
0x30: {  	[tilespmem:s16], [sflag:$0x1] =	stream.indirect.gather [hbm4b:s5+s15], $0x40, s3, s15, $0xb8;
	[tilespmem:$0x1D300] =	vst v63  }
.LBB2_2:
0x31: {  	s26 =	sshllo.u32 s25, $0x1  }
0x32: {  	_ =	swait.ge [sflag:s17], $0xA000;
	s0 =	smul.u32 $0xA00, s26  }
0x33: {  	s1 =	simm.s32 $0xEB00;
	s29 =	smul.u32 $0xA, s25;
	[sflag:s17] =	ssyncset.done $0x0  }
0x34: {  	p0 =	seq.s32 s25, $0x0;
	[sflag:s17] =	ssyncadd.s32 $0xFFFF6000;
	s0 =	sshra.s32 s0, $0x2  }
0x35: {  	[tilespmem:s1], [sflag:$0x2] =	stream.indirect.gather [hbm4b:s5+s15], $0x40, s0, s15, $0xb8;
	[tilespmem:$0x1D300] =	vst v63  }
0x36: {  	s31 =	sadd.s32 s4, s29;
	s0 =	simm.s32 @!p0 $0x3  }
0x37: {  	s30 =	sshrl.u32 s31, $0x3;
	_ =	swait.ge @!p0 [sflag:s0], $0x2000  }
0x38: {  	s6 =	sshll.u32 s30, $0x6;
	[sflag:s0] =	ssyncset.done @!p0 $0x0  }
0x39: {  	s13 =	simm.s32 $0x1;
	v57 =	vld [tilespmem:$0x1FE20];
	[sflag:s0] =	ssyncadd.s32 @!p0 $0xFFFFE000;
	s0 =	sand.u32 $0x3FFFFFC0, s6  }
0x3a: {  	s12 =	simm.s32 $0x4;
	v5 =	vmov s13;
	v36 =	vld [tilespmem:s0+$0x1900]  }
0x3b: {  	v3 =	vmov s12;
	v5 =	vshrl.u32 v5, $0x3;
	v35 =	vld [tilespmem:s0+$0x1910]  }
0x3c: {  	s14 =	simm.s32 $0x5;
	v3 =	vshrl.u32 v3, $0x3;
	v5 =	vshll.u32 v5, v18;
	v34 =	vld [tilespmem:s0+$0x1920]  }
0x3d: {  	v4 =	vmov s14;
	s14 =	simm.s32 $0x3;
	v3 =	vshll.u32 v3, v18;
	v5 =	vbroadcast v5, $0x0;
	v33 =	vld [tilespmem:s0+$0x1930];
	s0 =	simm.s32 $0x4C00  }
0x3e: {  	s28 =	simm.s32 $0x2;
	v44 =	vbroadcast v3, $0x0;
	v3 =	vmov s14;
	v7 =	vld [tilespmem:s0+$0x0]  }
0x3f: {  	v6 =	vmov s28;
	v3 =	vshrl.u32 v3, $0x3;
	v8 =	vld [tilespmem:s0+$0xFFFFFF40];
	v11 =	vadd.s32 v57, v5  }
0x40: {  	v6 =	vshrl.u32 v6, $0x3;
	v3 =	vshll.u32 v3, v18;
	v9 =	vld [tilespmem:s0+$0xFFFFFF80];
	[tilespmem:$0x1FD90] =	vst v11  }
0x41: {  	s7 =	simm.s32 $0x0;
	v6 =	vshll.u32 v6, v18;
	v10 =	vadd.s32 v26, v5;
	v56 =	vbroadcast v3, $0x0;
	v3 =	vld [tilespmem:s0+$0xFFFFFF00]  }
0x42: {  	v0 =	vmov s7;
	v37 =	vbroadcast v6, $0x0;
	v6 =	vadd.s32 v31, v44  }
0x43: {  	v0 =	vshrl.u32 v0, $0x3;
	v11 =	vld [tilespmem:s0+$0xFFFFFFC0]  }
0x44: {  	v17 =	vshll.u32 v0, v18;
	v12 =	vadd.s32 v1, v37;
	v0 =	vadd.f32 v8, v36  }
0x45: {  	s18 =	simm.s32 $0x6;
	v15 =	vadd.s32 v63, v56;
	v13 =	vld [tilespmem:s0+$0xC0];
	v7 =	vadd.f32 v7, v36  }
0x46: {  	v14 =	vmov s18;
	v16 =	vld [tilespmem:s0+$0x80];
	[tilespmem:v10+s19+$0x0] =	vst.idx.msk $0xffff, v0;
	v0 =	vadd.f32 v3, v36  }
0x47: {  	v4 =	vshrl.u32 v4, $0x3;
	v8 =	vshrl.u32 v14, $0x3;
	v14 =	vld [tilespmem:s0+$0x40];
	v9 =	vadd.f32 v9, v36;
	[tilespmem:v6+s19+$0x0] =	vst.idx.msk $0xffff, v7  }
0x48: {  	v4 =	vshll.u32 v4, v18;
	v6 =	vld [tilespmem:s0+$0x10];
	v7 =	vadd.f32 v11, v36;
	[tilespmem:$0x1FD80] =	vst v0  }
0x49: {  	v55 =	vbroadcast v4, $0x0;
	[tilespmem:v12+s19+$0x0] =	vst.idx.msk $0xffff, v9;
	v4 =	vld [tilespmem:s0+$0xFFFFFF50]  }
0x4a: {  	v8 =	vshll.u32 v8, v18;
	v0 =	vadd.s32 v21, v56;
	[tilespmem:v15+s19+$0x0] =	vst.idx.msk $0xffff, v7;
	v10 =	vld [tilespmem:s0+$0xFFFFFF90]  }
0x4b: {  	s6 =	simm.s32 $0x7;
	v52 =	vbroadcast v8, $0x0;
	v8 =	vadd.f32 v13, v36;
	v13 =	vld [tilespmem:s0+$0xFFFFFFD0];
	[tilespmem:$0x1FDB0] =	vst v0;
	v0 =	vadd.s32 v51, v55  }
0x4c: {  	v2 =	vmov s6;
	[tilespmem:$0x1FDD0] =	vst v0;
	v0 =	vld [tilespmem:$0x1FE90]  }
0x4d: {  	v2 =	vshrl.u32 v2, $0x3  }
0x4e: {  	v54 =	vbroadcast v17, $0x0;
	v17 =	vadd.s32 v41, v37;
	v2 =	vshll.u32 v2, v18  }
0x4f: {  	v50 =	vbroadcast v2, $0x0;
	_ =	sdelay $0x1  }
0x50: {  	v39 =	vadd.f32 v4, v35;
	v4 =	vadd.f32 v10, v35;
	v0 =	vadd.s32 v0, v50  }
0x51: {  	v22 =	vld [tilespmem:$0x1FE80];
	[tilespmem:$0x1FDA0] =	vst v0  }
0x52: {  	v20 =	vld [tilespmem:$0x1FE10];
	[tilespmem:v17+s19+$0x0] =	vst.idx.msk $0xffff, v4  }
0x53: {  	v0 =	vld [tilespmem:$0x1FE60];
	_ =	sdelay $0x3  }
0x54: {  	s1 =	simm.s32 $0x4E00  }
0x55: {  	v48 =	vld [tilespmem:s1+$0xFFFFFF40];
	v0 =	vadd.s32 v0, v52  }
0x56: {  	[tilespmem:$0x1FDC0] =	vst v0;
	v0 =	vld [tilespmem:$0x1FDF0];
	_ =	sdelay $0x1  }
0x57: {  	v7 =	vadd.s32 v53, v52  }
0x58: {  	s28 =	simm.s32 $0x9;
	v9 =	vadd.s32 v58, v5  }
0x59: {  	v59 =	vmov s28;
	v40 =	vadd.s32 v40, v55  }
0x5a: {  	v59 =	vshrl.u32 v59, $0x3;
	v16 =	vadd.f32 v16, v36;
	v0 =	vadd.s32 v0, v54  }
0x5b: {  	s13 =	simm.s32 $0xA;
	v62 =	vshll.u32 v59, v18;
	v47 =	vadd.s32 v29, v37;
	v11 =	vadd.s32 v61, v44;
	[tilespmem:$0x1FDE0] =	vst v0  }
0x5c: {  	v43 =	vadd.s32 v28, v56;
	v14 =	vadd.f32 v14, v36;
	v49 =	vld [tilespmem:s0+$0xFFFFFFA0];
	[tilespmem:v7+s19+$0x0] =	vst.idx.msk $0xffff, v16;
	v16 =	vmov s13  }
0x5d: {  	v12 =	vadd.s32 v38, v55;
	v15 =	vadd.s32 v30, v50;
	[tilespmem:v9+s19+$0x0] =	vst.idx.msk $0xffff, v39;
	v16 =	vshrl.u32 v16, $0x3;
	v59 =	vld [tilespmem:s0+$0x90]  }
0x5e: {  	v19 =	vmov v38;
	v38 =	vadd.f32 v6, v35;
	[tilespmem:v40+s19+$0x0] =	vst.idx.msk $0xffff, v14;
	v14 =	vshll.u32 v16, v18;
	v16 =	vld [tilespmem:s0+$0xFFFFFF60]  }
0x5f: {  	v42 =	vadd.s32 v27, v52;
	v13 =	vadd.f32 v13, v35  }
0x60: {  	s12 =	simm.s32 $0xC;
	v45 =	vadd.s32 v20, v5;
	v17 =	vadd.s32 v23, v44;
	[tilespmem:v11+s19+$0x0] =	vst.idx.msk $0xffff, v38  }
0x61: {  	v7 =	vmov s12;
	[tilespmem:v43+s19+$0x0] =	vst.idx.msk $0xffff, v13;
	v39 =	vbroadcast v14, $0x0;
	v14 =	vadd.f32 v49, v34  }
0x62: {  	v23 =	vmov v51;
	[tilespmem:v15+s19+$0x0] =	vst.idx.msk $0xffff, v8;
	v7 =	vshrl.u32 v7, $0x3;
	v15 =	vadd.f32 v59, v35  }
0x63: {  	v51 =	vbroadcast v62, $0x0;
	v7 =	vshll.u32 v7, v18;
	[tilespmem:v47+s19+$0x0] =	vst.idx.msk $0xffff, v14;
	v16 =	vadd.f32 v16, v34  }
0x64: {  	s18 =	simm.s32 $0xB;
	v40 =	vbroadcast v7, $0x0;
	v7 =	vld [tilespmem:s1+$0xFFFFFF00];
	[tilespmem:v42+s19+$0x0] =	vst.idx.msk $0xffff, v15  }
0x65: {  	s24 =	simm.s32 $0x8;
	v3 =	vadd.s32 v25, v54;
	v62 =	vld [tilespmem:s1+$0x0];
	v38 =	vadd.s32 v57, v51;
	v57 =	vmov s18;
	v0 =	vmovc v53;
	[tilespmem:v45+s19+$0x0] =	vst.idx.msk $0xffff, v16  }
0x66: {  	v46 =	vmovc v58;
	v58 =	vadd.s32 v26, v51;
	v53 =	vmov s24;
	s24 =	simm.s32 $0xE;
	v43 =	vshrl.u32 v57, $0x3;
	v2 =	vld [tilespmem:$0x1FD80]  }
0x67: {  	v60 =	vld [tilespmem:s1+$0xFFFFFF80];
	v13 =	vshrl.u32 v53, $0x3;
	v8 =	vadd.s32 v31, v40;
	v15 =	vmov s24  }
0x68: {  	v11 =	vld [tilespmem:s0+$0x50];
	v4 =	vmovc v0;
	v0 =	vmovc v63;
	v63 =	vadd.f32 v48, v36;
	v53 =	vadd.s32 v1, v39;
	v15 =	vshrl.u32 v15, $0x3  }
0x69: {  	v57 =	vld [tilespmem:s0+$0xD0];
	v48 =	vadd.f32 v7, v36;
	v7 =	vshll.u32 v15, v18;
	v15 =	vshll.u32 v43, v18  }
0x6a: {  	v59 =	vadd.f32 v62, v36;
	v62 =	vld [tilespmem:s1+$0xFFFFFFC0];
	v43 =	vbroadcast v15, $0x0  }
0x6b: {  	v10 =	vadd.s32 v22, v50;
	v16 =	vld [tilespmem:s0+$0x20];
	[tilespmem:v3+s19+$0x0] =	vst.idx.msk $0xffff, v2  }
0x6c: {  	[tilespmem:v8+s19+$0x0] =	vst.idx.msk $0xffff, v59;
	v8 =	vadd.s32 v0, v43;
	v3 =	vadd.f32 v60, v36;
	v60 =	vld [tilespmem:s0+$0xFFFFFF10]  }
0x6d: {  	v11 =	vadd.f32 v11, v35;
	[tilespmem:v58+s19+$0x0] =	vst.idx.msk $0xffff, v63  }
0x6e: {  	v6 =	vadd.s32 v24, v54;
	[tilespmem:v53+s19+$0x0] =	vst.idx.msk $0xffff, v3;
	v3 =	vadd.f32 v57, v35  }
0x6f: {  	[tilespmem:v12+s19+$0x0] =	vst.idx.msk $0xffff, v11;
	v12 =	vadd.f32 v62, v36  }
0x70: {  	[tilespmem:v10+s19+$0x0] =	vst.idx.msk $0xffff, v3;
	v3 =	vadd.f32 v16, v34  }
0x71: {  	v0 =	vld [tilespmem:$0x1FE40];
	[tilespmem:v8+s19+$0x0] =	vst.idx.msk $0xffff, v12;
	v11 =	vadd.f32 v60, v35  }
0x72: {  	[tilespmem:v17+s19+$0x0] =	vst.idx.msk $0xffff, v3  }
0x73: {  	v1 =	vmov v41;
	[tilespmem:v6+s19+$0x0] =	vst.idx.msk $0xffff, v11  }
0x74: {  	v3 =	vadd.s32 v1, v39;
	v1 =	vld [tilespmem:$0x1FD90]  }
0x75: {  	v41 =	vbroadcast v7, $0x0;
	v7 =	vld [tilespmem:s0+$0xFFFFFF70];
	_ =	sdelay $0x4  }
0x76: {  	v7 =	vadd.f32 v7, v33;
	_ =	sdelay $0x1  }
0x77: {  	v59 =	vadd.s32 v4, v41;
	v4 =	vld [tilespmem:$0x1FE50];
	[tilespmem:v1+s19+$0x0] =	vst.idx.msk $0xffff, v7  }
0x78: {  	v1 =	vld [tilespmem:$0x1FDA0]  }
0x79: {  	v10 =	vld [tilespmem:s0+$0xE0];
	_ =	sdelay $0x4  }
0x7a: {  	v10 =	vadd.f32 v10, v34;
	_ =	sdelay $0x1  }
0x7b: {  	v2 =	vld [tilespmem:s0+$0xFFFFFFB0];
	[tilespmem:v1+s19+$0x0] =	vst.idx.msk $0xffff, v10  }
0x7c: {  	v1 =	vld [tilespmem:$0x1FDB0]  }
0x7d: {  	v16 =	vld [tilespmem:s0+$0xFFFFFFE0];
	_ =	sdelay $0x1  }
0x7e: {  	s28 =	simm.s32 $0xD  }
0x7f: {  	v9 =	vmov s28  }
0x80: {  	v9 =	vshrl.u32 v9, $0x3  }
0x81: {  	v57 =	vadd.s32 v61, v40;
	v61 =	vadd.f32 v2, v33;
	v2 =	vadd.f32 v16, v34  }
0x82: {  	v9 =	vshll.u32 v9, v18  }
0x83: {  	v42 =	vbroadcast v9, $0x0;
	v9 =	vld [tilespmem:s0+$0xA0];
	[tilespmem:v1+s19+$0x0] =	vst.idx.msk $0xffff, v2  }
0x84: {  	v1 =	vld [tilespmem:$0x1FE30];
	_ =	sdelay $0x4  }
0x85: {  	v12 =	vadd.f32 v9, v34;
	v9 =	vadd.s32 v1, v56;
	v1 =	vld [tilespmem:$0x1FDC0];
	_ =	sdelay $0x7  }
0x86: {  	v11 =	vld [tilespmem:s0+$0x60];
	[tilespmem:v1+s19+$0x0] =	vst.idx.msk $0xffff, v12  }
0x87: {  	v1 =	vld [tilespmem:$0x1FEA0];
	_ =	sdelay $0x4  }
0x88: {  	v10 =	vadd.f32 v11, v34;
	v11 =	vadd.s32 v1, v50;
	v1 =	vld [tilespmem:$0x1FDD0];
	_ =	sdelay $0x1  }
0x89: {  	v5 =	vld [tilespmem:s1+$0x80]  }
0x8a: {  	v17 =	vld [tilespmem:s1+$0xFFFFFF50];
	_ =	sdelay $0x1  }
0x8b: {  	v14 =	vld [tilespmem:s1+$0x40]  }
0x8c: {  	v15 =	vld [tilespmem:s1+$0x10]  }
0x8d: {  	v8 =	vadd.f32 v5, v36;
	v5 =	vld [tilespmem:s0+$0x30]  }
0x8e: {  	v60 =	vadd.s32 v4, v55;
	v4 =	vadd.f32 v17, v35;
	v17 =	vld [tilespmem:s0+$0xFFFFFF20];
	[tilespmem:v1+s19+$0x0] =	vst.idx.msk $0xffff, v10  }
0x8f: {  	v0 =	vadd.s32 v0, v44;
	v1 =	vld [tilespmem:$0x1FE70]  }
0x90: {  	v7 =	vld [tilespmem:s1+$0xFFFFFF90]  }
0x91: {  	v2 =	vld [tilespmem:s0+$0xF0]  }
0x92: {  	v13 =	vshll.u32 v13, v18;
	v12 =	vadd.f32 v5, v33  }
0x93: {  	v44 =	vbroadcast v13, $0x0;
	v13 =	vadd.f32 v15, v35  }
0x94: {  	v10 =	vadd.s32 v1, v52;
	v1 =	vld [tilespmem:$0x1FE00];
	[tilespmem:v0+s19+$0x0] =	vst.idx.msk $0xffff, v12  }
0x95: {  	s7 =	simm.s32 $0xF;
	v62 =	vadd.f32 v14, v36;
	v14 =	vadd.f32 v7, v35;
	v0 =	vld [tilespmem:$0x1FF60];
	[tilespmem:v57+s19+$0x0] =	vst.idx.msk $0xffff, v13  }
0x96: {  	v32 =	vmov s7;
	v7 =	vadd.f32 v17, v34;
	v17 =	vadd.f32 v2, v33;
	v2 =	vld [tilespmem:$0x1FE90]  }
0x97: {  	v32 =	vshrl.u32 v32, $0x3  }
0x98: {  	v47 =	vshll.u32 v32, v18;
	v32 =	vld [tilespmem:s1+$0xC0]  }
0x99: {  	v45 =	vbroadcast v47, $0x0;
	_ =	sdelay $0x1  }
0x9a: {  	v5 =	vadd.s32 v1, v54;
	v1 =	vmov v2;
	v52 =	vadd.s32 v2, v45;
	v2 =	vld [tilespmem:$0x1FDE0];
	_ =	sdelay $0x1  }
0x9b: {  	v49 =	vadd.f32 v32, v36;
	v32 =	vadd.s32 v46, v51;
	_ =	sdelay $0x3  }
0x9c: {  	v6 =	vld [tilespmem:s1+$0xFFFFFFD0]  }
0x9d: {  	[tilespmem:v32+s19+$0x0] =	vst.idx.msk $0xffff, v4  }
0x9e: {  	[tilespmem:v2+s19+$0x0] =	vst.idx.msk $0xffff, v7  }
0x9f: {  	v7 =	vld [tilespmem:$0x1FE60]  }
0xa0: {  	v26 =	vmovc v23;
	v47 =	vadd.s32 v19, v42;
	v46 =	vadd.s32 v21, v43;
	v58 =	vadd.s32 v27, v41  }
0xa1: {  	v31 =	vmovc v20;
	v63 =	vadd.s32 v28, v43;
	v53 =	vadd.s32 v30, v45;
	v6 =	vadd.f32 v6, v35;
	v15 =	vld [tilespmem:s0+$0xFFFFFFF0]  }
0xa2: {  	v27 =	vmovc v18;
	v55 =	vadd.s32 v25, v44;
	v56 =	vadd.s32 v22, v45;
	v12 =	vld [tilespmem:s0+$0xB0];
	v16 =	vadd.s32 v0, v42  }
0xa3: {  	v50 =	vadd.s32 v23, v42;
	v54 =	vadd.s32 v24, v44;
	v28 =	vmovc v0;
	v0 =	vadd.s32 v20, v51;
	v2 =	vld [tilespmem:s0+$0x70]  }
0xa4: {  	s14 =	simm.s32 $0x10;
	s6 =	simm.s32 $0x5000;
	s28 =	sshll.u32 s25, $0x1;
	v30 =	vmovc v22;
	v32 =	vmovc v29;
	v4 =	vadd.s32 v29, v39;
	v13 =	vld [tilespmem:s0+$0xFFFFFF30];
	v29 =	vmov v7;
	v51 =	vadd.s32 v7, v41  }
.LBB2_3:
0xa5: {  	v18 =	vld [tilespmem:s6+$0xFFFFFF40]  }
0xa6: {  	v7 =	vld [tilespmem:$0x1FDF0]  }
0xa7: {  	v21 =	vld [tilespmem:$0x1FF00];
	[tilespmem:v16+s19+$0x0] =	vst.idx.msk $0xffff, v62  }
0xa8: {  	v62 =	vld [tilespmem:$0x1FEC0];
	[tilespmem:v59+s19+$0x0] =	vst.idx.msk $0xffff, v8  }
0xa9: {  	s12 =	smov.u32 s14;
	[tilespmem:v3+s19+$0x0] =	vst.idx.msk $0xffff, v14;
	v8 =	vld [tilespmem:s6+$0x80]  }
0xaa: {  	s18 =	sadd.s32 $0x2, s12;
	v20 =	vld [tilespmem:s1+$0xFFFFFFA0]  }
0xab: {  	[tilespmem:v11+s19+$0x0] =	vst.idx.msk $0xffff, v17;
	v17 =	vmov s18;
	v22 =	vld [tilespmem:s6+$0xFFFFFF80]  }
0xac: {  	v16 =	vshrl.u32 v17, $0x3;
	v17 =	vld [tilespmem:s1+$0x50];
	v3 =	vadd.f32 v15, v33  }
0xad: {  	s7 =	sadd.s32 $0x7, s14;
	v12 =	vadd.f32 v12, v33;
	v57 =	vadd.s32 v7, v44;
	v7 =	vld [tilespmem:$0x1FFF0]  }
0xae: {  	s13 =	sadd.s32 $0x4, s12;
	v19 =	vmov s7;
	s7 =	sadd.s32 $0x1, s12;
	[tilespmem:v9+s19+$0x0] =	vst.idx.msk $0xffff, v3;
	v9 =	vshll.u32 v16, v27;
	v16 =	vld [tilespmem:s1+$0x90]  }
0xaf: {  	v14 =	vmov s13;
	v11 =	vmov s7;
	v13 =	vadd.f32 v13, v33;
	[tilespmem:v10+s19+$0x0] =	vst.idx.msk $0xffff, v12;
	v12 =	vld [tilespmem:s1+$0xFFFFFF60]  }
0xb0: {  	v59 =	vmov s12;
	v11 =	vshrl.u32 v11, $0x3;
	v10 =	vshrl.u32 v14, $0x3;
	v14 =	vld [tilespmem:$0x1FFD0]  }
0xb1: {  	s24 =	sadd.s32 $0x5, s12;
	s0 =	sadd.s32 $0x6, s12;
	s12 =	sadd.s32 $0x3, s12;
	v3 =	vadd.f32 v2, v33;
	v2 =	vshll.u32 v11, v27;
	v11 =	vshrl.u32 v19, $0x3;
	v19 =	vld [tilespmem:$0x1FE20];
	[tilespmem:v5+s19+$0x0] =	vst.idx.msk $0xffff, v13  }
0xb2: {  	v23 =	vmov s12;
	v21 =	vadd.s32 v21, v37;
	v5 =	vld [tilespmem:s6+$0xFFFFFF00]  }
0xb3: {  	v13 =	vshrl.u32 v59, $0x3;
	v59 =	vshrl.u32 v23, $0x3;
	[tilespmem:v63+s19+$0x0] =	vst.idx.msk $0xffff, v6;
	v6 =	vld [tilespmem:$0x1FF40]  }
0xb4: {  	v63 =	vshll.u32 v59, v27;
	v59 =	vld [tilespmem:$0x1FFC0]  }
0xb5: {  	[tilespmem:v60+s19+$0x0] =	vst.idx.msk $0xffff, v3;
	v3 =	vshll.u32 v10, v27;
	v10 =	vadd.f32 v20, v34;
	v20 =	vld [tilespmem:s6+$0x0]  }
0xb6: {  	v37 =	vmov v39;
	v39 =	vbroadcast v9, $0x0;
	[tilespmem:v55+s19+$0x0] =	vst.idx.msk $0xffff, v48;
	v60 =	vld [tilespmem:s1+$0x20]  }
0xb7: {  	v55 =	vld [tilespmem:s1+$0xFFFFFF10];
	[tilespmem:v21+s19+$0x0] =	vst.idx.msk $0xffff, v61  }
0xb8: {  	v21 =	vadd.s32 v62, v39;
	v61 =	vld [tilespmem:s6+$0xC0];
	[tilespmem:v53+s19+$0x0] =	vst.idx.msk $0xffff, v49;
	v16 =	vadd.f32 v16, v35  }
0xb9: {  	v2 =	vbroadcast v2, $0x0;
	v9 =	vld [tilespmem:s6+$0x40];
	[tilespmem:v4+s19+$0x0] =	vst.idx.msk $0xffff, v10;
	v12 =	vadd.f32 v12, v34  }
0xba: {  	v3 =	vbroadcast v3, $0x0;
	[tilespmem:v58+s19+$0x0] =	vst.idx.msk $0xffff, v16;
	v16 =	vld [tilespmem:s1+$0xD0]  }
0xbb: {  	v14 =	vadd.s32 v14, v2;
	[tilespmem:v0+s19+$0x0] =	vst.idx.msk $0xffff, v12;
	v0 =	vld [tilespmem:s1+$0xFFFFFFB0];
	v12 =	vadd.f32 v22, v36  }
0xbc: {  	v11 =	vshll.u32 v11, v27;
	v6 =	vadd.s32 v6, v3;
	v5 =	vadd.f32 v5, v36;
	v22 =	vld [tilespmem:s1+$0xFFFFFF70]  }
0xbd: {  	v15 =	vmov s24;
	[tilespmem:v21+s19+$0x0] =	vst.idx.msk $0xffff, v12;
	v21 =	vbroadcast v11, $0x0;
	v11 =	vld [tilespmem:$0x1FF50]  }
0xbe: {  	v15 =	vshrl.u32 v15, $0x3;
	v4 =	vadd.f32 v18, v36;
	v48 =	vmovc v5;
	v5 =	vbroadcast v63, $0x0;
	v63 =	vld [tilespmem:$0x1FE50]  }
0xbf: {  	v7 =	vadd.s32 v7, v40;
	v20 =	vadd.f32 v20, v36;
	v49 =	vadd.f32 v61, v36;
	v61 =	vld [tilespmem:$0x1FF90]  }
0xc0: {  	v15 =	vshll.u32 v15, v27;
	[tilespmem:v14+s19+$0x0] =	vst.idx.msk $0xffff, v4;
	v14 =	vld [tilespmem:$0x1FE40]  }
0xc1: {  	v17 =	vadd.f32 v17, v35;
	[tilespmem:v6+s19+$0x0] =	vst.idx.msk $0xffff, v20;
	v6 =	vbroadcast v15, $0x0;
	v15 =	vld [tilespmem:s1+$0xA0]  }
0xc2: {  	v58 =	vadd.f32 v60, v34;
	v23 =	vadd.s32 v11, v3;
	v11 =	vld [tilespmem:$0x1FF70]  }
0xc3: {  	[tilespmem:v47+s19+$0x0] =	vst.idx.msk $0xffff, v17;
	v18 =	vmov s0;
	v12 =	vld [tilespmem:s6+$0x10]  }
0xc4: {  	v18 =	vshrl.u32 v18, $0x3;
	[tilespmem:v7+s19+$0x0] =	vst.idx.msk $0xffff, v58;
	v7 =	vld [tilespmem:s1+$0x60]  }
0xc5: {  	v10 =	vld [tilespmem:s6+$0xFFFFFFC0];
	v18 =	vshll.u32 v18, v27;
	v16 =	vadd.f32 v16, v35  }
0xc6: {  	v18 =	vbroadcast v18, $0x0;
	v60 =	vadd.s32 v63, v42;
	v42 =	vmovc v6;
	v24 =	vadd.s32 v14, v40;
	v14 =	vld [tilespmem:s6+$0xFFFFFF50]  }
0xc7: {  	[tilespmem:v56+s19+$0x0] =	vst.idx.msk $0xffff, v16;
	v40 =	vmov v3;
	v3 =	vld [tilespmem:$0x1FF10];
	v11 =	vadd.s32 v11, v6;
	v6 =	vadd.f32 v22, v33  }
0xc8: {  	v20 =	vadd.s32 v59, v2;
	v59 =	vadd.s32 v61, v18;
	v61 =	vadd.f32 v0, v33;
	v17 =	vld [tilespmem:s1+$0xE0]  }
0xc9: {  	v0 =	vadd.f32 v15, v34;
	[tilespmem:v38+s19+$0x0] =	vst.idx.msk $0xffff, v6;
	v6 =	vadd.f32 v7, v34;
	v7 =	vld [tilespmem:$0x1FFA0]  }
0xca: {  	v62 =	vld [tilespmem:$0x1FFB0]  }
0xcb: {  	[tilespmem:v51+s19+$0x0] =	vst.idx.msk $0xffff, v0;
	v0 =	vld [tilespmem:$0x1FEA0]  }
0xcc: {  	v13 =	vshll.u32 v13, v27;
	v16 =	vadd.s32 v3, v5;
	v3 =	vld [tilespmem:$0x1FF30]  }
0xcd: {  	v13 =	vbroadcast v13, $0x0;
	v47 =	vmov v11;
	v11 =	vld [tilespmem:s1+$0x30]  }
0xce: {  	v4 =	vadd.f32 v10, v36;
	v15 =	vadd.f32 v17, v34;
	v58 =	vadd.s32 v7, v18;
	v7 =	vld [tilespmem:$0x1FE30]  }
0xcf: {  	v10 =	vld [tilespmem:s1+$0xFFFFFFE0];
	v53 =	vadd.s32 v62, v21;
	v62 =	vadd.f32 v9, v36;
	v9 =	vadd.f32 v55, v35  }
0xd0: {  	v55 =	vadd.s32 v25, v13;
	v25 =	vadd.f32 v12, v35;
	v12 =	vld [tilespmem:s6+$0xFFFFFF90];
	[tilespmem:v52+s19+$0x0] =	vst.idx.msk $0xffff, v15  }
0xd1: {  	v17 =	vld [tilespmem:s1+$0xF0]  }
0xd2: {  	[tilespmem:v54+s19+$0x0] =	vst.idx.msk $0xffff, v9;
	v56 =	vadd.s32 v3, v5;
	v3 =	vld [tilespmem:$0x1FED0]  }
0xd3: {  	v9 =	vadd.s32 v7, v43;
	v7 =	vadd.f32 v11, v33;
	v11 =	vadd.s32 v0, v45;
	v0 =	vld [tilespmem:$0x1FE70]  }
0xd4: {  	v22 =	vadd.f32 v14, v35;
	[tilespmem:v16+s19+$0x0] =	vst.idx.msk $0xffff, v4;
	v4 =	vld [tilespmem:s1+$0xFFFFFF20]  }
0xd5: {  	v16 =	vld [tilespmem:s6+$0xFFFFFFD0]  }
0xd6: {  	v10 =	vadd.f32 v10, v34;
	[tilespmem:v20+s19+$0x0] =	vst.idx.msk $0xffff, v22  }
0xd7: {  	v8 =	vadd.f32 v8, v36;
	v19 =	vadd.s32 v19, v2;
	[tilespmem:v50+s19+$0x0] =	vst.idx.msk $0xffff, v6;
	v43 =	vmov v5;
	v5 =	vld [tilespmem:$0x1FF20]  }
0xd8: {  	v14 =	vadd.f32 v12, v35;
	[tilespmem:v46+s19+$0x0] =	vst.idx.msk $0xffff, v10;
	v10 =	vadd.s32 v0, v41;
	v0 =	vld [tilespmem:$0x1FE00]  }
0xd9: {  	p1 =	slt.u32 s14, $0x78;
	v50 =	vadd.s32 v26, v42;
	v4 =	vadd.f32 v4, v34;
	[tilespmem:v24+s19+$0x0] =	vst.idx.msk $0xffff, v7;
	v24 =	vld [tilespmem:$0x1FFE0]  }
.Ltmp0:
0xda: {  	v12 =	vld [tilespmem:s1+$0xB0];
	v17 =	vadd.f32 v17, v33;
	v3 =	vadd.s32 v3, v39;
	v45 =	vmovc v21;
	v6 =	vadd.f32 v16, v35;
	(pc) =	sbr.rel @p1 .LBB2_3-.Ltmp0, $4  }
0xdb: {  	v46 =	vmov v56;
	v15 =	vld [tilespmem:s1+$0xFFFFFFF0];
	v16 =	vadd.s32 v28, v42;
	v56 =	vadd.s32 v30, v45;
	[tilespmem:v57+s19+$0x0] =	vst.idx.msk $0xffff, v4  }
0xdc: {  	v52 =	vadd.s32 v1, v45;
	[tilespmem:v23+s19+$0x0] =	vst.idx.msk $0xffff, v25;
	v25 =	vld [tilespmem:$0x1FEB0];
	v63 =	vadd.s32 v5, v43  }
0xdd: {  	v41 =	vmovc v18;
	v5 =	vadd.s32 v0, v44;
	v44 =	vmov v13;
	v0 =	vadd.s32 v31, v2;
	v2 =	vld [tilespmem:s1+$0x70]  }
0xde: {  	s14 =	sadd.s32 $0x8, s14;
	v38 =	vmovc v19;
	v4 =	vadd.s32 v32, v39;
	v51 =	vadd.s32 v29, v41;
	v13 =	vld [tilespmem:s1+$0xFFFFFF30];
	s1 =	smov.u32 s6;
	s6 =	sadd.s32 $0x200, s6;
	v54 =	vadd.s32 v24, v44  }
0xdf: {  	_ =	sdelay $0x3  }
0xe0: {  	[tilespmem:v59+s19+$0x0] =	vst.idx.msk $0xffff, v8  }
0xe1: {  	[tilespmem:v3+s19+$0x0] =	vst.idx.msk $0xffff, v14  }
0xe2: {  	[tilespmem:v53+s19+$0x0] =	vst.idx.msk $0xffff, v49  }
0xe3: {  	[tilespmem:v11+s19+$0x0] =	vst.idx.msk $0xffff, v17  }
0xe4: {  	v20 =	vld [tilespmem:$0x1FF00];
	_ =	sdelay $0x1  }
0xe5: {  	v7 =	vld [tilespmem:s1+$0xD0]  }
0xe6: {  	[tilespmem:v16+s19+$0x0] =	vst.idx.msk $0xffff, v62  }
0xe7: {  	v57 =	vadd.f32 v12, v33;
	[tilespmem:v55+s19+$0x0] =	vst.idx.msk $0xffff, v48  }
0xe8: {  	v3 =	vadd.f32 v15, v33;
	[tilespmem:v63+s19+$0x0] =	vst.idx.msk $0xffff, v6;
	v53 =	vadd.s32 v20, v37  }
0xe9: {  	[tilespmem:v10+s19+$0x0] =	vst.idx.msk $0xffff, v57;
	v2 =	vadd.f32 v2, v33  }
0xea: {  	[tilespmem:v9+s19+$0x0] =	vst.idx.msk $0xffff, v3;
	v7 =	vadd.f32 v7, v35  }
0xeb: {  	[tilespmem:v60+s19+$0x0] =	vst.idx.msk $0xffff, v2  }
0xec: {  	v3 =	vld [tilespmem:s1+$0x90];
	[tilespmem:v56+s19+$0x0] =	vst.idx.msk $0xffff, v7  }
0xed: {  	v59 =	vld [tilespmem:s1+$0x50];
	[tilespmem:v53+s19+$0x0] =	vst.idx.msk $0xffff, v61  }
0xee: {  	v1 =	vld [tilespmem:$0x1FFF0]  }
0xef: {  	v2 =	vld [tilespmem:s1+$0xFFFFFF10]  }
0xf0: {  	v60 =	vld [tilespmem:s1+$0xFFFFFF60]  }
0xf1: {  	v3 =	vadd.f32 v3, v35;
	v61 =	vld [tilespmem:s1+$0x20]  }
0xf2: {  	v62 =	vadd.f32 v59, v35;
	v7 =	vld [tilespmem:s1+$0xE0]  }
0xf3: {  	v16 =	vadd.f32 v13, v33;
	[tilespmem:v58+s19+$0x0] =	vst.idx.msk $0xffff, v3;
	v3 =	vld [tilespmem:s1+$0xFFFFFFE0];
	v63 =	vadd.s32 v1, v40  }
0xf4: {  	v2 =	vadd.f32 v2, v35;
	[tilespmem:v47+s19+$0x0] =	vst.idx.msk $0xffff, v62  }
0xf5: {  	v32 =	vadd.f32 v60, v34;
	[tilespmem:v5+s19+$0x0] =	vst.idx.msk $0xffff, v16  }
0xf6: {  	[tilespmem:v54+s19+$0x0] =	vst.idx.msk $0xffff, v2;
	v8 =	vadd.f32 v61, v34  }
0xf7: {  	[tilespmem:v0+s19+$0x0] =	vst.idx.msk $0xffff, v32;
	v17 =	vld [tilespmem:s1+$0xA0];
	v2 =	vadd.f32 v7, v34  }
0xf8: {  	v6 =	vld [tilespmem:s1+$0x60];
	v3 =	vadd.f32 v3, v34;
	[tilespmem:v63+s19+$0x0] =	vst.idx.msk $0xffff, v8  }
0xf9: {  	v63 =	vld [tilespmem:$0x1FDF0];
	[tilespmem:v52+s19+$0x0] =	vst.idx.msk $0xffff, v2  }
0xfa: {  	v35 =	vld [tilespmem:s1+$0xFFFFFFA0];
	[tilespmem:v46+s19+$0x0] =	vst.idx.msk $0xffff, v3  }
0xfb: {  	v14 =	vld [tilespmem:$0x1FE40]  }
0xfc: {  	v0 =	vld [tilespmem:s1+$0xFFFFFF20]  }
0xfd: {  	v5 =	vld [tilespmem:s1+$0xFFFFFF70];
	v37 =	vadd.f32 v17, v34  }
0xfe: {  	v8 =	vld [tilespmem:s1+$0x30];
	v2 =	vadd.f32 v6, v34;
	v36 =	vadd.s32 v63, v44  }
0xff: {  	v47 =	vadd.f32 v35, v34;
	v3 =	vld [tilespmem:s1+$0xF0];
	[tilespmem:v51+s19+$0x0] =	vst.idx.msk $0xffff, v37  }
0x100: {  	v17 =	vld [tilespmem:$0x1FEA0];
	[tilespmem:v50+s19+$0x0] =	vst.idx.msk $0xffff, v2;
	v48 =	vadd.s32 v14, v40  }
0x101: {  	v0 =	vadd.f32 v0, v34;
	v49 =	vld [tilespmem:s1+$0xFFFFFFF0];
	[tilespmem:v4+s19+$0x0] =	vst.idx.msk $0xffff, v47  }
0x102: {  	v52 =	vadd.f32 v5, v33;
	v16 =	vld [tilespmem:$0x1FE30]  }
0x103: {  	v46 =	vld [tilespmem:$0x1FE70];
	v8 =	vadd.f32 v8, v33;
	[tilespmem:v36+s19+$0x0] =	vst.idx.msk $0xffff, v0  }
0x104: {  	v57 =	vld [tilespmem:$0x1FE50];
	[tilespmem:v38+s19+$0x0] =	vst.idx.msk $0xffff, v52  }
0x105: {  	v55 =	vld [tilespmem:s1+$0xFFFFFFB0];
	[tilespmem:v48+s19+$0x0] =	vst.idx.msk $0xffff, v8  }
0x106: {  	v51 =	vadd.s32 v17, v45;
	v30 =	vld [tilespmem:$0x1FE00]  }
0x107: {  	v60 =	vadd.s32 v20, v39;
	v2 =	vld [tilespmem:s1+$0xB0]  }
0x108: {  	v54 =	vld [tilespmem:s1+$0x70];
	v53 =	vadd.s32 v16, v43  }
0x109: {  	v3 =	vadd.f32 v3, v33;
	v56 =	vadd.s32 v46, v41;
	v58 =	vld [tilespmem:s1+$0xFFFFFF30]  }
0x10a: {  	v62 =	vadd.f32 v55, v33;
	v0 =	vadd.s32 v57, v42  }
0x10b: {  	v59 =	vadd.f32 v49, v33;
	[tilespmem:v51+s19+$0x0] =	vst.idx.msk $0xffff, v3;
	v61 =	vadd.s32 v30, v44  }
0x10c: {  	v2 =	vadd.f32 v2, v33;
	[tilespmem:v60+s19+$0x0] =	vst.idx.msk $0xffff, v62  }
0x10d: {  	s0 =	sshll.u32 s31, $0x7;
	v3 =	vadd.f32 v54, v33;
	[tilespmem:v53+s19+$0x0] =	vst.idx.msk $0xffff, v59  }
0x10e: {  	s0 =	sand.u32 $0x300, s0;
	[tilespmem:v56+s19+$0x0] =	vst.idx.msk $0xffff, v2;
	v2 =	vadd.f32 v58, v33  }
0x10f: {  	s13 =	sshll.u32 s30, $0xD;
	s0 =	sadd.s32 s2, s0;
	[tilespmem:v0+s19+$0x0] =	vst.idx.msk $0xffff, v3  }
0x110: {  	s14 =	simm.s32 $0x18B00;
	s1 =	sadd.s32 s13, s0;
	[tilespmem:v61+s19+$0x0] =	vst.idx.msk $0xffff, v2  }
0x111: {  	[hbm4b:s1+s3] =	stream.linear.scatter [tilespmem:s14], [sflag:$0x3], $0x80, $0x38;
	[tilespmem:$0x1D300] =	vst v63  }
0x112: {  	s18 =	simm.s32 $0x18B90;
	s6 =	sadd.s32 $0x10, s1  }
0x113: {  	[hbm4b:s6+s3] =	stream.linear.scatter [tilespmem:s18], [sflag:$0x3], $0x80, $0x38;
	[tilespmem:$0x1D300] =	vst v63  }
0x114: {  	s24 =	simm.s32 $0x18C20;
	s12 =	simm.s32 $0x18D40;
	s31 =	sadd.s32 $0x20, s1  }
0x115: {  	[hbm4b:s31+s3] =	stream.linear.scatter [tilespmem:s24], [sflag:$0x3], $0x80, $0x38;
	[tilespmem:$0x1D300] =	vst v63  }
0x116: {  	s0 =	simm.s32 $0x480;
	s7 =	sadd.s32 $0x30, s1;
	s6 =	simm.s32 $0x18CB0  }
0x117: {  	[hbm4b:s7+s3] =	stream.linear.scatter [tilespmem:s6], [sflag:$0x3], $0x80, $0x38;
	[tilespmem:$0x1D300] =	vst v63  }
0x118: {  	s13 =	sadd.s32 $0x40, s1;
	s30 =	sadd.s32 $0x70, s1;
	s14 =	simm.s32 $0x18DD0  }
0x119: {  	[hbm4b:s13+s3] =	stream.linear.scatter [tilespmem:s12], [sflag:$0x3], $0x80, $0x38;
	[tilespmem:$0x1D300] =	vst v63  }
0x11a: {  	s18 =	sadd.s32 $0x50, s1;
	s24 =	simm.s32 $0x18E60;
	s31 =	sadd.s32 $0x60, s1  }
0x11b: {  	[hbm4b:s18+s3] =	stream.linear.scatter [tilespmem:s14], [sflag:$0x3], $0x80, $0x38;
	[tilespmem:$0x1D300] =	vst v63  }
0x11c: {  	s1 =	sadd.s32 $0x400, s1;
	s6 =	simm.s32 $0x2400;
	s14 =	simm.s32 $0x18EF0  }
0x11d: {  	v41 =	vmov v17;
	[hbm4b:s31+s3] =	stream.linear.scatter [tilespmem:s24], [sflag:$0x3], $0x80, $0x38;
	[tilespmem:$0x1D300] =	vst v63  }
.LBB2_5:
0x11e: {  	[hbm4b:s30+s3] =	stream.linear.scatter [tilespmem:s14], [sflag:$0x3], $0x80, $0x38;
	[tilespmem:$0x1D300] =	vst v63  }
0x11f: {  	s7 =	smov.u32 s0;
	s0 =	smov.u32 s6  }
0x120: {  	s12 =	sadd.s32 $0x1200, s6;
	s0 =	sshra.s32 s0, $0x2;
	s13 =	sadd.s32 $0x18B00, s7  }
0x121: {  	[hbm4b:s1+s3] =	stream.linear.scatter [tilespmem:s13], [sflag:$0x3], $0x80, $0x38;
	[tilespmem:$0x1D300] =	vst v63  }
0x122: {  	p1 =	sne.s32 s6, $0x7E00;
	s6 =	sadd.s32 $0x18B90, s7;
	s13 =	sadd.s32 $0x10, s1  }
0x123: {  	[hbm4b:s13+s3] =	stream.linear.scatter [tilespmem:s6], [sflag:$0x3], $0x80, $0x38;
	[tilespmem:$0x1D300] =	vst v63  }
0x124: {  	s6 =	sadd.s32 $0x18C20, s7;
	s13 =	sadd.s32 $0x20, s1  }
0x125: {  	[hbm4b:s13+s3] =	stream.linear.scatter [tilespmem:s6], [sflag:$0x3], $0x80, $0x38;
	[tilespmem:$0x1D300] =	vst v63  }
0x126: {  	s6 =	sadd.s32 $0x18CB0, s7;
	s13 =	sadd.s32 $0x30, s1  }
0x127: {  	[hbm4b:s13+s3] =	stream.linear.scatter [tilespmem:s6], [sflag:$0x3], $0x80, $0x38;
	[tilespmem:$0x1D300] =	vst v63  }
0x128: {  	s6 =	sadd.s32 $0x18D40, s7;
	s13 =	sadd.s32 $0x40, s1  }
0x129: {  	[hbm4b:s13+s3] =	stream.linear.scatter [tilespmem:s6], [sflag:$0x3], $0x80, $0x38;
	[tilespmem:$0x1D300] =	vst v63  }
.Ltmp1:
0x12a: {  	s6 =	sadd.s32 $0x18DD0, s7;
	s13 =	sadd.s32 $0x50, s1;
	(pc) =	sbr.rel @p1 .LBB2_5-.Ltmp1, $4  }
0x12b: {  	[hbm4b:s13+s3] =	stream.linear.scatter [tilespmem:s6], [sflag:$0x3], $0x80, $0x38;
	[tilespmem:$0x1D300] =	vst v63  }
0x12c: {  	s30 =	sadd.s32 $0x70, s1;
	s6 =	sadd.s32 $0x18E60, s7;
	s13 =	sadd.s32 $0x60, s1  }
0x12d: {  	[hbm4b:s13+s3] =	stream.linear.scatter [tilespmem:s6], [sflag:$0x3], $0x80, $0x38;
	[tilespmem:$0x1D300] =	vst v63  }
0x12e: {  	s14 =	sadd.s32 $0x18EF0, s7;
	s1 =	sadd.s32 $0x400, s1;
	s6 =	smov.u32 s12  }
0x12f: {  	[hbm4b:s30+s3] =	stream.linear.scatter [tilespmem:s14], [sflag:$0x3], $0x80, $0x38;
	[tilespmem:$0x1D300] =	vst v63  }
0x130: {  	s6 =	sadd.s32 $0x18B00, s0  }
0x131: {  	[hbm4b:s1+s3] =	stream.linear.scatter [tilespmem:s6], [sflag:$0x3], $0x80, $0x38;
	[tilespmem:$0x1D300] =	vst v63  }
0x132: {  	s12 =	sadd.s32 $0x18B90, s0;
	s7 =	sadd.s32 $0x10, s1  }
0x133: {  	[hbm4b:s7+s3] =	stream.linear.scatter [tilespmem:s12], [sflag:$0x3], $0x80, $0x38;
	[tilespmem:$0x1D300] =	vst v63  }
0x134: {  	s13 =	sadd.s32 $0x18C20, s0;
	s14 =	sadd.s32 $0x20, s1  }
0x135: {  	[hbm4b:s14+s3] =	stream.linear.scatter [tilespmem:s13], [sflag:$0x3], $0x80, $0x38;
	[tilespmem:$0x1D300] =	vst v63  }
0x136: {  	s18 =	sadd.s32 $0x18CB0, s0;
	s24 =	sadd.s32 $0x30, s1  }
0x137: {  	[hbm4b:s24+s3] =	stream.linear.scatter [tilespmem:s18], [sflag:$0x3], $0x80, $0x38;
	[tilespmem:$0x1D300] =	vst v63  }
0x138: {  	s7 =	sadd.s32 $0x18D40, s0;
	s12 =	sadd.s32 $0x40, s1  }
0x139: {  	[hbm4b:s12+s3] =	stream.linear.scatter [tilespmem:s7], [sflag:$0x3], $0x80, $0x38;
	[tilespmem:$0x1D300] =	vst v63  }
0x13a: {  	s6 =	sadd.s32 $0x18EF0, s0;
	s13 =	sadd.s32 $0x18DD0, s0;
	s14 =	sadd.s32 $0x50, s1  }
0x13b: {  	[hbm4b:s14+s3] =	stream.linear.scatter [tilespmem:s13], [sflag:$0x3], $0x80, $0x38;
	[tilespmem:$0x1D300] =	vst v63  }
0x13c: {  	s18 =	sadd.s32 $0x18E60, s0;
	s24 =	sadd.s32 $0x60, s1;
	s12 =	sadd.s32 s29, s4  }
0x13d: {  	[hbm4b:s24+s3] =	stream.linear.scatter [tilespmem:s18], [sflag:$0x3], $0x80, $0x38;
	[tilespmem:$0x1D300] =	vst v63  }
0x13e: {  	s0 =	simm.s32 @!p0 $0x4;
	s7 =	sadd.s32 $0x70, s1;
	s30 =	sadd.s32 $0x1, s12  }
0x13f: {  	[hbm4b:s7+s3] =	stream.linear.scatter [tilespmem:s6], [sflag:$0x3], $0x80, $0x38;
	[tilespmem:$0x1D300] =	vst v63  }
0x140: {  	s1 =	sshrl.u32 s30, $0x3;
	s13 =	simm.s32 $0x0;
	_ =	swait.ge @!p0 [sflag:s0], $0x2000  }
0x141: {  	s14 =	sshll.u32 s1, $0x6;
	v0 =	vmov s13;
	[sflag:s0] =	ssyncset.done @!p0 $0x0;
	v28 =	vld [tilespmem:$0x1FFB0]  }
0x142: {  	s18 =	sand.u32 $0x3FFFFFC0, s14;
	v0 =	vshrl.u32 v0, $0x3;
	v26 =	vld [tilespmem:$0x1FEC0];
	[sflag:s0] =	ssyncadd.s32 @!p0 $0xFFFFE000  }
0x143: {  	s24 =	simm.s32 $0x6CF0;
	v0 =	vshll.u32 v0, $0x3;
	v36 =	vld [tilespmem:s18+$0x1900]  }
0x144: {  	v39 =	vbroadcast v0, $0x0;
	v2 =	vld [tilespmem:s24+$0xFFFFFE10]  }
0x145: {  	v31 =	vld [tilespmem:$0x1FF40]  }
0x146: {  	v0 =	vadd.s32 v25, v39;
	v35 =	vld [tilespmem:s18+$0x1910]  }
0x147: {  	v3 =	vld [tilespmem:s24+$0xFFFFFFD0]  }
0x148: {  	v4 =	vld [tilespmem:s24+$0xFFFFFE90]  }
0x149: {  	v5 =	vld [tilespmem:s24+$0xFFFFFF10];
	v2 =	vadd.f32 v2, v36  }
0x14a: {  	v34 =	vld [tilespmem:s18+$0x1920];
	v6 =	vadd.s32 v28, v39  }
0x14b: {  	v33 =	vld [tilespmem:s18+$0x1930];
	v7 =	vadd.s32 v26, v39;
	[tilespmem:v0+s20+$0x0] =	vst.idx.msk $0xffff, v2  }
0x14c: {  	v8 =	vadd.s32 v31, v39;
	v29 =	vld [tilespmem:$0x1FFD0]  }
0x14d: {  	v0 =	vadd.f32 v3, v36  }
0x14e: {  	v2 =	vadd.f32 v4, v36  }
0x14f: {  	v9 =	vld [tilespmem:s24+$0xFFFFFE50];
	v5 =	vadd.f32 v5, v36;
	[tilespmem:v6+s20+$0x0] =	vst.idx.msk $0xffff, v0  }
0x150: {  	v3 =	vld [tilespmem:s24+$0xFFFFFE20];
	[tilespmem:v7+s20+$0x0] =	vst.idx.msk $0xffff, v2  }
0x151: {  	v40 =	vld [tilespmem:$0x1FF90];
	[tilespmem:v8+s20+$0x0] =	vst.idx.msk $0xffff, v5;
	v10 =	vadd.s32 v29, v39  }
0x152: {  	v42 =	vld [tilespmem:$0x1FE80]  }
0x153: {  	v27 =	vld [tilespmem:$0x1FED0]  }
0x154: {  	v4 =	vld [tilespmem:s24+$0xFFFFFF90];
	v5 =	vadd.f32 v9, v36  }
0x155: {  	v0 =	vadd.s32 v24, v39;
	v2 =	vld [tilespmem:s24+$0xFFFFFFE0]  }
0x156: {  	v7 =	vld [tilespmem:s24+$0xFFFFFEA0];
	v6 =	vadd.s32 v40, v39;
	[tilespmem:v10+s20+$0x0] =	vst.idx.msk $0xffff, v5  }
0x157: {  	v9 =	vadd.s32 v42, v39;
	v45 =	vld [tilespmem:$0x1FF50]  }
0x158: {  	v3 =	vadd.f32 v3, v35;
	v12 =	vadd.s32 v27, v39;
	v43 =	vld [tilespmem:$0x1FF10]  }
0x159: {  	v4 =	vadd.f32 v4, v36  }
0x15a: {  	v8 =	vld [tilespmem:s24+$0xFFFFFF20];
	[tilespmem:v0+s20+$0x0] =	vst.idx.msk $0xffff, v3;
	v0 =	vadd.f32 v2, v35  }
0x15b: {  	v11 =	vld [tilespmem:s24+$0xFFFFFED0];
	v2 =	vadd.f32 v7, v35;
	[tilespmem:v6+s20+$0x0] =	vst.idx.msk $0xffff, v4  }
0x15c: {  	[tilespmem:v9+s20+$0x0] =	vst.idx.msk $0xffff, v0;
	v5 =	vadd.s32 v45, v39  }
0x15d: {  	[tilespmem:v12+s20+$0x0] =	vst.idx.msk $0xffff, v2;
	v10 =	vadd.s32 v43, v39  }
0x15e: {  	v32 =	vld [tilespmem:$0x1FF60]  }
0x15f: {  	s31 =	simm.s32 $0x6EF0;
	v13 =	vld [tilespmem:s24+$0xFFFFFF50];
	v0 =	vadd.f32 v8, v35  }
0x160: {  	v18 =	vld [tilespmem:s31+$0xFFFFFF90];
	v2 =	vadd.f32 v11, v36  }
0x161: {  	v3 =	vld [tilespmem:s24+$0xFFFFFE30];
	[tilespmem:v5+s20+$0x0] =	vst.idx.msk $0xffff, v0  }
0x162: {  	v8 =	vld [tilespmem:s24+$0xFFFFFEB0];
	[tilespmem:v10+s20+$0x0] =	vst.idx.msk $0xffff, v2  }
0x163: {  	v7 =	vadd.s32 v32, v39;
	v49 =	vld [tilespmem:$0x1FF20]  }
0x164: {  	v2 =	vadd.s32 v63, v39;
	v52 =	vld [tilespmem:$0x1FFA0]  }
0x165: {  	v51 =	vld [tilespmem:$0x1FF80]  }
0x166: {  	v0 =	vadd.f32 v13, v36;
	v19 =	vld [tilespmem:$0x1FEE0]  }
0x167: {  	v3 =	vadd.f32 v3, v34;
	v21 =	vld [tilespmem:$0x1FE60]  }
0x168: {  	v55 =	vld [tilespmem:$0x1FFC0];
	[tilespmem:v7+s20+$0x0] =	vst.idx.msk $0xffff, v0  }
0x169: {  	v5 =	vld [tilespmem:s24+$0xFFFFFF30];
	[tilespmem:v2+s20+$0x0] =	vst.idx.msk $0xffff, v3  }
0x16a: {  	v0 =	vld [tilespmem:$0x1FE90]  }
0x16b: {  	v16 =	vadd.s32 v1, v39;
	v14 =	vld [tilespmem:s24+$0xFFFFFE60]  }
0x16c: {  	s0 =	simm.s32 $0x8;
	v12 =	vld [tilespmem:s24+$0xFFFFFEE0];
	v19 =	vadd.s32 v19, v39  }
0x16d: {  	v15 =	vmov s0;
	v6 =	vld [tilespmem:s24+$0xFFFFFFF0];
	v22 =	vadd.s32 v55, v39  }
0x16e: {  	v15 =	vshrl.u32 v15, $0x3;
	v4 =	vld [tilespmem:s24+$0xFFFFFFA0];
	v9 =	vadd.s32 v49, v39;
	v3 =	vadd.f32 v5, v34  }
0x16f: {  	v15 =	vshll.u32 v15, $0x3;
	v8 =	vadd.f32 v8, v34;
	v13 =	vld [tilespmem:s31+$0xFFFFFE50];
	v0 =	vadd.s32 v0, v39  }
0x170: {  	v37 =	vbroadcast v15, $0x0;
	v14 =	vadd.f32 v14, v35;
	v2 =	vld [tilespmem:s31+$0xFFFFFE10];
	[tilespmem:v16+s20+$0x0] =	vst.idx.msk $0xffff, v3  }
0x171: {  	v7 =	vld [tilespmem:s31+$0xFFFFFE90];
	v12 =	vadd.f32 v12, v35;
	[tilespmem:v19+s20+$0x0] =	vst.idx.msk $0xffff, v8  }
0x172: {  	v6 =	vadd.f32 v6, v34;
	v3 =	vadd.s32 v25, v37;
	v57 =	vld [tilespmem:$0x1FE10];
	[tilespmem:v22+s20+$0x0] =	vst.idx.msk $0xffff, v14  }
0x173: {  	v5 =	vld [tilespmem:s31+$0xFFFFFF10];
	[tilespmem:v9+s20+$0x0] =	vst.idx.msk $0xffff, v12;
	v9 =	vadd.s32 v26, v37  }
0x174: {  	v10 =	vadd.s32 v52, v39;
	v12 =	vld [tilespmem:s24+$0xFFFFFE40];
	[tilespmem:v0+s20+$0x0] =	vst.idx.msk $0xffff, v6  }
0x175: {  	v53 =	vmovc v26;
	v11 =	vadd.s32 v20, v39;
	v2 =	vadd.f32 v2, v36;
	v8 =	vadd.s32 v29, v37;
	v26 =	vld [tilespmem:$0x1FF70]  }
0x176: {  	v15 =	vld [tilespmem:s31+$0xFFFFFFD0];
	v13 =	vadd.f32 v13, v36;
	v7 =	vadd.f32 v7, v36;
	v14 =	vadd.s32 v30, v39  }
0x177: {  	v44 =	vld [tilespmem:s24+$0xFFFFFF60];
	[tilespmem:v3+s20+$0x0] =	vst.idx.msk $0xffff, v2;
	v3 =	vadd.f32 v4, v35;
	v4 =	vadd.s32 v31, v37  }
0x178: {  	v20 =	vadd.s32 v21, v39;
	v21 =	vld [tilespmem:s31+$0xFFFFFF50];
	[tilespmem:v9+s20+$0x0] =	vst.idx.msk $0xffff, v7;
	v9 =	vadd.s32 v28, v37  }
0x179: {  	v6 =	vld [tilespmem:s31+$0xFFFFFED0];
	v12 =	vadd.f32 v12, v33;
	[tilespmem:v10+s20+$0x0] =	vst.idx.msk $0xffff, v3;
	v10 =	vadd.s32 v40, v37  }
0x17a: {  	v5 =	vadd.f32 v5, v36;
	v2 =	vld [tilespmem:s24+$0xFFFFFEF0];
	[tilespmem:v8+s20+$0x0] =	vst.idx.msk $0xffff, v13;
	v0 =	vadd.s32 v26, v39  }
0x17b: {  	v15 =	vadd.f32 v15, v36;
	v8 =	vld [tilespmem:s24+$0xFFFFFEC0];
	[tilespmem:v14+s20+$0x0] =	vst.idx.msk $0xffff, v12  }
0x17c: {  	v7 =	vld [tilespmem:s24+$0xFFFFFE70];
	v12 =	vadd.f32 v18, v36;
	[tilespmem:v4+s20+$0x0] =	vst.idx.msk $0xffff, v5  }
0x17d: {  	v13 =	vadd.f32 v44, v35;
	v3 =	vld [tilespmem:s31+$0xFFFFFE20];
	[tilespmem:v9+s20+$0x0] =	vst.idx.msk $0xffff, v15  }
0x17e: {  	v16 =	vadd.s32 v57, v39;
	v22 =	vld [tilespmem:s24+$0xFFFFFFB0];
	[tilespmem:v10+s20+$0x0] =	vst.idx.msk $0xffff, v12  }
0x17f: {  	[tilespmem:v0+s20+$0x0] =	vst.idx.msk $0xffff, v13;
	v0 =	vadd.s32 v24, v37;
	v13 =	vld [tilespmem:s31+$0xFFFFFEA0]  }
0x180: {  	v9 =	vld [tilespmem:$0x1FF30]  }
0x181: {  	v5 =	vadd.s32 v27, v37;
	v7 =	vadd.f32 v7, v34;
	v10 =	vld [tilespmem:s24+$0xFFFFFF70]  }
0x182: {  	v44 =	vld [tilespmem:s31+$0xFFFFFE60];
	v3 =	vadd.f32 v3, v35  }
0x183: {  	v17 =	vadd.s32 v51, v39;
	v4 =	vld [tilespmem:s24+$0xFFFFFF40];
	[tilespmem:v16+s20+$0x0] =	vst.idx.msk $0xffff, v7;
	v7 =	vadd.f32 v22, v34  }
0x184: {  	v15 =	vld [tilespmem:s31+$0xFFFFFF20];
	[tilespmem:v0+s20+$0x0] =	vst.idx.msk $0xffff, v3;
	v0 =	vadd.f32 v13, v35  }
0x185: {  	[tilespmem:v20+s20+$0x0] =	vst.idx.msk $0xffff, v7;
	v3 =	vld [tilespmem:s31+$0xFFFFFFE0];
	v50 =	vmov v9;
	v9 =	vadd.s32 v9, v39  }
0x186: {  	v12 =	vld [tilespmem:s24+$0x0];
	[tilespmem:v5+s20+$0x0] =	vst.idx.msk $0xffff, v0;
	v0 =	vadd.f32 v2, v34;
	v2 =	vadd.f32 v10, v34  }
0x187: {  	v8 =	vadd.f32 v8, v33;
	v61 =	vld [tilespmem:s24+$0xFFFFFFC0];
	v5 =	vadd.s32 v42, v37  }
0x188: {  	v7 =	vadd.s32 v41, v39;
	v13 =	vld [tilespmem:s24+$0xFFFFFE80];
	[tilespmem:v17+s20+$0x0] =	vst.idx.msk $0xffff, v2  }
0x189: {  	v14 =	vadd.s32 v43, v37;
	[tilespmem:v11+s20+$0x0] =	vst.idx.msk $0xffff, v8;
	v17 =	vld [tilespmem:s24+$0xFFFFFF80]  }
0x18a: {  	v23 =	vadd.f32 v4, v33;
	v4 =	vadd.f32 v3, v35;
	[tilespmem:v9+s20+$0x0] =	vst.idx.msk $0xffff, v0;
	v9 =	vld [tilespmem:s31+$0xFFFFFE30]  }
0x18b: {  	v56 =	vmov v28;
	v12 =	vadd.f32 v12, v33;
	v28 =	vld [tilespmem:$0x1FE40]  }
0x18c: {  	v47 =	vmov v29;
	v29 =	vmov v27;
	v27 =	vld [tilespmem:$0x1FE30];
	[tilespmem:v5+s20+$0x0] =	vst.idx.msk $0xffff, v4;
	v4 =	vadd.f32 v6, v36  }
0x18d: {  	v59 =	vmovc v40;
	v58 =	vmov v42;
	v54 =	vmov v49;
	v40 =	vadd.s32 v49, v37;
	v49 =	vld [tilespmem:$0x1FE20];
	[tilespmem:v7+s20+$0x0] =	vst.idx.msk $0xffff, v12  }
0x18e: {  	v60 =	vmov v52;
	v16 =	vadd.s32 v45, v37;
	v42 =	vadd.s32 v52, v37;
	v52 =	vld [tilespmem:$0x1FE50];
	[tilespmem:v14+s20+$0x0] =	vst.idx.msk $0xffff, v4  }
0x18f: {  	v62 =	vmov v31;
	v6 =	vld [tilespmem:$0x1FF00]  }
0x190: {  	v48 =	vmovc v32;
	v38 =	vadd.s32 v32, v37;
	v32 =	vmovc v45;
	v31 =	vmov v43;
	v0 =	vld [tilespmem:s31+$0xFFFFFFA0];
	v8 =	vadd.s32 v28, v39  }
0x191: {  	v43 =	vadd.f32 v21, v36;
	v45 =	vmovc v41;
	v41 =	vadd.s32 v51, v37;
	v11 =	vld [tilespmem:s24+$0xFFFFFF00];
	v5 =	vadd.f32 v15, v35  }
0x192: {  	v2 =	vadd.s32 v46, v39;
	v13 =	vadd.f32 v13, v33;
	v7 =	vld [tilespmem:s31+$0xFFFFFFF0];
	v14 =	vadd.f32 v61, v33  }
0x193: {  	v4 =	vld [tilespmem:s31+$0xFFFFFEB0];
	[tilespmem:v16+s20+$0x0] =	vst.idx.msk $0xffff, v5;
	v15 =	vadd.f32 v17, v33;
	v10 =	vadd.s32 v49, v39  }
0x194: {  	v5 =	vld [tilespmem:s31+$0xFFFFFEE0];
	v3 =	vadd.s32 v27, v39;
	v12 =	vadd.s32 v52, v39;
	v39 =	vadd.s32 v6, v37  }
0x195: {  	s6 =	simm.s32 $0x70F0;
	v61 =	vmov v24;
	v6 =	vadd.f32 v9, v34;
	v9 =	vadd.s32 v63, v37;
	[tilespmem:v8+s20+$0x0] =	vst.idx.msk $0xffff, v23;
	v8 =	vld [tilespmem:s31+$0xFFFFFF30]  }
.LBB2_7:
0x196: {  	v19 =	vld [tilespmem:$0x1FEE0]  }
0x197: {  	v16 =	vld [tilespmem:s6+$0xFFFFFE50]  }
0x198: {  	s0 =	sadd.s32 $0x8, s0;
	v17 =	vld [tilespmem:$0x1FE60];
	[tilespmem:v10+s20+$0x0] =	vst.idx.msk $0xffff, v13;
	v10 =	vadd.f32 v11, v33  }
0x199: {  	v20 =	vadd.s32 v55, v37;
	v13 =	vld [tilespmem:s6+$0xFFFFFF90];
	[tilespmem:v2+s20+$0x0] =	vst.idx.msk $0xffff, v14;
	v11 =	vmov s0  }
0x19a: {  	v18 =	vadd.s32 v1, v37;
	v11 =	vshrl.u32 v11, $0x3;
	[tilespmem:v3+s20+$0x0] =	vst.idx.msk $0xffff, v10;
	v3 =	vld [tilespmem:s6+$0xFFFFFE10]  }
0x19b: {  	v19 =	vadd.s32 v19, v37;
	v2 =	vshll.u32 v11, $0x3;
	[tilespmem:v9+s20+$0x0] =	vst.idx.msk $0xffff, v6;
	v9 =	vld [tilespmem:$0x1FE90]  }
0x19c: {  	v22 =	vld [tilespmem:s6+$0xFFFFFFD0];
	v23 =	vadd.f32 v44, v35;
	[tilespmem:v12+s20+$0x0] =	vst.idx.msk $0xffff, v15;
	v21 =	vbroadcast v2, $0x0  }
0x19d: {  	v12 =	vld [tilespmem:s6+$0xFFFFFF50];
	[tilespmem:v38+s20+$0x0] =	vst.idx.msk $0xffff, v43;
	v2 =	vadd.f32 v8, v34  }
0x19e: {  	v4 =	vadd.f32 v4, v34;
	v11 =	vld [tilespmem:s6+$0xFFFFFF10];
	[tilespmem:v20+s20+$0x0] =	vst.idx.msk $0xffff, v23;
	v10 =	vadd.s32 v25, v21  }
0x19f: {  	v0 =	vadd.f32 v0, v35;
	v8 =	vld [tilespmem:s6+$0xFFFFFE90];
	[tilespmem:v18+s20+$0x0] =	vst.idx.msk $0xffff, v2;
	v2 =	vadd.s32 v47, v21  }
0x1a0: {  	v20 =	vld [tilespmem:s6+$0xFFFFFED0];
	v9 =	vadd.s32 v9, v37;
	[tilespmem:v19+s20+$0x0] =	vst.idx.msk $0xffff, v4;
	v4 =	vadd.f32 v5, v35  }
0x1a1: {  	v15 =	vadd.s32 v57, v37;
	[tilespmem:v42+s20+$0x0] =	vst.idx.msk $0xffff, v0;
	v5 =	vld [tilespmem:s31+$0xFFFFFF60];
	v3 =	vadd.f32 v3, v36  }
0x1a2: {  	v18 =	vadd.s32 v53, v21;
	v19 =	vld [tilespmem:s31+$0xFFFFFE40];
	[tilespmem:v40+s20+$0x0] =	vst.idx.msk $0xffff, v4;
	v4 =	vadd.f32 v16, v36  }
0x1a3: {  	v7 =	vadd.f32 v7, v34;
	v6 =	vadd.s32 v26, v37;
	v24 =	vld [tilespmem:s31+$0xFFFFFEF0];
	[tilespmem:v10+s20+$0x0] =	vst.idx.msk $0xffff, v3  }
0x1a4: {  	v16 =	vadd.s32 v62, v21;
	v3 =	vadd.f32 v8, v36;
	v8 =	vld [tilespmem:s6+$0xFFFFFE20];
	[tilespmem:v2+s20+$0x0] =	vst.idx.msk $0xffff, v4  }
0x1a5: {  	v14 =	vadd.s32 v30, v37;
	v17 =	vadd.s32 v17, v37;
	[tilespmem:v9+s20+$0x0] =	vst.idx.msk $0xffff, v7;
	v7 =	vld [tilespmem:s31+$0xFFFFFEC0]  }
0x1a6: {  	v43 =	vadd.f32 v12, v36;
	v0 =	vadd.s32 v56, v21;
	v4 =	vadd.f32 v5, v35;
	v10 =	vld [tilespmem:s31+$0xFFFFFE70]  }
0x1a7: {  	v2 =	vadd.s32 v59, v21;
	v5 =	vadd.f32 v11, v36;
	[tilespmem:v18+s20+$0x0] =	vst.idx.msk $0xffff, v3;
	v3 =	vld [tilespmem:s31+$0xFFFFFF40]  }
0x1a8: {  	v9 =	vadd.f32 v19, v33;
	v11 =	vadd.s32 v61, v21;
	v12 =	vld [tilespmem:s6+$0xFFFFFEA0];
	[tilespmem:v6+s20+$0x0] =	vst.idx.msk $0xffff, v4  }
0x1a9: {  	v13 =	vadd.f32 v13, v36;
	v44 =	vld [tilespmem:s6+$0xFFFFFE60];
	[tilespmem:v16+s20+$0x0] =	vst.idx.msk $0xffff, v5;
	v5 =	vadd.f32 v22, v36  }
0x1aa: {  	v38 =	vadd.s32 v48, v21;
	v4 =	vadd.s32 v29, v21;
	[tilespmem:v14+s20+$0x0] =	vst.idx.msk $0xffff, v9;
	v9 =	vld [tilespmem:s31+$0xFFFFFF70]  }
0x1ab: {  	v8 =	vadd.f32 v8, v35;
	[tilespmem:v0+s20+$0x0] =	vst.idx.msk $0xffff, v5;
	v6 =	vadd.f32 v7, v33;
	v7 =	vld [tilespmem:s31+$0xFFFFFFB0]  }
0x1ac: {  	v23 =	vadd.s32 v31, v21;
	[tilespmem:v2+s20+$0x0] =	vst.idx.msk $0xffff, v13;
	v0 =	vadd.f32 v10, v34;
	v5 =	vld [tilespmem:s31+$0x0]  }
0x1ad: {  	v42 =	vadd.s32 v60, v21;
	v10 =	vld [tilespmem:s6+$0xFFFFFFE0];
	[tilespmem:v11+s20+$0x0] =	vst.idx.msk $0xffff, v8;
	v8 =	vadd.f32 v12, v35  }
0x1ae: {  	v16 =	vadd.s32 v32, v21;
	v2 =	vadd.s32 v50, v37;
	v12 =	vld [tilespmem:s6+$0xFFFFFF20];
	[tilespmem:v15+s20+$0x0] =	vst.idx.msk $0xffff, v0  }
0x1af: {  	[tilespmem:v4+s20+$0x0] =	vst.idx.msk $0xffff, v8;
	v4 =	vadd.s32 v58, v21;
	v8 =	vld [tilespmem:s6+$0xFFFFFE30];
	v9 =	vadd.f32 v9, v34  }
0x1b0: {  	[tilespmem:v39+s20+$0x0] =	vst.idx.msk $0xffff, v6;
	v6 =	vadd.f32 v20, v36;
	v20 =	vld [tilespmem:$0x1FF00];
	v0 =	vadd.f32 v7, v34  }
0x1b1: {  	v15 =	vadd.f32 v3, v33;
	v3 =	vadd.f32 v24, v34;
	v7 =	vld [tilespmem:s31+$0xFFFFFE80];
	[tilespmem:v41+s20+$0x0] =	vst.idx.msk $0xffff, v9  }
0x1b2: {  	v40 =	vadd.s32 v54, v21;
	v18 =	vadd.s32 v28, v37;
	v19 =	vld [tilespmem:s31+$0xFFFFFF80];
	[tilespmem:v17+s20+$0x0] =	vst.idx.msk $0xffff, v0  }
0x1b3: {  	v14 =	vadd.s32 v45, v37;
	[tilespmem:v2+s20+$0x0] =	vst.idx.msk $0xffff, v3;
	v11 =	vadd.f32 v10, v35;
	v17 =	vld [tilespmem:s31+$0xFFFFFFC0]  }
0x1b4: {  	p0 =	slt.u32 s0, $0x78;
	v2 =	vadd.s32 v46, v37;
	v3 =	vadd.s32 v27, v37;
	v9 =	vadd.f32 v12, v35;
	v0 =	vld [tilespmem:s6+$0xFFFFFFA0]  }
.Ltmp2:
0x1b5: {  	v10 =	vadd.s32 v49, v37;
	v12 =	vadd.s32 v52, v37;
	v37 =	vmov v21;
	[tilespmem:v4+s20+$0x0] =	vst.idx.msk $0xffff, v11;
	v11 =	vld [tilespmem:s31+$0xFFFFFF00];
	(pc) =	sbr.rel @p0 .LBB2_7-.Ltmp2, $4  }
0x1b6: {  	v5 =	vadd.f32 v5, v33;
	v41 =	vadd.s32 v51, v37;
	s31 =	smov.u32 s6;
	v4 =	vld [tilespmem:s6+$0xFFFFFEB0];
	[tilespmem:v16+s20+$0x0] =	vst.idx.msk $0xffff, v9  }
0x1b7: {  	[tilespmem:v23+s20+$0x0] =	vst.idx.msk $0xffff, v6;
	v6 =	vadd.f32 v8, v34;
	v9 =	vadd.s32 v63, v37;
	v8 =	vld [tilespmem:s31+$0xFFFFFF30]  }
0x1b8: {  	v39 =	vadd.s32 v20, v37;
	[tilespmem:v18+s20+$0x0] =	vst.idx.msk $0xffff, v15;
	v13 =	vadd.f32 v7, v33;
	v7 =	vld [tilespmem:s6+$0xFFFFFFF0]  }
0x1b9: {  	[tilespmem:v14+s20+$0x0] =	vst.idx.msk $0xffff, v5;
	v5 =	vld [tilespmem:s6+$0xFFFFFEE0];
	s6 =	sadd.s32 $0x200, s6;
	v15 =	vadd.f32 v19, v33;
	v14 =	vadd.f32 v17, v33  }
0x1ba: {  	_ =	sdelay $0x3  }
0x1bb: {  	[tilespmem:v38+s20+$0x0] =	vst.idx.msk $0xffff, v43;
	v17 =	vadd.s32 v55, v37  }
0x1bc: {  	[tilespmem:v10+s20+$0x0] =	vst.idx.msk $0xffff, v13  }
0x1bd: {  	v11 =	vadd.f32 v11, v33;
	v16 =	vld [tilespmem:s31+$0xFFFFFF60];
	[tilespmem:v12+s20+$0x0] =	vst.idx.msk $0xffff, v15  }
0x1be: {  	v18 =	vmov v25;
	v25 =	vmov v58;
	v58 =	vadd.f32 v44, v35;
	[tilespmem:v2+s20+$0x0] =	vst.idx.msk $0xffff, v14  }
0x1bf: {  	v56 =	vadd.s32 v26, v37;
	v0 =	vadd.f32 v0, v35;
	[tilespmem:v3+s20+$0x0] =	vst.idx.msk $0xffff, v11  }
0x1c0: {  	v11 =	vld [tilespmem:$0x1FEE0];
	v5 =	vadd.f32 v5, v35;
	[tilespmem:v17+s20+$0x0] =	vst.idx.msk $0xffff, v58  }
0x1c1: {  	v2 =	vld [tilespmem:$0x1FE90];
	[tilespmem:v42+s20+$0x0] =	vst.idx.msk $0xffff, v0  }
0x1c2: {  	v22 =	vmov v62;
	v62 =	vadd.f32 v16, v35;
	[tilespmem:v40+s20+$0x0] =	vst.idx.msk $0xffff, v5  }
0x1c3: {  	v36 =	vld [tilespmem:s31+$0xFFFFFE70];
	[tilespmem:v9+s20+$0x0] =	vst.idx.msk $0xffff, v6  }
0x1c4: {  	v38 =	vadd.s32 v1, v37;
	v47 =	vld [tilespmem:s31+$0xFFFFFEF0];
	[tilespmem:v56+s20+$0x0] =	vst.idx.msk $0xffff, v62  }
0x1c5: {  	v61 =	vmov v48;
	v19 =	vmov v11;
	v11 =	vadd.s32 v11, v37;
	v48 =	vld [tilespmem:$0x1FE60]  }
0x1c6: {  	v58 =	vadd.s32 v50, v37  }
0x1c7: {  	v43 =	vadd.s32 v57, v37;
	v8 =	vadd.f32 v8, v34;
	v42 =	vld [tilespmem:s31+$0xFFFFFF70]  }
0x1c8: {  	v4 =	vadd.f32 v4, v34;
	v44 =	vld [tilespmem:s31+$0xFFFFFFB0];
	v2 =	vadd.s32 v2, v37  }
0x1c9: {  	v55 =	vld [tilespmem:s31+$0xFFFFFE40];
	[tilespmem:v38+s20+$0x0] =	vst.idx.msk $0xffff, v8;
	v6 =	vadd.f32 v47, v34  }
0x1ca: {  	v63 =	vmov v51;
	v8 =	vld [tilespmem:s31+$0xFFFFFF40];
	v57 =	vadd.f32 v36, v34;
	[tilespmem:v11+s20+$0x0] =	vst.idx.msk $0xffff, v4;
	v51 =	vadd.s32 v48, v37  }
0x1cb: {  	v7 =	vadd.f32 v7, v34;
	v62 =	vadd.s32 v30, v37;
	v56 =	vld [tilespmem:s31+$0xFFFFFEC0];
	[tilespmem:v58+s20+$0x0] =	vst.idx.msk $0xffff, v6  }
0x1cc: {  	v40 =	vadd.s32 v28, v37;
	[tilespmem:v43+s20+$0x0] =	vst.idx.msk $0xffff, v57;
	v0 =	vadd.f32 v42, v34;
	v47 =	vld [tilespmem:s31+$0xFFFFFF00]  }
0x1cd: {  	v5 =	vadd.f32 v44, v34;
	[tilespmem:v2+s20+$0x0] =	vst.idx.msk $0xffff, v7;
	v7 =	vld [tilespmem:s31+$0xFFFFFE80]  }
0x1ce: {  	v38 =	vadd.f32 v55, v33;
	v57 =	vadd.s32 v27, v37;
	[tilespmem:v41+s20+$0x0] =	vst.idx.msk $0xffff, v0;
	v35 =	vld [tilespmem:s31+$0x0]  }
0x1cf: {  	v44 =	vadd.s32 v49, v37;
	v8 =	vadd.f32 v8, v33;
	v41 =	vld [tilespmem:s31+$0xFFFFFF80];
	[tilespmem:v51+s20+$0x0] =	vst.idx.msk $0xffff, v5  }
0x1d0: {  	v36 =	vadd.s32 v45, v37;
	[tilespmem:v62+s20+$0x0] =	vst.idx.msk $0xffff, v38;
	v2 =	vadd.f32 v56, v33;
	v43 =	vld [tilespmem:s31+$0xFFFFFFC0]  }
0x1d1: {  	v48 =	vadd.s32 v52, v37;
	[tilespmem:v40+s20+$0x0] =	vst.idx.msk $0xffff, v8;
	v3 =	vadd.f32 v47, v33  }
0x1d2: {  	v56 =	vadd.s32 v46, v37;
	[tilespmem:v39+s20+$0x0] =	vst.idx.msk $0xffff, v2;
	v7 =	vadd.f32 v7, v33  }
0x1d3: {  	v42 =	vmov v45;
	v45 =	vadd.f32 v35, v33;
	[tilespmem:v57+s20+$0x0] =	vst.idx.msk $0xffff, v3  }
0x1d4: {  	s0 =	sshll.u32 s30, $0x7;
	v58 =	vadd.f32 v41, v33;
	[tilespmem:v44+s20+$0x0] =	vst.idx.msk $0xffff, v7  }
0x1d5: {  	s0 =	sand.u32 $0x380, s0;
	[tilespmem:v36+s20+$0x0] =	vst.idx.msk $0xffff, v45;
	v62 =	vadd.f32 v43, v33  }
0x1d6: {  	s1 =	sshll.u32 s1, $0xD;
	s0 =	sadd.s32 s2, s0;
	[tilespmem:v48+s20+$0x0] =	vst.idx.msk $0xffff, v58  }
0x1d7: {  	s14 =	simm.s32 $0x1AF00;
	s1 =	sadd.s32 s1, s0;
	[tilespmem:v56+s20+$0x0] =	vst.idx.msk $0xffff, v62  }
0x1d8: {  	[hbm4b:s1+s3] =	stream.linear.scatter [tilespmem:s14], [sflag:$0x4], $0x80, $0x38;
	[tilespmem:$0x1D300] =	vst v63  }
0x1d9: {  	s18 =	simm.s32 $0x1AF90;
	s6 =	sadd.s32 $0x10, s1  }
0x1da: {  	[hbm4b:s6+s3] =	stream.linear.scatter [tilespmem:s18], [sflag:$0x4], $0x80, $0x38;
	[tilespmem:$0x1D300] =	vst v63  }
0x1db: {  	s24 =	simm.s32 $0x1B020;
	s12 =	simm.s32 $0x1B140;
	s31 =	sadd.s32 $0x20, s1  }
0x1dc: {  	[hbm4b:s31+s3] =	stream.linear.scatter [tilespmem:s24], [sflag:$0x4], $0x80, $0x38;
	[tilespmem:$0x1D300] =	vst v63  }
0x1dd: {  	s0 =	simm.s32 $0x480;
	s7 =	sadd.s32 $0x30, s1;
	s6 =	simm.s32 $0x1B0B0  }
0x1de: {  	[hbm4b:s7+s3] =	stream.linear.scatter [tilespmem:s6], [sflag:$0x4], $0x80, $0x38;
	[tilespmem:$0x1D300] =	vst v63  }
0x1df: {  	s13 =	sadd.s32 $0x40, s1;
	s30 =	sadd.s32 $0x70, s1;
	s14 =	simm.s32 $0x1B1D0  }
0x1e0: {  	[hbm4b:s13+s3] =	stream.linear.scatter [tilespmem:s12], [sflag:$0x4], $0x80, $0x38;
	[tilespmem:$0x1D300] =	vst v63  }
0x1e1: {  	s18 =	sadd.s32 $0x50, s1;
	s24 =	simm.s32 $0x1B260;
	s31 =	sadd.s32 $0x60, s1  }
0x1e2: {  	[hbm4b:s18+s3] =	stream.linear.scatter [tilespmem:s14], [sflag:$0x4], $0x80, $0x38;
	[tilespmem:$0x1D300] =	vst v63  }
0x1e3: {  	s1 =	sadd.s32 $0x400, s1;
	s6 =	simm.s32 $0x2400;
	s14 =	simm.s32 $0x1B2F0  }
0x1e4: {  	v24 =	vmovc v26;
	v16 =	vmov v1;
	v52 =	vmov v46;
	v41 =	vmov v49;
	[hbm4b:s31+s3] =	stream.linear.scatter [tilespmem:s24], [sflag:$0x4], $0x80, $0x38;
	[tilespmem:$0x1D300] =	vst v63  }
.LBB2_9:
0x1e5: {  	[hbm4b:s30+s3] =	stream.linear.scatter [tilespmem:s14], [sflag:$0x4], $0x80, $0x38;
	[tilespmem:$0x1D300] =	vst v63  }
0x1e6: {  	s7 =	smov.u32 s0;
	s0 =	smov.u32 s6  }
0x1e7: {  	s12 =	sadd.s32 $0x1200, s6;
	s0 =	sshra.s32 s0, $0x2;
	s13 =	sadd.s32 $0x1AF00, s7  }
0x1e8: {  	[hbm4b:s1+s3] =	stream.linear.scatter [tilespmem:s13], [sflag:$0x4], $0x80, $0x38;
	[tilespmem:$0x1D300] =	vst v63  }
0x1e9: {  	p0 =	sne.s32 s6, $0x7E00;
	s6 =	sadd.s32 $0x1AF90, s7;
	s13 =	sadd.s32 $0x10, s1  }
0x1ea: {  	[hbm4b:s13+s3] =	stream.linear.scatter [tilespmem:s6], [sflag:$0x4], $0x80, $0x38;
	[tilespmem:$0x1D300] =	vst v63  }
0x1eb: {  	s6 =	sadd.s32 $0x1B020, s7;
	s13 =	sadd.s32 $0x20, s1  }
0x1ec: {  	[hbm4b:s13+s3] =	stream.linear.scatter [tilespmem:s6], [sflag:$0x4], $0x80, $0x38;
	[tilespmem:$0x1D300] =	vst v63  }
0x1ed: {  	s6 =	sadd.s32 $0x1B0B0, s7;
	s13 =	sadd.s32 $0x30, s1  }
0x1ee: {  	[hbm4b:s13+s3] =	stream.linear.scatter [tilespmem:s6], [sflag:$0x4], $0x80, $0x38;
	[tilespmem:$0x1D300] =	vst v63  }
0x1ef: {  	s6 =	sadd.s32 $0x1B140, s7;
	s13 =	sadd.s32 $0x40, s1  }
0x1f0: {  	[hbm4b:s13+s3] =	stream.linear.scatter [tilespmem:s6], [sflag:$0x4], $0x80, $0x38;
	[tilespmem:$0x1D300] =	vst v63  }
.Ltmp3:
0x1f1: {  	s6 =	sadd.s32 $0x1B1D0, s7;
	s13 =	sadd.s32 $0x50, s1;
	(pc) =	sbr.rel @p0 .LBB2_9-.Ltmp3, $4  }
0x1f2: {  	[hbm4b:s13+s3] =	stream.linear.scatter [tilespmem:s6], [sflag:$0x4], $0x80, $0x38;
	[tilespmem:$0x1D300] =	vst v63  }
0x1f3: {  	s30 =	sadd.s32 $0x70, s1;
	s6 =	sadd.s32 $0x1B260, s7;
	s13 =	sadd.s32 $0x60, s1  }
0x1f4: {  	[hbm4b:s13+s3] =	stream.linear.scatter [tilespmem:s6], [sflag:$0x4], $0x80, $0x38;
	[tilespmem:$0x1D300] =	vst v63  }
0x1f5: {  	s14 =	sadd.s32 $0x1B2F0, s7;
	s1 =	sadd.s32 $0x400, s1;
	s6 =	smov.u32 s12  }
0x1f6: {  	[hbm4b:s30+s3] =	stream.linear.scatter [tilespmem:s14], [sflag:$0x4], $0x80, $0x38;
	[tilespmem:$0x1D300] =	vst v63  }
0x1f7: {  	s6 =	sadd.s32 $0x1AF00, s0  }
0x1f8: {  	[hbm4b:s1+s3] =	stream.linear.scatter [tilespmem:s6], [sflag:$0x4], $0x80, $0x38;
	[tilespmem:$0x1D300] =	vst v63  }
0x1f9: {  	s12 =	sadd.s32 $0x1AF90, s0;
	s7 =	sadd.s32 $0x10, s1  }
0x1fa: {  	[hbm4b:s7+s3] =	stream.linear.scatter [tilespmem:s12], [sflag:$0x4], $0x80, $0x38;
	[tilespmem:$0x1D300] =	vst v63  }
0x1fb: {  	s13 =	sadd.s32 $0x1B020, s0;
	s14 =	sadd.s32 $0x20, s1  }
0x1fc: {  	[hbm4b:s14+s3] =	stream.linear.scatter [tilespmem:s13], [sflag:$0x4], $0x80, $0x38;
	[tilespmem:$0x1D300] =	vst v63  }
0x1fd: {  	s18 =	sadd.s32 $0x1B0B0, s0;
	s24 =	sadd.s32 $0x30, s1  }
0x1fe: {  	[hbm4b:s24+s3] =	stream.linear.scatter [tilespmem:s18], [sflag:$0x4], $0x80, $0x38;
	[tilespmem:$0x1D300] =	vst v63  }
0x1ff: {  	s7 =	sadd.s32 $0x1B140, s0;
	s12 =	sadd.s32 $0x40, s1  }
0x200: {  	[hbm4b:s12+s3] =	stream.linear.scatter [tilespmem:s7], [sflag:$0x4], $0x80, $0x38;
	[tilespmem:$0x1D300] =	vst v63  }
0x201: {  	s13 =	sadd.s32 $0x1B1D0, s0;
	s14 =	sadd.s32 $0x50, s1  }
0x202: {  	[hbm4b:s14+s3] =	stream.linear.scatter [tilespmem:s13], [sflag:$0x4], $0x80, $0x38;
	[tilespmem:$0x1D300] =	vst v63  }
0x203: {  	s18 =	sadd.s32 $0x1B260, s0;
	s24 =	sadd.s32 $0x60, s1  }
0x204: {  	[hbm4b:s24+s3] =	stream.linear.scatter [tilespmem:s18], [sflag:$0x4], $0x80, $0x38;
	[tilespmem:$0x1D300] =	vst v63  }
0x205: {  	s12 =	sadd.s32 $0x1B2F0, s0;
	s13 =	sadd.s32 $0x70, s1  }
0x206: {  	[hbm4b:s13+s3] =	stream.linear.scatter [tilespmem:s12], [sflag:$0x4], $0x80, $0x38;
	[tilespmem:$0x1D300] =	vst v63  }
0x207: {  	s1 =	sadd.s32 s29, s8;
	s14 =	simm.s32 $0x0;
	_ =	swait.ge [sflag:s21], $0x2000  }
0x208: {  	v0 =	vmov s14;
	s18 =	sshll.u32 s1, $0x3;
	[sflag:s21] =	ssyncset.done $0x0  }
0x209: {  	v0 =	vshrl.u32 v0, $0x3;
	s6 =	sand.u32 $0x3FFFFFC0, s18;
	v62 =	vld [tilespmem:$0x1FFB0];
	[sflag:s21] =	ssyncadd.s32 $0xFFFFE000  }
0x20a: {  	s24 =	simm.s32 $0x8B00;
	v0 =	vshll.u32 v0, $0x3;
	v36 =	vld [tilespmem:s6+$0x1900]  }
0x20b: {  	v39 =	vbroadcast v0, $0x0;
	v2 =	vld [tilespmem:s24+$0x0];
	_ =	sdelay $0x1  }
0x20c: {  	v0 =	vadd.s32 v18, v39;
	v3 =	vld [tilespmem:s24+$0x1C0]  }
0x20d: {  	v4 =	vld [tilespmem:s24+$0x80]  }
0x20e: {  	v6 =	vadd.s32 v62, v39  }
0x20f: {  	v7 =	vadd.s32 v53, v39;
	v35 =	vld [tilespmem:s6+$0x1910];
	v2 =	vadd.f32 v2, v36  }
0x210: {  	v34 =	vld [tilespmem:s6+$0x1920]  }
0x211: {  	v33 =	vld [tilespmem:s6+$0x1930];
	[tilespmem:v0+s19+$0x0] =	vst.idx.msk $0xffff, v2;
	v0 =	vadd.f32 v3, v36  }
0x212: {  	v2 =	vadd.f32 v4, v36  }
0x213: {  	v27 =	vld [tilespmem:$0x1FFD0];
	[tilespmem:v6+s19+$0x0] =	vst.idx.msk $0xffff, v0  }
0x214: {  	v5 =	vld [tilespmem:s24+$0x100];
	[tilespmem:v7+s19+$0x0] =	vst.idx.msk $0xffff, v2  }
0x215: {  	v44 =	vld [tilespmem:$0x1FFE0]  }
0x216: {  	v8 =	vadd.s32 v22, v39  }
0x217: {  	v9 =	vld [tilespmem:s24+$0x40]  }
0x218: {  	v3 =	vld [tilespmem:s24+$0x10]  }
0x219: {  	v5 =	vadd.f32 v5, v36;
	v4 =	vld [tilespmem:s24+$0x180];
	v10 =	vadd.s32 v27, v39  }
0x21a: {  	v2 =	vld [tilespmem:s24+$0x1D0];
	v0 =	vadd.s32 v44, v39  }
0x21b: {  	v6 =	vadd.s32 v59, v39;
	v7 =	vld [tilespmem:s24+$0x90];
	[tilespmem:v8+s19+$0x0] =	vst.idx.msk $0xffff, v5  }
0x21c: {  	v5 =	vadd.f32 v9, v36;
	v9 =	vadd.s32 v25, v39;
	v8 =	vld [tilespmem:s24+$0x110]  }
0x21d: {  	v12 =	vadd.s32 v29, v39;
	v11 =	vld [tilespmem:s24+$0xC0];
	v3 =	vadd.f32 v3, v35  }
0x21e: {  	v4 =	vadd.f32 v4, v36;
	[tilespmem:v10+s19+$0x0] =	vst.idx.msk $0xffff, v5;
	v5 =	vadd.s32 v32, v39  }
0x21f: {  	v10 =	vadd.s32 v31, v39;
	[tilespmem:v0+s19+$0x0] =	vst.idx.msk $0xffff, v3;
	v0 =	vadd.f32 v2, v35  }
0x220: {  	[tilespmem:v6+s19+$0x0] =	vst.idx.msk $0xffff, v4;
	v2 =	vadd.f32 v7, v35  }
0x221: {  	[tilespmem:v9+s19+$0x0] =	vst.idx.msk $0xffff, v0;
	v0 =	vadd.f32 v8, v35  }
0x222: {  	[tilespmem:v12+s19+$0x0] =	vst.idx.msk $0xffff, v2;
	v2 =	vadd.f32 v11, v36  }
0x223: {  	s30 =	simm.s32 $0x8D00;
	v13 =	vld [tilespmem:s24+$0x140];
	[tilespmem:v5+s19+$0x0] =	vst.idx.msk $0xffff, v0  }
0x224: {  	v26 =	vmov v18;
	v18 =	vld [tilespmem:s30+$0x180];
	[tilespmem:v10+s19+$0x0] =	vst.idx.msk $0xffff, v2  }
0x225: {  	v23 =	vld [tilespmem:$0x1FDF0]  }
0x226: {  	v21 =	vld [tilespmem:s30+$0x140]  }
0x227: {  	v4 =	vld [tilespmem:s24+$0x190]  }
0x228: {  	v3 =	vld [tilespmem:s24+$0x20]  }
0x229: {  	v14 =	vld [tilespmem:s24+$0x50];
	v7 =	vadd.s32 v61, v39  }
0x22a: {  	v8 =	vld [tilespmem:s24+$0xA0];
	v2 =	vadd.s32 v23, v39  }
0x22b: {  	v55 =	vld [tilespmem:$0x1FFC0]  }
0x22c: {  	s31 =	simm.s32 $0x8;
	v0 =	vadd.f32 v13, v36;
	v5 =	vld [tilespmem:s24+$0x120]  }
0x22d: {  	v58 =	vmovc v32;
	v15 =	vmov s31;
	v32 =	vadd.s32 v19, v39;
	v13 =	vld [tilespmem:s30+$0x40];
	v3 =	vadd.f32 v3, v34  }
0x22e: {  	v15 =	vshrl.u32 v15, $0x3;
	v16 =	vadd.s32 v16, v39;
	v11 =	vadd.s32 v20, v39;
	v20 =	vld [tilespmem:$0x1FE60];
	[tilespmem:v7+s19+$0x0] =	vst.idx.msk $0xffff, v0  }
0x22f: {  	v15 =	vshll.u32 v15, $0x3;
	v12 =	vld [tilespmem:s24+$0xD0];
	[tilespmem:v2+s19+$0x0] =	vst.idx.msk $0xffff, v3  }
0x230: {  	v40 =	vmovc v22;
	v37 =	vbroadcast v15, $0x0;
	v8 =	vadd.f32 v8, v34;
	v22 =	vadd.s32 v55, v39;
	v28 =	vld [tilespmem:$0x1FE90]  }
0x231: {  	v9 =	vadd.s32 v54, v39;
	v2 =	vld [tilespmem:s30+$0x0];
	v3 =	vadd.f32 v5, v34  }
0x232: {  	v6 =	vld [tilespmem:s24+$0x1E0];
	[tilespmem:v32+s19+$0x0] =	vst.idx.msk $0xffff, v8;
	v8 =	vadd.s32 v27, v37  }
0x233: {  	v14 =	vadd.f32 v14, v35;
	v7 =	vld [tilespmem:s30+$0x80];
	[tilespmem:v16+s19+$0x0] =	vst.idx.msk $0xffff, v3;
	v3 =	vadd.s32 v26, v37  }
0x234: {  	v12 =	vadd.f32 v12, v35;
	v5 =	vld [tilespmem:s30+$0x100]  }
0x235: {  	v38 =	vmov v53;
	v13 =	vadd.f32 v13, v36;
	v57 =	vld [tilespmem:$0x1FE10];
	[tilespmem:v22+s19+$0x0] =	vst.idx.msk $0xffff, v14;
	v0 =	vadd.s32 v28, v39  }
0x236: {  	v48 =	vmov v54;
	v10 =	vadd.s32 v60, v39;
	v54 =	vld [tilespmem:$0x1FE00];
	[tilespmem:v9+s19+$0x0] =	vst.idx.msk $0xffff, v12;
	v2 =	vadd.f32 v2, v36  }
0x237: {  	v6 =	vadd.f32 v6, v34;
	v9 =	vadd.s32 v38, v37;
	[tilespmem:v8+s19+$0x0] =	vst.idx.msk $0xffff, v13;
	v8 =	vld [tilespmem:s24+$0xB0]  }
0x238: {  	v43 =	vld [tilespmem:s24+$0x150];
	[tilespmem:v3+s19+$0x0] =	vst.idx.msk $0xffff, v2;
	v3 =	vadd.f32 v4, v35;
	v4 =	vadd.s32 v40, v37  }
0x239: {  	v12 =	vld [tilespmem:s24+$0x30]  }
0x23a: {  	v15 =	vld [tilespmem:s30+$0x1C0];
	v7 =	vadd.f32 v7, v36;
	[tilespmem:v0+s19+$0x0] =	vst.idx.msk $0xffff, v6;
	v0 =	vadd.s32 v24, v39  }
0x23b: {  	v5 =	vadd.f32 v5, v36;
	v2 =	vld [tilespmem:s24+$0xE0];
	v14 =	vadd.s32 v54, v39;
	[tilespmem:v10+s19+$0x0] =	vst.idx.msk $0xffff, v3  }
0x23c: {  	[tilespmem:v9+s19+$0x0] =	vst.idx.msk $0xffff, v7;
	v7 =	vld [tilespmem:s24+$0x60];
	v9 =	vadd.s32 v62, v37;
	v8 =	vadd.f32 v8, v33  }
0x23d: {  	v13 =	vadd.f32 v43, v35;
	v3 =	vld [tilespmem:s30+$0x10];
	v10 =	vadd.s32 v59, v37;
	[tilespmem:v4+s19+$0x0] =	vst.idx.msk $0xffff, v5  }
0x23e: {  	v16 =	vadd.s32 v57, v39;
	v12 =	vadd.f32 v12, v33;
	v49 =	vld [tilespmem:s24+$0x1A0];
	[tilespmem:v11+s19+$0x0] =	vst.idx.msk $0xffff, v8  }
0x23f: {  	v15 =	vadd.f32 v15, v36;
	[tilespmem:v0+s19+$0x0] =	vst.idx.msk $0xffff, v13;
	v0 =	vadd.s32 v44, v37;
	v13 =	vld [tilespmem:s30+$0x90]  }
0x240: {  	v46 =	vmov v29;
	v20 =	vadd.s32 v20, v39;
	v6 =	vld [tilespmem:s30+$0xC0];
	[tilespmem:v14+s19+$0x0] =	vst.idx.msk $0xffff, v12;
	v12 =	vadd.f32 v18, v36  }
0x241: {  	v4 =	vld [tilespmem:s24+$0x130];
	v5 =	vadd.s32 v46, v37;
	[tilespmem:v9+s19+$0x0] =	vst.idx.msk $0xffff, v15;
	v7 =	vadd.f32 v7, v34  }
0x242: {  	v3 =	vadd.f32 v3, v35;
	[tilespmem:v10+s19+$0x0] =	vst.idx.msk $0xffff, v12;
	v10 =	vld [tilespmem:s24+$0x160]  }
0x243: {  	v9 =	vadd.s32 v50, v39;
	v15 =	vld [tilespmem:s30+$0x110];
	[tilespmem:v16+s19+$0x0] =	vst.idx.msk $0xffff, v7;
	v7 =	vadd.f32 v49, v34  }
0x244: {  	v17 =	vadd.s32 v63, v39;
	[tilespmem:v0+s19+$0x0] =	vst.idx.msk $0xffff, v3;
	v0 =	vadd.f32 v13, v35;
	v3 =	vld [tilespmem:s30+$0x1D0]  }
0x245: {  	v56 =	vmov v25;
	v47 =	vmov v60;
	v53 =	vmov v26;
	v12 =	vld [tilespmem:s24+$0x1F0];
	[tilespmem:v20+s19+$0x0] =	vst.idx.msk $0xffff, v7  }
0x246: {  	v25 =	vmov v44;
	v44 =	vld [tilespmem:s30+$0x50];
	[tilespmem:v5+s19+$0x0] =	vst.idx.msk $0xffff, v0;
	v5 =	vadd.s32 v56, v37;
	v0 =	vadd.f32 v2, v34  }
0x247: {  	v26 =	vmovc v42;
	v7 =	vadd.s32 v42, v39;
	v42 =	vadd.s32 v60, v37;
	v60 =	vld [tilespmem:s24+$0x1B0];
	v2 =	vadd.f32 v10, v34  }
0x248: {  	v14 =	vadd.s32 v31, v37;
	v13 =	vld [tilespmem:s24+$0x70];
	[tilespmem:v9+s19+$0x0] =	vst.idx.msk $0xffff, v0  }
0x249: {  	v18 =	vadd.f32 v4, v33;
	v9 =	vld [tilespmem:s30+$0x20];
	[tilespmem:v17+s19+$0x0] =	vst.idx.msk $0xffff, v2;
	v4 =	vadd.f32 v3, v35  }
0x24a: {  	v1 =	vmov v50;
	v50 =	vmov v56;
	v12 =	vadd.f32 v12, v33;
	v56 =	vld [tilespmem:$0x1FE40]  }
0x24b: {  	v29 =	vmovc v59;
	v59 =	vmov v31;
	v31 =	vmov v46;
	v46 =	vld [tilespmem:$0x1FE30];
	[tilespmem:v5+s19+$0x0] =	vst.idx.msk $0xffff, v4;
	v4 =	vadd.f32 v6, v36  }
0x24c: {  	v17 =	vld [tilespmem:s24+$0x170];
	[tilespmem:v7+s19+$0x0] =	vst.idx.msk $0xffff, v12  }
0x24d: {  	v16 =	vadd.s32 v58, v37;
	v49 =	vld [tilespmem:$0x1FE50];
	[tilespmem:v14+s19+$0x0] =	vst.idx.msk $0xffff, v4  }
0x24e: {  	v30 =	vmov v61;
	v61 =	vmov v38;
	v6 =	vld [tilespmem:$0x1FF00]  }
0x24f: {  	v32 =	vmovc v27;
	v38 =	vadd.s32 v30, v37;
	v43 =	vadd.f32 v21, v36;
	v0 =	vld [tilespmem:s30+$0x190];
	v8 =	vadd.s32 v56, v39  }
0x250: {  	v27 =	vmovc v40;
	v40 =	vadd.s32 v48, v37;
	v10 =	vadd.s32 v41, v39;
	v11 =	vld [tilespmem:s24+$0xF0];
	v5 =	vadd.f32 v15, v35  }
0x251: {  	v41 =	vadd.s32 v63, v37;
	v2 =	vadd.s32 v52, v39;
	v13 =	vadd.f32 v13, v33;
	v7 =	vld [tilespmem:s30+$0x1E0]  }
0x252: {  	v45 =	vmov v19;
	v4 =	vld [tilespmem:s30+$0xA0];
	v14 =	vadd.f32 v60, v33;
	v3 =	vadd.s32 v46, v39;
	[tilespmem:v16+s19+$0x0] =	vst.idx.msk $0xffff, v5  }
0x253: {  	v51 =	vmovc v24;
	v5 =	vld [tilespmem:s30+$0xD0];
	v15 =	vadd.f32 v17, v33;
	v12 =	vadd.s32 v49, v39;
	v39 =	vadd.s32 v6, v37  }
0x254: {  	s0 =	sshrl.u32 s1, $0x3;
	s6 =	simm.s32 $0x8F00;
	v22 =	vmov v23;
	v6 =	vadd.f32 v9, v34;
	[tilespmem:v8+s19+$0x0] =	vst.idx.msk $0xffff, v18;
	v9 =	vadd.s32 v23, v37;
	v8 =	vld [tilespmem:s30+$0x120]  }
.LBB2_11:
0x255: {  	v18 =	vld [tilespmem:$0x1FFF0];
	_ =	sdelay $0x1  }
0x256: {  	v16 =	vld [tilespmem:s6+$0x40];
	[tilespmem:v10+s19+$0x0] =	vst.idx.msk $0xffff, v13  }
0x257: {  	s31 =	sadd.s32 $0x8, s31;
	v17 =	vld [tilespmem:$0x1FE60];
	v20 =	vadd.s32 v55, v37;
	[tilespmem:v12+s19+$0x0] =	vst.idx.msk $0xffff, v15  }
0x258: {  	v19 =	vadd.s32 v45, v37;
	v13 =	vld [tilespmem:s6+$0x180];
	[tilespmem:v2+s19+$0x0] =	vst.idx.msk $0xffff, v14;
	v10 =	vadd.f32 v11, v33;
	v11 =	vmov s31  }
0x259: {  	v12 =	vld [tilespmem:s6+$0x140];
	[tilespmem:v38+s19+$0x0] =	vst.idx.msk $0xffff, v43;
	v11 =	vshrl.u32 v11, $0x3;
	v18 =	vadd.s32 v18, v37  }
0x25a: {  	v60 =	vmov v22;
	v22 =	vld [tilespmem:s6+$0x1C0];
	v23 =	vadd.f32 v44, v35;
	v2 =	vshll.u32 v11, $0x3;
	[tilespmem:v3+s19+$0x0] =	vst.idx.msk $0xffff, v10  }
0x25b: {  	v4 =	vadd.f32 v4, v34;
	v3 =	vld [tilespmem:s6+$0x0];
	[tilespmem:v9+s19+$0x0] =	vst.idx.msk $0xffff, v6;
	v21 =	vbroadcast v2, $0x0  }
0x25c: {  	v11 =	vld [tilespmem:s6+$0x100];
	v9 =	vadd.s32 v28, v37;
	[tilespmem:v20+s19+$0x0] =	vst.idx.msk $0xffff, v23;
	v2 =	vadd.f32 v8, v34  }
0x25d: {  	v0 =	vadd.f32 v0, v35;
	v8 =	vld [tilespmem:s6+$0x80];
	[tilespmem:v19+s19+$0x0] =	vst.idx.msk $0xffff, v4;
	v10 =	vadd.s32 v53, v21  }
0x25e: {  	v4 =	vadd.f32 v5, v35;
	v5 =	vld [tilespmem:s30+$0x150];
	[tilespmem:v18+s19+$0x0] =	vst.idx.msk $0xffff, v2;
	v2 =	vadd.s32 v32, v21  }
0x25f: {  	v7 =	vadd.f32 v7, v34;
	v19 =	vld [tilespmem:s30+$0x30];
	[tilespmem:v42+s19+$0x0] =	vst.idx.msk $0xffff, v0;
	v18 =	vadd.s32 v61, v21  }
0x260: {  	v20 =	vld [tilespmem:s6+$0xC0];
	[tilespmem:v40+s19+$0x0] =	vst.idx.msk $0xffff, v4;
	v3 =	vadd.f32 v3, v36  }
0x261: {  	v14 =	vadd.s32 v54, v37;
	v4 =	vadd.f32 v16, v36;
	v24 =	vld [tilespmem:s30+$0xE0];
	[tilespmem:v9+s19+$0x0] =	vst.idx.msk $0xffff, v7  }
0x262: {  	v16 =	vadd.s32 v27, v21;
	v7 =	vld [tilespmem:s30+$0xB0];
	[tilespmem:v10+s19+$0x0] =	vst.idx.msk $0xffff, v3;
	v3 =	vadd.f32 v8, v36  }
0x263: {  	v6 =	vadd.s32 v51, v37;
	v8 =	vld [tilespmem:s6+$0x10];
	[tilespmem:v2+s19+$0x0] =	vst.idx.msk $0xffff, v4  }
0x264: {  	v0 =	vadd.s32 v62, v21;
	v9 =	vadd.f32 v19, v33;
	[tilespmem:v18+s19+$0x0] =	vst.idx.msk $0xffff, v3;
	v3 =	vld [tilespmem:s30+$0x130]  }
0x265: {  	v4 =	vadd.f32 v5, v35;
	v5 =	vadd.f32 v11, v36;
	v10 =	vld [tilespmem:s30+$0x60]  }
0x266: {  	v43 =	vadd.f32 v12, v36;
	[tilespmem:v14+s19+$0x0] =	vst.idx.msk $0xffff, v9;
	v2 =	vadd.s32 v29, v21;
	v12 =	vld [tilespmem:s6+$0x90]  }
0x267: {  	v11 =	vadd.s32 v25, v21;
	v44 =	vld [tilespmem:s6+$0x50];
	[tilespmem:v16+s19+$0x0] =	vst.idx.msk $0xffff, v5;
	v5 =	vadd.f32 v22, v36  }
0x268: {  	v15 =	vadd.s32 v57, v37;
	[tilespmem:v6+s19+$0x0] =	vst.idx.msk $0xffff, v4;
	v6 =	vadd.f32 v7, v33;
	v7 =	vld [tilespmem:s30+$0x1A0]  }
0x269: {  	v13 =	vadd.f32 v13, v36;
	v4 =	vadd.s32 v31, v21;
	v9 =	vld [tilespmem:s30+$0x160];
	[tilespmem:v0+s19+$0x0] =	vst.idx.msk $0xffff, v5  }
0x26a: {  	v17 =	vadd.s32 v17, v37;
	v38 =	vadd.s32 v30, v21;
	v8 =	vadd.f32 v8, v35;
	v5 =	vld [tilespmem:s30+$0x1F0]  }
0x26b: {  	v23 =	vadd.s32 v59, v21;
	[tilespmem:v2+s19+$0x0] =	vst.idx.msk $0xffff, v13;
	v0 =	vadd.f32 v10, v34;
	v10 =	vld [tilespmem:s6+$0x1D0]  }
0x26c: {  	v2 =	vadd.s32 v1, v37;
	[tilespmem:v11+s19+$0x0] =	vst.idx.msk $0xffff, v8;
	v8 =	vadd.f32 v12, v35;
	v12 =	vld [tilespmem:s6+$0x110]  }
0x26d: {  	[tilespmem:v15+s19+$0x0] =	vst.idx.msk $0xffff, v0;
	v15 =	vadd.f32 v3, v33;
	v3 =	vadd.f32 v24, v34;
	v24 =	vld [tilespmem:$0x1FE20]  }
0x26e: {  	v0 =	vadd.f32 v7, v34;
	[tilespmem:v4+s19+$0x0] =	vst.idx.msk $0xffff, v8;
	v4 =	vadd.s32 v50, v21;
	v8 =	vld [tilespmem:s6+$0x20]  }
0x26f: {  	v40 =	vadd.s32 v48, v21;
	v16 =	vadd.s32 v58, v21;
	v7 =	vld [tilespmem:s30+$0x70];
	[tilespmem:v39+s19+$0x0] =	vst.idx.msk $0xffff, v6  }
0x270: {  	v9 =	vadd.f32 v9, v34;
	v6 =	vadd.f32 v20, v36;
	v20 =	vld [tilespmem:$0x1FF00];
	[tilespmem:v17+s19+$0x0] =	vst.idx.msk $0xffff, v0  }
0x271: {  	v14 =	vadd.s32 v26, v37;
	[tilespmem:v2+s19+$0x0] =	vst.idx.msk $0xffff, v3;
	v17 =	vld [tilespmem:s30+$0x1B0];
	v11 =	vadd.f32 v10, v35  }
0x272: {  	v42 =	vadd.s32 v47, v21;
	v18 =	vadd.s32 v56, v37;
	[tilespmem:v41+s19+$0x0] =	vst.idx.msk $0xffff, v9;
	v0 =	vld [tilespmem:s6+$0x190]  }
0x273: {  	p0 =	slt.u32 s31, $0x78;
	v2 =	vadd.s32 v52, v37;
	v19 =	vld [tilespmem:s30+$0x170];
	v9 =	vadd.f32 v12, v35;
	[tilespmem:v4+s19+$0x0] =	vst.idx.msk $0xffff, v11  }
.Ltmp4:
0x274: {  	v5 =	vadd.f32 v5, v33;
	v3 =	vadd.s32 v46, v37;
	v11 =	vld [tilespmem:s30+$0xF0];
	[tilespmem:v23+s19+$0x0] =	vst.idx.msk $0xffff, v6;
	(pc) =	sbr.rel @p0 .LBB2_11-.Ltmp4, $4  }
0x275: {  	v12 =	vadd.s32 v49, v37;
	v10 =	vadd.s32 v24, v37;
	v4 =	vld [tilespmem:s6+$0xA0];
	[tilespmem:v16+s19+$0x0] =	vst.idx.msk $0xffff, v9  }
0x276: {  	v37 =	vmov v21;
	v6 =	vadd.f32 v8, v34;
	v13 =	vadd.f32 v7, v33;
	v7 =	vld [tilespmem:s6+$0x1E0];
	[tilespmem:v14+s19+$0x0] =	vst.idx.msk $0xffff, v5  }
0x277: {  	s30 =	smov.u32 s6;
	v39 =	vadd.s32 v20, v37;
	v5 =	vld [tilespmem:s6+$0xD0];
	v41 =	vadd.s32 v63, v37;
	v9 =	vadd.s32 v60, v37  }
0x278: {  	v22 =	vmov v60;
	v8 =	vld [tilespmem:s30+$0x120];
	s6 =	sadd.s32 $0x200, s6;
	[tilespmem:v18+s19+$0x0] =	vst.idx.msk $0xffff, v15;
	v14 =	vadd.f32 v17, v33;
	v15 =	vadd.f32 v19, v33  }
0x279: {  	_ =	sdelay $0x3  }
0x27a: {  	[tilespmem:v38+s19+$0x0] =	vst.idx.msk $0xffff, v43  }
0x27b: {  	v16 =	vld [tilespmem:s30+$0x150]  }
0x27c: {  	v17 =	vadd.s32 v55, v37  }
0x27d: {  	[tilespmem:v10+s19+$0x0] =	vst.idx.msk $0xffff, v13;
	v38 =	vadd.s32 v51, v37  }
0x27e: {  	v11 =	vadd.f32 v11, v33;
	[tilespmem:v12+s19+$0x0] =	vst.idx.msk $0xffff, v15  }
0x27f: {  	v44 =	vadd.f32 v44, v35;
	[tilespmem:v2+s19+$0x0] =	vst.idx.msk $0xffff, v14  }
0x280: {  	v30 =	vmov v51;
	[tilespmem:v3+s19+$0x0] =	vst.idx.msk $0xffff, v11;
	v51 =	vadd.f32 v16, v35  }
0x281: {  	v0 =	vadd.f32 v0, v35;
	[tilespmem:v17+s19+$0x0] =	vst.idx.msk $0xffff, v44  }
0x282: {  	v5 =	vadd.f32 v5, v35;
	[tilespmem:v38+s19+$0x0] =	vst.idx.msk $0xffff, v51  }
0x283: {  	v21 =	vmov v53;
	v53 =	vadd.s32 v45, v37;
	v3 =	vld [tilespmem:$0x1FFF0];
	[tilespmem:v42+s19+$0x0] =	vst.idx.msk $0xffff, v0  }
0x284: {  	v55 =	vadd.s32 v28, v37;
	v43 =	vld [tilespmem:s30+$0x60];
	[tilespmem:v40+s19+$0x0] =	vst.idx.msk $0xffff, v5  }
0x285: {  	v44 =	vld [tilespmem:s30+$0x160];
	[tilespmem:v9+s19+$0x0] =	vst.idx.msk $0xffff, v6  }
0x286: {  	v4 =	vadd.f32 v4, v34;
	v23 =	vld [tilespmem:$0x1FE60]  }
0x287: {  	v32 =	vadd.s32 v57, v37;
	v7 =	vadd.f32 v7, v34;
	v36 =	vld [tilespmem:s30+$0xE0]  }
0x288: {  	v35 =	vld [tilespmem:s30+$0x1A0];
	[tilespmem:v53+s19+$0x0] =	vst.idx.msk $0xffff, v4  }
0x289: {  	v19 =	vmov v45;
	v45 =	vld [tilespmem:s30+$0x30];
	[tilespmem:v55+s19+$0x0] =	vst.idx.msk $0xffff, v7;
	v55 =	vadd.s32 v1, v37  }
0x28a: {  	v51 =	vld [tilespmem:s30+$0xB0];
	v53 =	vadd.f32 v43, v34;
	v25 =	vmov v3;
	v3 =	vadd.s32 v3, v37  }
0x28b: {  	v0 =	vadd.f32 v44, v34;
	v38 =	vadd.s32 v23, v37  }
0x28c: {  	v57 =	vadd.s32 v54, v37;
	v15 =	vld [tilespmem:s30+$0x1F0];
	[tilespmem:v32+s19+$0x0] =	vst.idx.msk $0xffff, v53;
	v6 =	vadd.f32 v36, v34  }
0x28d: {  	v8 =	vadd.f32 v8, v34;
	v32 =	vadd.s32 v26, v37;
	v7 =	vld [tilespmem:s30+$0x70];
	[tilespmem:v41+s19+$0x0] =	vst.idx.msk $0xffff, v0  }
0x28e: {  	v44 =	vadd.s32 v24, v37;
	v5 =	vadd.f32 v35, v34;
	v36 =	vld [tilespmem:s30+$0x170];
	[tilespmem:v55+s19+$0x0] =	vst.idx.msk $0xffff, v6  }
0x28f: {  	v34 =	vadd.f32 v45, v33;
	v2 =	vadd.f32 v51, v33;
	v51 =	vld [tilespmem:s30+$0xF0];
	[tilespmem:v3+s19+$0x0] =	vst.idx.msk $0xffff, v8  }
0x290: {  	v53 =	vadd.s32 v49, v37;
	v8 =	vld [tilespmem:s30+$0x130];
	[tilespmem:v38+s19+$0x0] =	vst.idx.msk $0xffff, v5  }
0x291: {  	v45 =	vadd.f32 v15, v33;
	[tilespmem:v57+s19+$0x0] =	vst.idx.msk $0xffff, v34;
	v55 =	vadd.s32 v46, v37;
	v38 =	vld [tilespmem:s30+$0x1B0]  }
0x292: {  	v35 =	vadd.s32 v56, v37;
	[tilespmem:v39+s19+$0x0] =	vst.idx.msk $0xffff, v2;
	v7 =	vadd.f32 v7, v33  }
0x293: {  	v54 =	vadd.s32 v52, v37;
	[tilespmem:v32+s19+$0x0] =	vst.idx.msk $0xffff, v45;
	v56 =	vadd.f32 v36, v33  }
0x294: {  	[tilespmem:v44+s19+$0x0] =	vst.idx.msk $0xffff, v7;
	v3 =	vadd.f32 v51, v33  }
0x295: {  	s1 =	sshll.u32 s1, $0x7;
	[tilespmem:v53+s19+$0x0] =	vst.idx.msk $0xffff, v56;
	v8 =	vadd.f32 v8, v33  }
0x296: {  	s1 =	sand.u32 $0x300, s1;
	[tilespmem:v55+s19+$0x0] =	vst.idx.msk $0xffff, v3;
	v57 =	vadd.f32 v38, v33  }
0x297: {  	s0 =	sshll.u32 s0, $0xD;
	s1 =	sadd.s32 s2, s1;
	[tilespmem:v35+s19+$0x0] =	vst.idx.msk $0xffff, v8  }
0x298: {  	s14 =	simm.s32 $0x18B00;
	s1 =	sadd.s32 s0, s1;
	[tilespmem:v54+s19+$0x0] =	vst.idx.msk $0xffff, v57  }
0x299: {  	[hbm4b:s1+s3] =	stream.linear.scatter [tilespmem:s14], [sflag:$0x3], $0x80, $0x38;
	[tilespmem:$0x1D300] =	vst v63  }
0x29a: {  	s18 =	simm.s32 $0x18B90;
	s6 =	sadd.s32 $0x10, s1  }
0x29b: {  	[hbm4b:s6+s3] =	stream.linear.scatter [tilespmem:s18], [sflag:$0x3], $0x80, $0x38;
	[tilespmem:$0x1D300] =	vst v63  }
0x29c: {  	s24 =	simm.s32 $0x18C20;
	s12 =	simm.s32 $0x18D40;
	s31 =	sadd.s32 $0x20, s1  }
0x29d: {  	[hbm4b:s31+s3] =	stream.linear.scatter [tilespmem:s24], [sflag:$0x3], $0x80, $0x38;
	[tilespmem:$0x1D300] =	vst v63  }
0x29e: {  	s0 =	simm.s32 $0x480;
	s7 =	sadd.s32 $0x30, s1;
	s6 =	simm.s32 $0x18CB0  }
0x29f: {  	[hbm4b:s7+s3] =	stream.linear.scatter [tilespmem:s6], [sflag:$0x3], $0x80, $0x38;
	[tilespmem:$0x1D300] =	vst v63  }
0x2a0: {  	s13 =	sadd.s32 $0x40, s1;
	s30 =	sadd.s32 $0x70, s1;
	s14 =	simm.s32 $0x18DD0  }
0x2a1: {  	[hbm4b:s13+s3] =	stream.linear.scatter [tilespmem:s12], [sflag:$0x3], $0x80, $0x38;
	[tilespmem:$0x1D300] =	vst v63  }
0x2a2: {  	s18 =	sadd.s32 $0x50, s1;
	s24 =	simm.s32 $0x18E60;
	s31 =	sadd.s32 $0x60, s1  }
0x2a3: {  	[hbm4b:s18+s3] =	stream.linear.scatter [tilespmem:s14], [sflag:$0x3], $0x80, $0x38;
	[tilespmem:$0x1D300] =	vst v63  }
0x2a4: {  	s1 =	sadd.s32 $0x400, s1;
	s6 =	simm.s32 $0x2400;
	s14 =	simm.s32 $0x18EF0  }
0x2a5: {  	v42 =	vmov v26;
	v41 =	vmov v52;
	[hbm4b:s31+s3] =	stream.linear.scatter [tilespmem:s24], [sflag:$0x3], $0x80, $0x38;
	[tilespmem:$0x1D300] =	vst v63  }
.LBB2_13:
0x2a6: {  	[hbm4b:s30+s3] =	stream.linear.scatter [tilespmem:s14], [sflag:$0x3], $0x80, $0x38;
	[tilespmem:$0x1D300] =	vst v63  }
0x2a7: {  	s7 =	smov.u32 s0;
	s0 =	smov.u32 s6  }
0x2a8: {  	s12 =	sadd.s32 $0x1200, s6;
	s0 =	sshra.s32 s0, $0x2;
	s13 =	sadd.s32 $0x18B00, s7  }
0x2a9: {  	[hbm4b:s1+s3] =	stream.linear.scatter [tilespmem:s13], [sflag:$0x3], $0x80, $0x38;
	[tilespmem:$0x1D300] =	vst v63  }
0x2aa: {  	p0 =	sne.s32 s6, $0x7E00;
	s6 =	sadd.s32 $0x18B90, s7;
	s13 =	sadd.s32 $0x10, s1  }
0x2ab: {  	[hbm4b:s13+s3] =	stream.linear.scatter [tilespmem:s6], [sflag:$0x3], $0x80, $0x38;
	[tilespmem:$0x1D300] =	vst v63  }
0x2ac: {  	s6 =	sadd.s32 $0x18C20, s7;
	s13 =	sadd.s32 $0x20, s1  }
0x2ad: {  	[hbm4b:s13+s3] =	stream.linear.scatter [tilespmem:s6], [sflag:$0x3], $0x80, $0x38;
	[tilespmem:$0x1D300] =	vst v63  }
0x2ae: {  	s6 =	sadd.s32 $0x18CB0, s7;
	s13 =	sadd.s32 $0x30, s1  }
0x2af: {  	[hbm4b:s13+s3] =	stream.linear.scatter [tilespmem:s6], [sflag:$0x3], $0x80, $0x38;
	[tilespmem:$0x1D300] =	vst v63  }
0x2b0: {  	s6 =	sadd.s32 $0x18D40, s7;
	s13 =	sadd.s32 $0x40, s1  }
0x2b1: {  	[hbm4b:s13+s3] =	stream.linear.scatter [tilespmem:s6], [sflag:$0x3], $0x80, $0x38;
	[tilespmem:$0x1D300] =	vst v63  }
.Ltmp5:
0x2b2: {  	s6 =	sadd.s32 $0x18DD0, s7;
	s13 =	sadd.s32 $0x50, s1;
	(pc) =	sbr.rel @p0 .LBB2_13-.Ltmp5, $4  }
0x2b3: {  	[hbm4b:s13+s3] =	stream.linear.scatter [tilespmem:s6], [sflag:$0x3], $0x80, $0x38;
	[tilespmem:$0x1D300] =	vst v63  }
0x2b4: {  	s30 =	sadd.s32 $0x70, s1;
	s6 =	sadd.s32 $0x18E60, s7;
	s13 =	sadd.s32 $0x60, s1  }
0x2b5: {  	[hbm4b:s13+s3] =	stream.linear.scatter [tilespmem:s6], [sflag:$0x3], $0x80, $0x38;
	[tilespmem:$0x1D300] =	vst v63  }
0x2b6: {  	s14 =	sadd.s32 $0x18EF0, s7;
	s1 =	sadd.s32 $0x400, s1;
	s6 =	smov.u32 s12  }
0x2b7: {  	[hbm4b:s30+s3] =	stream.linear.scatter [tilespmem:s14], [sflag:$0x3], $0x80, $0x38;
	[tilespmem:$0x1D300] =	vst v63  }
0x2b8: {  	s6 =	sadd.s32 $0x18B00, s0  }
0x2b9: {  	[hbm4b:s1+s3] =	stream.linear.scatter [tilespmem:s6], [sflag:$0x3], $0x80, $0x38;
	[tilespmem:$0x1D300] =	vst v63  }
0x2ba: {  	s12 =	sadd.s32 $0x18B90, s0;
	s7 =	sadd.s32 $0x10, s1  }
0x2bb: {  	[hbm4b:s7+s3] =	stream.linear.scatter [tilespmem:s12], [sflag:$0x3], $0x80, $0x38;
	[tilespmem:$0x1D300] =	vst v63  }
0x2bc: {  	s13 =	sadd.s32 $0x18C20, s0;
	s14 =	sadd.s32 $0x20, s1  }
0x2bd: {  	[hbm4b:s14+s3] =	stream.linear.scatter [tilespmem:s13], [sflag:$0x3], $0x80, $0x38;
	[tilespmem:$0x1D300] =	vst v63  }
0x2be: {  	s18 =	sadd.s32 $0x18CB0, s0;
	s24 =	sadd.s32 $0x30, s1  }
0x2bf: {  	[hbm4b:s24+s3] =	stream.linear.scatter [tilespmem:s18], [sflag:$0x3], $0x80, $0x38;
	[tilespmem:$0x1D300] =	vst v63  }
0x2c0: {  	s7 =	sadd.s32 $0x18D40, s0;
	s12 =	sadd.s32 $0x40, s1  }
0x2c1: {  	[hbm4b:s12+s3] =	stream.linear.scatter [tilespmem:s7], [sflag:$0x3], $0x80, $0x38;
	[tilespmem:$0x1D300] =	vst v63  }
0x2c2: {  	s13 =	sadd.s32 $0x18DD0, s0;
	s14 =	sadd.s32 $0x50, s1  }
0x2c3: {  	[hbm4b:s14+s3] =	stream.linear.scatter [tilespmem:s13], [sflag:$0x3], $0x80, $0x38;
	[tilespmem:$0x1D300] =	vst v63  }
0x2c4: {  	s18 =	sadd.s32 $0x18E60, s0;
	s24 =	sadd.s32 $0x60, s1  }
0x2c5: {  	[hbm4b:s24+s3] =	stream.linear.scatter [tilespmem:s18], [sflag:$0x3], $0x80, $0x38;
	[tilespmem:$0x1D300] =	vst v63  }
0x2c6: {  	s12 =	sadd.s32 $0x18EF0, s0;
	s13 =	sadd.s32 $0x70, s1  }
0x2c7: {  	[hbm4b:s13+s3] =	stream.linear.scatter [tilespmem:s12], [sflag:$0x3], $0x80, $0x38;
	[tilespmem:$0x1D300] =	vst v63  }
0x2c8: {  	s1 =	sadd.s32 s29, s9;
	s14 =	simm.s32 $0x0;
	_ =	swait.ge [sflag:s22], $0x2000  }
0x2c9: {  	v0 =	vmov s14;
	s18 =	sshll.u32 s1, $0x3;
	[sflag:s22] =	ssyncset.done $0x0  }
0x2ca: {  	v0 =	vshrl.u32 v0, $0x3;
	s6 =	sand.u32 $0x3FFFFFC0, s18;
	[sflag:s22] =	ssyncadd.s32 $0xFFFFE000  }
0x2cb: {  	s24 =	simm.s32 $0xAB00;
	v0 =	vshll.u32 v0, $0x3;
	v36 =	vld [tilespmem:s6+$0x1900]  }
0x2cc: {  	v39 =	vbroadcast v0, $0x0;
	v2 =	vld [tilespmem:s24+$0x0];
	_ =	sdelay $0x1  }
0x2cd: {  	v0 =	vadd.s32 v21, v39;
	v3 =	vld [tilespmem:s24+$0x1C0]  }
0x2ce: {  	v4 =	vld [tilespmem:s24+$0x80]  }
0x2cf: {  	v6 =	vadd.s32 v62, v39  }
0x2d0: {  	v7 =	vadd.s32 v61, v39;
	v35 =	vld [tilespmem:s6+$0x1910];
	v2 =	vadd.f32 v2, v36  }
0x2d1: {  	v34 =	vld [tilespmem:s6+$0x1920]  }
0x2d2: {  	v33 =	vld [tilespmem:s6+$0x1930];
	[tilespmem:v0+s20+$0x0] =	vst.idx.msk $0xffff, v2;
	v0 =	vadd.f32 v3, v36  }
0x2d3: {  	v2 =	vadd.f32 v4, v36  }
0x2d4: {  	v53 =	vmov v27;
	v8 =	vadd.s32 v27, v39;
	v27 =	vld [tilespmem:$0x1FFD0];
	[tilespmem:v6+s20+$0x0] =	vst.idx.msk $0xffff, v0  }
0x2d5: {  	v5 =	vld [tilespmem:s24+$0x100];
	[tilespmem:v7+s20+$0x0] =	vst.idx.msk $0xffff, v2  }
0x2d6: {  	v28 =	vmov v61;
	v61 =	vld [tilespmem:$0x1FFE0];
	_ =	sdelay $0x1  }
0x2d7: {  	v9 =	vld [tilespmem:s24+$0x40]  }
0x2d8: {  	v3 =	vld [tilespmem:s24+$0x10]  }
0x2d9: {  	v4 =	vld [tilespmem:s24+$0x180];
	v10 =	vadd.s32 v27, v39  }
0x2da: {  	v5 =	vadd.f32 v5, v36;
	v2 =	vld [tilespmem:s24+$0x1D0];
	v0 =	vadd.s32 v61, v39  }
0x2db: {  	v6 =	vadd.s32 v29, v39;
	v7 =	vld [tilespmem:s24+$0x90]  }
0x2dc: {  	[tilespmem:v8+s20+$0x0] =	vst.idx.msk $0xffff, v5;
	v5 =	vadd.f32 v9, v36;
	v9 =	vadd.s32 v50, v39  }
0x2dd: {  	v12 =	vadd.s32 v31, v39;
	v8 =	vld [tilespmem:s24+$0x110];
	v3 =	vadd.f32 v3, v35  }
0x2de: {  	v11 =	vld [tilespmem:s24+$0xC0];
	v4 =	vadd.f32 v4, v36;
	[tilespmem:v10+s20+$0x0] =	vst.idx.msk $0xffff, v5  }
0x2df: {  	v5 =	vadd.s32 v58, v39;
	[tilespmem:v0+s20+$0x0] =	vst.idx.msk $0xffff, v3;
	v0 =	vadd.f32 v2, v35  }
0x2e0: {  	[tilespmem:v6+s20+$0x0] =	vst.idx.msk $0xffff, v4;
	v10 =	vadd.s32 v59, v39;
	v2 =	vadd.f32 v7, v35  }
0x2e1: {  	[tilespmem:v9+s20+$0x0] =	vst.idx.msk $0xffff, v0  }
0x2e2: {  	v0 =	vadd.f32 v8, v35;
	[tilespmem:v12+s20+$0x0] =	vst.idx.msk $0xffff, v2  }
0x2e3: {  	v54 =	vmov v50;
	v2 =	vadd.f32 v11, v36;
	v50 =	vld [tilespmem:$0x1FF60]  }
0x2e4: {  	v13 =	vld [tilespmem:s24+$0x140];
	[tilespmem:v5+s20+$0x0] =	vst.idx.msk $0xffff, v0  }
0x2e5: {  	v3 =	vld [tilespmem:s24+$0x20];
	[tilespmem:v10+s20+$0x0] =	vst.idx.msk $0xffff, v2  }
0x2e6: {  	v55 =	vld [tilespmem:$0x1FFC0]  }
0x2e7: {  	v2 =	vadd.s32 v22, v39;
	v5 =	vld [tilespmem:s24+$0x120]  }
0x2e8: {  	v8 =	vld [tilespmem:s24+$0xA0];
	v7 =	vadd.s32 v50, v39  }
0x2e9: {  	v16 =	vadd.s32 v25, v39;
	v14 =	vld [tilespmem:s24+$0x50]  }
0x2ea: {  	s31 =	simm.s32 $0x8;
	v51 =	vadd.s32 v19, v39;
	v4 =	vld [tilespmem:s24+$0x190];
	v3 =	vadd.f32 v3, v34  }
0x2eb: {  	s30 =	simm.s32 $0xAD00;
	v15 =	vmov s31;
	v0 =	vadd.f32 v13, v36;
	v12 =	vld [tilespmem:s24+$0xD0];
	v22 =	vadd.s32 v55, v39  }
0x2ec: {  	v15 =	vshrl.u32 v15, $0x3;
	v13 =	vld [tilespmem:s30+$0x40];
	[tilespmem:v2+s20+$0x0] =	vst.idx.msk $0xffff, v3;
	v3 =	vadd.f32 v5, v34  }
0x2ed: {  	v15 =	vshll.u32 v15, $0x3;
	v9 =	vadd.s32 v48, v39;
	v8 =	vadd.f32 v8, v34;
	v2 =	vld [tilespmem:s30+$0x0];
	[tilespmem:v7+s20+$0x0] =	vst.idx.msk $0xffff, v0  }
0x2ee: {  	v37 =	vbroadcast v15, $0x0;
	v14 =	vadd.f32 v14, v35;
	v26 =	vld [tilespmem:$0x1FE90];
	[tilespmem:v16+s20+$0x0] =	vst.idx.msk $0xffff, v3  }
0x2ef: {  	v45 =	vmov v21;
	v7 =	vld [tilespmem:s30+$0x80];
	[tilespmem:v51+s20+$0x0] =	vst.idx.msk $0xffff, v8  }
0x2f0: {  	v12 =	vadd.f32 v12, v35;
	v3 =	vadd.s32 v45, v37;
	v57 =	vld [tilespmem:$0x1FE10];
	[tilespmem:v22+s20+$0x0] =	vst.idx.msk $0xffff, v14  }
0x2f1: {  	v8 =	vadd.s32 v27, v37;
	v51 =	vld [tilespmem:$0x1FE00]  }
0x2f2: {  	v6 =	vld [tilespmem:s24+$0x1E0];
	[tilespmem:v9+s20+$0x0] =	vst.idx.msk $0xffff, v12;
	v9 =	vadd.s32 v28, v37  }
0x2f3: {  	v10 =	vadd.s32 v47, v39;
	v5 =	vld [tilespmem:s30+$0x100];
	v2 =	vadd.f32 v2, v36  }
0x2f4: {  	v13 =	vadd.f32 v13, v36;
	v12 =	vld [tilespmem:s24+$0x30];
	v7 =	vadd.f32 v7, v36;
	v0 =	vadd.s32 v26, v39  }
0x2f5: {  	v15 =	vld [tilespmem:s30+$0x1C0];
	[tilespmem:v3+s20+$0x0] =	vst.idx.msk $0xffff, v2;
	v3 =	vadd.f32 v4, v35;
	v4 =	vadd.s32 v53, v37  }
0x2f6: {  	v18 =	vld [tilespmem:s30+$0x180];
	[tilespmem:v8+s20+$0x0] =	vst.idx.msk $0xffff, v13;
	v14 =	vadd.s32 v51, v39  }
0x2f7: {  	v6 =	vadd.f32 v6, v34;
	v52 =	vld [tilespmem:s24+$0x150];
	[tilespmem:v9+s20+$0x0] =	vst.idx.msk $0xffff, v7;
	v9 =	vadd.s32 v62, v37  }
0x2f8: {  	v5 =	vadd.f32 v5, v36;
	[tilespmem:v10+s20+$0x0] =	vst.idx.msk $0xffff, v3;
	v10 =	vadd.s32 v29, v37  }
0x2f9: {  	v21 =	vld [tilespmem:s30+$0x140];
	v12 =	vadd.f32 v12, v33;
	[tilespmem:v0+s20+$0x0] =	vst.idx.msk $0xffff, v6;
	v0 =	vadd.s32 v30, v39  }
0x2fa: {  	v15 =	vadd.f32 v15, v36;
	v2 =	vld [tilespmem:s24+$0xE0];
	[tilespmem:v4+s20+$0x0] =	vst.idx.msk $0xffff, v5  }
0x2fb: {  	v7 =	vld [tilespmem:s24+$0x60];
	[tilespmem:v14+s20+$0x0] =	vst.idx.msk $0xffff, v12;
	v12 =	vadd.f32 v18, v36  }
0x2fc: {  	v13 =	vadd.f32 v52, v35;
	v3 =	vld [tilespmem:s30+$0x10];
	[tilespmem:v9+s20+$0x0] =	vst.idx.msk $0xffff, v15  }
0x2fd: {  	v8 =	vld [tilespmem:s24+$0xB0];
	v16 =	vadd.s32 v57, v39;
	[tilespmem:v10+s20+$0x0] =	vst.idx.msk $0xffff, v12  }
0x2fe: {  	[tilespmem:v0+s20+$0x0] =	vst.idx.msk $0xffff, v13;
	v0 =	vadd.s32 v61, v37;
	v13 =	vld [tilespmem:s30+$0x90]  }
0x2ff: {  	v11 =	vadd.s32 v20, v39;
	v9 =	vld [tilespmem:$0x1FF30]  }
0x300: {  	v32 =	vmov v62;
	v62 =	vld [tilespmem:s24+$0x1A0];
	v5 =	vadd.s32 v31, v37;
	v7 =	vadd.f32 v7, v34  }
0x301: {  	v3 =	vadd.f32 v3, v35;
	v10 =	vld [tilespmem:s24+$0x160]  }
0x302: {  	v20 =	vadd.s32 v23, v39;
	v44 =	vld [tilespmem:s30+$0x50];
	v8 =	vadd.f32 v8, v33;
	[tilespmem:v16+s20+$0x0] =	vst.idx.msk $0xffff, v7  }
0x303: {  	v17 =	vadd.s32 v63, v39;
	v4 =	vld [tilespmem:s24+$0x130];
	[tilespmem:v0+s20+$0x0] =	vst.idx.msk $0xffff, v3;
	v0 =	vadd.f32 v13, v35  }
0x304: {  	[tilespmem:v11+s20+$0x0] =	vst.idx.msk $0xffff, v8;
	v3 =	vld [tilespmem:s30+$0x1D0];
	v9 =	vadd.s32 v9, v39  }
0x305: {  	v12 =	vld [tilespmem:s24+$0x1F0];
	v7 =	vadd.f32 v62, v34;
	[tilespmem:v5+s20+$0x0] =	vst.idx.msk $0xffff, v0  }
0x306: {  	v6 =	vld [tilespmem:s30+$0xC0];
	v5 =	vadd.s32 v54, v37;
	v0 =	vadd.f32 v2, v34;
	v2 =	vadd.f32 v10, v34  }
0x307: {  	v15 =	vld [tilespmem:s30+$0x110];
	[tilespmem:v20+s20+$0x0] =	vst.idx.msk $0xffff, v7;
	v7 =	vadd.s32 v42, v39  }
0x308: {  	v56 =	vmov v19;
	v14 =	vadd.s32 v59, v37;
	v19 =	vld [tilespmem:s24+$0x1B0];
	[tilespmem:v17+s20+$0x0] =	vst.idx.msk $0xffff, v2  }
0x309: {  	v18 =	vadd.f32 v4, v33;
	v13 =	vld [tilespmem:s24+$0x70];
	v4 =	vadd.f32 v3, v35;
	[tilespmem:v9+s20+$0x0] =	vst.idx.msk $0xffff, v0  }
0x30a: {  	v12 =	vadd.f32 v12, v33;
	v62 =	vld [tilespmem:$0x1FE30]  }
0x30b: {  	v1 =	vmov v29;
	v29 =	vld [tilespmem:$0x1FE40];
	[tilespmem:v5+s20+$0x0] =	vst.idx.msk $0xffff, v4  }
0x30c: {  	v17 =	vld [tilespmem:s24+$0x170];
	v4 =	vadd.f32 v6, v36;
	[tilespmem:v7+s20+$0x0] =	vst.idx.msk $0xffff, v12  }
0x30d: {  	v49 =	vld [tilespmem:$0x1FE50]  }
0x30e: {  	v16 =	vadd.s32 v58, v37;
	v9 =	vld [tilespmem:s30+$0x20];
	[tilespmem:v14+s20+$0x0] =	vst.idx.msk $0xffff, v4  }
0x30f: {  	v40 =	vadd.s32 v48, v37;
	v6 =	vld [tilespmem:$0x1FF00]  }
0x310: {  	v43 =	vadd.f32 v21, v36;
	v38 =	vadd.s32 v50, v37;
	v0 =	vld [tilespmem:s30+$0x190];
	v8 =	vadd.s32 v29, v39  }
0x311: {  	v46 =	vmovc v42;
	v42 =	vadd.s32 v47, v37;
	v10 =	vadd.s32 v24, v39;
	v11 =	vld [tilespmem:s24+$0xF0];
	v5 =	vadd.f32 v15, v35  }
0x312: {  	v52 =	vmovc v41;
	v2 =	vadd.s32 v41, v39;
	v41 =	vadd.s32 v63, v37;
	v7 =	vld [tilespmem:s30+$0x1E0];
	v12 =	vadd.s32 v49, v39  }
0x313: {  	v13 =	vadd.f32 v13, v33;
	v4 =	vld [tilespmem:s30+$0xA0];
	v14 =	vadd.f32 v19, v33;
	[tilespmem:v16+s20+$0x0] =	vst.idx.msk $0xffff, v5  }
0x314: {  	v5 =	vld [tilespmem:s30+$0xD0];
	v15 =	vadd.f32 v17, v33;
	v3 =	vadd.s32 v62, v39;
	v39 =	vadd.s32 v6, v37  }
0x315: {  	s0 =	sshrl.u32 s1, $0x3;
	s6 =	simm.s32 $0xAF00;
	v6 =	vadd.f32 v9, v34;
	v9 =	vadd.s32 v60, v37;
	[tilespmem:v8+s20+$0x0] =	vst.idx.msk $0xffff, v18;
	v8 =	vld [tilespmem:s30+$0x120]  }
.LBB2_15:
0x316: {  	s31 =	sadd.s32 $0x8, s31;
	v16 =	vld [tilespmem:s6+$0x40];
	[tilespmem:v10+s20+$0x0] =	vst.idx.msk $0xffff, v13  }
0x317: {  	v19 =	vadd.s32 v56, v37;
	v22 =	vld [tilespmem:s6+$0x1C0];
	[tilespmem:v12+s20+$0x0] =	vst.idx.msk $0xffff, v15;
	v10 =	vadd.f32 v11, v33;
	v11 =	vmov s31  }
0x318: {  	v18 =	vadd.s32 v25, v37;
	v13 =	vld [tilespmem:s6+$0x180];
	[tilespmem:v2+s20+$0x0] =	vst.idx.msk $0xffff, v14;
	v11 =	vshrl.u32 v11, $0x3  }
0x319: {  	v20 =	vadd.s32 v55, v37;
	v12 =	vld [tilespmem:s6+$0x140];
	[tilespmem:v38+s20+$0x0] =	vst.idx.msk $0xffff, v43;
	v2 =	vshll.u32 v11, $0x3  }
0x31a: {  	v17 =	vadd.s32 v23, v37;
	v4 =	vadd.f32 v4, v34;
	[tilespmem:v3+s20+$0x0] =	vst.idx.msk $0xffff, v10;
	v3 =	vld [tilespmem:s6+$0x0];
	v21 =	vbroadcast v2, $0x0  }
0x31b: {  	v11 =	vld [tilespmem:s6+$0x100];
	[tilespmem:v9+s20+$0x0] =	vst.idx.msk $0xffff, v6;
	v9 =	vadd.s32 v26, v37;
	v2 =	vadd.f32 v8, v34  }
0x31c: {  	v23 =	vadd.f32 v44, v35;
	v8 =	vld [tilespmem:s6+$0x80];
	[tilespmem:v19+s20+$0x0] =	vst.idx.msk $0xffff, v4;
	v10 =	vadd.s32 v45, v21  }
0x31d: {  	v4 =	vadd.f32 v5, v35;
	v5 =	vld [tilespmem:s30+$0x150];
	[tilespmem:v18+s20+$0x0] =	vst.idx.msk $0xffff, v2;
	v2 =	vadd.s32 v27, v21  }
0x31e: {  	v7 =	vadd.f32 v7, v34;
	v19 =	vld [tilespmem:s30+$0x30];
	[tilespmem:v20+s20+$0x0] =	vst.idx.msk $0xffff, v23  }
0x31f: {  	v20 =	vld [tilespmem:s6+$0xC0];
	[tilespmem:v40+s20+$0x0] =	vst.idx.msk $0xffff, v4;
	v3 =	vadd.f32 v3, v36  }
0x320: {  	v18 =	vadd.s32 v28, v21;
	v4 =	vadd.f32 v16, v36;
	v24 =	vld [tilespmem:s30+$0xE0];
	[tilespmem:v9+s20+$0x0] =	vst.idx.msk $0xffff, v7  }
0x321: {  	v0 =	vadd.f32 v0, v35;
	v6 =	vadd.s32 v30, v37;
	v7 =	vld [tilespmem:s30+$0xB0];
	[tilespmem:v10+s20+$0x0] =	vst.idx.msk $0xffff, v3  }
0x322: {  	v16 =	vadd.s32 v53, v21;
	v3 =	vadd.f32 v8, v36;
	[tilespmem:v2+s20+$0x0] =	vst.idx.msk $0xffff, v4;
	v8 =	vld [tilespmem:s6+$0x10]  }
0x323: {  	v15 =	vadd.s32 v57, v37;
	v14 =	vadd.s32 v51, v37;
	v10 =	vld [tilespmem:s30+$0x60]  }
0x324: {  	[tilespmem:v42+s20+$0x0] =	vst.idx.msk $0xffff, v0;
	v0 =	vadd.s32 v32, v21;
	v4 =	vadd.f32 v5, v35;
	v44 =	vld [tilespmem:s6+$0x50]  }
0x325: {  	v9 =	vadd.f32 v19, v33;
	v5 =	vadd.f32 v11, v36;
	[tilespmem:v18+s20+$0x0] =	vst.idx.msk $0xffff, v3;
	v3 =	vld [tilespmem:s30+$0x130]  }
0x326: {  	v11 =	vadd.s32 v61, v21;
	[tilespmem:v6+s20+$0x0] =	vst.idx.msk $0xffff, v4;
	v6 =	vadd.f32 v7, v33;
	v7 =	vld [tilespmem:s30+$0x1A0]  }
0x327: {  	v43 =	vadd.f32 v12, v36;
	[tilespmem:v16+s20+$0x0] =	vst.idx.msk $0xffff, v5;
	v5 =	vadd.f32 v22, v36;
	v12 =	vld [tilespmem:s6+$0x90]  }
0x328: {  	v2 =	vadd.s32 v1, v21;
	[tilespmem:v14+s20+$0x0] =	vst.idx.msk $0xffff, v9;
	v22 =	vld [tilespmem:$0x1FF30]  }
0x329: {  	v4 =	vadd.s32 v31, v21;
	v9 =	vld [tilespmem:s30+$0x160];
	[tilespmem:v0+s20+$0x0] =	vst.idx.msk $0xffff, v5;
	v8 =	vadd.f32 v8, v35  }
0x32a: {  	v5 =	vld [tilespmem:s30+$0x1F0];
	v0 =	vadd.f32 v10, v34  }
0x32b: {  	v13 =	vadd.f32 v13, v36;
	v10 =	vld [tilespmem:s6+$0x1D0];
	[tilespmem:v11+s20+$0x0] =	vst.idx.msk $0xffff, v8  }
0x32c: {  	v8 =	vadd.f32 v12, v35;
	v12 =	vld [tilespmem:s6+$0x110];
	[tilespmem:v15+s20+$0x0] =	vst.idx.msk $0xffff, v0;
	v15 =	vadd.f32 v3, v33  }
0x32d: {  	[tilespmem:v2+s20+$0x0] =	vst.idx.msk $0xffff, v13;
	v0 =	vadd.f32 v7, v34;
	v3 =	vadd.f32 v24, v34;
	v24 =	vld [tilespmem:$0x1FE20]  }
0x32e: {  	v2 =	vadd.s32 v22, v37;
	v7 =	vld [tilespmem:s30+$0x70];
	[tilespmem:v4+s20+$0x0] =	vst.idx.msk $0xffff, v8  }
0x32f: {  	v9 =	vadd.f32 v9, v34;
	v4 =	vadd.s32 v54, v21;
	v8 =	vld [tilespmem:s6+$0x20];
	[tilespmem:v17+s20+$0x0] =	vst.idx.msk $0xffff, v0  }
0x330: {  	v38 =	vadd.s32 v50, v21;
	v23 =	vadd.s32 v59, v21;
	v40 =	vadd.s32 v48, v21;
	v17 =	vld [tilespmem:s30+$0x1B0]  }
0x331: {  	v42 =	vadd.s32 v47, v21;
	v14 =	vadd.s32 v46, v37;
	[tilespmem:v41+s20+$0x0] =	vst.idx.msk $0xffff, v9;
	v0 =	vld [tilespmem:s6+$0x190]  }
0x332: {  	v16 =	vadd.s32 v58, v21;
	v11 =	vadd.f32 v10, v35;
	[tilespmem:v39+s20+$0x0] =	vst.idx.msk $0xffff, v6;
	v19 =	vld [tilespmem:s30+$0x170]  }
0x333: {  	v18 =	vadd.s32 v29, v37;
	v6 =	vadd.f32 v20, v36;
	v20 =	vld [tilespmem:$0x1FF00];
	[tilespmem:v2+s20+$0x0] =	vst.idx.msk $0xffff, v3  }
0x334: {  	p0 =	slt.u32 s31, $0x78;
	v5 =	vadd.f32 v5, v33;
	v2 =	vadd.s32 v52, v37;
	[tilespmem:v4+s20+$0x0] =	vst.idx.msk $0xffff, v11;
	v11 =	vld [tilespmem:s30+$0xF0]  }
.Ltmp6:
0x335: {  	v3 =	vadd.s32 v62, v37;
	v10 =	vadd.s32 v24, v37;
	v9 =	vadd.f32 v12, v35;
	v4 =	vld [tilespmem:s6+$0xA0];
	(pc) =	sbr.rel @p0 .LBB2_15-.Ltmp6, $4  }
0x336: {  	v12 =	vadd.s32 v49, v37;
	v37 =	vmov v21;
	v13 =	vadd.f32 v7, v33;
	[tilespmem:v23+s20+$0x0] =	vst.idx.msk $0xffff, v6;
	v23 =	vld [tilespmem:$0x1FE60]  }
0x337: {  	v41 =	vadd.s32 v63, v37;
	v6 =	vadd.f32 v8, v34;
	[tilespmem:v16+s20+$0x0] =	vst.idx.msk $0xffff, v9;
	v7 =	vld [tilespmem:s6+$0x1E0]  }
0x338: {  	s30 =	smov.u32 s6;
	v9 =	vadd.s32 v60, v37;
	[tilespmem:v14+s20+$0x0] =	vst.idx.msk $0xffff, v5;
	v39 =	vadd.s32 v20, v37;
	v5 =	vld [tilespmem:s6+$0xD0]  }
0x339: {  	v14 =	vadd.f32 v17, v33;
	v8 =	vld [tilespmem:s30+$0x120];
	s6 =	sadd.s32 $0x200, s6;
	[tilespmem:v18+s20+$0x0] =	vst.idx.msk $0xffff, v15;
	v15 =	vadd.f32 v19, v33  }
0x33a: {  	_ =	sdelay $0x3  }
0x33b: {  	[tilespmem:v38+s20+$0x0] =	vst.idx.msk $0xffff, v43  }
0x33c: {  	v17 =	vadd.s32 v55, v37;
	[tilespmem:v10+s20+$0x0] =	vst.idx.msk $0xffff, v13;
	v16 =	vld [tilespmem:s30+$0x150]  }
0x33d: {  	[tilespmem:v9+s20+$0x0] =	vst.idx.msk $0xffff, v6  }
0x33e: {  	v43 =	vadd.s32 v30, v37;
	v0 =	vadd.f32 v0, v35;
	[tilespmem:v12+s20+$0x0] =	vst.idx.msk $0xffff, v15  }
0x33f: {  	v45 =	vadd.f32 v44, v35;
	[tilespmem:v2+s20+$0x0] =	vst.idx.msk $0xffff, v14  }
0x340: {  	v48 =	vadd.s32 v56, v37;
	[tilespmem:v42+s20+$0x0] =	vst.idx.msk $0xffff, v0;
	v5 =	vadd.f32 v5, v35  }
0x341: {  	v53 =	vadd.s32 v26, v37;
	v61 =	vld [tilespmem:s30+$0x1A0];
	[tilespmem:v17+s20+$0x0] =	vst.idx.msk $0xffff, v45;
	v47 =	vadd.f32 v16, v35  }
0x342: {  	v11 =	vadd.f32 v11, v33;
	v55 =	vadd.s32 v25, v37;
	[tilespmem:v40+s20+$0x0] =	vst.idx.msk $0xffff, v5;
	v54 =	vld [tilespmem:s30+$0x60]  }
0x343: {  	v4 =	vadd.f32 v4, v34;
	v63 =	vld [tilespmem:s30+$0xE0];
	v16 =	vadd.s32 v23, v37;
	[tilespmem:v43+s20+$0x0] =	vst.idx.msk $0xffff, v47  }
0x344: {  	v59 =	vadd.s32 v57, v37;
	[tilespmem:v3+s20+$0x0] =	vst.idx.msk $0xffff, v11;
	v7 =	vadd.f32 v7, v34;
	v58 =	vld [tilespmem:s30+$0x160]  }
0x345: {  	v38 =	vadd.s32 v22, v37;
	v8 =	vadd.f32 v8, v34;
	[tilespmem:v48+s20+$0x0] =	vst.idx.msk $0xffff, v4;
	v17 =	vld [tilespmem:s30+$0x30]  }
0x346: {  	[tilespmem:v53+s20+$0x0] =	vst.idx.msk $0xffff, v7;
	v35 =	vld [tilespmem:s30+$0xB0];
	v5 =	vadd.f32 v61, v34  }
0x347: {  	v40 =	vadd.s32 v51, v37;
	[tilespmem:v55+s20+$0x0] =	vst.idx.msk $0xffff, v8;
	v42 =	vld [tilespmem:s30+$0x1F0];
	v36 =	vadd.f32 v54, v34  }
0x348: {  	v8 =	vld [tilespmem:s30+$0x130];
	v6 =	vadd.f32 v63, v34;
	[tilespmem:v16+s20+$0x0] =	vst.idx.msk $0xffff, v5  }
0x349: {  	v43 =	vadd.s32 v46, v37;
	v48 =	vld [tilespmem:s30+$0x1B0];
	[tilespmem:v59+s20+$0x0] =	vst.idx.msk $0xffff, v36;
	v0 =	vadd.f32 v58, v34  }
0x34a: {  	v45 =	vadd.s32 v29, v37;
	v44 =	vadd.f32 v17, v33;
	[tilespmem:v38+s20+$0x0] =	vst.idx.msk $0xffff, v6;
	v7 =	vld [tilespmem:s30+$0x70]  }
0x34b: {  	v2 =	vadd.f32 v35, v33;
	v55 =	vld [tilespmem:s30+$0xF0];
	v58 =	vadd.s32 v52, v37;
	[tilespmem:v41+s20+$0x0] =	vst.idx.msk $0xffff, v0  }
0x34c: {  	v53 =	vadd.s32 v24, v37;
	v54 =	vadd.f32 v42, v33;
	[tilespmem:v40+s20+$0x0] =	vst.idx.msk $0xffff, v44;
	v47 =	vld [tilespmem:s30+$0x170]  }
0x34d: {  	v8 =	vadd.f32 v8, v33;
	[tilespmem:v39+s20+$0x0] =	vst.idx.msk $0xffff, v2;
	v59 =	vadd.s32 v62, v37  }
0x34e: {  	v57 =	vadd.s32 v49, v37;
	[tilespmem:v43+s20+$0x0] =	vst.idx.msk $0xffff, v54;
	v63 =	vadd.f32 v48, v33  }
0x34f: {  	[tilespmem:v45+s20+$0x0] =	vst.idx.msk $0xffff, v8;
	v7 =	vadd.f32 v7, v33  }
0x350: {  	s1 =	sshll.u32 s1, $0x7;
	v3 =	vadd.f32 v55, v33;
	[tilespmem:v58+s20+$0x0] =	vst.idx.msk $0xffff, v63  }
0x351: {  	s1 =	sand.u32 $0x380, s1;
	[tilespmem:v53+s20+$0x0] =	vst.idx.msk $0xffff, v7;
	v61 =	vadd.f32 v47, v33  }
0x352: {  	s0 =	sshll.u32 s0, $0xD;
	s1 =	sadd.s32 s2, s1;
	[tilespmem:v59+s20+$0x0] =	vst.idx.msk $0xffff, v3  }
0x353: {  	s14 =	simm.s32 $0x1AF00;
	s1 =	sadd.s32 s0, s1;
	[tilespmem:v57+s20+$0x0] =	vst.idx.msk $0xffff, v61  }
0x354: {  	[hbm4b:s1+s3] =	stream.linear.scatter [tilespmem:s14], [sflag:$0x4], $0x80, $0x38;
	[tilespmem:$0x1D300] =	vst v63  }
0x355: {  	s18 =	simm.s32 $0x1AF90;
	s6 =	sadd.s32 $0x10, s1  }
0x356: {  	[hbm4b:s6+s3] =	stream.linear.scatter [tilespmem:s18], [sflag:$0x4], $0x80, $0x38;
	[tilespmem:$0x1D300] =	vst v63  }
0x357: {  	s24 =	simm.s32 $0x1B020;
	s12 =	simm.s32 $0x1B140;
	s31 =	sadd.s32 $0x20, s1  }
0x358: {  	[hbm4b:s31+s3] =	stream.linear.scatter [tilespmem:s24], [sflag:$0x4], $0x80, $0x38;
	[tilespmem:$0x1D300] =	vst v63  }
0x359: {  	s0 =	simm.s32 $0x480;
	s7 =	sadd.s32 $0x30, s1;
	s6 =	simm.s32 $0x1B0B0  }
0x35a: {  	[hbm4b:s7+s3] =	stream.linear.scatter [tilespmem:s6], [sflag:$0x4], $0x80, $0x38;
	[tilespmem:$0x1D300] =	vst v63  }
0x35b: {  	s13 =	sadd.s32 $0x40, s1;
	s30 =	sadd.s32 $0x70, s1;
	s14 =	simm.s32 $0x1B1D0  }
0x35c: {  	[hbm4b:s13+s3] =	stream.linear.scatter [tilespmem:s12], [sflag:$0x4], $0x80, $0x38;
	[tilespmem:$0x1D300] =	vst v63  }
0x35d: {  	s18 =	sadd.s32 $0x50, s1;
	s24 =	simm.s32 $0x1B260;
	s31 =	sadd.s32 $0x60, s1  }
0x35e: {  	[hbm4b:s18+s3] =	stream.linear.scatter [tilespmem:s14], [sflag:$0x4], $0x80, $0x38;
	[tilespmem:$0x1D300] =	vst v63  }
0x35f: {  	s1 =	sadd.s32 $0x400, s1;
	s6 =	simm.s32 $0x2400;
	s14 =	simm.s32 $0x1B2F0  }
0x360: {  	v21 =	vmov v60;
	[hbm4b:s31+s3] =	stream.linear.scatter [tilespmem:s24], [sflag:$0x4], $0x80, $0x38;
	[tilespmem:$0x1D300] =	vst v63  }
.LBB2_17:
0x361: {  	[hbm4b:s30+s3] =	stream.linear.scatter [tilespmem:s14], [sflag:$0x4], $0x80, $0x38;
	[tilespmem:$0x1D300] =	vst v63  }
0x362: {  	s7 =	smov.u32 s0;
	s0 =	smov.u32 s6  }
0x363: {  	s12 =	sadd.s32 $0x1200, s6;
	s0 =	sshra.s32 s0, $0x2;
	s13 =	sadd.s32 $0x1AF00, s7  }
0x364: {  	[hbm4b:s1+s3] =	stream.linear.scatter [tilespmem:s13], [sflag:$0x4], $0x80, $0x38;
	[tilespmem:$0x1D300] =	vst v63  }
0x365: {  	p0 =	sne.s32 s6, $0x7E00;
	s6 =	sadd.s32 $0x1AF90, s7;
	s13 =	sadd.s32 $0x10, s1  }
0x366: {  	[hbm4b:s13+s3] =	stream.linear.scatter [tilespmem:s6], [sflag:$0x4], $0x80, $0x38;
	[tilespmem:$0x1D300] =	vst v63  }
0x367: {  	s6 =	sadd.s32 $0x1B020, s7;
	s13 =	sadd.s32 $0x20, s1  }
0x368: {  	[hbm4b:s13+s3] =	stream.linear.scatter [tilespmem:s6], [sflag:$0x4], $0x80, $0x38;
	[tilespmem:$0x1D300] =	vst v63  }
0x369: {  	s6 =	sadd.s32 $0x1B0B0, s7;
	s13 =	sadd.s32 $0x30, s1  }
0x36a: {  	[hbm4b:s13+s3] =	stream.linear.scatter [tilespmem:s6], [sflag:$0x4], $0x80, $0x38;
	[tilespmem:$0x1D300] =	vst v63  }
0x36b: {  	s6 =	sadd.s32 $0x1B140, s7;
	s13 =	sadd.s32 $0x40, s1  }
0x36c: {  	[hbm4b:s13+s3] =	stream.linear.scatter [tilespmem:s6], [sflag:$0x4], $0x80, $0x38;
	[tilespmem:$0x1D300] =	vst v63  }
.Ltmp7:
0x36d: {  	s6 =	sadd.s32 $0x1B1D0, s7;
	s13 =	sadd.s32 $0x50, s1;
	(pc) =	sbr.rel @p0 .LBB2_17-.Ltmp7, $4  }
0x36e: {  	[hbm4b:s13+s3] =	stream.linear.scatter [tilespmem:s6], [sflag:$0x4], $0x80, $0x38;
	[tilespmem:$0x1D300] =	vst v63  }
0x36f: {  	s30 =	sadd.s32 $0x70, s1;
	s6 =	sadd.s32 $0x1B260, s7;
	s13 =	sadd.s32 $0x60, s1  }
0x370: {  	[hbm4b:s13+s3] =	stream.linear.scatter [tilespmem:s6], [sflag:$0x4], $0x80, $0x38;
	[tilespmem:$0x1D300] =	vst v63  }
0x371: {  	s14 =	sadd.s32 $0x1B2F0, s7;
	s1 =	sadd.s32 $0x400, s1;
	s6 =	smov.u32 s12  }
0x372: {  	[hbm4b:s30+s3] =	stream.linear.scatter [tilespmem:s14], [sflag:$0x4], $0x80, $0x38;
	[tilespmem:$0x1D300] =	vst v63  }
0x373: {  	s6 =	sadd.s32 $0x1AF00, s0  }
0x374: {  	[hbm4b:s1+s3] =	stream.linear.scatter [tilespmem:s6], [sflag:$0x4], $0x80, $0x38;
	[tilespmem:$0x1D300] =	vst v63  }
0x375: {  	s18 =	sadd.s32 $0x1AF90, s0;
	s7 =	sadd.s32 $0x10, s1  }
0x376: {  	[hbm4b:s7+s3] =	stream.linear.scatter [tilespmem:s18], [sflag:$0x4], $0x80, $0x38;
	[tilespmem:$0x1D300] =	vst v63  }
0x377: {  	s24 =	sadd.s32 $0x1B020, s0;
	s31 =	sadd.s32 $0x20, s1  }
0x378: {  	[hbm4b:s31+s3] =	stream.linear.scatter [tilespmem:s24], [sflag:$0x4], $0x80, $0x38;
	[tilespmem:$0x1D300] =	vst v63  }
0x379: {  	s12 =	sadd.s32 $0x1B0B0, s0;
	s13 =	sadd.s32 $0x30, s1  }
0x37a: {  	[hbm4b:s13+s3] =	stream.linear.scatter [tilespmem:s12], [sflag:$0x4], $0x80, $0x38;
	[tilespmem:$0x1D300] =	vst v63  }
0x37b: {  	s14 =	sadd.s32 $0x1B140, s0;
	s18 =	sadd.s32 $0x40, s1  }
0x37c: {  	[hbm4b:s18+s3] =	stream.linear.scatter [tilespmem:s14], [sflag:$0x4], $0x80, $0x38;
	[tilespmem:$0x1D300] =	vst v63  }
0x37d: {  	s24 =	sadd.s32 $0x1B1D0, s0;
	s31 =	sadd.s32 $0x50, s1  }
0x37e: {  	[hbm4b:s31+s3] =	stream.linear.scatter [tilespmem:s24], [sflag:$0x4], $0x80, $0x38;
	[tilespmem:$0x1D300] =	vst v63  }
0x37f: {  	s7 =	sadd.s32 $0x1B260, s0;
	s12 =	sadd.s32 $0x60, s1  }
0x380: {  	[hbm4b:s12+s3] =	stream.linear.scatter [tilespmem:s7], [sflag:$0x4], $0x80, $0x38;
	[tilespmem:$0x1D300] =	vst v63  }
0x381: {  	s13 =	sadd.s32 $0x1B2F0, s0;
	s14 =	sadd.s32 $0x70, s1  }
0x382: {  	[hbm4b:s14+s3] =	stream.linear.scatter [tilespmem:s13], [sflag:$0x4], $0x80, $0x38;
	[tilespmem:$0x1D300] =	vst v63  }
0x383: {  	s1 =	sadd.s32 s29, s10;
	s18 =	simm.s32 $0x0;
	_ =	swait.ge [sflag:s21], $0x2000  }
0x384: {  	v0 =	vmov s18;
	s24 =	sshll.u32 s1, $0x3;
	[sflag:s21] =	ssyncset.done $0x0;
	v45 =	vld [tilespmem:$0x1FEB0]  }
0x385: {  	v0 =	vshrl.u32 v0, $0x3;
	s6 =	sand.u32 $0x3FFFFFC0, s24;
	[sflag:s21] =	ssyncadd.s32 $0xFFFFE000  }
0x386: {  	s31 =	simm.s32 $0xCB00;
	v0 =	vshll.u32 v0, $0x3;
	v36 =	vld [tilespmem:s6+$0x1900]  }
0x387: {  	v39 =	vbroadcast v0, $0x0;
	v2 =	vld [tilespmem:s31+$0x0]  }
0x388: {  	v28 =	vld [tilespmem:$0x1FEC0]  }
0x389: {  	v53 =	vld [tilespmem:$0x1FF40];
	v0 =	vadd.s32 v45, v39  }
0x38a: {  	v35 =	vld [tilespmem:s6+$0x1910]  }
0x38b: {  	v3 =	vld [tilespmem:s31+$0x1C0]  }
0x38c: {  	v4 =	vld [tilespmem:s31+$0x80];
	v2 =	vadd.f32 v2, v36  }
0x38d: {  	v34 =	vld [tilespmem:s6+$0x1920]  }
0x38e: {  	v6 =	vadd.s32 v32, v39;
	v33 =	vld [tilespmem:s6+$0x1930];
	[tilespmem:v0+s19+$0x0] =	vst.idx.msk $0xffff, v2  }
0x38f: {  	v7 =	vadd.s32 v28, v39;
	v27 =	vld [tilespmem:$0x1FFD0]  }
0x390: {  	v5 =	vld [tilespmem:s31+$0x100]  }
0x391: {  	v9 =	vld [tilespmem:s31+$0x40];
	v0 =	vadd.f32 v3, v36  }
0x392: {  	v11 =	vld [tilespmem:s31+$0xC0];
	v8 =	vadd.s32 v53, v39;
	v2 =	vadd.f32 v4, v36  }
0x393: {  	v4 =	vld [tilespmem:s31+$0x180];
	[tilespmem:v6+s19+$0x0] =	vst.idx.msk $0xffff, v0  }
0x394: {  	v3 =	vld [tilespmem:s31+$0x10];
	[tilespmem:v7+s19+$0x0] =	vst.idx.msk $0xffff, v2;
	v10 =	vadd.s32 v27, v39  }
0x395: {  	v5 =	vadd.f32 v5, v36;
	v61 =	vld [tilespmem:$0x1FFE0]  }
0x396: {  	v2 =	vld [tilespmem:s31+$0x1D0]  }
0x397: {  	v1 =	vld [tilespmem:$0x1FF90];
	[tilespmem:v8+s19+$0x0] =	vst.idx.msk $0xffff, v5;
	v5 =	vadd.f32 v9, v36  }
0x398: {  	v54 =	vld [tilespmem:$0x1FE80]  }
0x399: {  	v31 =	vld [tilespmem:$0x1FED0];
	[tilespmem:v10+s19+$0x0] =	vst.idx.msk $0xffff, v5  }
0x39a: {  	v58 =	vld [tilespmem:$0x1FF50]  }
0x39b: {  	v0 =	vadd.s32 v61, v39;
	v59 =	vld [tilespmem:$0x1FF10]  }
0x39c: {  	v7 =	vld [tilespmem:s31+$0x90];
	v6 =	vadd.s32 v1, v39  }
0x39d: {  	v8 =	vld [tilespmem:s31+$0x110];
	v9 =	vadd.s32 v54, v39  }
0x39e: {  	s29 =	simm.s32 $0xCD00;
	v13 =	vld [tilespmem:s31+$0x140];
	v3 =	vadd.f32 v3, v35;
	v12 =	vadd.s32 v31, v39  }
0x39f: {  	v18 =	vld [tilespmem:s29+$0x180];
	v4 =	vadd.f32 v4, v36;
	v5 =	vadd.s32 v58, v39  }
0x3a0: {  	v14 =	vld [tilespmem:s31+$0x50];
	[tilespmem:v0+s19+$0x0] =	vst.idx.msk $0xffff, v3;
	v0 =	vadd.f32 v2, v35;
	v10 =	vadd.s32 v59, v39  }
0x3a1: {  	[tilespmem:v6+s19+$0x0] =	vst.idx.msk $0xffff, v4;
	v2 =	vadd.f32 v7, v35;
	v3 =	vld [tilespmem:s31+$0x20]  }
0x3a2: {  	v4 =	vld [tilespmem:s31+$0x190];
	[tilespmem:v9+s19+$0x0] =	vst.idx.msk $0xffff, v0;
	v0 =	vadd.f32 v8, v35  }
0x3a3: {  	[tilespmem:v12+s19+$0x0] =	vst.idx.msk $0xffff, v2;
	v2 =	vadd.f32 v11, v36;
	v6 =	vld [tilespmem:s31+$0x1E0]  }
0x3a4: {  	v8 =	vld [tilespmem:s31+$0xA0];
	[tilespmem:v5+s19+$0x0] =	vst.idx.msk $0xffff, v0  }
0x3a5: {  	v7 =	vadd.s32 v50, v39;
	[tilespmem:v10+s19+$0x0] =	vst.idx.msk $0xffff, v2;
	v5 =	vld [tilespmem:s31+$0x120]  }
0x3a6: {  	v2 =	vadd.s32 v21, v39;
	v48 =	vld [tilespmem:$0x1FF20]  }
0x3a7: {  	s30 =	simm.s32 $0x8;
	v55 =	vld [tilespmem:$0x1FFC0]  }
0x3a8: {  	v15 =	vmov s30;
	v16 =	vadd.s32 v25, v39;
	v0 =	vadd.f32 v13, v36;
	v47 =	vld [tilespmem:$0x1FFA0]  }
0x3a9: {  	v15 =	vshrl.u32 v15, $0x3;
	v19 =	vadd.s32 v56, v39;
	v3 =	vadd.f32 v3, v34;
	v12 =	vld [tilespmem:s31+$0xD0]  }
0x3aa: {  	v15 =	vshll.u32 v15, $0x3;
	v63 =	vld [tilespmem:$0x1FF80];
	[tilespmem:v7+s19+$0x0] =	vst.idx.msk $0xffff, v0;
	v0 =	vadd.s32 v26, v39  }
0x3ab: {  	v37 =	vbroadcast v15, $0x0;
	[tilespmem:v2+s19+$0x0] =	vst.idx.msk $0xffff, v3;
	v2 =	vld [tilespmem:s29+$0x0];
	v9 =	vadd.s32 v48, v39;
	v3 =	vadd.f32 v5, v34  }
0x3ac: {  	v8 =	vadd.f32 v8, v34;
	v13 =	vld [tilespmem:s29+$0x40];
	v22 =	vadd.s32 v55, v39  }
0x3ad: {  	v6 =	vadd.f32 v6, v34;
	v7 =	vld [tilespmem:s29+$0x80];
	[tilespmem:v16+s19+$0x0] =	vst.idx.msk $0xffff, v3;
	v3 =	vadd.s32 v45, v37  }
0x3ae: {  	[tilespmem:v19+s19+$0x0] =	vst.idx.msk $0xffff, v8;
	v8 =	vadd.s32 v27, v37;
	v44 =	vld [tilespmem:s31+$0x150];
	v12 =	vadd.f32 v12, v35  }
0x3af: {  	v14 =	vadd.f32 v14, v35;
	v10 =	vadd.s32 v47, v39;
	v57 =	vld [tilespmem:$0x1FE10];
	[tilespmem:v0+s19+$0x0] =	vst.idx.msk $0xffff, v6  }
0x3b0: {  	v2 =	vadd.f32 v2, v36;
	[tilespmem:v9+s19+$0x0] =	vst.idx.msk $0xffff, v12;
	v9 =	vadd.s32 v28, v37;
	v12 =	vld [tilespmem:s31+$0x30]  }
0x3b1: {  	v13 =	vadd.f32 v13, v36;
	v5 =	vld [tilespmem:s29+$0x100];
	v0 =	vadd.s32 v30, v39;
	[tilespmem:v22+s19+$0x0] =	vst.idx.msk $0xffff, v14  }
0x3b2: {  	v15 =	vld [tilespmem:s29+$0x1C0];
	v14 =	vadd.s32 v51, v39;
	[tilespmem:v3+s19+$0x0] =	vst.idx.msk $0xffff, v2;
	v3 =	vadd.f32 v4, v35  }
0x3b3: {  	v7 =	vadd.f32 v7, v36;
	[tilespmem:v8+s19+$0x0] =	vst.idx.msk $0xffff, v13;
	v8 =	vld [tilespmem:s31+$0xB0];
	v4 =	vadd.s32 v53, v37  }
0x3b4: {  	v13 =	vadd.f32 v44, v35;
	v2 =	vld [tilespmem:s31+$0xE0];
	[tilespmem:v10+s19+$0x0] =	vst.idx.msk $0xffff, v3;
	v10 =	vadd.s32 v1, v37  }
0x3b5: {  	v3 =	vld [tilespmem:s29+$0x10];
	v12 =	vadd.f32 v12, v33;
	[tilespmem:v9+s19+$0x0] =	vst.idx.msk $0xffff, v7;
	v9 =	vadd.s32 v32, v37  }
0x3b6: {  	v5 =	vadd.f32 v5, v36;
	[tilespmem:v0+s19+$0x0] =	vst.idx.msk $0xffff, v13;
	v7 =	vld [tilespmem:s31+$0x60]  }
0x3b7: {  	v0 =	vadd.s32 v61, v37;
	v13 =	vld [tilespmem:s29+$0x90];
	[tilespmem:v14+s19+$0x0] =	vst.idx.msk $0xffff, v12;
	v12 =	vadd.f32 v18, v36  }
0x3b8: {  	v15 =	vadd.f32 v15, v36;
	v16 =	vadd.s32 v57, v39;
	v18 =	vld [tilespmem:s31+$0x1A0];
	[tilespmem:v4+s19+$0x0] =	vst.idx.msk $0xffff, v5  }
0x3b9: {  	v11 =	vadd.s32 v20, v39;
	v4 =	vld [tilespmem:s31+$0x130];
	v5 =	vadd.s32 v31, v37;
	[tilespmem:v10+s19+$0x0] =	vst.idx.msk $0xffff, v12  }
0x3ba: {  	v20 =	vadd.s32 v23, v39;
	v10 =	vld [tilespmem:s31+$0x160];
	v3 =	vadd.f32 v3, v35;
	[tilespmem:v9+s19+$0x0] =	vst.idx.msk $0xffff, v15  }
0x3bb: {  	v7 =	vadd.f32 v7, v34;
	v9 =	vld [tilespmem:$0x1FF30]  }
0x3bc: {  	[tilespmem:v0+s19+$0x0] =	vst.idx.msk $0xffff, v3;
	v0 =	vadd.f32 v13, v35;
	v3 =	vld [tilespmem:s29+$0x1D0]  }
0x3bd: {  	v17 =	vadd.s32 v63, v39;
	v12 =	vld [tilespmem:s31+$0x1F0];
	[tilespmem:v16+s19+$0x0] =	vst.idx.msk $0xffff, v7;
	v7 =	vadd.f32 v18, v34  }
0x3be: {  	v6 =	vld [tilespmem:s29+$0xC0];
	v8 =	vadd.f32 v8, v33;
	[tilespmem:v5+s19+$0x0] =	vst.idx.msk $0xffff, v0;
	v5 =	vadd.s32 v54, v37  }
0x3bf: {  	v21 =	vld [tilespmem:s29+$0x140];
	v14 =	vadd.s32 v59, v37;
	[tilespmem:v20+s19+$0x0] =	vst.idx.msk $0xffff, v7;
	v7 =	vadd.s32 v46, v39  }
0x3c0: {  	v44 =	vld [tilespmem:s29+$0x50];
	[tilespmem:v11+s19+$0x0] =	vst.idx.msk $0xffff, v8;
	v0 =	vadd.f32 v2, v34;
	v2 =	vadd.f32 v10, v34  }
0x3c1: {  	v15 =	vld [tilespmem:s29+$0x110];
	v18 =	vadd.f32 v4, v33;
	v9 =	vadd.s32 v9, v39;
	v4 =	vadd.f32 v3, v35  }
0x3c2: {  	v13 =	vld [tilespmem:s31+$0x70];
	v12 =	vadd.f32 v12, v33;
	[tilespmem:v17+s19+$0x0] =	vst.idx.msk $0xffff, v2  }
0x3c3: {  	v19 =	vld [tilespmem:s31+$0x1B0];
	[tilespmem:v5+s19+$0x0] =	vst.idx.msk $0xffff, v4;
	v4 =	vadd.f32 v6, v36  }
0x3c4: {  	v17 =	vld [tilespmem:s31+$0x170];
	[tilespmem:v7+s19+$0x0] =	vst.idx.msk $0xffff, v12  }
0x3c5: {  	v16 =	vadd.s32 v58, v37;
	v7 =	vld [tilespmem:s29+$0x1E0];
	[tilespmem:v14+s19+$0x0] =	vst.idx.msk $0xffff, v4  }
0x3c6: {  	v8 =	vadd.s32 v29, v39;
	[tilespmem:v9+s19+$0x0] =	vst.idx.msk $0xffff, v0;
	v9 =	vld [tilespmem:s29+$0x20]  }
0x3c7: {  	v38 =	vadd.s32 v50, v37;
	v43 =	vadd.f32 v21, v36;
	v40 =	vadd.s32 v48, v37;
	v6 =	vld [tilespmem:$0x1FF00]  }
0x3c8: {  	v42 =	vadd.s32 v47, v37;
	v10 =	vadd.s32 v24, v39;
	v5 =	vadd.f32 v15, v35;
	v4 =	vld [tilespmem:s29+$0xA0]  }
0x3c9: {  	v41 =	vadd.s32 v63, v37;
	v2 =	vadd.s32 v52, v39;
	v12 =	vadd.s32 v49, v39;
	v11 =	vld [tilespmem:s31+$0xF0]  }
0x3ca: {  	v3 =	vadd.s32 v62, v39;
	v13 =	vadd.f32 v13, v33;
	v0 =	vld [tilespmem:s29+$0x190];
	[tilespmem:v16+s19+$0x0] =	vst.idx.msk $0xffff, v5  }
0x3cb: {  	v14 =	vadd.f32 v19, v33;
	v5 =	vld [tilespmem:s29+$0xD0];
	[tilespmem:v8+s19+$0x0] =	vst.idx.msk $0xffff, v18;
	v15 =	vadd.f32 v17, v33  }
0x3cc: {  	s0 =	sshrl.u32 s1, $0x3;
	s6 =	simm.s32 $0xCF00;
	v8 =	vld [tilespmem:s29+$0x120];
	v39 =	vadd.s32 v6, v37;
	v6 =	vadd.f32 v9, v34;
	v9 =	vadd.s32 v60, v37  }
.LBB2_19:
0x3cd: {  	s30 =	sadd.s32 $0x8, s30;
	v16 =	vld [tilespmem:s6+$0x40];
	[tilespmem:v10+s19+$0x0] =	vst.idx.msk $0xffff, v13  }
0x3ce: {  	v19 =	vadd.s32 v56, v37;
	v22 =	vld [tilespmem:s6+$0x1C0];
	[tilespmem:v12+s19+$0x0] =	vst.idx.msk $0xffff, v15;
	v10 =	vadd.f32 v11, v33;
	v11 =	vmov s30  }
0x3cf: {  	v18 =	vadd.s32 v25, v37;
	v13 =	vld [tilespmem:s6+$0x180];
	[tilespmem:v2+s19+$0x0] =	vst.idx.msk $0xffff, v14;
	v11 =	vshrl.u32 v11, $0x3  }
0x3d0: {  	v20 =	vadd.s32 v55, v37;
	v12 =	vld [tilespmem:s6+$0x140];
	[tilespmem:v38+s19+$0x0] =	vst.idx.msk $0xffff, v43;
	v2 =	vshll.u32 v11, $0x3  }
0x3d1: {  	v17 =	vadd.s32 v23, v37;
	v4 =	vadd.f32 v4, v34;
	[tilespmem:v3+s19+$0x0] =	vst.idx.msk $0xffff, v10;
	v3 =	vld [tilespmem:s6+$0x0];
	v21 =	vbroadcast v2, $0x0  }
0x3d2: {  	v11 =	vld [tilespmem:s6+$0x100];
	[tilespmem:v9+s19+$0x0] =	vst.idx.msk $0xffff, v6;
	v9 =	vadd.s32 v26, v37;
	v2 =	vadd.f32 v8, v34  }
0x3d3: {  	v23 =	vadd.f32 v44, v35;
	v8 =	vld [tilespmem:s6+$0x80];
	[tilespmem:v19+s19+$0x0] =	vst.idx.msk $0xffff, v4;
	v10 =	vadd.s32 v45, v21  }
0x3d4: {  	v4 =	vadd.f32 v5, v35;
	v5 =	vld [tilespmem:s29+$0x150];
	[tilespmem:v18+s19+$0x0] =	vst.idx.msk $0xffff, v2;
	v2 =	vadd.s32 v27, v21  }
0x3d5: {  	v7 =	vadd.f32 v7, v34;
	v44 =	vld [tilespmem:s29+$0x30];
	[tilespmem:v20+s19+$0x0] =	vst.idx.msk $0xffff, v23  }
0x3d6: {  	v20 =	vld [tilespmem:s6+$0xC0];
	[tilespmem:v40+s19+$0x0] =	vst.idx.msk $0xffff, v4;
	v3 =	vadd.f32 v3, v36  }
0x3d7: {  	v43 =	vadd.s32 v28, v21;
	v4 =	vadd.f32 v16, v36;
	v24 =	vld [tilespmem:s29+$0xE0];
	[tilespmem:v9+s19+$0x0] =	vst.idx.msk $0xffff, v7  }
0x3d8: {  	v0 =	vadd.f32 v0, v35;
	v6 =	vadd.s32 v30, v37;
	v7 =	vld [tilespmem:s29+$0xB0];
	[tilespmem:v10+s19+$0x0] =	vst.idx.msk $0xffff, v3  }
0x3d9: {  	v16 =	vadd.s32 v53, v21;
	v3 =	vadd.f32 v8, v36;
	[tilespmem:v2+s19+$0x0] =	vst.idx.msk $0xffff, v4;
	v8 =	vld [tilespmem:s6+$0x10]  }
0x3da: {  	v14 =	vadd.s32 v51, v37;
	[tilespmem:v42+s19+$0x0] =	vst.idx.msk $0xffff, v0;
	v10 =	vld [tilespmem:s29+$0x60]  }
0x3db: {  	v0 =	vadd.s32 v32, v21;
	v9 =	vadd.f32 v44, v33;
	v4 =	vadd.f32 v5, v35;
	v44 =	vld [tilespmem:s6+$0x50]  }
0x3dc: {  	v15 =	vadd.s32 v57, v37;
	v5 =	vadd.f32 v11, v36;
	[tilespmem:v43+s19+$0x0] =	vst.idx.msk $0xffff, v3;
	v3 =	vld [tilespmem:s29+$0x130]  }
0x3dd: {  	v11 =	vadd.s32 v61, v21;
	[tilespmem:v6+s19+$0x0] =	vst.idx.msk $0xffff, v4;
	v6 =	vadd.f32 v7, v33;
	v7 =	vld [tilespmem:s29+$0x1A0]  }
0x3de: {  	v43 =	vadd.f32 v12, v36;
	[tilespmem:v16+s19+$0x0] =	vst.idx.msk $0xffff, v5;
	v5 =	vadd.f32 v22, v36;
	v12 =	vld [tilespmem:s6+$0x90]  }
0x3df: {  	v2 =	vadd.s32 v1, v21;
	[tilespmem:v14+s19+$0x0] =	vst.idx.msk $0xffff, v9;
	v22 =	vld [tilespmem:$0x1FF30]  }
0x3e0: {  	v4 =	vadd.s32 v31, v21;
	v9 =	vld [tilespmem:s29+$0x160];
	[tilespmem:v0+s19+$0x0] =	vst.idx.msk $0xffff, v5;
	v8 =	vadd.f32 v8, v35  }
0x3e1: {  	v5 =	vld [tilespmem:s29+$0x1F0];
	v0 =	vadd.f32 v10, v34  }
0x3e2: {  	v13 =	vadd.f32 v13, v36;
	v10 =	vld [tilespmem:s6+$0x1D0];
	[tilespmem:v11+s19+$0x0] =	vst.idx.msk $0xffff, v8  }
0x3e3: {  	v8 =	vadd.f32 v12, v35;
	v12 =	vld [tilespmem:s6+$0x110];
	[tilespmem:v15+s19+$0x0] =	vst.idx.msk $0xffff, v0;
	v15 =	vadd.f32 v3, v33  }
0x3e4: {  	[tilespmem:v2+s19+$0x0] =	vst.idx.msk $0xffff, v13;
	v0 =	vadd.f32 v7, v34;
	v3 =	vadd.f32 v24, v34;
	v24 =	vld [tilespmem:$0x1FE20]  }
0x3e5: {  	v2 =	vadd.s32 v22, v37;
	v7 =	vld [tilespmem:s29+$0x70];
	[tilespmem:v4+s19+$0x0] =	vst.idx.msk $0xffff, v8  }
0x3e6: {  	v9 =	vadd.f32 v9, v34;
	v4 =	vadd.s32 v54, v21;
	v8 =	vld [tilespmem:s6+$0x20];
	[tilespmem:v17+s19+$0x0] =	vst.idx.msk $0xffff, v0  }
0x3e7: {  	v38 =	vadd.s32 v50, v21;
	v23 =	vadd.s32 v59, v21;
	v40 =	vadd.s32 v48, v21;
	v17 =	vld [tilespmem:s29+$0x1B0]  }
0x3e8: {  	v42 =	vadd.s32 v47, v21;
	v18 =	vadd.s32 v29, v37;
	[tilespmem:v41+s19+$0x0] =	vst.idx.msk $0xffff, v9;
	v0 =	vld [tilespmem:s6+$0x190]  }
0x3e9: {  	v16 =	vadd.s32 v58, v21;
	v11 =	vadd.f32 v10, v35;
	[tilespmem:v39+s19+$0x0] =	vst.idx.msk $0xffff, v6;
	v19 =	vld [tilespmem:s29+$0x170]  }
0x3ea: {  	v14 =	vadd.s32 v46, v37;
	v6 =	vadd.f32 v20, v36;
	v20 =	vld [tilespmem:$0x1FF00];
	[tilespmem:v2+s19+$0x0] =	vst.idx.msk $0xffff, v3  }
0x3eb: {  	p0 =	slt.u32 s30, $0x78;
	v5 =	vadd.f32 v5, v33;
	v2 =	vadd.s32 v52, v37;
	[tilespmem:v4+s19+$0x0] =	vst.idx.msk $0xffff, v11;
	v11 =	vld [tilespmem:s29+$0xF0]  }
.Ltmp8:
0x3ec: {  	v3 =	vadd.s32 v62, v37;
	v10 =	vadd.s32 v24, v37;
	v9 =	vadd.f32 v12, v35;
	v4 =	vld [tilespmem:s6+$0xA0];
	(pc) =	sbr.rel @p0 .LBB2_19-.Ltmp8, $4  }
0x3ed: {  	v12 =	vadd.s32 v49, v37;
	v37 =	vmov v21;
	v13 =	vadd.f32 v7, v33;
	[tilespmem:v23+s19+$0x0] =	vst.idx.msk $0xffff, v6;
	v23 =	vld [tilespmem:$0x1FE60]  }
0x3ee: {  	v41 =	vadd.s32 v63, v37;
	v6 =	vadd.f32 v8, v34;
	[tilespmem:v16+s19+$0x0] =	vst.idx.msk $0xffff, v9;
	v7 =	vld [tilespmem:s6+$0x1E0]  }
0x3ef: {  	s29 =	smov.u32 s6;
	v9 =	vadd.s32 v60, v37;
	[tilespmem:v14+s19+$0x0] =	vst.idx.msk $0xffff, v5;
	v39 =	vadd.s32 v20, v37;
	v5 =	vld [tilespmem:s6+$0xD0]  }
0x3f0: {  	v14 =	vadd.f32 v17, v33;
	v8 =	vld [tilespmem:s29+$0x120];
	s6 =	sadd.s32 $0x200, s6;
	[tilespmem:v18+s19+$0x0] =	vst.idx.msk $0xffff, v15;
	v15 =	vadd.f32 v19, v33  }
0x3f1: {  	_ =	sdelay $0x3  }
0x3f2: {  	[tilespmem:v38+s19+$0x0] =	vst.idx.msk $0xffff, v43;
	v17 =	vadd.s32 v55, v37  }
0x3f3: {  	[tilespmem:v10+s19+$0x0] =	vst.idx.msk $0xffff, v13;
	v16 =	vld [tilespmem:s29+$0x150]  }
0x3f4: {  	[tilespmem:v9+s19+$0x0] =	vst.idx.msk $0xffff, v6  }
0x3f5: {  	v60 =	vadd.s32 v30, v37;
	v61 =	vadd.f32 v44, v35;
	[tilespmem:v12+s19+$0x0] =	vst.idx.msk $0xffff, v15  }
0x3f6: {  	v0 =	vadd.f32 v0, v35;
	[tilespmem:v2+s19+$0x0] =	vst.idx.msk $0xffff, v14  }
0x3f7: {  	v18 =	vadd.s32 v26, v37;
	v5 =	vadd.f32 v5, v35;
	[tilespmem:v17+s19+$0x0] =	vst.idx.msk $0xffff, v61  }
0x3f8: {  	v28 =	vadd.s32 v25, v37;
	[tilespmem:v42+s19+$0x0] =	vst.idx.msk $0xffff, v0;
	v63 =	vadd.f32 v16, v35;
	v19 =	vld [tilespmem:s29+$0x60]  }
0x3f9: {  	v11 =	vadd.f32 v11, v33;
	[tilespmem:v40+s19+$0x0] =	vst.idx.msk $0xffff, v5;
	v16 =	vadd.s32 v56, v37;
	v35 =	vld [tilespmem:s29+$0x1A0]  }
0x3fa: {  	v32 =	vadd.s32 v57, v37;
	v7 =	vadd.f32 v7, v34;
	v36 =	vld [tilespmem:s29+$0xE0];
	[tilespmem:v60+s19+$0x0] =	vst.idx.msk $0xffff, v63  }
0x3fb: {  	v38 =	vadd.s32 v23, v37;
	[tilespmem:v3+s19+$0x0] =	vst.idx.msk $0xffff, v11;
	v8 =	vadd.f32 v8, v34;
	v31 =	vld [tilespmem:s29+$0x160]  }
0x3fc: {  	v4 =	vadd.f32 v4, v34;
	v44 =	vadd.s32 v22, v37;
	v40 =	vld [tilespmem:s29+$0x30];
	[tilespmem:v18+s19+$0x0] =	vst.idx.msk $0xffff, v7  }
0x3fd: {  	[tilespmem:v28+s19+$0x0] =	vst.idx.msk $0xffff, v8;
	v47 =	vld [tilespmem:s29+$0x1F0];
	v43 =	vadd.f32 v19, v34  }
0x3fe: {  	v45 =	vadd.s32 v51, v37;
	v8 =	vld [tilespmem:s29+$0x130];
	[tilespmem:v16+s19+$0x0] =	vst.idx.msk $0xffff, v4;
	v5 =	vadd.f32 v35, v34  }
0x3ff: {  	v48 =	vadd.s32 v46, v37;
	v6 =	vadd.f32 v36, v34;
	v42 =	vld [tilespmem:s29+$0xB0];
	[tilespmem:v32+s19+$0x0] =	vst.idx.msk $0xffff, v43  }
0x400: {  	v51 =	vadd.s32 v29, v37;
	[tilespmem:v38+s19+$0x0] =	vst.idx.msk $0xffff, v5;
	v0 =	vadd.f32 v31, v34;
	v7 =	vld [tilespmem:s29+$0x70]  }
0x401: {  	v50 =	vadd.f32 v40, v33;
	[tilespmem:v44+s19+$0x0] =	vst.idx.msk $0xffff, v6;
	v54 =	vld [tilespmem:s29+$0x1B0]  }
0x402: {  	v55 =	vadd.s32 v24, v37;
	v57 =	vadd.f32 v47, v33;
	v58 =	vld [tilespmem:s29+$0xF0];
	[tilespmem:v41+s19+$0x0] =	vst.idx.msk $0xffff, v0  }
0x403: {  	v60 =	vadd.s32 v52, v37;
	[tilespmem:v45+s19+$0x0] =	vst.idx.msk $0xffff, v50;
	v8 =	vadd.f32 v8, v33;
	v53 =	vld [tilespmem:s29+$0x170]  }
0x404: {  	v61 =	vadd.s32 v62, v37;
	[tilespmem:v48+s19+$0x0] =	vst.idx.msk $0xffff, v57;
	v2 =	vadd.f32 v42, v33  }
0x405: {  	v59 =	vadd.s32 v49, v37;
	[tilespmem:v51+s19+$0x0] =	vst.idx.msk $0xffff, v8;
	v7 =	vadd.f32 v7, v33  }
0x406: {  	[tilespmem:v39+s19+$0x0] =	vst.idx.msk $0xffff, v2;
	v63 =	vadd.f32 v54, v33  }
0x407: {  	s1 =	sshll.u32 s1, $0x7;
	v3 =	vadd.f32 v58, v33;
	[tilespmem:v55+s19+$0x0] =	vst.idx.msk $0xffff, v7  }
0x408: {  	s1 =	sand.u32 $0x300, s1;
	[tilespmem:v60+s19+$0x0] =	vst.idx.msk $0xffff, v63;
	v62 =	vadd.f32 v53, v33  }
0x409: {  	s0 =	sshll.u32 s0, $0xD;
	s1 =	sadd.s32 s2, s1;
	[tilespmem:v61+s19+$0x0] =	vst.idx.msk $0xffff, v3  }
0x40a: {  	s18 =	simm.s32 $0x18B00;
	s1 =	sadd.s32 s0, s1;
	[tilespmem:v59+s19+$0x0] =	vst.idx.msk $0xffff, v62  }
0x40b: {  	[hbm4b:s1+s3] =	stream.linear.scatter [tilespmem:s18], [sflag:$0x3], $0x80, $0x38;
	[tilespmem:$0x1D300] =	vst v63  }
0x40c: {  	s24 =	simm.s32 $0x18B90;
	s6 =	sadd.s32 $0x10, s1  }
0x40d: {  	[hbm4b:s6+s3] =	stream.linear.scatter [tilespmem:s24], [sflag:$0x3], $0x80, $0x38;
	[tilespmem:$0x1D300] =	vst v63  }
0x40e: {  	s30 =	simm.s32 $0x18C20;
	s7 =	simm.s32 $0x18CB0;
	s31 =	sadd.s32 $0x20, s1  }
0x40f: {  	[hbm4b:s31+s3] =	stream.linear.scatter [tilespmem:s30], [sflag:$0x3], $0x80, $0x38;
	[tilespmem:$0x1D300] =	vst v63  }
0x410: {  	s13 =	simm.s32 $0x18D40;
	s0 =	simm.s32 $0x480;
	s12 =	sadd.s32 $0x30, s1  }
0x411: {  	[hbm4b:s12+s3] =	stream.linear.scatter [tilespmem:s7], [sflag:$0x3], $0x80, $0x38;
	[tilespmem:$0x1D300] =	vst v63  }
0x412: {  	s14 =	sadd.s32 $0x40, s1;
	s29 =	sadd.s32 $0x70, s1;
	s18 =	simm.s32 $0x18DD0  }
0x413: {  	[hbm4b:s14+s3] =	stream.linear.scatter [tilespmem:s13], [sflag:$0x3], $0x80, $0x38;
	[tilespmem:$0x1D300] =	vst v63  }
0x414: {  	s24 =	sadd.s32 $0x50, s1;
	s6 =	simm.s32 $0x2400;
	s30 =	simm.s32 $0x18E60  }
0x415: {  	[hbm4b:s24+s3] =	stream.linear.scatter [tilespmem:s18], [sflag:$0x3], $0x80, $0x38;
	[tilespmem:$0x1D300] =	vst v63  }
0x416: {  	s31 =	sadd.s32 $0x60, s1;
	s1 =	sadd.s32 $0x400, s1;
	s14 =	simm.s32 $0x18EF0  }
0x417: {  	v48 =	vmov v25;
	v38 =	vmov v30;
	v51 =	vmov v56;
	[hbm4b:s31+s3] =	stream.linear.scatter [tilespmem:s30], [sflag:$0x3], $0x80, $0x38;
	[tilespmem:$0x1D300] =	vst v63  }
.LBB2_21:
0x418: {  	[hbm4b:s29+s3] =	stream.linear.scatter [tilespmem:s14], [sflag:$0x3], $0x80, $0x38;
	[tilespmem:$0x1D300] =	vst v63  }
0x419: {  	s7 =	smov.u32 s0;
	s0 =	smov.u32 s6  }
0x41a: {  	s12 =	sadd.s32 $0x1200, s6;
	s0 =	sshra.s32 s0, $0x2;
	s13 =	sadd.s32 $0x18B00, s7  }
0x41b: {  	[hbm4b:s1+s3] =	stream.linear.scatter [tilespmem:s13], [sflag:$0x3], $0x80, $0x38;
	[tilespmem:$0x1D300] =	vst v63  }
0x41c: {  	p0 =	sne.s32 s6, $0x7E00;
	s6 =	sadd.s32 $0x18B90, s7;
	s13 =	sadd.s32 $0x10, s1  }
0x41d: {  	[hbm4b:s13+s3] =	stream.linear.scatter [tilespmem:s6], [sflag:$0x3], $0x80, $0x38;
	[tilespmem:$0x1D300] =	vst v63  }
0x41e: {  	s6 =	sadd.s32 $0x18C20, s7;
	s13 =	sadd.s32 $0x20, s1  }
0x41f: {  	[hbm4b:s13+s3] =	stream.linear.scatter [tilespmem:s6], [sflag:$0x3], $0x80, $0x38;
	[tilespmem:$0x1D300] =	vst v63  }
0x420: {  	s6 =	sadd.s32 $0x18CB0, s7;
	s13 =	sadd.s32 $0x30, s1  }
0x421: {  	[hbm4b:s13+s3] =	stream.linear.scatter [tilespmem:s6], [sflag:$0x3], $0x80, $0x38;
	[tilespmem:$0x1D300] =	vst v63  }
0x422: {  	s6 =	sadd.s32 $0x18D40, s7;
	s13 =	sadd.s32 $0x40, s1  }
0x423: {  	[hbm4b:s13+s3] =	stream.linear.scatter [tilespmem:s6], [sflag:$0x3], $0x80, $0x38;
	[tilespmem:$0x1D300] =	vst v63  }
.Ltmp9:
0x424: {  	s6 =	sadd.s32 $0x18DD0, s7;
	s13 =	sadd.s32 $0x50, s1;
	(pc) =	sbr.rel @p0 .LBB2_21-.Ltmp9, $4  }
0x425: {  	[hbm4b:s13+s3] =	stream.linear.scatter [tilespmem:s6], [sflag:$0x3], $0x80, $0x38;
	[tilespmem:$0x1D300] =	vst v63  }
0x426: {  	s29 =	sadd.s32 $0x70, s1;
	s6 =	sadd.s32 $0x18E60, s7;
	s13 =	sadd.s32 $0x60, s1  }
0x427: {  	[hbm4b:s13+s3] =	stream.linear.scatter [tilespmem:s6], [sflag:$0x3], $0x80, $0x38;
	[tilespmem:$0x1D300] =	vst v63  }
0x428: {  	s14 =	sadd.s32 $0x18EF0, s7;
	s1 =	sadd.s32 $0x400, s1;
	s6 =	smov.u32 s12  }
0x429: {  	[hbm4b:s29+s3] =	stream.linear.scatter [tilespmem:s14], [sflag:$0x3], $0x80, $0x38;
	[tilespmem:$0x1D300] =	vst v63  }
0x42a: {  	s6 =	sadd.s32 $0x18B00, s0  }
0x42b: {  	[hbm4b:s1+s3] =	stream.linear.scatter [tilespmem:s6], [sflag:$0x3], $0x80, $0x38;
	[tilespmem:$0x1D300] =	vst v63  }
0x42c: {  	s14 =	sadd.s32 $0x18B90, s0;
	s7 =	sadd.s32 $0x10, s1  }
0x42d: {  	[hbm4b:s7+s3] =	stream.linear.scatter [tilespmem:s14], [sflag:$0x3], $0x80, $0x38;
	[tilespmem:$0x1D300] =	vst v63  }
0x42e: {  	s18 =	sadd.s32 $0x18C20, s0;
	s24 =	sadd.s32 $0x20, s1  }
0x42f: {  	[hbm4b:s24+s3] =	stream.linear.scatter [tilespmem:s18], [sflag:$0x3], $0x80, $0x38;
	[tilespmem:$0x1D300] =	vst v63  }
0x430: {  	s30 =	sadd.s32 $0x18CB0, s0;
	s31 =	sadd.s32 $0x30, s1  }
0x431: {  	[hbm4b:s31+s3] =	stream.linear.scatter [tilespmem:s30], [sflag:$0x3], $0x80, $0x38;
	[tilespmem:$0x1D300] =	vst v63  }
0x432: {  	s12 =	sadd.s32 $0x40, s1;
	s7 =	sadd.s32 $0x18D40, s0  }
0x433: {  	[hbm4b:s12+s3] =	stream.linear.scatter [tilespmem:s7], [sflag:$0x3], $0x80, $0x38;
	[tilespmem:$0x1D300] =	vst v63  }
0x434: {  	s13 =	sadd.s32 $0x18DD0, s0;
	s14 =	sadd.s32 $0x50, s1  }
0x435: {  	[hbm4b:s14+s3] =	stream.linear.scatter [tilespmem:s13], [sflag:$0x3], $0x80, $0x38;
	[tilespmem:$0x1D300] =	vst v63  }
0x436: {  	s6 =	sadd.s32 $0x2, s28;
	s18 =	sadd.s32 $0x18E60, s0;
	s24 =	sadd.s32 $0x60, s1  }
0x437: {  	[hbm4b:s24+s3] =	stream.linear.scatter [tilespmem:s18], [sflag:$0x3], $0x80, $0x38;
	[tilespmem:$0x1D300] =	vst v63  }
0x438: {  	s30 =	sadd.s32 $0x18EF0, s0;
	s31 =	sadd.s32 $0x70, s1;
	s1 =	smul.u32 $0xA00, s6  }
0x439: {  	[hbm4b:s31+s3] =	stream.linear.scatter [tilespmem:s30], [sflag:$0x3], $0x80, $0x38;
	[tilespmem:$0x1D300] =	vst v63  }
0x43a: {  	p0 =	seq.s32 s6, $0xA;
	_ =	swait.ge [sflag:s23], $0xA000  }
0x43b: {  	s1 =	simm.s32 @p0 $0x0;
	[sflag:s23] =	ssyncset.done $0x0  }
0x43c: {  	s7 =	sshra.s32 s1, $0x2;
	[sflag:s23] =	ssyncadd.s32 $0xFFFF6000  }
0x43d: {  	[tilespmem:s16], [sflag:$0x1] =	stream.indirect.gather [hbm4b:s5+s15], $0x40, s7, s15, $0xb8;
	[tilespmem:$0x1D300] =	vst v63  }
0x43e: {  	_ =	swait.ge [sflag:s22], $0x2000  }
0x43f: {  	s26 =	smul.u32 $0x5, s26;
	v21 =	vld [tilespmem:$0x1FEF0]  }
0x440: {  	v23 =	vld [tilespmem:$0x1FF40]  }
0x441: {  	s28 =	sadd.s32 s4, s26;
	v30 =	vld [tilespmem:$0x1FFD0]  }
0x442: {  	s12 =	sshll.u32 s28, $0x3;
	[sflag:s22] =	ssyncset.done $0x0;
	v53 =	vld [tilespmem:$0x1FEC0]  }
0x443: {  	s0 =	sand.u32 $0x3FFFFFC0, s12;
	s30 =	simm.s32 $0x1;
	v28 =	vld [tilespmem:$0x1FF10];
	[sflag:s22] =	ssyncadd.s32 $0xFFFFE000  }
0x444: {  	s18 =	simm.s32 $0x4;
	v5 =	vmov s30;
	v36 =	vld [tilespmem:s0+$0x1900]  }
0x445: {  	v3 =	vmov s18;
	v5 =	vshrl.u32 v5, $0x3;
	v35 =	vld [tilespmem:s0+$0x1910]  }
0x446: {  	s12 =	simm.s32 $0x2;
	v3 =	vshrl.u32 v3, $0x3;
	v34 =	vld [tilespmem:s0+$0x1920];
	v5 =	vshll.u32 v5, v21  }
0x447: {  	v6 =	vmov s12;
	s31 =	simm.s32 $0x3;
	v33 =	vld [tilespmem:s0+$0x1930];
	s0 =	simm.s32 $0xEC00;
	v3 =	vshll.u32 v3, v21;
	v5 =	vbroadcast v5, $0x0  }
0x448: {  	v6 =	vshrl.u32 v6, $0x3;
	v7 =	vld [tilespmem:s0+$0x0];
	v44 =	vbroadcast v3, $0x0;
	v3 =	vmov s31  }
0x449: {  	v8 =	vld [tilespmem:s0+$0xFFFFFF40];
	v6 =	vshll.u32 v6, v21;
	v3 =	vshrl.u32 v3, $0x3;
	v1 =	vadd.s32 v24, v5  }
0x44a: {  	v9 =	vld [tilespmem:s0+$0xFFFFFF80];
	v37 =	vbroadcast v6, $0x0;
	v6 =	vadd.s32 v23, v44;
	v3 =	vshll.u32 v3, v21;
	[tilespmem:$0x1FD20] =	vst v1  }
0x44b: {  	s13 =	simm.s32 $0x0;
	v10 =	vadd.s32 v30, v5;
	v50 =	vbroadcast v3, $0x0;
	v11 =	vld [tilespmem:s0+$0xFFFFFFC0]  }
0x44c: {  	v0 =	vmov s13;
	v12 =	vadd.s32 v53, v37  }
0x44d: {  	v0 =	vshrl.u32 v0, $0x3;
	v7 =	vadd.f32 v7, v36;
	v15 =	vadd.s32 v28, v50  }
0x44e: {  	v17 =	vshll.u32 v0, v21;
	v0 =	vadd.f32 v8, v36  }
0x44f: {  	v9 =	vadd.f32 v9, v36;
	v3 =	vld [tilespmem:s0+$0xFFFFFF00];
	[tilespmem:v6+s20+$0x0] =	vst.idx.msk $0xffff, v7  }
0x450: {  	v13 =	vld [tilespmem:s0+$0xC0];
	[tilespmem:v10+s20+$0x0] =	vst.idx.msk $0xffff, v0;
	v7 =	vadd.f32 v11, v36  }
0x451: {  	[tilespmem:v12+s20+$0x0] =	vst.idx.msk $0xffff, v9;
	v6 =	vld [tilespmem:s0+$0x10]  }
0x452: {  	s24 =	simm.s32 $0x5;
	v32 =	vld [tilespmem:$0x1FFC0];
	[tilespmem:v15+s20+$0x0] =	vst.idx.msk $0xffff, v7  }
0x453: {  	s6 =	simm.s32 $0x6;
	v4 =	vmov s24;
	v0 =	vld [tilespmem:$0x1FEB0]  }
0x454: {  	v14 =	vmov s6;
	v4 =	vshrl.u32 v4, $0x3;
	v16 =	vld [tilespmem:s0+$0x80]  }
0x455: {  	v4 =	vshll.u32 v4, v21;
	v8 =	vshrl.u32 v14, $0x3;
	v14 =	vld [tilespmem:s0+$0x40]  }
0x456: {  	v55 =	vbroadcast v4, $0x0;
	v54 =	vbroadcast v17, $0x0;
	v4 =	vld [tilespmem:s0+$0xFFFFFF50]  }
0x457: {  	v10 =	vld [tilespmem:s0+$0xFFFFFF90]  }
0x458: {  	v19 =	vadd.f32 v6, v35;
	v18 =	vadd.s32 v0, v54;
	v6 =	vmov v0;
	v0 =	vld [tilespmem:$0x1FE10]  }
0x459: {  	v59 =	vld [tilespmem:$0x1FF90]  }
0x45a: {  	s14 =	simm.s32 $0x7;
	v31 =	vld [tilespmem:$0x1FED0]  }
0x45b: {  	v2 =	vmov s14;
	v58 =	vld [tilespmem:$0x1FF50]  }
0x45c: {  	v2 =	vshrl.u32 v2, $0x3;
	v57 =	vld [tilespmem:$0x1FE90]  }
0x45d: {  	v8 =	vshll.u32 v8, v21;
	v9 =	vadd.s32 v32, v5;
	v5 =	vadd.s32 v0, v5;
	v0 =	vld [tilespmem:$0x1FF80]  }
0x45e: {  	v2 =	vshll.u32 v2, v21;
	v52 =	vbroadcast v8, $0x0;
	v8 =	vadd.f32 v13, v36;
	v13 =	vld [tilespmem:s0+$0xFFFFFFD0]  }
0x45f: {  	v27 =	vbroadcast v2, $0x0;
	v2 =	vld [tilespmem:$0x1FFE0];
	v17 =	vadd.s32 v31, v37  }
0x460: {  	v1 =	vadd.s32 v22, v50;
	v62 =	vld [tilespmem:$0x1FFB0]  }
0x461: {  	[tilespmem:$0x1FD40] =	vst v1;
	v1 =	vld [tilespmem:$0x1FFA0];
	v47 =	vadd.s32 v57, v27  }
0x462: {  	v26 =	vld [tilespmem:$0x1FF20];
	v20 =	vadd.f32 v4, v35;
	v4 =	vadd.f32 v10, v35;
	[tilespmem:$0x1FD30] =	vst v47;
	v39 =	vadd.s32 v0, v55  }
0x463: {  	v56 =	vld [tilespmem:$0x1FE80];
	[tilespmem:$0x1FD60] =	vst v39  }
0x464: {  	v63 =	vadd.s32 v2, v54;
	v2 =	vld [tilespmem:$0x1FF60];
	[tilespmem:v17+s20+$0x0] =	vst.idx.msk $0xffff, v4  }
0x465: {  	v4 =	vld [tilespmem:$0x1FE60];
	_ =	sdelay $0x3  }
0x466: {  	s1 =	simm.s32 $0xEE00  }
0x467: {  	v42 =	vld [tilespmem:s1+$0xFFFFFF40];
	v4 =	vadd.s32 v4, v52  }
0x468: {  	[tilespmem:$0x1FD50] =	vst v4;
	v4 =	vld [tilespmem:$0x1FDF0];
	_ =	sdelay $0x1  }
0x469: {  	v7 =	vadd.s32 v59, v52;
	_ =	sdelay $0x1  }
0x46a: {  	v29 =	vmovc v24;
	v41 =	vadd.s32 v51, v37;
	v12 =	vadd.s32 v38, v55;
	v24 =	vadd.s32 v2, v55  }
0x46b: {  	v60 =	vmovc v22;
	v16 =	vadd.f32 v16, v36;
	v11 =	vadd.s32 v58, v44;
	v4 =	vadd.s32 v4, v54  }
0x46c: {  	s12 =	simm.s32 $0xF;
	v3 =	vadd.f32 v3, v36;
	v14 =	vadd.f32 v14, v36;
	v22 =	vadd.s32 v26, v50;
	[tilespmem:$0x1FD70] =	vst v4  }
0x46d: {  	s13 =	simm.s32 $0x9;
	v40 =	vmov s12;
	v15 =	vadd.s32 v62, v27;
	v49 =	vadd.s32 v1, v52;
	[tilespmem:v7+s20+$0x0] =	vst.idx.msk $0xffff, v16  }
0x46e: {  	v25 =	vmovc v38;
	s14 =	simm.s32 $0xC;
	s18 =	simm.s32 $0xA;
	v13 =	vadd.f32 v13, v35;
	v17 =	vadd.s32 v48, v44;
	v48 =	vmov s13;
	v38 =	vld [tilespmem:s0+$0xFFFFFFA0];
	[tilespmem:v9+s20+$0x0] =	vst.idx.msk $0xffff, v20  }
0x46f: {  	v39 =	vshrl.u32 v48, $0x3;
	v7 =	vmov s14;
	v16 =	vmov s18;
	[tilespmem:v24+s20+$0x0] =	vst.idx.msk $0xffff, v14;
	v46 =	vld [tilespmem:s0+$0x90]  }
0x470: {  	s7 =	simm.s32 $0x8;
	v39 =	vshll.u32 v39, v21;
	[tilespmem:v11+s20+$0x0] =	vst.idx.msk $0xffff, v19;
	v47 =	vld [tilespmem:s1+$0x0];
	v16 =	vshrl.u32 v16, $0x3;
	v7 =	vshrl.u32 v7, $0x3  }
0x471: {  	v43 =	vmov s7;
	[tilespmem:v22+s20+$0x0] =	vst.idx.msk $0xffff, v13;
	v14 =	vshll.u32 v16, v21;
	v16 =	vld [tilespmem:s0+$0xFFFFFF60];
	v7 =	vshll.u32 v7, v21  }
0x472: {  	s30 =	simm.s32 $0xB;
	v20 =	vbroadcast v39, $0x0;
	v19 =	vshrl.u32 v40, $0x3;
	[tilespmem:v15+s20+$0x0] =	vst.idx.msk $0xffff, v8;
	v40 =	vbroadcast v7, $0x0;
	v7 =	vld [tilespmem:s1+$0xFFFFFF00]  }
0x473: {  	v10 =	vadd.s32 v56, v27;
	v48 =	vmov s30;
	[tilespmem:v18+s20+$0x0] =	vst.idx.msk $0xffff, v3;
	v39 =	vbroadcast v14, $0x0  }
0x474: {  	v45 =	vld [tilespmem:s1+$0xFFFFFF80];
	v24 =	vadd.s32 v30, v20;
	v14 =	vadd.f32 v38, v34;
	v15 =	vadd.f32 v46, v35  }
0x475: {  	s31 =	simm.s32 $0xE;
	v11 =	vld [tilespmem:s0+$0x50];
	v22 =	vadd.s32 v53, v39;
	v8 =	vadd.s32 v23, v40;
	v47 =	vadd.f32 v47, v36  }
0x476: {  	v46 =	vadd.f32 v42, v36;
	v42 =	vld [tilespmem:s0+$0xD0];
	v16 =	vadd.f32 v16, v34;
	[tilespmem:v49+s20+$0x0] =	vst.idx.msk $0xffff, v15;
	v15 =	vmov s31  }
0x477: {  	v18 =	vld [tilespmem:s0+$0xFFFFFF10];
	[tilespmem:v41+s20+$0x0] =	vst.idx.msk $0xffff, v14;
	v41 =	vshrl.u32 v48, $0x3;
	v48 =	vadd.f32 v7, v36;
	v15 =	vshrl.u32 v15, $0x3  }
0x478: {  	v13 =	vshrl.u32 v43, $0x3;
	[tilespmem:v5+s20+$0x0] =	vst.idx.msk $0xffff, v16;
	v16 =	vld [tilespmem:s0+$0x20];
	v7 =	vshll.u32 v15, v21;
	v15 =	vshll.u32 v41, v21  }
0x479: {  	v30 =	vmovc v2;
	v2 =	vmov v25;
	v25 =	vld [tilespmem:s1+$0xFFFFFFC0];
	v3 =	vadd.f32 v45, v36;
	[tilespmem:v24+s20+$0x0] =	vst.idx.msk $0xffff, v46;
	v43 =	vbroadcast v15, $0x0  }
0x47a: {  	v11 =	vadd.f32 v11, v35;
	[tilespmem:v8+s20+$0x0] =	vst.idx.msk $0xffff, v47  }
0x47b: {  	[tilespmem:v22+s20+$0x0] =	vst.idx.msk $0xffff, v3;
	v3 =	vadd.f32 v42, v35;
	v8 =	vadd.s32 v28, v43  }
0x47c: {  	[tilespmem:v12+s20+$0x0] =	vst.idx.msk $0xffff, v11;
	v11 =	vadd.f32 v18, v35  }
0x47d: {  	[tilespmem:v10+s20+$0x0] =	vst.idx.msk $0xffff, v3;
	v3 =	vadd.f32 v16, v34  }
0x47e: {  	v12 =	vadd.f32 v25, v36;
	v18 =	vld [tilespmem:$0x1FE40];
	[tilespmem:v63+s20+$0x0] =	vst.idx.msk $0xffff, v11  }
0x47f: {  	[tilespmem:v17+s20+$0x0] =	vst.idx.msk $0xffff, v3  }
0x480: {  	v23 =	vmov v0;
	v0 =	vmov v58;
	[tilespmem:v8+s20+$0x0] =	vst.idx.msk $0xffff, v12  }
0x481: {  	v22 =	vadd.s32 v0, v40;
	v0 =	vld [tilespmem:$0x1FE50];
	_ =	sdelay $0x4  }
0x482: {  	v46 =	vadd.s32 v60, v43;
	v60 =	vadd.s32 v0, v55;
	v0 =	vld [tilespmem:$0x1FD20]  }
0x483: {  	v41 =	vbroadcast v7, $0x0;
	v7 =	vld [tilespmem:s0+$0xFFFFFF70];
	_ =	sdelay $0x4  }
0x484: {  	v7 =	vadd.f32 v7, v33;
	_ =	sdelay $0x1  }
0x485: {  	[tilespmem:v0+s20+$0x0] =	vst.idx.msk $0xffff, v7  }
0x486: {  	v0 =	vld [tilespmem:$0x1FD30]  }
0x487: {  	v10 =	vld [tilespmem:s0+$0xE0];
	_ =	sdelay $0x4  }
0x488: {  	v10 =	vadd.f32 v10, v34  }
0x489: {  	v53 =	vld [tilespmem:s1+$0xC0]  }
0x48a: {  	v14 =	vld [tilespmem:s1+$0x40];
	[tilespmem:v0+s20+$0x0] =	vst.idx.msk $0xffff, v10  }
0x48b: {  	v0 =	vld [tilespmem:$0x1FD40]  }
0x48c: {  	v16 =	vld [tilespmem:s0+$0xFFFFFFE0]  }
0x48d: {  	s24 =	simm.s32 $0xD  }
0x48e: {  	v9 =	vmov s24;
	v19 =	vshll.u32 v19, v21  }
0x48f: {  	v9 =	vshrl.u32 v9, $0x3;
	v45 =	vbroadcast v19, $0x0  }
0x490: {  	v9 =	vshll.u32 v9, v21;
	v49 =	vadd.f32 v53, v36  }
0x491: {  	v53 =	vadd.s32 v62, v45;
	v62 =	vadd.f32 v14, v36;
	v14 =	vadd.f32 v16, v34  }
0x492: {  	v42 =	vbroadcast v9, $0x0;
	v9 =	vld [tilespmem:s0+$0xA0]  }
0x493: {  	v15 =	vld [tilespmem:s1+$0x10];
	[tilespmem:v0+s20+$0x0] =	vst.idx.msk $0xffff, v14  }
0x494: {  	v0 =	vld [tilespmem:$0x1FE30];
	_ =	sdelay $0x2  }
0x495: {  	v13 =	vshll.u32 v13, v21  }
0x496: {  	v18 =	vadd.s32 v18, v44;
	v44 =	vbroadcast v13, $0x0  }
0x497: {  	v13 =	vadd.f32 v15, v35;
	v15 =	vadd.f32 v9, v34;
	v9 =	vadd.s32 v0, v50;
	v0 =	vld [tilespmem:$0x1FD50];
	_ =	sdelay $0x7  }
0x498: {  	v11 =	vld [tilespmem:s0+$0x60];
	[tilespmem:v0+s20+$0x0] =	vst.idx.msk $0xffff, v15  }
0x499: {  	v0 =	vld [tilespmem:$0x1FEA0];
	_ =	sdelay $0x4  }
0x49a: {  	v10 =	vadd.f32 v11, v34;
	v11 =	vadd.s32 v0, v27;
	v0 =	vld [tilespmem:$0x1FD60];
	_ =	sdelay $0x6  }
0x49b: {  	v17 =	vld [tilespmem:s1+$0xFFFFFF50]  }
0x49c: {  	v61 =	vld [tilespmem:s1+$0x80];
	[tilespmem:v0+s20+$0x0] =	vst.idx.msk $0xffff, v10  }
0x49d: {  	v0 =	vld [tilespmem:$0x1FE70]  }
0x49e: {  	v4 =	vld [tilespmem:s0+$0xFFFFFFB0]  }
0x49f: {  	v12 =	vld [tilespmem:s0+$0x30]  }
0x4a0: {  	v19 =	vadd.f32 v17, v35;
	v17 =	vld [tilespmem:s0+$0xFFFFFF20]  }
0x4a1: {  	v7 =	vld [tilespmem:s1+$0xFFFFFF90]  }
0x4a2: {  	v10 =	vadd.s32 v0, v52;
	v0 =	vld [tilespmem:$0x1FE00]  }
0x4a3: {  	v47 =	vadd.s32 v2, v42;
	v2 =	vld [tilespmem:s0+$0xF0]  }
0x4a4: {  	v12 =	vadd.f32 v12, v33  }
0x4a5: {  	v3 =	vadd.s32 v31, v39  }
0x4a6: {  	v5 =	vmov v51;
	v8 =	vadd.f32 v61, v36;
	v61 =	vadd.f32 v4, v33;
	v4 =	vld [tilespmem:$0x1FE10];
	[tilespmem:v18+s20+$0x0] =	vst.idx.msk $0xffff, v12  }
0x4a7: {  	v31 =	vmov v5;
	v14 =	vadd.f32 v7, v35;
	v5 =	vadd.s32 v0, v54;
	v0 =	vld [tilespmem:$0x1FFE0];
	[tilespmem:v22+s20+$0x0] =	vst.idx.msk $0xffff, v13  }
0x4a8: {  	v7 =	vadd.f32 v17, v34;
	v17 =	vadd.f32 v2, v33;
	v2 =	vld [tilespmem:$0x1FD70];
	_ =	sdelay $0x1  }
0x4a9: {  	v51 =	vadd.s32 v32, v20;
	_ =	sdelay $0x4  }
0x4aa: {  	v16 =	vld [tilespmem:s1+$0xFFFFFFD0];
	[tilespmem:v51+s20+$0x0] =	vst.idx.msk $0xffff, v19  }
0x4ab: {  	[tilespmem:v2+s20+$0x0] =	vst.idx.msk $0xffff, v7  }
0x4ac: {  	v7 =	vld [tilespmem:$0x1FE60]  }
0x4ad: {  	v38 =	vadd.s32 v29, v20;
	v56 =	vadd.s32 v56, v45;
	v59 =	vadd.s32 v59, v41;
	v15 =	vld [tilespmem:s0+$0xFFFFFFF0]  }
0x4ae: {  	v58 =	vadd.s32 v1, v41;
	v63 =	vadd.s32 v26, v43;
	v55 =	vadd.s32 v6, v44;
	v12 =	vld [tilespmem:s0+$0xB0]  }
0x4af: {  	v1 =	vmovc v21;
	v6 =	vadd.f32 v16, v35;
	v16 =	vadd.s32 v30, v42;
	v50 =	vadd.s32 v23, v42;
	v13 =	vld [tilespmem:s0+$0xFFFFFF30]  }
0x4b0: {  	v26 =	vmovc v23;
	v27 =	vmovc v30;
	v30 =	vmov v57;
	v52 =	vadd.s32 v57, v45;
	v54 =	vadd.s32 v0, v44;
	v32 =	vld [tilespmem:$0x1FF00]  }
0x4b1: {  	s29 =	sshrl.u32 s28, $0x3;
	s6 =	simm.s32 $0xF000;
	s14 =	simm.s32 $0x10;
	v0 =	vadd.s32 v4, v20;
	v4 =	vadd.s32 v31, v39;
	v2 =	vld [tilespmem:s0+$0x70];
	v29 =	vmovc v7;
	v51 =	vadd.s32 v7, v41  }
.LBB2_23:
0x4b2: {  	s12 =	smov.u32 s14;
	[tilespmem:v59+s20+$0x0] =	vst.idx.msk $0xffff, v8  }
0x4b3: {  	v7 =	vld [tilespmem:$0x1FDF0];
	[tilespmem:v3+s20+$0x0] =	vst.idx.msk $0xffff, v14;
	s24 =	sadd.s32 $0x2, s12  }
0x4b4: {  	[tilespmem:v11+s20+$0x0] =	vst.idx.msk $0xffff, v17;
	v8 =	vld [tilespmem:s6+$0x80];
	v17 =	vmov s24;
	v3 =	vadd.f32 v15, v33  }
0x4b5: {  	v22 =	vadd.s32 v32, v37;
	[tilespmem:v16+s20+$0x0] =	vst.idx.msk $0xffff, v62;
	v21 =	vld [tilespmem:s1+$0xFFFFFFA0];
	v16 =	vshrl.u32 v17, $0x3;
	v13 =	vadd.f32 v13, v33  }
0x4b6: {  	v19 =	vmov s12;
	v12 =	vadd.f32 v12, v33;
	[tilespmem:v9+s20+$0x0] =	vst.idx.msk $0xffff, v3;
	v9 =	vshll.u32 v16, v1;
	v16 =	vld [tilespmem:s1+$0x90]  }
0x4b7: {  	[tilespmem:v5+s20+$0x0] =	vst.idx.msk $0xffff, v13;
	v13 =	vshrl.u32 v19, $0x3;
	v19 =	vld [tilespmem:$0x1FEC0]  }
0x4b8: {  	[tilespmem:v10+s20+$0x0] =	vst.idx.msk $0xffff, v12;
	v12 =	vld [tilespmem:s1+$0xFFFFFF60]  }
0x4b9: {  	v18 =	vld [tilespmem:s6+$0xFFFFFF40];
	s13 =	sadd.s32 $0x4, s12;
	v3 =	vadd.f32 v2, v33  }
0x4ba: {  	v37 =	vmov v39;
	v14 =	vmov s13;
	v23 =	vld [tilespmem:s6+$0xFFFFFF80];
	[tilespmem:v22+s20+$0x0] =	vst.idx.msk $0xffff, v61;
	v39 =	vbroadcast v9, $0x0  }
0x4bb: {  	v17 =	vld [tilespmem:s1+$0x50];
	v10 =	vshrl.u32 v14, $0x3;
	[tilespmem:v60+s20+$0x0] =	vst.idx.msk $0xffff, v3  }
0x4bc: {  	v59 =	vld [tilespmem:$0x1FE20];
	v3 =	vshll.u32 v10, v1;
	v10 =	vadd.f32 v21, v34;
	v19 =	vadd.s32 v19, v39  }
0x4bd: {  	v57 =	vadd.s32 v7, v44;
	v7 =	vld [tilespmem:$0x1FFF0];
	[tilespmem:v63+s20+$0x0] =	vst.idx.msk $0xffff, v6;
	v12 =	vadd.f32 v12, v34  }
0x4be: {  	s31 =	sadd.s32 $0x1, s12;
	v6 =	vld [tilespmem:$0x1FF40];
	[tilespmem:v4+s20+$0x0] =	vst.idx.msk $0xffff, v10  }
0x4bf: {  	v11 =	vmov s31;
	v60 =	vld [tilespmem:s6+$0x0];
	[tilespmem:v0+s20+$0x0] =	vst.idx.msk $0xffff, v12;
	v12 =	vadd.f32 v23, v36  }
0x4c0: {  	s0 =	sadd.s32 $0x6, s12;
	v11 =	vshrl.u32 v11, $0x3;
	v0 =	vld [tilespmem:s1+$0xFFFFFFB0]  }
0x4c1: {  	s7 =	sadd.s32 $0x7, s14;
	v3 =	vbroadcast v3, $0x0;
	v4 =	vadd.f32 v18, v36;
	v18 =	vmov s0;
	[tilespmem:v19+s20+$0x0] =	vst.idx.msk $0xffff, v12;
	v19 =	vld [tilespmem:$0x1FF90]  }
0x4c2: {  	v20 =	vmov s7;
	v2 =	vshll.u32 v11, v1;
	v18 =	vshrl.u32 v18, $0x3  }
0x4c3: {  	v24 =	vld [tilespmem:s1+$0x20];
	v2 =	vbroadcast v2, $0x0;
	v6 =	vadd.s32 v6, v3;
	v18 =	vshll.u32 v18, v1  }
0x4c4: {  	v11 =	vshrl.u32 v20, $0x3;
	v18 =	vbroadcast v18, $0x0  }
0x4c5: {  	v25 =	vld [tilespmem:s6+$0xC0];
	v11 =	vshll.u32 v11, v1;
	v20 =	vadd.s32 v59, v2;
	v7 =	vadd.s32 v7, v40  }
0x4c6: {  	v21 =	vadd.f32 v60, v36;
	v59 =	vadd.s32 v19, v18;
	v19 =	vbroadcast v11, $0x0;
	v11 =	vld [tilespmem:$0x1FF50]  }
0x4c7: {  	v14 =	vld [tilespmem:$0x1FFD0]  }
0x4c8: {  	v62 =	vld [tilespmem:$0x1FFC0];
	v24 =	vadd.f32 v24, v34;
	[tilespmem:v6+s20+$0x0] =	vst.idx.msk $0xffff, v21  }
0x4c9: {  	v12 =	vld [tilespmem:s6+$0x10]  }
0x4ca: {  	s18 =	sadd.s32 $0x5, s12;
	[tilespmem:v7+s20+$0x0] =	vst.idx.msk $0xffff, v24;
	v24 =	vld [tilespmem:$0x1FE50]  }
0x4cb: {  	[tilespmem:v53+s20+$0x0] =	vst.idx.msk $0xffff, v49;
	v15 =	vmov s18;
	v49 =	vadd.f32 v25, v36;
	v25 =	vadd.s32 v11, v3;
	v11 =	vld [tilespmem:$0x1FF70]  }
0x4cc: {  	v15 =	vshrl.u32 v15, $0x3;
	v5 =	vld [tilespmem:s6+$0xFFFFFF00];
	[tilespmem:v55+s20+$0x0] =	vst.idx.msk $0xffff, v48;
	v14 =	vadd.s32 v14, v2  }
0x4cd: {  	v15 =	vshll.u32 v15, v1;
	v17 =	vadd.f32 v17, v35;
	v55 =	vld [tilespmem:s1+$0xFFFFFF10]  }
0x4ce: {  	v9 =	vld [tilespmem:s6+$0x40];
	v6 =	vbroadcast v15, $0x0  }
0x4cf: {  	[tilespmem:v47+s20+$0x0] =	vst.idx.msk $0xffff, v17;
	v23 =	vld [tilespmem:s1+$0xFFFFFF70]  }
0x4d0: {  	s12 =	sadd.s32 $0x3, s12;
	v16 =	vadd.f32 v16, v35;
	v60 =	vadd.s32 v24, v42;
	v42 =	vmovc v6;
	v11 =	vadd.s32 v11, v6;
	v6 =	vld [tilespmem:$0x1FEB0]  }
0x4d1: {  	v61 =	vmov s12;
	[tilespmem:v14+s20+$0x0] =	vst.idx.msk $0xffff, v4;
	v14 =	vld [tilespmem:$0x1FE40]  }
0x4d2: {  	v22 =	vshrl.u32 v61, $0x3;
	v13 =	vshll.u32 v13, v1;
	[tilespmem:v58+s20+$0x0] =	vst.idx.msk $0xffff, v16;
	v7 =	vld [tilespmem:s1+$0x60]  }
0x4d3: {  	v22 =	vshll.u32 v22, v1;
	v13 =	vbroadcast v13, $0x0;
	v15 =	vld [tilespmem:s1+$0xA0]  }
0x4d4: {  	v5 =	vadd.f32 v5, v36;
	v21 =	vadd.s32 v62, v2;
	v62 =	vadd.f32 v9, v36  }
0x4d5: {  	v9 =	vadd.f32 v55, v35;
	v55 =	vadd.s32 v6, v13;
	v6 =	vadd.f32 v23, v33  }
0x4d6: {  	v48 =	vmov v5;
	v5 =	vbroadcast v22, $0x0;
	v22 =	vadd.s32 v14, v40;
	v14 =	vld [tilespmem:s6+$0xFFFFFF50]  }
0x4d7: {  	[tilespmem:v38+s20+$0x0] =	vst.idx.msk $0xffff, v6;
	v6 =	vadd.f32 v7, v34;
	v7 =	vld [tilespmem:$0x1FFA0]  }
0x4d8: {  	v16 =	vld [tilespmem:s1+$0xD0];
	v61 =	vadd.f32 v0, v33;
	v0 =	vadd.f32 v15, v34  }
0x4d9: {  	v10 =	vld [tilespmem:s6+$0xFFFFFFC0]  }
0x4da: {  	[tilespmem:v51+s20+$0x0] =	vst.idx.msk $0xffff, v0;
	v0 =	vld [tilespmem:$0x1FEA0]  }
0x4db: {  	v47 =	vmov v11;
	v11 =	vld [tilespmem:s1+$0x30]  }
0x4dc: {  	v58 =	vadd.s32 v7, v18;
	v7 =	vld [tilespmem:$0x1FE30]  }
0x4dd: {  	v16 =	vadd.f32 v16, v35;
	_ =	sdelay $0x1  }
0x4de: {  	v4 =	vadd.f32 v10, v36;
	v10 =	vld [tilespmem:s1+$0xFFFFFFE0];
	[tilespmem:v56+s20+$0x0] =	vst.idx.msk $0xffff, v16;
	v16 =	vadd.s32 v28, v5  }
0x4df: {  	[tilespmem:v54+s20+$0x0] =	vst.idx.msk $0xffff, v9;
	v40 =	vmov v3;
	v3 =	vld [tilespmem:$0x1FF30]  }
0x4e0: {  	v9 =	vadd.s32 v7, v43;
	v7 =	vadd.f32 v11, v33;
	v11 =	vadd.s32 v0, v45;
	v0 =	vld [tilespmem:$0x1FE80];
	_ =	sdelay $0x2  }
0x4e1: {  	v10 =	vadd.f32 v10, v34;
	[tilespmem:v16+s20+$0x0] =	vst.idx.msk $0xffff, v4  }
0x4e2: {  	v16 =	vld [tilespmem:s6+$0xFFFFFFD0];
	v56 =	vadd.s32 v3, v5;
	v45 =	vmov v19  }
0x4e3: {  	[tilespmem:v46+s20+$0x0] =	vst.idx.msk $0xffff, v10;
	v46 =	vmov v56;
	v56 =	vadd.s32 v0, v45;
	v0 =	vld [tilespmem:$0x1FE70];
	_ =	sdelay $0x1  }
0x4e4: {  	v63 =	vld [tilespmem:$0x1FFB0]  }
0x4e5: {  	v17 =	vld [tilespmem:s1+$0xE0]  }
0x4e6: {  	v43 =	vmov v5;
	v5 =	vld [tilespmem:$0x1FF20]  }
0x4e7: {  	v10 =	vadd.s32 v0, v41;
	v0 =	vld [tilespmem:$0x1FE00];
	_ =	sdelay $0x2  }
0x4e8: {  	v24 =	vadd.f32 v12, v35;
	v12 =	vld [tilespmem:s6+$0xFFFFFF90];
	v15 =	vadd.f32 v17, v34  }
0x4e9: {  	v53 =	vadd.s32 v63, v19;
	v4 =	vld [tilespmem:s1+$0xFFFFFF20]  }
0x4ea: {  	[tilespmem:v52+s20+$0x0] =	vst.idx.msk $0xffff, v15;
	v63 =	vadd.s32 v5, v43;
	v5 =	vadd.s32 v0, v44;
	v0 =	vld [tilespmem:$0x1FFE0]  }
0x4eb: {  	v17 =	vld [tilespmem:s1+$0xF0]  }
0x4ec: {  	v3 =	vld [tilespmem:$0x1FED0];
	_ =	sdelay $0x1  }
0x4ed: {  	v4 =	vadd.f32 v4, v34;
	v44 =	vmov v13  }
0x4ee: {  	p0 =	slt.u32 s14, $0x78;
	v8 =	vadd.f32 v8, v36;
	v23 =	vadd.f32 v14, v35;
	v54 =	vadd.s32 v0, v44;
	v0 =	vld [tilespmem:$0x1FE10]  }
.Ltmp10:
0x4ef: {  	[tilespmem:v57+s20+$0x0] =	vst.idx.msk $0xffff, v4;
	v4 =	vadd.s32 v31, v39;
	v17 =	vadd.f32 v17, v33;
	(pc) =	sbr.rel @p0 .LBB2_23-.Ltmp10, $4  }
0x4f0: {  	v15 =	vld [tilespmem:s1+$0xFFFFFFF0];
	v3 =	vadd.s32 v3, v39;
	v14 =	vadd.f32 v12, v35;
	[tilespmem:v21+s20+$0x0] =	vst.idx.msk $0xffff, v23  }
0x4f1: {  	v12 =	vld [tilespmem:s1+$0xB0];
	[tilespmem:v50+s20+$0x0] =	vst.idx.msk $0xffff, v6;
	v6 =	vadd.f32 v16, v35;
	v16 =	vadd.s32 v27, v42  }
0x4f2: {  	v50 =	vadd.s32 v26, v42;
	v52 =	vadd.s32 v30, v45;
	[tilespmem:v22+s20+$0x0] =	vst.idx.msk $0xffff, v7;
	v41 =	vmov v18;
	v13 =	vld [tilespmem:s1+$0xFFFFFF30]  }
0x4f3: {  	s14 =	sadd.s32 $0x8, s14;
	v38 =	vmov v20;
	[tilespmem:v25+s20+$0x0] =	vst.idx.msk $0xffff, v24;
	v51 =	vadd.s32 v29, v41;
	v0 =	vadd.s32 v0, v2;
	v2 =	vld [tilespmem:s1+$0x70];
	s1 =	smov.u32 s6;
	s6 =	sadd.s32 $0x200, s6  }
0x4f4: {  	v24 =	vld [tilespmem:$0x1FE20]  }
0x4f5: {  	v23 =	vld [tilespmem:$0x1FE10]  }
0x4f6: {  	v22 =	vld [tilespmem:$0x1FFC0]  }
0x4f7: {  	v29 =	vld [tilespmem:$0x1FFD0]  }
0x4f8: {  	v26 =	vld [tilespmem:$0x1FFE0];
	[tilespmem:v59+s20+$0x0] =	vst.idx.msk $0xffff, v8  }
0x4f9: {  	[tilespmem:v3+s20+$0x0] =	vst.idx.msk $0xffff, v14  }
0x4fa: {  	[tilespmem:v53+s20+$0x0] =	vst.idx.msk $0xffff, v49  }
0x4fb: {  	[tilespmem:v11+s20+$0x0] =	vst.idx.msk $0xffff, v17  }
0x4fc: {  	[tilespmem:v16+s20+$0x0] =	vst.idx.msk $0xffff, v62;
	v7 =	vld [tilespmem:s1+$0xD0]  }
0x4fd: {  	[tilespmem:v55+s20+$0x0] =	vst.idx.msk $0xffff, v48;
	v14 =	vadd.f32 v15, v33;
	v15 =	vadd.s32 v32, v37  }
0x4fe: {  	[tilespmem:v63+s20+$0x0] =	vst.idx.msk $0xffff, v6;
	v16 =	vadd.f32 v12, v33  }
0x4ff: {  	[tilespmem:v9+s20+$0x0] =	vst.idx.msk $0xffff, v14;
	v2 =	vadd.f32 v2, v33  }
0x500: {  	[tilespmem:v10+s20+$0x0] =	vst.idx.msk $0xffff, v16  }
0x501: {  	v17 =	vld [tilespmem:s1+$0x90];
	[tilespmem:v60+s20+$0x0] =	vst.idx.msk $0xffff, v2;
	v7 =	vadd.f32 v7, v35  }
0x502: {  	v36 =	vld [tilespmem:s1+$0x50];
	[tilespmem:v15+s20+$0x0] =	vst.idx.msk $0xffff, v61  }
0x503: {  	v37 =	vld [tilespmem:s1+$0xFFFFFF10];
	[tilespmem:v56+s20+$0x0] =	vst.idx.msk $0xffff, v7  }
0x504: {  	v14 =	vld [tilespmem:$0x1FFF0]  }
0x505: {  	v48 =	vld [tilespmem:s1+$0xFFFFFF60];
	_ =	sdelay $0x1  }
0x506: {  	v49 =	vld [tilespmem:s1+$0x20];
	v3 =	vadd.f32 v17, v35  }
0x507: {  	v53 =	vadd.f32 v36, v35;
	v7 =	vld [tilespmem:s1+$0xE0]  }
0x508: {  	v57 =	vld [tilespmem:s1+$0xFFFFFFE0];
	v2 =	vadd.f32 v37, v35;
	[tilespmem:v58+s20+$0x0] =	vst.idx.msk $0xffff, v3;
	v55 =	vadd.s32 v14, v40  }
0x509: {  	v59 =	vadd.f32 v48, v34;
	[tilespmem:v47+s20+$0x0] =	vst.idx.msk $0xffff, v53  }
0x50a: {  	v56 =	vadd.f32 v13, v33;
	[tilespmem:v54+s20+$0x0] =	vst.idx.msk $0xffff, v2  }
0x50b: {  	v8 =	vadd.f32 v49, v34;
	[tilespmem:v0+s20+$0x0] =	vst.idx.msk $0xffff, v59  }
0x50c: {  	v58 =	vld [tilespmem:s1+$0xA0];
	[tilespmem:v5+s20+$0x0] =	vst.idx.msk $0xffff, v56;
	v62 =	vadd.f32 v7, v34  }
0x50d: {  	v3 =	vadd.f32 v57, v34;
	v6 =	vld [tilespmem:s1+$0x60];
	[tilespmem:v55+s20+$0x0] =	vst.idx.msk $0xffff, v8  }
0x50e: {  	v1 =	vld [tilespmem:$0x1FDF0];
	[tilespmem:v52+s20+$0x0] =	vst.idx.msk $0xffff, v62  }
0x50f: {  	v60 =	vld [tilespmem:s1+$0xFFFFFFA0];
	[tilespmem:v46+s20+$0x0] =	vst.idx.msk $0xffff, v3  }
0x510: {  	v16 =	vld [tilespmem:$0x1FE40]  }
0x511: {  	v61 =	vld [tilespmem:s1+$0xFFFFFF20]  }
0x512: {  	v5 =	vld [tilespmem:s1+$0xFFFFFF70];
	v14 =	vadd.f32 v58, v34  }
0x513: {  	v35 =	vadd.f32 v6, v34;
	v8 =	vld [tilespmem:s1+$0x30];
	v63 =	vadd.s32 v1, v44  }
0x514: {  	v37 =	vadd.f32 v60, v34;
	v36 =	vld [tilespmem:s1+$0xF0];
	[tilespmem:v51+s20+$0x0] =	vst.idx.msk $0xffff, v14  }
0x515: {  	v9 =	vld [tilespmem:$0x1FEA0];
	[tilespmem:v50+s20+$0x0] =	vst.idx.msk $0xffff, v35;
	v40 =	vadd.s32 v16, v40  }
0x516: {  	v0 =	vadd.f32 v61, v34;
	v46 =	vld [tilespmem:s1+$0xFFFFFFF0];
	[tilespmem:v4+s20+$0x0] =	vst.idx.msk $0xffff, v37  }
0x517: {  	v48 =	vadd.f32 v5, v33;
	v17 =	vld [tilespmem:$0x1FE30]  }
0x518: {  	v54 =	vld [tilespmem:$0x1FE70];
	v8 =	vadd.f32 v8, v33;
	[tilespmem:v63+s20+$0x0] =	vst.idx.msk $0xffff, v0  }
0x519: {  	v56 =	vld [tilespmem:$0x1FE50];
	[tilespmem:v38+s20+$0x0] =	vst.idx.msk $0xffff, v48  }
0x51a: {  	v51 =	vld [tilespmem:s1+$0xFFFFFFB0];
	[tilespmem:v40+s20+$0x0] =	vst.idx.msk $0xffff, v8  }
0x51b: {  	v9 =	vadd.s32 v9, v45;
	v10 =	vld [tilespmem:$0x1FE00]  }
0x51c: {  	v60 =	vadd.s32 v32, v39;
	v47 =	vld [tilespmem:s1+$0xB0]  }
0x51d: {  	v50 =	vld [tilespmem:s1+$0x70];
	v49 =	vadd.s32 v17, v43  }
0x51e: {  	v3 =	vadd.f32 v36, v33;
	v55 =	vadd.s32 v54, v41;
	v58 =	vld [tilespmem:s1+$0xFFFFFF30]  }
0x51f: {  	v62 =	vadd.f32 v51, v33;
	v57 =	vadd.s32 v56, v42  }
0x520: {  	v59 =	vadd.f32 v46, v33;
	[tilespmem:v9+s20+$0x0] =	vst.idx.msk $0xffff, v3;
	v10 =	vadd.s32 v10, v44  }
0x521: {  	v2 =	vadd.f32 v47, v33;
	[tilespmem:v60+s20+$0x0] =	vst.idx.msk $0xffff, v62  }
0x522: {  	s0 =	sshll.u32 s28, $0x7;
	v61 =	vadd.f32 v50, v33;
	[tilespmem:v49+s20+$0x0] =	vst.idx.msk $0xffff, v59  }
0x523: {  	s0 =	sand.u32 $0x380, s0;
	[tilespmem:v55+s20+$0x0] =	vst.idx.msk $0xffff, v2;
	v63 =	vadd.f32 v58, v33  }
0x524: {  	s29 =	sshll.u32 s29, $0xD;
	s0 =	sadd.s32 s2, s0;
	[tilespmem:v57+s20+$0x0] =	vst.idx.msk $0xffff, v61  }
0x525: {  	s30 =	simm.s32 $0x1AF00;
	s1 =	sadd.s32 s29, s0;
	[tilespmem:v10+s20+$0x0] =	vst.idx.msk $0xffff, v63  }
0x526: {  	[hbm4b:s1+s3] =	stream.linear.scatter [tilespmem:s30], [sflag:$0x4], $0x80, $0x38;
	[tilespmem:$0x1D300] =	vst v63  }
0x527: {  	s31 =	simm.s32 $0x1AF90;
	s6 =	sadd.s32 $0x10, s1  }
0x528: {  	[hbm4b:s6+s3] =	stream.linear.scatter [tilespmem:s31], [sflag:$0x4], $0x80, $0x38;
	[tilespmem:$0x1D300] =	vst v63  }
0x529: {  	s12 =	simm.s32 $0x1B0B0;
	s7 =	sadd.s32 $0x20, s1;
	s6 =	simm.s32 $0x1B020  }
0x52a: {  	[hbm4b:s7+s3] =	stream.linear.scatter [tilespmem:s6], [sflag:$0x4], $0x80, $0x38;
	[tilespmem:$0x1D300] =	vst v63  }
0x52b: {  	s14 =	simm.s32 $0x1B140;
	s24 =	simm.s32 $0x1B1D0;
	s13 =	sadd.s32 $0x30, s1  }
0x52c: {  	[hbm4b:s13+s3] =	stream.linear.scatter [tilespmem:s12], [sflag:$0x4], $0x80, $0x38;
	[tilespmem:$0x1D300] =	vst v63  }
0x52d: {  	s0 =	simm.s32 $0x480;
	s18 =	sadd.s32 $0x40, s1;
	s29 =	sadd.s32 $0x50, s1  }
0x52e: {  	[hbm4b:s18+s3] =	stream.linear.scatter [tilespmem:s14], [sflag:$0x4], $0x80, $0x38;
	[tilespmem:$0x1D300] =	vst v63  }
0x52f: {  	s28 =	sadd.s32 $0x70, s1;
	s30 =	simm.s32 $0x1B260;
	s31 =	sadd.s32 $0x60, s1  }
0x530: {  	[hbm4b:s29+s3] =	stream.linear.scatter [tilespmem:s24], [sflag:$0x4], $0x80, $0x38;
	[tilespmem:$0x1D300] =	vst v63  }
0x531: {  	s1 =	sadd.s32 $0x400, s1;
	s6 =	simm.s32 $0x2400;
	s14 =	simm.s32 $0x1B2F0  }
0x532: {  	v20 =	vmov v32;
	v41 =	vmov v16;
	[hbm4b:s31+s3] =	stream.linear.scatter [tilespmem:s30], [sflag:$0x4], $0x80, $0x38;
	[tilespmem:$0x1D300] =	vst v63  }
.LBB2_25:
0x533: {  	[hbm4b:s28+s3] =	stream.linear.scatter [tilespmem:s14], [sflag:$0x4], $0x80, $0x38;
	[tilespmem:$0x1D300] =	vst v63  }
0x534: {  	s7 =	smov.u32 s0;
	s0 =	smov.u32 s6  }
0x535: {  	s12 =	sadd.s32 $0x1200, s6;
	s0 =	sshra.s32 s0, $0x2;
	s13 =	sadd.s32 $0x1AF00, s7  }
0x536: {  	[hbm4b:s1+s3] =	stream.linear.scatter [tilespmem:s13], [sflag:$0x4], $0x80, $0x38;
	[tilespmem:$0x1D300] =	vst v63  }
0x537: {  	p0 =	sne.s32 s6, $0x7E00;
	s6 =	sadd.s32 $0x1AF90, s7;
	s13 =	sadd.s32 $0x10, s1  }
0x538: {  	[hbm4b:s13+s3] =	stream.linear.scatter [tilespmem:s6], [sflag:$0x4], $0x80, $0x38;
	[tilespmem:$0x1D300] =	vst v63  }
0x539: {  	s6 =	sadd.s32 $0x1B020, s7;
	s13 =	sadd.s32 $0x20, s1  }
0x53a: {  	[hbm4b:s13+s3] =	stream.linear.scatter [tilespmem:s6], [sflag:$0x4], $0x80, $0x38;
	[tilespmem:$0x1D300] =	vst v63  }
0x53b: {  	s6 =	sadd.s32 $0x1B0B0, s7;
	s13 =	sadd.s32 $0x30, s1  }
0x53c: {  	[hbm4b:s13+s3] =	stream.linear.scatter [tilespmem:s6], [sflag:$0x4], $0x80, $0x38;
	[tilespmem:$0x1D300] =	vst v63  }
0x53d: {  	s6 =	sadd.s32 $0x1B140, s7;
	s13 =	sadd.s32 $0x40, s1  }
0x53e: {  	[hbm4b:s13+s3] =	stream.linear.scatter [tilespmem:s6], [sflag:$0x4], $0x80, $0x38;
	[tilespmem:$0x1D300] =	vst v63  }
.Ltmp11:
0x53f: {  	s6 =	sadd.s32 $0x1B1D0, s7;
	s13 =	sadd.s32 $0x50, s1;
	(pc) =	sbr.rel @p0 .LBB2_25-.Ltmp11, $4  }
0x540: {  	[hbm4b:s13+s3] =	stream.linear.scatter [tilespmem:s6], [sflag:$0x4], $0x80, $0x38;
	[tilespmem:$0x1D300] =	vst v63  }
0x541: {  	s28 =	sadd.s32 $0x70, s1;
	s6 =	sadd.s32 $0x1B260, s7;
	s13 =	sadd.s32 $0x60, s1  }
0x542: {  	[hbm4b:s13+s3] =	stream.linear.scatter [tilespmem:s6], [sflag:$0x4], $0x80, $0x38;
	[tilespmem:$0x1D300] =	vst v63  }
0x543: {  	s14 =	sadd.s32 $0x1B2F0, s7;
	s1 =	sadd.s32 $0x400, s1;
	s6 =	smov.u32 s12  }
0x544: {  	[hbm4b:s28+s3] =	stream.linear.scatter [tilespmem:s14], [sflag:$0x4], $0x80, $0x38;
	[tilespmem:$0x1D300] =	vst v63  }
0x545: {  	s6 =	sadd.s32 $0x1AF00, s0  }
0x546: {  	[hbm4b:s1+s3] =	stream.linear.scatter [tilespmem:s6], [sflag:$0x4], $0x80, $0x38;
	[tilespmem:$0x1D300] =	vst v63  }
0x547: {  	s31 =	sadd.s32 $0x1AF90, s0;
	s7 =	sadd.s32 $0x10, s1  }
0x548: {  	[hbm4b:s7+s3] =	stream.linear.scatter [tilespmem:s31], [sflag:$0x4], $0x80, $0x38;
	[tilespmem:$0x1D300] =	vst v63  }
0x549: {  	s12 =	sadd.s32 $0x20, s1;
	s7 =	sadd.s32 $0x1B020, s0  }
0x54a: {  	[hbm4b:s12+s3] =	stream.linear.scatter [tilespmem:s7], [sflag:$0x4], $0x80, $0x38;
	[tilespmem:$0x1D300] =	vst v63  }
0x54b: {  	s13 =	sadd.s32 $0x1B0B0, s0;
	s14 =	sadd.s32 $0x30, s1  }
0x54c: {  	[hbm4b:s14+s3] =	stream.linear.scatter [tilespmem:s13], [sflag:$0x4], $0x80, $0x38;
	[tilespmem:$0x1D300] =	vst v63  }
0x54d: {  	s18 =	sadd.s32 $0x1B140, s0;
	s24 =	sadd.s32 $0x40, s1  }
0x54e: {  	[hbm4b:s24+s3] =	stream.linear.scatter [tilespmem:s18], [sflag:$0x4], $0x80, $0x38;
	[tilespmem:$0x1D300] =	vst v63  }
0x54f: {  	s30 =	sadd.s32 $0x1B1D0, s0;
	s31 =	sadd.s32 $0x50, s1  }
0x550: {  	[hbm4b:s31+s3] =	stream.linear.scatter [tilespmem:s30], [sflag:$0x4], $0x80, $0x38;
	[tilespmem:$0x1D300] =	vst v63  }
0x551: {  	s7 =	sadd.s32 $0x1B260, s0;
	s12 =	sadd.s32 $0x60, s1  }
0x552: {  	[hbm4b:s12+s3] =	stream.linear.scatter [tilespmem:s7], [sflag:$0x4], $0x80, $0x38;
	[tilespmem:$0x1D300] =	vst v63  }
0x553: {  	s13 =	sadd.s32 $0x1B2F0, s0;
	s14 =	sadd.s32 $0x70, s1  }
0x554: {  	[hbm4b:s14+s3] =	stream.linear.scatter [tilespmem:s13], [sflag:$0x4], $0x80, $0x38;
	[tilespmem:$0x1D300] =	vst v63  }
0x555: {  	_ =	swait.ge [sflag:s21], $0x2000  }
0x556: {  	s28 =	sadd.s32 s26, s11;
	v1 =	vld [tilespmem:$0x1FEB0]  }
0x557: {  	s1 =	sshrl.u32 s28, $0x3;
	s18 =	simm.s32 $0x0;
	v40 =	vld [tilespmem:$0x1FFB0]  }
0x558: {  	s24 =	sshll.u32 s1, $0x8;
	v0 =	vmov s18;
	[sflag:s21] =	ssyncset.done $0x0;
	v38 =	vld [tilespmem:$0x1FEC0]  }
0x559: {  	s30 =	sshra.s32 s24, $0x2;
	v0 =	vshrl.u32 v0, $0x3;
	v42 =	vld [tilespmem:$0x1FF40];
	[sflag:s21] =	ssyncadd.s32 $0xFFFFE000  }
0x55a: {  	s31 =	simm.s32 $0x10CF0;
	v0 =	vshll.u32 v0, $0x3;
	v36 =	vld [tilespmem:s30+$0x1900]  }
0x55b: {  	v39 =	vbroadcast v0, $0x0;
	v2 =	vld [tilespmem:s31+$0xFFFFFE10]  }
0x55c: {  	v35 =	vld [tilespmem:s30+$0x1910]  }
0x55d: {  	v3 =	vld [tilespmem:s31+$0xFFFFFFD0];
	v0 =	vadd.s32 v1, v39  }
0x55e: {  	v4 =	vld [tilespmem:s31+$0xFFFFFE90]  }
0x55f: {  	v5 =	vld [tilespmem:s31+$0xFFFFFF10];
	v6 =	vadd.s32 v40, v39  }
0x560: {  	v34 =	vld [tilespmem:s30+$0x1920];
	v7 =	vadd.s32 v38, v39;
	v2 =	vadd.f32 v2, v36  }
0x561: {  	v9 =	vld [tilespmem:s31+$0xFFFFFE50];
	v8 =	vadd.s32 v42, v39  }
0x562: {  	v33 =	vld [tilespmem:s30+$0x1930];
	[tilespmem:v0+s19+$0x0] =	vst.idx.msk $0xffff, v2;
	v0 =	vadd.f32 v3, v36  }
0x563: {  	v10 =	vadd.s32 v29, v39;
	v2 =	vadd.f32 v4, v36;
	v4 =	vld [tilespmem:s31+$0xFFFFFF90]  }
0x564: {  	v5 =	vadd.f32 v5, v36;
	v3 =	vld [tilespmem:s31+$0xFFFFFE20];
	[tilespmem:v6+s19+$0x0] =	vst.idx.msk $0xffff, v0  }
0x565: {  	[tilespmem:v7+s19+$0x0] =	vst.idx.msk $0xffff, v2;
	v2 =	vld [tilespmem:s31+$0xFFFFFFE0]  }
0x566: {  	v44 =	vld [tilespmem:$0x1FF90];
	[tilespmem:v8+s19+$0x0] =	vst.idx.msk $0xffff, v5;
	v5 =	vadd.f32 v9, v36  }
0x567: {  	v50 =	vld [tilespmem:$0x1FE80]  }
0x568: {  	v46 =	vld [tilespmem:$0x1FED0];
	[tilespmem:v10+s19+$0x0] =	vst.idx.msk $0xffff, v5  }
0x569: {  	v55 =	vld [tilespmem:$0x1FF50]  }
0x56a: {  	v0 =	vadd.s32 v26, v39;
	v48 =	vld [tilespmem:$0x1FF10]  }
0x56b: {  	v7 =	vld [tilespmem:s31+$0xFFFFFEA0];
	v6 =	vadd.s32 v44, v39  }
0x56c: {  	v8 =	vld [tilespmem:s31+$0xFFFFFF20];
	v9 =	vadd.s32 v50, v39  }
0x56d: {  	v11 =	vld [tilespmem:s31+$0xFFFFFED0];
	v3 =	vadd.f32 v3, v35;
	v12 =	vadd.s32 v46, v39  }
0x56e: {  	v4 =	vadd.f32 v4, v36;
	v5 =	vadd.s32 v55, v39  }
0x56f: {  	[tilespmem:v0+s19+$0x0] =	vst.idx.msk $0xffff, v3;
	v0 =	vadd.f32 v2, v35;
	v10 =	vadd.s32 v48, v39  }
0x570: {  	v2 =	vadd.f32 v7, v35;
	[tilespmem:v6+s19+$0x0] =	vst.idx.msk $0xffff, v4  }
0x571: {  	[tilespmem:v9+s19+$0x0] =	vst.idx.msk $0xffff, v0;
	v0 =	vadd.f32 v8, v35  }
0x572: {  	[tilespmem:v12+s19+$0x0] =	vst.idx.msk $0xffff, v2;
	v2 =	vadd.f32 v11, v36  }
0x573: {  	v62 =	vld [tilespmem:$0x1FF60];
	[tilespmem:v5+s19+$0x0] =	vst.idx.msk $0xffff, v0  }
0x574: {  	[tilespmem:v10+s19+$0x0] =	vst.idx.msk $0xffff, v2  }
0x575: {  	v25 =	vld [tilespmem:$0x1FDF0]  }
0x576: {  	v13 =	vld [tilespmem:s31+$0xFFFFFF50]  }
0x577: {  	v14 =	vld [tilespmem:s31+$0xFFFFFE60]  }
0x578: {  	v3 =	vld [tilespmem:s31+$0xFFFFFE30]  }
0x579: {  	v32 =	vld [tilespmem:$0x1FF20];
	v7 =	vadd.s32 v62, v39  }
0x57a: {  	v27 =	vld [tilespmem:$0x1FFA0];
	v2 =	vadd.s32 v25, v39  }
0x57b: {  	v16 =	vld [tilespmem:$0x1FFF0]  }
0x57c: {  	v0 =	vadd.f32 v13, v36;
	v59 =	vld [tilespmem:$0x1FEE0]  }
0x57d: {  	v3 =	vadd.f32 v3, v34;
	v28 =	vld [tilespmem:$0x1FF80]  }
0x57e: {  	v21 =	vld [tilespmem:$0x1FE60];
	[tilespmem:v7+s19+$0x0] =	vst.idx.msk $0xffff, v0  }
0x57f: {  	v8 =	vld [tilespmem:s31+$0xFFFFFEB0];
	[tilespmem:v2+s19+$0x0] =	vst.idx.msk $0xffff, v3  }
0x580: {  	v30 =	vld [tilespmem:$0x1FE90]  }
0x581: {  	v5 =	vld [tilespmem:s31+$0xFFFFFF30];
	v19 =	vadd.s32 v59, v39  }
0x582: {  	s0 =	simm.s32 $0x8;
	v56 =	vadd.s32 v22, v39;
	v12 =	vld [tilespmem:s31+$0xFFFFFEE0]  }
0x583: {  	v15 =	vmov s0;
	v6 =	vld [tilespmem:s31+$0xFFFFFFF0];
	v16 =	vadd.s32 v16, v39  }
0x584: {  	v15 =	vshrl.u32 v15, $0x3;
	v8 =	vadd.f32 v8, v34;
	v9 =	vadd.s32 v32, v39  }
0x585: {  	s29 =	simm.s32 $0x10EF0;
	v15 =	vshll.u32 v15, $0x3;
	v14 =	vadd.f32 v14, v35;
	v0 =	vadd.s32 v30, v39  }
0x586: {  	v37 =	vbroadcast v15, $0x0;
	v15 =	vld [tilespmem:s29+$0xFFFFFFD0];
	v3 =	vadd.f32 v5, v34;
	[tilespmem:v19+s19+$0x0] =	vst.idx.msk $0xffff, v8  }
0x587: {  	v13 =	vld [tilespmem:s29+$0xFFFFFE50];
	v12 =	vadd.f32 v12, v35;
	[tilespmem:v56+s19+$0x0] =	vst.idx.msk $0xffff, v14  }
0x588: {  	v6 =	vadd.f32 v6, v34;
	v2 =	vld [tilespmem:s29+$0xFFFFFE10];
	[tilespmem:v16+s19+$0x0] =	vst.idx.msk $0xffff, v3  }
0x589: {  	v63 =	vld [tilespmem:$0x1FE00];
	[tilespmem:v9+s19+$0x0] =	vst.idx.msk $0xffff, v12  }
0x58a: {  	v7 =	vld [tilespmem:s29+$0xFFFFFE90];
	[tilespmem:v0+s19+$0x0] =	vst.idx.msk $0xffff, v6  }
0x58b: {  	v3 =	vadd.s32 v1, v37;
	v52 =	vld [tilespmem:$0x1FF70]  }
0x58c: {  	v4 =	vld [tilespmem:s31+$0xFFFFFFA0];
	v8 =	vadd.s32 v29, v37  }
0x58d: {  	v9 =	vadd.s32 v38, v37;
	v12 =	vld [tilespmem:s31+$0xFFFFFE40]  }
0x58e: {  	v10 =	vadd.s32 v27, v39;
	v57 =	vld [tilespmem:s31+$0xFFFFFF60];
	v2 =	vadd.f32 v2, v36  }
0x58f: {  	v15 =	vadd.f32 v15, v36;
	v13 =	vadd.f32 v13, v36;
	v5 =	vld [tilespmem:s29+$0xFFFFFF10];
	v14 =	vadd.s32 v63, v39  }
0x590: {  	v7 =	vadd.f32 v7, v36;
	[tilespmem:v3+s19+$0x0] =	vst.idx.msk $0xffff, v2;
	v0 =	vadd.s32 v52, v39  }
0x591: {  	v18 =	vld [tilespmem:s29+$0xFFFFFF90];
	v3 =	vadd.f32 v4, v35;
	[tilespmem:v8+s19+$0x0] =	vst.idx.msk $0xffff, v13;
	v4 =	vadd.s32 v42, v37  }
0x592: {  	v12 =	vadd.f32 v12, v33;
	[tilespmem:v9+s19+$0x0] =	vst.idx.msk $0xffff, v7;
	v7 =	vld [tilespmem:s31+$0xFFFFFE70];
	v9 =	vadd.s32 v40, v37  }
0x593: {  	v13 =	vadd.f32 v57, v35;
	[tilespmem:v10+s19+$0x0] =	vst.idx.msk $0xffff, v3;
	v3 =	vld [tilespmem:s29+$0xFFFFFE20];
	v10 =	vadd.s32 v44, v37  }
0x594: {  	v43 =	vmov v26;
	v16 =	vadd.s32 v23, v39;
	v5 =	vadd.f32 v5, v36;
	[tilespmem:v14+s19+$0x0] =	vst.idx.msk $0xffff, v12;
	v60 =	vld [tilespmem:s31+$0xFFFFFFB0]  }
0x595: {  	v11 =	vadd.s32 v20, v39;
	[tilespmem:v0+s19+$0x0] =	vst.idx.msk $0xffff, v13;
	v0 =	vadd.s32 v43, v37;
	v13 =	vld [tilespmem:s29+$0xFFFFFEA0]  }
0x596: {  	v20 =	vadd.s32 v21, v39;
	v21 =	vld [tilespmem:s29+$0xFFFFFF50];
	v12 =	vadd.f32 v18, v36;
	[tilespmem:v4+s19+$0x0] =	vst.idx.msk $0xffff, v5  }
0x597: {  	v6 =	vld [tilespmem:s29+$0xFFFFFED0];
	v5 =	vadd.s32 v46, v37;
	[tilespmem:v9+s19+$0x0] =	vst.idx.msk $0xffff, v15;
	v7 =	vadd.f32 v7, v34  }
0x598: {  	v2 =	vld [tilespmem:s31+$0xFFFFFEF0];
	[tilespmem:v10+s19+$0x0] =	vst.idx.msk $0xffff, v12;
	v3 =	vadd.f32 v3, v35  }
0x599: {  	v9 =	vld [tilespmem:$0x1FF30];
	[tilespmem:v16+s19+$0x0] =	vst.idx.msk $0xffff, v7;
	v7 =	vadd.f32 v60, v34  }
0x59a: {  	v8 =	vld [tilespmem:s31+$0xFFFFFEC0];
	[tilespmem:v0+s19+$0x0] =	vst.idx.msk $0xffff, v3;
	v0 =	vadd.f32 v13, v35  }
0x59b: {  	v45 =	vmov v44;
	v44 =	vld [tilespmem:s29+$0xFFFFFE60];
	[tilespmem:v20+s19+$0x0] =	vst.idx.msk $0xffff, v7  }
0x59c: {  	v10 =	vld [tilespmem:s31+$0xFFFFFF70];
	[tilespmem:v5+s19+$0x0] =	vst.idx.msk $0xffff, v0  }
0x59d: {  	v56 =	vld [tilespmem:$0x1FEA0]  }
0x59e: {  	v17 =	vadd.s32 v28, v39;
	v4 =	vld [tilespmem:s31+$0xFFFFFF40]  }
0x59f: {  	v3 =	vld [tilespmem:s29+$0xFFFFFFE0]  }
0x5a0: {  	v12 =	vld [tilespmem:s31+$0x0];
	v31 =	vmov v9;
	v9 =	vadd.s32 v9, v39  }
0x5a1: {  	v15 =	vld [tilespmem:s29+$0xFFFFFF20];
	v5 =	vadd.s32 v50, v37;
	v0 =	vadd.f32 v2, v34;
	v2 =	vadd.f32 v10, v34  }
0x5a2: {  	v51 =	vmov v23;
	v8 =	vadd.f32 v8, v33;
	v23 =	vld [tilespmem:s31+$0xFFFFFFC0];
	v7 =	vadd.s32 v56, v39  }
0x5a3: {  	v14 =	vadd.s32 v48, v37;
	v13 =	vld [tilespmem:s31+$0xFFFFFE80];
	[tilespmem:v17+s19+$0x0] =	vst.idx.msk $0xffff, v2  }
0x5a4: {  	v58 =	vmov v22;
	v22 =	vadd.f32 v4, v33;
	[tilespmem:v11+s19+$0x0] =	vst.idx.msk $0xffff, v8;
	v4 =	vadd.f32 v3, v35;
	v17 =	vld [tilespmem:s31+$0xFFFFFF80]  }
0x5a5: {  	v12 =	vadd.f32 v12, v33;
	[tilespmem:v9+s19+$0x0] =	vst.idx.msk $0xffff, v0;
	v9 =	vld [tilespmem:s29+$0xFFFFFE30]  }
0x5a6: {  	v53 =	vmov v48;
	v48 =	vmov v46;
	v46 =	vld [tilespmem:$0x1FE30];
	[tilespmem:v5+s19+$0x0] =	vst.idx.msk $0xffff, v4;
	v4 =	vadd.f32 v6, v36  }
0x5a7: {  	v47 =	vmovc v43;
	v61 =	vmov v1;
	v49 =	vmov v40;
	v16 =	vadd.s32 v55, v37;
	v0 =	vld [tilespmem:s29+$0xFFFFFFA0];
	[tilespmem:v7+s19+$0x0] =	vst.idx.msk $0xffff, v12  }
0x5a8: {  	v26 =	vmovc v29;
	v29 =	vmov v42;
	v60 =	vmov v50;
	v8 =	vadd.s32 v41, v39;
	v50 =	vld [tilespmem:$0x1FE50];
	[tilespmem:v14+s19+$0x0] =	vst.idx.msk $0xffff, v4  }
0x5a9: {  	v1 =	vmovc v38;
	v38 =	vadd.s32 v62, v37;
	v40 =	vadd.s32 v32, v37;
	v42 =	vadd.s32 v27, v37;
	v6 =	vld [tilespmem:$0x1FF00]  }
0x5aa: {  	v57 =	vmovc v55;
	v43 =	vadd.f32 v21, v36;
	v10 =	vadd.s32 v24, v39;
	v11 =	vld [tilespmem:s31+$0xFFFFFF00];
	v5 =	vadd.f32 v15, v35  }
0x5ab: {  	v55 =	vmovc v41;
	v41 =	vadd.s32 v28, v37;
	v2 =	vadd.s32 v54, v39;
	v13 =	vadd.f32 v13, v33;
	v7 =	vld [tilespmem:s29+$0xFFFFFFF0]  }
0x5ac: {  	v15 =	vadd.f32 v17, v33;
	v3 =	vadd.s32 v46, v39;
	v4 =	vld [tilespmem:s29+$0xFFFFFEB0];
	[tilespmem:v16+s19+$0x0] =	vst.idx.msk $0xffff, v5  }
0x5ad: {  	v14 =	vadd.f32 v23, v33;
	v5 =	vld [tilespmem:s29+$0xFFFFFEE0];
	[tilespmem:v8+s19+$0x0] =	vst.idx.msk $0xffff, v22;
	v12 =	vadd.s32 v50, v39  }
0x5ae: {  	s6 =	simm.s32 $0x110F0;
	v8 =	vld [tilespmem:s29+$0xFFFFFF30];
	v39 =	vadd.s32 v6, v37;
	v6 =	vadd.f32 v9, v34;
	v9 =	vadd.s32 v25, v37  }
.LBB2_27:
0x5af: {  	v18 =	vld [tilespmem:$0x1FFF0];
	_ =	sdelay $0x1  }
0x5b0: {  	v16 =	vld [tilespmem:s6+$0xFFFFFE50];
	[tilespmem:v10+s19+$0x0] =	vst.idx.msk $0xffff, v13  }
0x5b1: {  	s0 =	sadd.s32 $0x8, s0;
	v17 =	vld [tilespmem:$0x1FE60];
	v20 =	vadd.s32 v58, v37;
	[tilespmem:v12+s19+$0x0] =	vst.idx.msk $0xffff, v15  }
0x5b2: {  	v19 =	vadd.s32 v59, v37;
	v13 =	vld [tilespmem:s6+$0xFFFFFF90];
	[tilespmem:v2+s19+$0x0] =	vst.idx.msk $0xffff, v14;
	v10 =	vadd.f32 v11, v33;
	v11 =	vmov s0  }
0x5b3: {  	v12 =	vld [tilespmem:s6+$0xFFFFFF50];
	[tilespmem:v38+s19+$0x0] =	vst.idx.msk $0xffff, v43;
	v11 =	vshrl.u32 v11, $0x3;
	v18 =	vadd.s32 v18, v37  }
0x5b4: {  	v22 =	vld [tilespmem:s6+$0xFFFFFFD0];
	v23 =	vadd.f32 v44, v35;
	v2 =	vshll.u32 v11, $0x3;
	[tilespmem:v3+s19+$0x0] =	vst.idx.msk $0xffff, v10  }
0x5b5: {  	v4 =	vadd.f32 v4, v34;
	v3 =	vld [tilespmem:s6+$0xFFFFFE10];
	[tilespmem:v9+s19+$0x0] =	vst.idx.msk $0xffff, v6;
	v21 =	vbroadcast v2, $0x0  }
0x5b6: {  	v11 =	vld [tilespmem:s6+$0xFFFFFF10];
	v9 =	vadd.s32 v30, v37;
	[tilespmem:v20+s19+$0x0] =	vst.idx.msk $0xffff, v23;
	v2 =	vadd.f32 v8, v34  }
0x5b7: {  	v0 =	vadd.f32 v0, v35;
	v8 =	vld [tilespmem:s6+$0xFFFFFE90];
	[tilespmem:v19+s19+$0x0] =	vst.idx.msk $0xffff, v4;
	v10 =	vadd.s32 v61, v21  }
0x5b8: {  	v4 =	vadd.f32 v5, v35;
	v5 =	vld [tilespmem:s29+$0xFFFFFF60];
	[tilespmem:v18+s19+$0x0] =	vst.idx.msk $0xffff, v2;
	v2 =	vadd.s32 v26, v21  }
0x5b9: {  	v7 =	vadd.f32 v7, v34;
	v19 =	vld [tilespmem:s29+$0xFFFFFE40];
	[tilespmem:v42+s19+$0x0] =	vst.idx.msk $0xffff, v0;
	v18 =	vadd.s32 v1, v21  }
0x5ba: {  	v20 =	vld [tilespmem:s6+$0xFFFFFED0];
	[tilespmem:v40+s19+$0x0] =	vst.idx.msk $0xffff, v4;
	v3 =	vadd.f32 v3, v36  }
0x5bb: {  	v14 =	vadd.s32 v63, v37;
	v4 =	vadd.f32 v16, v36;
	v24 =	vld [tilespmem:s29+$0xFFFFFEF0];
	[tilespmem:v9+s19+$0x0] =	vst.idx.msk $0xffff, v7  }
0x5bc: {  	v16 =	vadd.s32 v29, v21;
	v7 =	vld [tilespmem:s29+$0xFFFFFEC0];
	[tilespmem:v10+s19+$0x0] =	vst.idx.msk $0xffff, v3;
	v3 =	vadd.f32 v8, v36  }
0x5bd: {  	v6 =	vadd.s32 v52, v37;
	v8 =	vld [tilespmem:s6+$0xFFFFFE20];
	[tilespmem:v2+s19+$0x0] =	vst.idx.msk $0xffff, v4  }
0x5be: {  	v0 =	vadd.s32 v49, v21;
	v9 =	vadd.f32 v19, v33;
	[tilespmem:v18+s19+$0x0] =	vst.idx.msk $0xffff, v3;
	v3 =	vld [tilespmem:s29+$0xFFFFFF40]  }
0x5bf: {  	v4 =	vadd.f32 v5, v35;
	v5 =	vadd.f32 v11, v36;
	v10 =	vld [tilespmem:s29+$0xFFFFFE70]  }
0x5c0: {  	v43 =	vadd.f32 v12, v36;
	[tilespmem:v14+s19+$0x0] =	vst.idx.msk $0xffff, v9;
	v2 =	vadd.s32 v45, v21;
	v12 =	vld [tilespmem:s6+$0xFFFFFEA0]  }
0x5c1: {  	v11 =	vadd.s32 v47, v21;
	v44 =	vld [tilespmem:s6+$0xFFFFFE60];
	[tilespmem:v16+s19+$0x0] =	vst.idx.msk $0xffff, v5;
	v5 =	vadd.f32 v22, v36  }
0x5c2: {  	v15 =	vadd.s32 v51, v37;
	[tilespmem:v6+s19+$0x0] =	vst.idx.msk $0xffff, v4;
	v6 =	vadd.f32 v7, v33;
	v7 =	vld [tilespmem:s29+$0xFFFFFFB0]  }
0x5c3: {  	v13 =	vadd.f32 v13, v36;
	v4 =	vadd.s32 v48, v21;
	v9 =	vld [tilespmem:s29+$0xFFFFFF70];
	[tilespmem:v0+s19+$0x0] =	vst.idx.msk $0xffff, v5  }
0x5c4: {  	v17 =	vadd.s32 v17, v37;
	v38 =	vadd.s32 v62, v21;
	v8 =	vadd.f32 v8, v35;
	v5 =	vld [tilespmem:s29+$0x0]  }
0x5c5: {  	v23 =	vadd.s32 v53, v21;
	[tilespmem:v2+s19+$0x0] =	vst.idx.msk $0xffff, v13;
	v0 =	vadd.f32 v10, v34;
	v10 =	vld [tilespmem:s6+$0xFFFFFFE0]  }
0x5c6: {  	v2 =	vadd.s32 v31, v37;
	[tilespmem:v11+s19+$0x0] =	vst.idx.msk $0xffff, v8;
	v8 =	vadd.f32 v12, v35;
	v12 =	vld [tilespmem:s6+$0xFFFFFF20]  }
0x5c7: {  	[tilespmem:v15+s19+$0x0] =	vst.idx.msk $0xffff, v0;
	v15 =	vadd.f32 v3, v33;
	v3 =	vadd.f32 v24, v34;
	v24 =	vld [tilespmem:$0x1FE20]  }
0x5c8: {  	v0 =	vadd.f32 v7, v34;
	[tilespmem:v4+s19+$0x0] =	vst.idx.msk $0xffff, v8;
	v4 =	vadd.s32 v60, v21;
	v8 =	vld [tilespmem:s6+$0xFFFFFE30]  }
0x5c9: {  	v40 =	vadd.s32 v32, v21;
	v16 =	vadd.s32 v57, v21;
	v7 =	vld [tilespmem:s29+$0xFFFFFE80];
	[tilespmem:v39+s19+$0x0] =	vst.idx.msk $0xffff, v6  }
0x5ca: {  	v9 =	vadd.f32 v9, v34;
	v6 =	vadd.f32 v20, v36;
	v20 =	vld [tilespmem:$0x1FF00];
	[tilespmem:v17+s19+$0x0] =	vst.idx.msk $0xffff, v0  }
0x5cb: {  	v14 =	vadd.s32 v56, v37;
	[tilespmem:v2+s19+$0x0] =	vst.idx.msk $0xffff, v3;
	v17 =	vld [tilespmem:s29+$0xFFFFFFC0];
	v11 =	vadd.f32 v10, v35  }
0x5cc: {  	v42 =	vadd.s32 v27, v21;
	v18 =	vadd.s32 v55, v37;
	[tilespmem:v41+s19+$0x0] =	vst.idx.msk $0xffff, v9;
	v0 =	vld [tilespmem:s6+$0xFFFFFFA0]  }
0x5cd: {  	p0 =	slt.u32 s0, $0x78;
	v2 =	vadd.s32 v54, v37;
	v19 =	vld [tilespmem:s29+$0xFFFFFF80];
	v9 =	vadd.f32 v12, v35;
	[tilespmem:v4+s19+$0x0] =	vst.idx.msk $0xffff, v11  }
.Ltmp12:
0x5ce: {  	v5 =	vadd.f32 v5, v33;
	v3 =	vadd.s32 v46, v37;
	v11 =	vld [tilespmem:s29+$0xFFFFFF00];
	[tilespmem:v23+s19+$0x0] =	vst.idx.msk $0xffff, v6;
	(pc) =	sbr.rel @p0 .LBB2_27-.Ltmp12, $4  }
0x5cf: {  	v12 =	vadd.s32 v50, v37;
	v10 =	vadd.s32 v24, v37;
	v4 =	vld [tilespmem:s6+$0xFFFFFEB0];
	[tilespmem:v16+s19+$0x0] =	vst.idx.msk $0xffff, v9  }
0x5d0: {  	v37 =	vmov v21;
	v6 =	vadd.f32 v8, v34;
	v13 =	vadd.f32 v7, v33;
	v7 =	vld [tilespmem:s6+$0xFFFFFFF0];
	[tilespmem:v14+s19+$0x0] =	vst.idx.msk $0xffff, v5  }
0x5d1: {  	s29 =	smov.u32 s6;
	v39 =	vadd.s32 v20, v37;
	v5 =	vld [tilespmem:s6+$0xFFFFFEE0];
	v41 =	vadd.s32 v28, v37;
	v9 =	vadd.s32 v25, v37  }
0x5d2: {  	v8 =	vld [tilespmem:s29+$0xFFFFFF30];
	s6 =	sadd.s32 $0x200, s6;
	[tilespmem:v18+s19+$0x0] =	vst.idx.msk $0xffff, v15;
	v14 =	vadd.f32 v17, v33;
	v15 =	vadd.f32 v19, v33  }
0x5d3: {  	_ =	sdelay $0x3  }
0x5d4: {  	[tilespmem:v38+s19+$0x0] =	vst.idx.msk $0xffff, v43  }
0x5d5: {  	v16 =	vld [tilespmem:s29+$0xFFFFFF60]  }
0x5d6: {  	v17 =	vadd.s32 v58, v37  }
0x5d7: {  	v38 =	vmov v58;
	[tilespmem:v10+s19+$0x0] =	vst.idx.msk $0xffff, v13;
	v58 =	vadd.s32 v52, v37  }
0x5d8: {  	v11 =	vadd.f32 v11, v33;
	[tilespmem:v12+s19+$0x0] =	vst.idx.msk $0xffff, v15  }
0x5d9: {  	[tilespmem:v2+s19+$0x0] =	vst.idx.msk $0xffff, v14;
	v2 =	vadd.f32 v44, v35  }
0x5da: {  	[tilespmem:v3+s19+$0x0] =	vst.idx.msk $0xffff, v11;
	v3 =	vadd.f32 v16, v35  }
0x5db: {  	v0 =	vadd.f32 v0, v35;
	[tilespmem:v17+s19+$0x0] =	vst.idx.msk $0xffff, v2  }
0x5dc: {  	v5 =	vadd.f32 v5, v35;
	[tilespmem:v58+s19+$0x0] =	vst.idx.msk $0xffff, v3  }
0x5dd: {  	v23 =	vld [tilespmem:$0x1FFF0];
	[tilespmem:v42+s19+$0x0] =	vst.idx.msk $0xffff, v0  }
0x5de: {  	v36 =	vadd.s32 v59, v37;
	v44 =	vld [tilespmem:s29+$0xFFFFFE70];
	[tilespmem:v40+s19+$0x0] =	vst.idx.msk $0xffff, v5  }
0x5df: {  	v2 =	vadd.s32 v30, v37;
	[tilespmem:v9+s19+$0x0] =	vst.idx.msk $0xffff, v6  }
0x5e0: {  	v47 =	vadd.s32 v51, v37;
	v9 =	vld [tilespmem:$0x1FE60]  }
0x5e1: {  	v4 =	vadd.f32 v4, v34;
	v0 =	vld [tilespmem:s29+$0xFFFFFF70]  }
0x5e2: {  	v7 =	vadd.f32 v7, v34;
	v52 =	vld [tilespmem:s29+$0xFFFFFFB0];
	v3 =	vadd.s32 v23, v37  }
0x5e3: {  	v43 =	vmov v30;
	v58 =	vld [tilespmem:s29+$0xFFFFFEF0];
	[tilespmem:v36+s19+$0x0] =	vst.idx.msk $0xffff, v4;
	v30 =	vadd.f32 v44, v34  }
0x5e4: {  	v19 =	vmov v59;
	v59 =	vld [tilespmem:s29+$0xFFFFFE40];
	[tilespmem:v2+s19+$0x0] =	vst.idx.msk $0xffff, v7  }
0x5e5: {  	v8 =	vadd.f32 v8, v34;
	v2 =	vld [tilespmem:s29+$0xFFFFFEC0];
	[tilespmem:v47+s19+$0x0] =	vst.idx.msk $0xffff, v30;
	v21 =	vmov v9;
	v9 =	vadd.s32 v9, v37  }
0x5e6: {  	v35 =	vadd.s32 v31, v37;
	v7 =	vld [tilespmem:s29+$0xFFFFFE80]  }
0x5e7: {  	v36 =	vadd.s32 v63, v37;
	v0 =	vadd.f32 v0, v34;
	[tilespmem:v3+s19+$0x0] =	vst.idx.msk $0xffff, v8;
	v3 =	vld [tilespmem:s29+$0x0]  }
0x5e8: {  	v40 =	vadd.s32 v56, v37;
	v5 =	vadd.f32 v52, v34  }
0x5e9: {  	v47 =	vadd.s32 v24, v37;
	v6 =	vadd.f32 v58, v34;
	[tilespmem:v41+s19+$0x0] =	vst.idx.msk $0xffff, v0;
	v8 =	vld [tilespmem:s29+$0xFFFFFF40]  }
0x5ea: {  	v58 =	vadd.s32 v50, v37;
	v0 =	vadd.f32 v59, v33;
	v42 =	vld [tilespmem:s29+$0xFFFFFF80];
	[tilespmem:v9+s19+$0x0] =	vst.idx.msk $0xffff, v5  }
0x5eb: {  	v41 =	vadd.s32 v55, v37;
	v2 =	vadd.f32 v2, v33;
	[tilespmem:v35+s19+$0x0] =	vst.idx.msk $0xffff, v6;
	v44 =	vld [tilespmem:s29+$0xFFFFFFC0]  }
0x5ec: {  	[tilespmem:v36+s19+$0x0] =	vst.idx.msk $0xffff, v0;
	v7 =	vadd.f32 v7, v33;
	v0 =	vadd.f32 v3, v33;
	v3 =	vld [tilespmem:s29+$0xFFFFFF00]  }
0x5ed: {  	v59 =	vadd.s32 v54, v37;
	[tilespmem:v39+s19+$0x0] =	vst.idx.msk $0xffff, v2  }
0x5ee: {  	v2 =	vadd.s32 v46, v37;
	[tilespmem:v47+s19+$0x0] =	vst.idx.msk $0xffff, v7;
	v8 =	vadd.f32 v8, v33  }
0x5ef: {  	s0 =	sshll.u32 s28, $0xA;
	[tilespmem:v40+s19+$0x0] =	vst.idx.msk $0xffff, v0;
	v0 =	vadd.f32 v42, v33  }
0x5f0: {  	s1 =	sshll.u32 s1, $0x10;
	s0 =	sand.u32 $0x1800, s0;
	v63 =	vadd.f32 v44, v33;
	[tilespmem:v41+s19+$0x0] =	vst.idx.msk $0xffff, v8  }
0x5f1: {  	s0 =	sor.u32 s0, s1;
	[tilespmem:v58+s19+$0x0] =	vst.idx.msk $0xffff, v0;
	v3 =	vadd.f32 v3, v33  }
0x5f2: {  	s0 =	sshrl.u32 s0, $0x3;
	[tilespmem:v59+s19+$0x0] =	vst.idx.msk $0xffff, v63  }
0x5f3: {  	s30 =	simm.s32 $0x18B00;
	s1 =	sadd.s32 s2, s0;
	[tilespmem:v2+s19+$0x0] =	vst.idx.msk $0xffff, v3  }
0x5f4: {  	[hbm4b:s1+s3] =	stream.linear.scatter [tilespmem:s30], [sflag:$0x3], $0x80, $0x38;
	[tilespmem:$0x1D300] =	vst v63  }
0x5f5: {  	s31 =	simm.s32 $0x18B90;
	s6 =	sadd.s32 $0x10, s1  }
0x5f6: {  	[hbm4b:s6+s3] =	stream.linear.scatter [tilespmem:s31], [sflag:$0x3], $0x80, $0x38;
	[tilespmem:$0x1D300] =	vst v63  }
0x5f7: {  	s12 =	simm.s32 $0x18CB0;
	s7 =	sadd.s32 $0x20, s1;
	s6 =	simm.s32 $0x18C20  }
0x5f8: {  	[hbm4b:s7+s3] =	stream.linear.scatter [tilespmem:s6], [sflag:$0x3], $0x80, $0x38;
	[tilespmem:$0x1D300] =	vst v63  }
0x5f9: {  	s14 =	simm.s32 $0x18D40;
	s24 =	simm.s32 $0x18DD0;
	s13 =	sadd.s32 $0x30, s1  }
0x5fa: {  	[hbm4b:s13+s3] =	stream.linear.scatter [tilespmem:s12], [sflag:$0x3], $0x80, $0x38;
	[tilespmem:$0x1D300] =	vst v63  }
0x5fb: {  	s0 =	simm.s32 $0x480;
	s18 =	sadd.s32 $0x40, s1;
	s28 =	sadd.s32 $0x70, s1  }
0x5fc: {  	[hbm4b:s18+s3] =	stream.linear.scatter [tilespmem:s14], [sflag:$0x3], $0x80, $0x38;
	[tilespmem:$0x1D300] =	vst v63  }
0x5fd: {  	s29 =	sadd.s32 $0x50, s1;
	s30 =	simm.s32 $0x18E60;
	s31 =	sadd.s32 $0x60, s1  }
0x5fe: {  	[hbm4b:s29+s3] =	stream.linear.scatter [tilespmem:s24], [sflag:$0x3], $0x80, $0x38;
	[tilespmem:$0x1D300] =	vst v63  }
0x5ff: {  	s1 =	sadd.s32 $0x400, s1;
	s6 =	simm.s32 $0x2400;
	s14 =	simm.s32 $0x18EF0  }
0x600: {  	v22 =	vmovc v29;
	v18 =	vmovc v48;
	v48 =	vmov v31;
	v55 =	vmov v54;
	v42 =	vmov v51;
	[hbm4b:s31+s3] =	stream.linear.scatter [tilespmem:s30], [sflag:$0x3], $0x80, $0x38;
	[tilespmem:$0x1D300] =	vst v63  }
.LBB2_29:
0x601: {  	[hbm4b:s28+s3] =	stream.linear.scatter [tilespmem:s14], [sflag:$0x3], $0x80, $0x38;
	[tilespmem:$0x1D300] =	vst v63  }
0x602: {  	s7 =	smov.u32 s0;
	s0 =	smov.u32 s6  }
0x603: {  	s12 =	sadd.s32 $0x1200, s6;
	s0 =	sshra.s32 s0, $0x2;
	s13 =	sadd.s32 $0x18B00, s7  }
0x604: {  	[hbm4b:s1+s3] =	stream.linear.scatter [tilespmem:s13], [sflag:$0x3], $0x80, $0x38;
	[tilespmem:$0x1D300] =	vst v63  }
0x605: {  	p0 =	sne.s32 s6, $0x7E00;
	s6 =	sadd.s32 $0x18B90, s7;
	s13 =	sadd.s32 $0x10, s1  }
0x606: {  	[hbm4b:s13+s3] =	stream.linear.scatter [tilespmem:s6], [sflag:$0x3], $0x80, $0x38;
	[tilespmem:$0x1D300] =	vst v63  }
0x607: {  	s6 =	sadd.s32 $0x18C20, s7;
	s13 =	sadd.s32 $0x20, s1  }
0x608: {  	[hbm4b:s13+s3] =	stream.linear.scatter [tilespmem:s6], [sflag:$0x3], $0x80, $0x38;
	[tilespmem:$0x1D300] =	vst v63  }
0x609: {  	s6 =	sadd.s32 $0x18CB0, s7;
	s13 =	sadd.s32 $0x30, s1  }
0x60a: {  	[hbm4b:s13+s3] =	stream.linear.scatter [tilespmem:s6], [sflag:$0x3], $0x80, $0x38;
	[tilespmem:$0x1D300] =	vst v63  }
0x60b: {  	s6 =	sadd.s32 $0x18D40, s7;
	s13 =	sadd.s32 $0x40, s1  }
0x60c: {  	[hbm4b:s13+s3] =	stream.linear.scatter [tilespmem:s6], [sflag:$0x3], $0x80, $0x38;
	[tilespmem:$0x1D300] =	vst v63  }
.Ltmp13:
0x60d: {  	s6 =	sadd.s32 $0x18DD0, s7;
	s13 =	sadd.s32 $0x50, s1;
	(pc) =	sbr.rel @p0 .LBB2_29-.Ltmp13, $4  }
0x60e: {  	[hbm4b:s13+s3] =	stream.linear.scatter [tilespmem:s6], [sflag:$0x3], $0x80, $0x38;
	[tilespmem:$0x1D300] =	vst v63  }
0x60f: {  	s28 =	sadd.s32 $0x70, s1;
	s6 =	sadd.s32 $0x18E60, s7;
	s13 =	sadd.s32 $0x60, s1  }
0x610: {  	[hbm4b:s13+s3] =	stream.linear.scatter [tilespmem:s6], [sflag:$0x3], $0x80, $0x38;
	[tilespmem:$0x1D300] =	vst v63  }
0x611: {  	s14 =	sadd.s32 $0x18EF0, s7;
	s1 =	sadd.s32 $0x400, s1;
	s6 =	smov.u32 s12  }
0x612: {  	[hbm4b:s28+s3] =	stream.linear.scatter [tilespmem:s14], [sflag:$0x3], $0x80, $0x38;
	[tilespmem:$0x1D300] =	vst v63  }
0x613: {  	s6 =	sadd.s32 $0x18B00, s0  }
0x614: {  	[hbm4b:s1+s3] =	stream.linear.scatter [tilespmem:s6], [sflag:$0x3], $0x80, $0x38;
	[tilespmem:$0x1D300] =	vst v63  }
0x615: {  	s31 =	sadd.s32 $0x18B90, s0;
	s7 =	sadd.s32 $0x10, s1  }
0x616: {  	[hbm4b:s7+s3] =	stream.linear.scatter [tilespmem:s31], [sflag:$0x3], $0x80, $0x38;
	[tilespmem:$0x1D300] =	vst v63  }
0x617: {  	s12 =	sadd.s32 $0x20, s1;
	s7 =	sadd.s32 $0x18C20, s0  }
0x618: {  	[hbm4b:s12+s3] =	stream.linear.scatter [tilespmem:s7], [sflag:$0x3], $0x80, $0x38;
	[tilespmem:$0x1D300] =	vst v63  }
0x619: {  	s13 =	sadd.s32 $0x18CB0, s0;
	s14 =	sadd.s32 $0x30, s1  }
0x61a: {  	[hbm4b:s14+s3] =	stream.linear.scatter [tilespmem:s13], [sflag:$0x3], $0x80, $0x38;
	[tilespmem:$0x1D300] =	vst v63  }
0x61b: {  	s18 =	sadd.s32 $0x18D40, s0;
	s24 =	sadd.s32 $0x40, s1  }
0x61c: {  	[hbm4b:s24+s3] =	stream.linear.scatter [tilespmem:s18], [sflag:$0x3], $0x80, $0x38;
	[tilespmem:$0x1D300] =	vst v63  }
0x61d: {  	s30 =	sadd.s32 $0x18DD0, s0;
	s31 =	sadd.s32 $0x50, s1  }
0x61e: {  	[hbm4b:s31+s3] =	stream.linear.scatter [tilespmem:s30], [sflag:$0x3], $0x80, $0x38;
	[tilespmem:$0x1D300] =	vst v63  }
0x61f: {  	s7 =	sadd.s32 $0x18E60, s0;
	s12 =	sadd.s32 $0x60, s1  }
0x620: {  	[hbm4b:s12+s3] =	stream.linear.scatter [tilespmem:s7], [sflag:$0x3], $0x80, $0x38;
	[tilespmem:$0x1D300] =	vst v63  }
0x621: {  	s28 =	sadd.s32 s26, s8;
	s13 =	sadd.s32 $0x18EF0, s0;
	s14 =	sadd.s32 $0x70, s1  }
0x622: {  	[hbm4b:s14+s3] =	stream.linear.scatter [tilespmem:s13], [sflag:$0x3], $0x80, $0x38;
	[tilespmem:$0x1D300] =	vst v63  }
0x623: {  	s1 =	sshrl.u32 s28, $0x3;
	s18 =	simm.s32 $0x0;
	_ =	swait.ge [sflag:s22], $0x2000  }
0x624: {  	s24 =	sshll.u32 s1, $0x8;
	v0 =	vmov s18;
	[sflag:s22] =	ssyncset.done $0x0  }
0x625: {  	s30 =	sshra.s32 s24, $0x2;
	v0 =	vshrl.u32 v0, $0x3;
	[sflag:s22] =	ssyncadd.s32 $0xFFFFE000  }
0x626: {  	s31 =	simm.s32 $0x12B00;
	v0 =	vshll.u32 v0, $0x3;
	v36 =	vld [tilespmem:s30+$0x1900]  }
0x627: {  	v39 =	vbroadcast v0, $0x0;
	v2 =	vld [tilespmem:s31+$0x0];
	_ =	sdelay $0x1  }
0x628: {  	v0 =	vadd.s32 v61, v39;
	v3 =	vld [tilespmem:s31+$0x1C0]  }
0x629: {  	v4 =	vld [tilespmem:s31+$0x80]  }
0x62a: {  	v6 =	vadd.s32 v49, v39  }
0x62b: {  	v7 =	vadd.s32 v1, v39;
	v35 =	vld [tilespmem:s30+$0x1910];
	v2 =	vadd.f32 v2, v36  }
0x62c: {  	v34 =	vld [tilespmem:s30+$0x1920]  }
0x62d: {  	v33 =	vld [tilespmem:s30+$0x1930];
	[tilespmem:v0+s20+$0x0] =	vst.idx.msk $0xffff, v2;
	v0 =	vadd.f32 v3, v36  }
0x62e: {  	v2 =	vadd.f32 v4, v36  }
0x62f: {  	[tilespmem:v6+s20+$0x0] =	vst.idx.msk $0xffff, v0  }
0x630: {  	v5 =	vld [tilespmem:s31+$0x100];
	[tilespmem:v7+s20+$0x0] =	vst.idx.msk $0xffff, v2  }
0x631: {  	v50 =	vld [tilespmem:$0x1FFE0]  }
0x632: {  	v8 =	vadd.s32 v22, v39  }
0x633: {  	v9 =	vld [tilespmem:s31+$0x40]  }
0x634: {  	v3 =	vld [tilespmem:s31+$0x10]  }
0x635: {  	v10 =	vadd.s32 v26, v39;
	v5 =	vadd.f32 v5, v36;
	v4 =	vld [tilespmem:s31+$0x180]  }
0x636: {  	v2 =	vld [tilespmem:s31+$0x1D0];
	v0 =	vadd.s32 v50, v39  }
0x637: {  	v6 =	vadd.s32 v45, v39;
	v7 =	vld [tilespmem:s31+$0x90];
	[tilespmem:v8+s20+$0x0] =	vst.idx.msk $0xffff, v5  }
0x638: {  	v5 =	vadd.f32 v9, v36;
	v9 =	vadd.s32 v60, v39;
	v8 =	vld [tilespmem:s31+$0x110]  }
0x639: {  	v12 =	vadd.s32 v18, v39;
	v11 =	vld [tilespmem:s31+$0xC0];
	v3 =	vadd.f32 v3, v35  }
0x63a: {  	[tilespmem:v10+s20+$0x0] =	vst.idx.msk $0xffff, v5;
	v4 =	vadd.f32 v4, v36;
	v5 =	vadd.s32 v57, v39  }
0x63b: {  	v10 =	vadd.s32 v53, v39;
	[tilespmem:v0+s20+$0x0] =	vst.idx.msk $0xffff, v3;
	v0 =	vadd.f32 v2, v35  }
0x63c: {  	[tilespmem:v6+s20+$0x0] =	vst.idx.msk $0xffff, v4;
	v2 =	vadd.f32 v7, v35  }
0x63d: {  	[tilespmem:v9+s20+$0x0] =	vst.idx.msk $0xffff, v0;
	v0 =	vadd.f32 v8, v35  }
0x63e: {  	[tilespmem:v12+s20+$0x0] =	vst.idx.msk $0xffff, v2;
	v2 =	vadd.f32 v11, v36  }
0x63f: {  	[tilespmem:v5+s20+$0x0] =	vst.idx.msk $0xffff, v0  }
0x640: {  	[tilespmem:v10+s20+$0x0] =	vst.idx.msk $0xffff, v2  }
0x641: {  	v40 =	vmov v49;
	v49 =	vld [tilespmem:$0x1FDF0]  }
0x642: {  	v14 =	vld [tilespmem:s31+$0x50]  }
0x643: {  	v13 =	vld [tilespmem:s31+$0x140]  }
0x644: {  	v44 =	vmov v22;
	v22 =	vadd.s32 v38, v39;
	v3 =	vld [tilespmem:s31+$0x20]  }
0x645: {  	v7 =	vadd.s32 v62, v39;
	v8 =	vld [tilespmem:s31+$0xA0]  }
0x646: {  	v5 =	vld [tilespmem:s31+$0x120];
	v2 =	vadd.s32 v49, v39  }
0x647: {  	v41 =	vadd.s32 v19, v39;
	v14 =	vadd.f32 v14, v35;
	v12 =	vld [tilespmem:s31+$0xD0]  }
0x648: {  	v16 =	vadd.s32 v23, v39;
	v6 =	vld [tilespmem:s31+$0x1E0];
	v0 =	vadd.f32 v13, v36  }
0x649: {  	v28 =	vmov v45;
	s0 =	simm.s32 $0x8;
	v9 =	vadd.s32 v32, v39;
	v45 =	vld [tilespmem:$0x1FF80];
	[tilespmem:v22+s20+$0x0] =	vst.idx.msk $0xffff, v14;
	v3 =	vadd.f32 v3, v34  }
0x64a: {  	v15 =	vmov s0;
	[tilespmem:v7+s20+$0x0] =	vst.idx.msk $0xffff, v0;
	v0 =	vadd.s32 v43, v39;
	v8 =	vadd.f32 v8, v34  }
0x64b: {  	s29 =	simm.s32 $0x12D00;
	v15 =	vshrl.u32 v15, $0x3;
	v4 =	vld [tilespmem:s31+$0x190];
	[tilespmem:v2+s20+$0x0] =	vst.idx.msk $0xffff, v3;
	v3 =	vadd.f32 v5, v34  }
0x64c: {  	v15 =	vshll.u32 v15, $0x3;
	v13 =	vld [tilespmem:s29+$0x40];
	[tilespmem:v41+s20+$0x0] =	vst.idx.msk $0xffff, v8;
	v12 =	vadd.f32 v12, v35  }
0x64d: {  	v37 =	vbroadcast v15, $0x0;
	v6 =	vadd.f32 v6, v34;
	v2 =	vld [tilespmem:s29+$0x0];
	[tilespmem:v16+s20+$0x0] =	vst.idx.msk $0xffff, v3  }
0x64e: {  	v25 =	vmov v61;
	v63 =	vld [tilespmem:$0x1FE00];
	[tilespmem:v9+s20+$0x0] =	vst.idx.msk $0xffff, v12  }
0x64f: {  	v7 =	vld [tilespmem:s29+$0x80];
	v3 =	vadd.s32 v25, v37;
	[tilespmem:v0+s20+$0x0] =	vst.idx.msk $0xffff, v6  }
0x650: {  	v56 =	vld [tilespmem:$0x1FF70]  }
0x651: {  	v15 =	vld [tilespmem:s29+$0x1C0];
	v8 =	vadd.s32 v26, v37  }
0x652: {  	v5 =	vld [tilespmem:s29+$0x100];
	v9 =	vadd.s32 v1, v37;
	v2 =	vadd.f32 v2, v36  }
0x653: {  	v46 =	vmov v43;
	v10 =	vadd.s32 v27, v39;
	v43 =	vld [tilespmem:s31+$0x150];
	v13 =	vadd.f32 v13, v36  }
0x654: {  	v12 =	vld [tilespmem:s31+$0x30];
	[tilespmem:v3+s20+$0x0] =	vst.idx.msk $0xffff, v2;
	v3 =	vadd.f32 v4, v35;
	v4 =	vadd.s32 v44, v37  }
0x655: {  	v7 =	vadd.f32 v7, v36;
	v0 =	vadd.s32 v56, v39  }
0x656: {  	v54 =	vmov v18;
	v18 =	vld [tilespmem:s29+$0x180];
	v15 =	vadd.f32 v15, v36;
	[tilespmem:v8+s20+$0x0] =	vst.idx.msk $0xffff, v13;
	v14 =	vadd.s32 v63, v39  }
0x657: {  	v5 =	vadd.f32 v5, v36;
	[tilespmem:v9+s20+$0x0] =	vst.idx.msk $0xffff, v7;
	v7 =	vld [tilespmem:s31+$0x60];
	v9 =	vadd.s32 v40, v37  }
0x658: {  	v13 =	vadd.f32 v43, v35;
	[tilespmem:v10+s20+$0x0] =	vst.idx.msk $0xffff, v3;
	v3 =	vld [tilespmem:s29+$0x10];
	v10 =	vadd.s32 v28, v37  }
0x659: {  	v16 =	vadd.s32 v42, v39;
	v12 =	vadd.f32 v12, v33;
	v59 =	vld [tilespmem:s31+$0x1A0];
	[tilespmem:v4+s20+$0x0] =	vst.idx.msk $0xffff, v5  }
0x65a: {  	v11 =	vadd.s32 v20, v39;
	[tilespmem:v0+s20+$0x0] =	vst.idx.msk $0xffff, v13;
	v0 =	vadd.s32 v50, v37;
	v13 =	vld [tilespmem:s29+$0x90]  }
0x65b: {  	v20 =	vadd.s32 v21, v39;
	[tilespmem:v14+s20+$0x0] =	vst.idx.msk $0xffff, v12;
	v12 =	vadd.f32 v18, v36  }
0x65c: {  	v21 =	vld [tilespmem:s29+$0x140];
	v5 =	vadd.s32 v54, v37;
	[tilespmem:v9+s20+$0x0] =	vst.idx.msk $0xffff, v15;
	v7 =	vadd.f32 v7, v34  }
0x65d: {  	v6 =	vld [tilespmem:s29+$0xC0];
	v3 =	vadd.f32 v3, v35;
	[tilespmem:v10+s20+$0x0] =	vst.idx.msk $0xffff, v12  }
0x65e: {  	v8 =	vld [tilespmem:s31+$0xB0];
	[tilespmem:v16+s20+$0x0] =	vst.idx.msk $0xffff, v7;
	v7 =	vadd.f32 v59, v34  }
0x65f: {  	v2 =	vld [tilespmem:s31+$0xE0];
	[tilespmem:v0+s20+$0x0] =	vst.idx.msk $0xffff, v3;
	v0 =	vadd.f32 v13, v35  }
0x660: {  	v29 =	vmov v26;
	v26 =	vmov v44;
	v44 =	vld [tilespmem:s29+$0x50];
	[tilespmem:v20+s20+$0x0] =	vst.idx.msk $0xffff, v7  }
0x661: {  	v10 =	vld [tilespmem:s31+$0x160];
	[tilespmem:v5+s20+$0x0] =	vst.idx.msk $0xffff, v0  }
0x662: {  	v52 =	vmov v56;
	v9 =	vadd.s32 v48, v39;
	v56 =	vld [tilespmem:$0x1FEA0]  }
0x663: {  	v17 =	vadd.s32 v45, v39;
	v4 =	vld [tilespmem:s31+$0x130]  }
0x664: {  	v8 =	vadd.f32 v8, v33;
	v3 =	vld [tilespmem:s29+$0x1D0]  }
0x665: {  	v22 =	vmov v60;
	v12 =	vld [tilespmem:s31+$0x1F0];
	v0 =	vadd.f32 v2, v34  }
0x666: {  	v15 =	vld [tilespmem:s29+$0x110];
	v5 =	vadd.s32 v22, v37;
	v2 =	vadd.f32 v10, v34;
	[tilespmem:v11+s20+$0x0] =	vst.idx.msk $0xffff, v8  }
0x667: {  	v58 =	vmov v19;
	v19 =	vld [tilespmem:s31+$0x1B0];
	[tilespmem:v9+s20+$0x0] =	vst.idx.msk $0xffff, v0;
	v7 =	vadd.s32 v56, v39  }
0x668: {  	v13 =	vld [tilespmem:s31+$0x70];
	[tilespmem:v17+s20+$0x0] =	vst.idx.msk $0xffff, v2  }
0x669: {  	v51 =	vmovc v54;
	v14 =	vadd.s32 v53, v37;
	v18 =	vadd.f32 v4, v33;
	v4 =	vadd.f32 v3, v35;
	v54 =	vld [tilespmem:$0x1FE40]  }
0x66a: {  	v12 =	vadd.f32 v12, v33;
	v9 =	vld [tilespmem:s29+$0x20]  }
0x66b: {  	v30 =	vmov v50;
	v50 =	vld [tilespmem:$0x1FE30];
	[tilespmem:v5+s20+$0x0] =	vst.idx.msk $0xffff, v4  }
0x66c: {  	v0 =	vld [tilespmem:s29+$0x190];
	v4 =	vadd.f32 v6, v36;
	[tilespmem:v7+s20+$0x0] =	vst.idx.msk $0xffff, v12  }
0x66d: {  	v16 =	vadd.s32 v57, v37;
	v59 =	vld [tilespmem:$0x1FE50]  }
0x66e: {  	v61 =	vmov v38;
	v38 =	vadd.s32 v62, v37;
	v17 =	vld [tilespmem:s31+$0x170];
	v8 =	vadd.s32 v54, v39;
	[tilespmem:v14+s20+$0x0] =	vst.idx.msk $0xffff, v4  }
0x66f: {  	v60 =	vmovc v1;
	v41 =	vadd.s32 v45, v37;
	v1 =	vmov v42;
	v42 =	vadd.s32 v27, v37;
	v6 =	vld [tilespmem:$0x1FF00]  }
0x670: {  	v31 =	vmovc v40;
	v43 =	vadd.f32 v21, v36;
	v40 =	vadd.s32 v32, v37;
	v11 =	vld [tilespmem:s31+$0xF0];
	v5 =	vadd.f32 v15, v35  }
0x671: {  	v10 =	vadd.s32 v24, v39;
	v2 =	vadd.s32 v55, v39;
	v13 =	vadd.f32 v13, v33;
	v7 =	vld [tilespmem:s29+$0x1E0]  }
0x672: {  	v3 =	vadd.s32 v50, v39;
	v4 =	vld [tilespmem:s29+$0xA0];
	[tilespmem:v16+s20+$0x0] =	vst.idx.msk $0xffff, v5;
	v12 =	vadd.s32 v59, v39  }
0x673: {  	v47 =	vmov v28;
	v15 =	vadd.f32 v17, v33;
	v14 =	vadd.f32 v19, v33;
	v5 =	vld [tilespmem:s29+$0xD0];
	[tilespmem:v8+s20+$0x0] =	vst.idx.msk $0xffff, v18  }
0x674: {  	s6 =	simm.s32 $0x12F00;
	v28 =	vmovc v57;
	v8 =	vld [tilespmem:s29+$0x120];
	v39 =	vadd.s32 v6, v37;
	v6 =	vadd.f32 v9, v34;
	v9 =	vadd.s32 v49, v37  }
.LBB2_31:
0x675: {  	v16 =	vld [tilespmem:s6+$0x40]  }
0x676: {  	s0 =	sadd.s32 $0x8, s0;
	v17 =	vld [tilespmem:$0x1FE60];
	[tilespmem:v10+s20+$0x0] =	vst.idx.msk $0xffff, v13  }
0x677: {  	v19 =	vadd.s32 v58, v37;
	v57 =	vmovc v22;
	v22 =	vld [tilespmem:s6+$0x1C0];
	[tilespmem:v12+s20+$0x0] =	vst.idx.msk $0xffff, v15;
	v10 =	vadd.f32 v11, v33;
	v11 =	vmov s0  }
0x678: {  	v13 =	vld [tilespmem:s6+$0x180];
	[tilespmem:v2+s20+$0x0] =	vst.idx.msk $0xffff, v14;
	v18 =	vadd.s32 v23, v37;
	v11 =	vshrl.u32 v11, $0x3  }
0x679: {  	v20 =	vadd.s32 v61, v37;
	v12 =	vld [tilespmem:s6+$0x140];
	[tilespmem:v38+s20+$0x0] =	vst.idx.msk $0xffff, v43;
	v2 =	vshll.u32 v11, $0x3  }
0x67a: {  	v4 =	vadd.f32 v4, v34;
	[tilespmem:v3+s20+$0x0] =	vst.idx.msk $0xffff, v10;
	v3 =	vld [tilespmem:s6+$0x0];
	v21 =	vbroadcast v2, $0x0  }
0x67b: {  	v11 =	vld [tilespmem:s6+$0x100];
	[tilespmem:v9+s20+$0x0] =	vst.idx.msk $0xffff, v6;
	v9 =	vadd.s32 v46, v37;
	v2 =	vadd.f32 v8, v34  }
0x67c: {  	v23 =	vadd.f32 v44, v35;
	v8 =	vld [tilespmem:s6+$0x80];
	[tilespmem:v19+s20+$0x0] =	vst.idx.msk $0xffff, v4;
	v10 =	vadd.s32 v25, v21  }
0x67d: {  	v4 =	vadd.f32 v5, v35;
	v5 =	vld [tilespmem:s29+$0x150];
	[tilespmem:v18+s20+$0x0] =	vst.idx.msk $0xffff, v2;
	v2 =	vadd.s32 v29, v21  }
0x67e: {  	v7 =	vadd.f32 v7, v34;
	v19 =	vld [tilespmem:s29+$0x30];
	[tilespmem:v20+s20+$0x0] =	vst.idx.msk $0xffff, v23  }
0x67f: {  	v20 =	vld [tilespmem:s6+$0xC0];
	[tilespmem:v40+s20+$0x0] =	vst.idx.msk $0xffff, v4;
	v18 =	vadd.s32 v60, v21;
	v3 =	vadd.f32 v3, v36  }
0x680: {  	v14 =	vadd.s32 v63, v37;
	v4 =	vadd.f32 v16, v36;
	v24 =	vld [tilespmem:s29+$0xE0];
	[tilespmem:v9+s20+$0x0] =	vst.idx.msk $0xffff, v7  }
0x681: {  	v0 =	vadd.f32 v0, v35;
	v16 =	vadd.s32 v26, v21;
	v7 =	vld [tilespmem:s29+$0xB0];
	[tilespmem:v10+s20+$0x0] =	vst.idx.msk $0xffff, v3  }
0x682: {  	v6 =	vadd.s32 v52, v37;
	v3 =	vadd.f32 v8, v36;
	v8 =	vld [tilespmem:s6+$0x10];
	[tilespmem:v2+s20+$0x0] =	vst.idx.msk $0xffff, v4  }
0x683: {  	[tilespmem:v42+s20+$0x0] =	vst.idx.msk $0xffff, v0;
	v0 =	vadd.s32 v31, v21;
	v9 =	vadd.f32 v19, v33;
	v10 =	vld [tilespmem:s29+$0x60]  }
0x684: {  	v4 =	vadd.f32 v5, v35;
	v5 =	vadd.f32 v11, v36;
	[tilespmem:v18+s20+$0x0] =	vst.idx.msk $0xffff, v3;
	v3 =	vld [tilespmem:s29+$0x130]  }
0x685: {  	v15 =	vadd.s32 v1, v37;
	v11 =	vadd.s32 v30, v21;
	[tilespmem:v14+s20+$0x0] =	vst.idx.msk $0xffff, v9;
	v44 =	vld [tilespmem:s6+$0x50]  }
0x686: {  	v43 =	vadd.f32 v12, v36;
	v12 =	vld [tilespmem:s6+$0x90];
	[tilespmem:v16+s20+$0x0] =	vst.idx.msk $0xffff, v5;
	v5 =	vadd.f32 v22, v36  }
0x687: {  	v2 =	vadd.s32 v47, v21;
	[tilespmem:v6+s20+$0x0] =	vst.idx.msk $0xffff, v4;
	v6 =	vadd.f32 v7, v33;
	v7 =	vld [tilespmem:s29+$0x1A0]  }
0x688: {  	v4 =	vadd.s32 v51, v21;
	v9 =	vld [tilespmem:s29+$0x160];
	[tilespmem:v0+s20+$0x0] =	vst.idx.msk $0xffff, v5;
	v8 =	vadd.f32 v8, v35  }
0x689: {  	v17 =	vadd.s32 v17, v37;
	v5 =	vld [tilespmem:s29+$0x1F0];
	v0 =	vadd.f32 v10, v34  }
0x68a: {  	v13 =	vadd.f32 v13, v36;
	v10 =	vld [tilespmem:s6+$0x1D0];
	[tilespmem:v11+s20+$0x0] =	vst.idx.msk $0xffff, v8  }
0x68b: {  	v8 =	vadd.f32 v12, v35;
	v12 =	vld [tilespmem:s6+$0x110];
	[tilespmem:v15+s20+$0x0] =	vst.idx.msk $0xffff, v0;
	v15 =	vadd.f32 v3, v33  }
0x68c: {  	[tilespmem:v2+s20+$0x0] =	vst.idx.msk $0xffff, v13;
	v0 =	vadd.f32 v7, v34;
	v3 =	vadd.f32 v24, v34;
	v24 =	vld [tilespmem:$0x1FE20]  }
0x68d: {  	v2 =	vadd.s32 v48, v37;
	[tilespmem:v4+s20+$0x0] =	vst.idx.msk $0xffff, v8;
	v7 =	vld [tilespmem:s29+$0x70]  }
0x68e: {  	v38 =	vadd.s32 v62, v21;
	v4 =	vadd.s32 v57, v21;
	v8 =	vld [tilespmem:s6+$0x20];
	[tilespmem:v17+s20+$0x0] =	vst.idx.msk $0xffff, v0  }
0x68f: {  	v9 =	vadd.f32 v9, v34;
	[tilespmem:v39+s20+$0x0] =	vst.idx.msk $0xffff, v6;
	v6 =	vadd.f32 v20, v36;
	v20 =	vld [tilespmem:$0x1FF00]  }
0x690: {  	v23 =	vadd.s32 v53, v21;
	v40 =	vadd.s32 v32, v21;
	v42 =	vadd.s32 v27, v21;
	v17 =	vld [tilespmem:s29+$0x1B0]  }
0x691: {  	v16 =	vadd.s32 v28, v21;
	[tilespmem:v41+s20+$0x0] =	vst.idx.msk $0xffff, v9;
	v0 =	vld [tilespmem:s6+$0x190];
	v11 =	vadd.f32 v10, v35  }
0x692: {  	v14 =	vadd.s32 v56, v37;
	v18 =	vadd.s32 v54, v37;
	[tilespmem:v2+s20+$0x0] =	vst.idx.msk $0xffff, v3;
	v19 =	vld [tilespmem:s29+$0x170]  }
0x693: {  	p0 =	slt.u32 s0, $0x78;
	v2 =	vadd.s32 v55, v37;
	v5 =	vadd.f32 v5, v33;
	[tilespmem:v4+s20+$0x0] =	vst.idx.msk $0xffff, v11;
	v11 =	vld [tilespmem:s29+$0xF0]  }
.Ltmp14:
0x694: {  	v3 =	vadd.s32 v50, v37;
	v9 =	vadd.f32 v12, v35;
	v12 =	vadd.s32 v59, v37;
	v4 =	vld [tilespmem:s6+$0xA0];
	(pc) =	sbr.rel @p0 .LBB2_31-.Ltmp14, $4  }
0x695: {  	v10 =	vadd.s32 v24, v37;
	v37 =	vmov v21;
	v13 =	vadd.f32 v7, v33;
	[tilespmem:v23+s20+$0x0] =	vst.idx.msk $0xffff, v6;
	v23 =	vld [tilespmem:$0x1FFF0]  }
0x696: {  	v6 =	vadd.f32 v8, v34;
	[tilespmem:v16+s20+$0x0] =	vst.idx.msk $0xffff, v9;
	v41 =	vadd.s32 v45, v37;
	v7 =	vld [tilespmem:s6+$0x1E0]  }
0x697: {  	s29 =	smov.u32 s6;
	v9 =	vadd.s32 v49, v37;
	[tilespmem:v14+s20+$0x0] =	vst.idx.msk $0xffff, v5;
	v39 =	vadd.s32 v20, v37;
	v5 =	vld [tilespmem:s6+$0xD0]  }
0x698: {  	v22 =	vmov v57;
	v8 =	vld [tilespmem:s29+$0x120];
	s6 =	sadd.s32 $0x200, s6;
	[tilespmem:v18+s20+$0x0] =	vst.idx.msk $0xffff, v15;
	v14 =	vadd.f32 v17, v33;
	v15 =	vadd.f32 v19, v33  }
0x699: {  	_ =	sdelay $0x3  }
0x69a: {  	[tilespmem:v38+s20+$0x0] =	vst.idx.msk $0xffff, v43  }
0x69b: {  	[tilespmem:v10+s20+$0x0] =	vst.idx.msk $0xffff, v13;
	v16 =	vld [tilespmem:s29+$0x150]  }
0x69c: {  	v17 =	vadd.s32 v61, v37;
	[tilespmem:v9+s20+$0x0] =	vst.idx.msk $0xffff, v6  }
0x69d: {  	v62 =	vadd.s32 v52, v37;
	v11 =	vadd.f32 v11, v33;
	[tilespmem:v12+s20+$0x0] =	vst.idx.msk $0xffff, v15  }
0x69e: {  	v0 =	vadd.f32 v0, v35;
	[tilespmem:v2+s20+$0x0] =	vst.idx.msk $0xffff, v14  }
0x69f: {  	v2 =	vadd.f32 v44, v35;
	[tilespmem:v3+s20+$0x0] =	vst.idx.msk $0xffff, v11  }
0x6a0: {  	[tilespmem:v42+s20+$0x0] =	vst.idx.msk $0xffff, v0;
	v3 =	vadd.f32 v16, v35  }
0x6a1: {  	v5 =	vadd.f32 v5, v35;
	[tilespmem:v17+s20+$0x0] =	vst.idx.msk $0xffff, v2  }
0x6a2: {  	v16 =	vadd.s32 v58, v37;
	v32 =	vld [tilespmem:s29+$0x60];
	[tilespmem:v62+s20+$0x0] =	vst.idx.msk $0xffff, v3  }
0x6a3: {  	v2 =	vadd.s32 v46, v37;
	[tilespmem:v40+s20+$0x0] =	vst.idx.msk $0xffff, v5;
	v0 =	vld [tilespmem:s29+$0x160]  }
0x6a4: {  	v3 =	vadd.s32 v23, v37;
	v21 =	vld [tilespmem:$0x1FE60]  }
0x6a5: {  	v4 =	vadd.f32 v4, v34;
	v35 =	vadd.s32 v1, v37;
	v38 =	vld [tilespmem:s29+$0xE0]  }
0x6a6: {  	v7 =	vadd.f32 v7, v34;
	v42 =	vld [tilespmem:s29+$0x30]  }
0x6a7: {  	v44 =	vadd.s32 v48, v37;
	v36 =	vld [tilespmem:s29+$0x1A0];
	v8 =	vadd.f32 v8, v34;
	[tilespmem:v16+s20+$0x0] =	vst.idx.msk $0xffff, v4  }
0x6a8: {  	v45 =	vadd.s32 v63, v37;
	[tilespmem:v2+s20+$0x0] =	vst.idx.msk $0xffff, v7;
	v43 =	vadd.f32 v32, v34;
	v2 =	vld [tilespmem:s29+$0xB0]  }
0x6a9: {  	[tilespmem:v3+s20+$0x0] =	vst.idx.msk $0xffff, v8;
	v3 =	vld [tilespmem:s29+$0x1F0];
	v40 =	vadd.s32 v21, v37;
	v0 =	vadd.f32 v0, v34  }
0x6aa: {  	v6 =	vadd.f32 v38, v34;
	[tilespmem:v35+s20+$0x0] =	vst.idx.msk $0xffff, v43  }
0x6ab: {  	v8 =	vld [tilespmem:s29+$0x130];
	[tilespmem:v41+s20+$0x0] =	vst.idx.msk $0xffff, v0;
	v0 =	vadd.f32 v42, v33  }
0x6ac: {  	v47 =	vadd.s32 v56, v37;
	v5 =	vadd.f32 v36, v34;
	[tilespmem:v44+s20+$0x0] =	vst.idx.msk $0xffff, v6;
	v7 =	vld [tilespmem:s29+$0x70]  }
0x6ad: {  	v49 =	vadd.s32 v54, v37;
	v56 =	vadd.s32 v24, v37;
	v51 =	vld [tilespmem:s29+$0x170];
	[tilespmem:v45+s20+$0x0] =	vst.idx.msk $0xffff, v0  }
0x6ae: {  	v2 =	vadd.f32 v2, v33;
	v0 =	vadd.f32 v3, v33;
	v3 =	vld [tilespmem:s29+$0xF0];
	[tilespmem:v40+s20+$0x0] =	vst.idx.msk $0xffff, v5  }
0x6af: {  	v60 =	vadd.s32 v59, v37;
	v53 =	vld [tilespmem:s29+$0x1B0]  }
0x6b0: {  	v8 =	vadd.f32 v8, v33;
	[tilespmem:v39+s20+$0x0] =	vst.idx.msk $0xffff, v2;
	v2 =	vadd.s32 v50, v37  }
0x6b1: {  	v62 =	vadd.s32 v55, v37;
	v7 =	vadd.f32 v7, v33;
	[tilespmem:v47+s20+$0x0] =	vst.idx.msk $0xffff, v0  }
0x6b2: {  	s0 =	sshll.u32 s28, $0xA;
	[tilespmem:v49+s20+$0x0] =	vst.idx.msk $0xffff, v8;
	v0 =	vadd.f32 v51, v33  }
0x6b3: {  	s1 =	sshll.u32 s1, $0x10;
	s0 =	sand.u32 $0x1C00, s0;
	[tilespmem:v56+s20+$0x0] =	vst.idx.msk $0xffff, v7;
	v3 =	vadd.f32 v3, v33  }
0x6b4: {  	s0 =	sor.u32 s0, s1;
	[tilespmem:v60+s20+$0x0] =	vst.idx.msk $0xffff, v0;
	v63 =	vadd.f32 v53, v33  }
0x6b5: {  	s0 =	sshrl.u32 s0, $0x3;
	[tilespmem:v2+s20+$0x0] =	vst.idx.msk $0xffff, v3  }
0x6b6: {  	s30 =	simm.s32 $0x1AF00;
	s1 =	sadd.s32 s2, s0;
	[tilespmem:v62+s20+$0x0] =	vst.idx.msk $0xffff, v63  }
0x6b7: {  	[hbm4b:s1+s3] =	stream.linear.scatter [tilespmem:s30], [sflag:$0x4], $0x80, $0x38;
	[tilespmem:$0x1D300] =	vst v63  }
0x6b8: {  	s31 =	simm.s32 $0x1AF90;
	s6 =	sadd.s32 $0x10, s1  }
0x6b9: {  	[hbm4b:s6+s3] =	stream.linear.scatter [tilespmem:s31], [sflag:$0x4], $0x80, $0x38;
	[tilespmem:$0x1D300] =	vst v63  }
0x6ba: {  	s12 =	simm.s32 $0x1B0B0;
	s7 =	sadd.s32 $0x20, s1;
	s6 =	simm.s32 $0x1B020  }
0x6bb: {  	[hbm4b:s7+s3] =	stream.linear.scatter [tilespmem:s6], [sflag:$0x4], $0x80, $0x38;
	[tilespmem:$0x1D300] =	vst v63  }
0x6bc: {  	s14 =	simm.s32 $0x1B140;
	s24 =	simm.s32 $0x1B1D0;
	s13 =	sadd.s32 $0x30, s1  }
0x6bd: {  	[hbm4b:s13+s3] =	stream.linear.scatter [tilespmem:s12], [sflag:$0x4], $0x80, $0x38;
	[tilespmem:$0x1D300] =	vst v63  }
0x6be: {  	s0 =	simm.s32 $0x480;
	s18 =	sadd.s32 $0x40, s1;
	s28 =	sadd.s32 $0x70, s1  }
0x6bf: {  	[hbm4b:s18+s3] =	stream.linear.scatter [tilespmem:s14], [sflag:$0x4], $0x80, $0x38;
	[tilespmem:$0x1D300] =	vst v63  }
0x6c0: {  	s29 =	sadd.s32 $0x50, s1;
	s30 =	simm.s32 $0x1B260;
	s31 =	sadd.s32 $0x60, s1  }
0x6c1: {  	[hbm4b:s29+s3] =	stream.linear.scatter [tilespmem:s24], [sflag:$0x4], $0x80, $0x38;
	[tilespmem:$0x1D300] =	vst v63  }
0x6c2: {  	s1 =	sadd.s32 $0x400, s1;
	s6 =	simm.s32 $0x2400;
	s14 =	simm.s32 $0x1B2F0  }
0x6c3: {  	v28 =	vmov v48;
	v48 =	vmov v55;
	v44 =	vmov v46;
	[hbm4b:s31+s3] =	stream.linear.scatter [tilespmem:s30], [sflag:$0x4], $0x80, $0x38;
	[tilespmem:$0x1D300] =	vst v63  }
.LBB2_33:
0x6c4: {  	[hbm4b:s28+s3] =	stream.linear.scatter [tilespmem:s14], [sflag:$0x4], $0x80, $0x38;
	[tilespmem:$0x1D300] =	vst v63  }
0x6c5: {  	s7 =	smov.u32 s0;
	s0 =	smov.u32 s6  }
0x6c6: {  	s12 =	sadd.s32 $0x1200, s6;
	s0 =	sshra.s32 s0, $0x2;
	s13 =	sadd.s32 $0x1AF00, s7  }
0x6c7: {  	[hbm4b:s1+s3] =	stream.linear.scatter [tilespmem:s13], [sflag:$0x4], $0x80, $0x38;
	[tilespmem:$0x1D300] =	vst v63  }
0x6c8: {  	p0 =	sne.s32 s6, $0x7E00;
	s6 =	sadd.s32 $0x1AF90, s7;
	s13 =	sadd.s32 $0x10, s1  }
0x6c9: {  	[hbm4b:s13+s3] =	stream.linear.scatter [tilespmem:s6], [sflag:$0x4], $0x80, $0x38;
	[tilespmem:$0x1D300] =	vst v63  }
0x6ca: {  	s6 =	sadd.s32 $0x1B020, s7;
	s13 =	sadd.s32 $0x20, s1  }
0x6cb: {  	[hbm4b:s13+s3] =	stream.linear.scatter [tilespmem:s6], [sflag:$0x4], $0x80, $0x38;
	[tilespmem:$0x1D300] =	vst v63  }
0x6cc: {  	s6 =	sadd.s32 $0x1B0B0, s7;
	s13 =	sadd.s32 $0x30, s1  }
0x6cd: {  	[hbm4b:s13+s3] =	stream.linear.scatter [tilespmem:s6], [sflag:$0x4], $0x80, $0x38;
	[tilespmem:$0x1D300] =	vst v63  }
0x6ce: {  	s6 =	sadd.s32 $0x1B140, s7;
	s13 =	sadd.s32 $0x40, s1  }
0x6cf: {  	[hbm4b:s13+s3] =	stream.linear.scatter [tilespmem:s6], [sflag:$0x4], $0x80, $0x38;
	[tilespmem:$0x1D300] =	vst v63  }
.Ltmp15:
0x6d0: {  	s6 =	sadd.s32 $0x1B1D0, s7;
	s13 =	sadd.s32 $0x50, s1;
	(pc) =	sbr.rel @p0 .LBB2_33-.Ltmp15, $4  }
0x6d1: {  	[hbm4b:s13+s3] =	stream.linear.scatter [tilespmem:s6], [sflag:$0x4], $0x80, $0x38;
	[tilespmem:$0x1D300] =	vst v63  }
0x6d2: {  	s28 =	sadd.s32 $0x70, s1;
	s6 =	sadd.s32 $0x1B260, s7;
	s13 =	sadd.s32 $0x60, s1  }
0x6d3: {  	[hbm4b:s13+s3] =	stream.linear.scatter [tilespmem:s6], [sflag:$0x4], $0x80, $0x38;
	[tilespmem:$0x1D300] =	vst v63  }
0x6d4: {  	s14 =	sadd.s32 $0x1B2F0, s7;
	s1 =	sadd.s32 $0x400, s1;
	s6 =	smov.u32 s12  }
0x6d5: {  	[hbm4b:s28+s3] =	stream.linear.scatter [tilespmem:s14], [sflag:$0x4], $0x80, $0x38;
	[tilespmem:$0x1D300] =	vst v63  }
0x6d6: {  	s6 =	sadd.s32 $0x1AF00, s0  }
0x6d7: {  	[hbm4b:s1+s3] =	stream.linear.scatter [tilespmem:s6], [sflag:$0x4], $0x80, $0x38;
	[tilespmem:$0x1D300] =	vst v63  }
0x6d8: {  	s31 =	sadd.s32 $0x1AF90, s0;
	s7 =	sadd.s32 $0x10, s1  }
0x6d9: {  	[hbm4b:s7+s3] =	stream.linear.scatter [tilespmem:s31], [sflag:$0x4], $0x80, $0x38;
	[tilespmem:$0x1D300] =	vst v63  }
0x6da: {  	s12 =	sadd.s32 $0x20, s1;
	s7 =	sadd.s32 $0x1B020, s0  }
0x6db: {  	[hbm4b:s12+s3] =	stream.linear.scatter [tilespmem:s7], [sflag:$0x4], $0x80, $0x38;
	[tilespmem:$0x1D300] =	vst v63  }
0x6dc: {  	s13 =	sadd.s32 $0x1B0B0, s0;
	s14 =	sadd.s32 $0x30, s1  }
0x6dd: {  	[hbm4b:s14+s3] =	stream.linear.scatter [tilespmem:s13], [sflag:$0x4], $0x80, $0x38;
	[tilespmem:$0x1D300] =	vst v63  }
0x6de: {  	s18 =	sadd.s32 $0x1B140, s0;
	s24 =	sadd.s32 $0x40, s1  }
0x6df: {  	[hbm4b:s24+s3] =	stream.linear.scatter [tilespmem:s18], [sflag:$0x4], $0x80, $0x38;
	[tilespmem:$0x1D300] =	vst v63  }
0x6e0: {  	s30 =	sadd.s32 $0x1B1D0, s0;
	s31 =	sadd.s32 $0x50, s1  }
0x6e1: {  	[hbm4b:s31+s3] =	stream.linear.scatter [tilespmem:s30], [sflag:$0x4], $0x80, $0x38;
	[tilespmem:$0x1D300] =	vst v63  }
0x6e2: {  	s7 =	sadd.s32 $0x1B260, s0;
	s12 =	sadd.s32 $0x60, s1  }
0x6e3: {  	[hbm4b:s12+s3] =	stream.linear.scatter [tilespmem:s7], [sflag:$0x4], $0x80, $0x38;
	[tilespmem:$0x1D300] =	vst v63  }
0x6e4: {  	s28 =	sadd.s32 s26, s9;
	s13 =	sadd.s32 $0x1B2F0, s0;
	s14 =	sadd.s32 $0x70, s1  }
0x6e5: {  	[hbm4b:s14+s3] =	stream.linear.scatter [tilespmem:s13], [sflag:$0x4], $0x80, $0x38;
	[tilespmem:$0x1D300] =	vst v63  }
0x6e6: {  	s1 =	sshrl.u32 s28, $0x3;
	s18 =	simm.s32 $0x0;
	_ =	swait.ge [sflag:s21], $0x2000  }
0x6e7: {  	s24 =	sshll.u32 s1, $0x8;
	v0 =	vmov s18;
	[sflag:s21] =	ssyncset.done $0x0  }
0x6e8: {  	s30 =	sshra.s32 s24, $0x2;
	v0 =	vshrl.u32 v0, $0x3;
	v41 =	vld [tilespmem:$0x1FFB0];
	[sflag:s21] =	ssyncadd.s32 $0xFFFFE000  }
0x6e9: {  	s31 =	simm.s32 $0x14B00;
	v0 =	vshll.u32 v0, $0x3;
	v36 =	vld [tilespmem:s30+$0x1900]  }
0x6ea: {  	v39 =	vbroadcast v0, $0x0;
	v2 =	vld [tilespmem:s31+$0x0]  }
0x6eb: {  	v31 =	vld [tilespmem:$0x1FEC0]  }
0x6ec: {  	v0 =	vadd.s32 v25, v39;
	v42 =	vld [tilespmem:$0x1FF40]  }
0x6ed: {  	v35 =	vld [tilespmem:s30+$0x1910]  }
0x6ee: {  	v3 =	vld [tilespmem:s31+$0x1C0]  }
0x6ef: {  	v4 =	vld [tilespmem:s31+$0x80];
	v2 =	vadd.f32 v2, v36  }
0x6f0: {  	v34 =	vld [tilespmem:s30+$0x1920]  }
0x6f1: {  	v33 =	vld [tilespmem:s30+$0x1930];
	[tilespmem:v0+s19+$0x0] =	vst.idx.msk $0xffff, v2  }
0x6f2: {  	v6 =	vadd.s32 v41, v39;
	v29 =	vld [tilespmem:$0x1FFD0]  }
0x6f3: {  	v5 =	vld [tilespmem:s31+$0x100];
	v7 =	vadd.s32 v31, v39;
	_ =	sdelay $0x1  }
0x6f4: {  	v9 =	vld [tilespmem:s31+$0x40];
	v8 =	vadd.s32 v42, v39;
	v0 =	vadd.f32 v3, v36  }
0x6f5: {  	v2 =	vadd.f32 v4, v36  }
0x6f6: {  	v4 =	vld [tilespmem:s31+$0x180];
	[tilespmem:v6+s19+$0x0] =	vst.idx.msk $0xffff, v0;
	v10 =	vadd.s32 v29, v39  }
0x6f7: {  	v5 =	vadd.f32 v5, v36;
	v3 =	vld [tilespmem:s31+$0x10];
	[tilespmem:v7+s19+$0x0] =	vst.idx.msk $0xffff, v2  }
0x6f8: {  	v43 =	vld [tilespmem:$0x1FFE0]  }
0x6f9: {  	v47 =	vld [tilespmem:$0x1FF90];
	[tilespmem:v8+s19+$0x0] =	vst.idx.msk $0xffff, v5;
	v5 =	vadd.f32 v9, v36  }
0x6fa: {  	v2 =	vld [tilespmem:s31+$0x1D0]  }
0x6fb: {  	v46 =	vld [tilespmem:$0x1FED0];
	[tilespmem:v10+s19+$0x0] =	vst.idx.msk $0xffff, v5  }
0x6fc: {  	v51 =	vld [tilespmem:$0x1FF50]  }
0x6fd: {  	v0 =	vadd.s32 v43, v39;
	v53 =	vld [tilespmem:$0x1FF10]  }
0x6fe: {  	v7 =	vld [tilespmem:s31+$0x90];
	v6 =	vadd.s32 v47, v39  }
0x6ff: {  	v9 =	vadd.s32 v22, v39;
	v8 =	vld [tilespmem:s31+$0x110]  }
0x700: {  	v11 =	vld [tilespmem:s31+$0xC0];
	v3 =	vadd.f32 v3, v35;
	v12 =	vadd.s32 v46, v39  }
0x701: {  	v4 =	vadd.f32 v4, v36;
	v5 =	vadd.s32 v51, v39  }
0x702: {  	[tilespmem:v0+s19+$0x0] =	vst.idx.msk $0xffff, v3;
	v0 =	vadd.f32 v2, v35;
	v10 =	vadd.s32 v53, v39  }
0x703: {  	[tilespmem:v6+s19+$0x0] =	vst.idx.msk $0xffff, v4;
	v2 =	vadd.f32 v7, v35  }
0x704: {  	[tilespmem:v9+s19+$0x0] =	vst.idx.msk $0xffff, v0;
	v0 =	vadd.f32 v8, v35  }
0x705: {  	v13 =	vld [tilespmem:s31+$0x140];
	[tilespmem:v12+s19+$0x0] =	vst.idx.msk $0xffff, v2;
	v2 =	vadd.f32 v11, v36  }
0x706: {  	v62 =	vld [tilespmem:$0x1FF60];
	[tilespmem:v5+s19+$0x0] =	vst.idx.msk $0xffff, v0  }
0x707: {  	v14 =	vld [tilespmem:s31+$0x50];
	[tilespmem:v10+s19+$0x0] =	vst.idx.msk $0xffff, v2  }
0x708: {  	v49 =	vld [tilespmem:$0x1FDF0]  }
0x709: {  	v8 =	vld [tilespmem:s31+$0xA0]  }
0x70a: {  	v3 =	vld [tilespmem:s31+$0x20]  }
0x70b: {  	v19 =	vadd.s32 v58, v39;
	v4 =	vld [tilespmem:s31+$0x190]  }
0x70c: {  	v22 =	vadd.s32 v61, v39;
	v32 =	vld [tilespmem:$0x1FF20]  }
0x70d: {  	v5 =	vld [tilespmem:s31+$0x120];
	v2 =	vadd.s32 v49, v39  }
0x70e: {  	s0 =	simm.s32 $0x8;
	v7 =	vadd.s32 v62, v39;
	v8 =	vadd.f32 v8, v34;
	v27 =	vld [tilespmem:$0x1FFA0]  }
0x70f: {  	v15 =	vmov s0;
	v16 =	vadd.s32 v23, v39;
	v14 =	vadd.f32 v14, v35;
	v12 =	vld [tilespmem:s31+$0xD0]  }
0x710: {  	v15 =	vshrl.u32 v15, $0x3;
	v3 =	vadd.f32 v3, v34;
	v45 =	vld [tilespmem:$0x1FF80];
	[tilespmem:v19+s19+$0x0] =	vst.idx.msk $0xffff, v8  }
0x711: {  	s29 =	simm.s32 $0x14D00;
	v15 =	vshll.u32 v15, $0x3;
	v6 =	vld [tilespmem:s31+$0x1E0];
	v0 =	vadd.f32 v13, v36;
	[tilespmem:v22+s19+$0x0] =	vst.idx.msk $0xffff, v14;
	v9 =	vadd.s32 v32, v39  }
0x712: {  	v37 =	vbroadcast v15, $0x0;
	v13 =	vld [tilespmem:s29+$0x40];
	[tilespmem:v2+s19+$0x0] =	vst.idx.msk $0xffff, v3;
	v3 =	vadd.f32 v5, v34  }
0x713: {  	[tilespmem:v7+s19+$0x0] =	vst.idx.msk $0xffff, v0;
	v0 =	vadd.s32 v44, v39;
	v2 =	vld [tilespmem:s29+$0x0]  }
0x714: {  	v8 =	vadd.s32 v29, v37;
	v7 =	vld [tilespmem:s29+$0x80];
	v12 =	vadd.f32 v12, v35;
	[tilespmem:v16+s19+$0x0] =	vst.idx.msk $0xffff, v3  }
0x715: {  	v3 =	vadd.s32 v25, v37;
	v63 =	vld [tilespmem:$0x1FE00]  }
0x716: {  	v15 =	vld [tilespmem:s29+$0x1C0];
	v6 =	vadd.f32 v6, v34;
	[tilespmem:v9+s19+$0x0] =	vst.idx.msk $0xffff, v12;
	v9 =	vadd.s32 v31, v37  }
0x717: {  	v55 =	vld [tilespmem:s31+$0x150];
	v13 =	vadd.f32 v13, v36;
	v10 =	vadd.s32 v27, v39  }
0x718: {  	v12 =	vld [tilespmem:s31+$0x30];
	[tilespmem:v0+s19+$0x0] =	vst.idx.msk $0xffff, v6;
	v2 =	vadd.f32 v2, v36  }
0x719: {  	v7 =	vadd.f32 v7, v36;
	v5 =	vld [tilespmem:s29+$0x100];
	v0 =	vadd.s32 v52, v39;
	[tilespmem:v8+s19+$0x0] =	vst.idx.msk $0xffff, v13  }
0x71a: {  	v18 =	vld [tilespmem:s29+$0x180];
	[tilespmem:v3+s19+$0x0] =	vst.idx.msk $0xffff, v2;
	v3 =	vadd.f32 v4, v35;
	v14 =	vadd.s32 v63, v39  }
0x71b: {  	v4 =	vadd.s32 v42, v37;
	[tilespmem:v9+s19+$0x0] =	vst.idx.msk $0xffff, v7  }
0x71c: {  	v13 =	vadd.f32 v55, v35;
	v9 =	vadd.s32 v41, v37;
	[tilespmem:v10+s19+$0x0] =	vst.idx.msk $0xffff, v3;
	v3 =	vld [tilespmem:s29+$0x10]  }
0x71d: {  	v15 =	vadd.f32 v15, v36;
	v12 =	vadd.f32 v12, v33;
	v7 =	vld [tilespmem:s31+$0x60];
	v10 =	vadd.s32 v47, v37  }
0x71e: {  	v5 =	vadd.f32 v5, v36;
	[tilespmem:v0+s19+$0x0] =	vst.idx.msk $0xffff, v13;
	v0 =	vadd.s32 v43, v37;
	v13 =	vld [tilespmem:s29+$0x90]  }
0x71f: {  	v16 =	vadd.s32 v1, v39;
	[tilespmem:v14+s19+$0x0] =	vst.idx.msk $0xffff, v12;
	v12 =	vadd.f32 v18, v36;
	v18 =	vld [tilespmem:s31+$0x1A0]  }
0x720: {  	v11 =	vadd.s32 v20, v39;
	[tilespmem:v4+s19+$0x0] =	vst.idx.msk $0xffff, v5;
	v5 =	vadd.s32 v46, v37  }
0x721: {  	v20 =	vadd.s32 v21, v39;
	[tilespmem:v9+s19+$0x0] =	vst.idx.msk $0xffff, v15;
	v3 =	vadd.f32 v3, v35  }
0x722: {  	v7 =	vadd.f32 v7, v34;
	[tilespmem:v10+s19+$0x0] =	vst.idx.msk $0xffff, v12  }
0x723: {  	v21 =	vld [tilespmem:s29+$0x140];
	[tilespmem:v0+s19+$0x0] =	vst.idx.msk $0xffff, v3;
	v0 =	vadd.f32 v13, v35  }
0x724: {  	v8 =	vld [tilespmem:s31+$0xB0];
	[tilespmem:v16+s19+$0x0] =	vst.idx.msk $0xffff, v7;
	v7 =	vadd.f32 v18, v34  }
0x725: {  	v2 =	vld [tilespmem:s31+$0xE0];
	[tilespmem:v5+s19+$0x0] =	vst.idx.msk $0xffff, v0  }
0x726: {  	v4 =	vld [tilespmem:s31+$0x130];
	[tilespmem:v20+s19+$0x0] =	vst.idx.msk $0xffff, v7  }
0x727: {  	v56 =	vld [tilespmem:$0x1FEA0]  }
0x728: {  	v9 =	vadd.s32 v28, v39;
	v10 =	vld [tilespmem:s31+$0x160]  }
0x729: {  	v3 =	vld [tilespmem:s29+$0x1D0]  }
0x72a: {  	v59 =	vmov v58;
	v17 =	vadd.s32 v45, v39;
	v12 =	vld [tilespmem:s31+$0x1F0]  }
0x72b: {  	v58 =	vmovc v61;
	v6 =	vld [tilespmem:s29+$0xC0];
	v8 =	vadd.f32 v8, v33;
	v5 =	vadd.s32 v57, v37;
	v0 =	vadd.f32 v2, v34  }
0x72c: {  	v61 =	vmovc v53;
	v14 =	vadd.s32 v53, v37;
	v53 =	vmovc v46;
	v46 =	vmov v44;
	v44 =	vld [tilespmem:s29+$0x50];
	v7 =	vadd.s32 v56, v39  }
0x72d: {  	v15 =	vld [tilespmem:s29+$0x110];
	v2 =	vadd.f32 v10, v34;
	[tilespmem:v9+s19+$0x0] =	vst.idx.msk $0xffff, v0  }
0x72e: {  	v13 =	vld [tilespmem:s31+$0x70];
	v18 =	vadd.f32 v4, v33;
	v4 =	vadd.f32 v3, v35;
	[tilespmem:v11+s19+$0x0] =	vst.idx.msk $0xffff, v8  }
0x72f: {  	v12 =	vadd.f32 v12, v33;
	v9 =	vld [tilespmem:s29+$0x20];
	[tilespmem:v17+s19+$0x0] =	vst.idx.msk $0xffff, v2  }
0x730: {  	v19 =	vld [tilespmem:s31+$0x1B0];
	[tilespmem:v5+s19+$0x0] =	vst.idx.msk $0xffff, v4  }
0x731: {  	v0 =	vld [tilespmem:s29+$0x190];
	v4 =	vadd.f32 v6, v36;
	[tilespmem:v7+s19+$0x0] =	vst.idx.msk $0xffff, v12  }
0x732: {  	v60 =	vmovc v31;
	v55 =	vmov v28;
	v28 =	vmov v51;
	v16 =	vadd.s32 v51, v37;
	v51 =	vld [tilespmem:$0x1FE50]  }
0x733: {  	v26 =	vmov v29;
	v38 =	vadd.s32 v62, v37;
	v8 =	vadd.s32 v54, v39;
	v17 =	vld [tilespmem:s31+$0x170];
	[tilespmem:v14+s19+$0x0] =	vst.idx.msk $0xffff, v4  }
0x734: {  	v30 =	vmovc v47;
	v29 =	vmovc v42;
	v40 =	vadd.s32 v32, v37;
	v31 =	vmov v41;
	v42 =	vadd.s32 v27, v37;
	v6 =	vld [tilespmem:$0x1FF00]  }
0x735: {  	v41 =	vadd.s32 v45, v37;
	v47 =	vmovc v43;
	v43 =	vadd.f32 v21, v36;
	v11 =	vld [tilespmem:s31+$0xF0];
	v5 =	vadd.f32 v15, v35  }
0x736: {  	v10 =	vadd.s32 v24, v39;
	v3 =	vadd.s32 v50, v39;
	v13 =	vadd.f32 v13, v33;
	v7 =	vld [tilespmem:s29+$0x1E0]  }
0x737: {  	v2 =	vadd.s32 v48, v39;
	v4 =	vld [tilespmem:s29+$0xA0];
	[tilespmem:v16+s19+$0x0] =	vst.idx.msk $0xffff, v5;
	v12 =	vadd.s32 v51, v39  }
0x738: {  	v15 =	vadd.f32 v17, v33;
	v14 =	vadd.f32 v19, v33;
	v5 =	vld [tilespmem:s29+$0xD0];
	[tilespmem:v8+s19+$0x0] =	vst.idx.msk $0xffff, v18  }
0x739: {  	s6 =	simm.s32 $0x14F00;
	v8 =	vld [tilespmem:s29+$0x120];
	v39 =	vadd.s32 v6, v37;
	v6 =	vadd.f32 v9, v34;
	v9 =	vadd.s32 v49, v37  }
.LBB2_35:
0x73a: {  	v16 =	vld [tilespmem:s6+$0x40]  }
0x73b: {  	s0 =	sadd.s32 $0x8, s0;
	v17 =	vld [tilespmem:$0x1FE60];
	[tilespmem:v10+s19+$0x0] =	vst.idx.msk $0xffff, v13  }
0x73c: {  	v19 =	vadd.s32 v59, v37;
	v22 =	vld [tilespmem:s6+$0x1C0];
	[tilespmem:v12+s19+$0x0] =	vst.idx.msk $0xffff, v15;
	v10 =	vadd.f32 v11, v33;
	v11 =	vmov s0  }
0x73d: {  	v13 =	vld [tilespmem:s6+$0x180];
	[tilespmem:v2+s19+$0x0] =	vst.idx.msk $0xffff, v14;
	v18 =	vadd.s32 v23, v37;
	v11 =	vshrl.u32 v11, $0x3  }
0x73e: {  	v20 =	vadd.s32 v58, v37;
	v12 =	vld [tilespmem:s6+$0x140];
	[tilespmem:v38+s19+$0x0] =	vst.idx.msk $0xffff, v43;
	v2 =	vshll.u32 v11, $0x3  }
0x73f: {  	v4 =	vadd.f32 v4, v34;
	[tilespmem:v3+s19+$0x0] =	vst.idx.msk $0xffff, v10;
	v3 =	vld [tilespmem:s6+$0x0];
	v21 =	vbroadcast v2, $0x0  }
0x740: {  	v11 =	vld [tilespmem:s6+$0x100];
	[tilespmem:v9+s19+$0x0] =	vst.idx.msk $0xffff, v6;
	v9 =	vadd.s32 v46, v37;
	v2 =	vadd.f32 v8, v34  }
0x741: {  	v23 =	vadd.f32 v44, v35;
	v8 =	vld [tilespmem:s6+$0x80];
	[tilespmem:v19+s19+$0x0] =	vst.idx.msk $0xffff, v4;
	v10 =	vadd.s32 v25, v21  }
0x742: {  	v4 =	vadd.f32 v5, v35;
	v5 =	vld [tilespmem:s29+$0x150];
	[tilespmem:v18+s19+$0x0] =	vst.idx.msk $0xffff, v2;
	v2 =	vadd.s32 v26, v21  }
0x743: {  	v7 =	vadd.f32 v7, v34;
	v19 =	vld [tilespmem:s29+$0x30];
	[tilespmem:v20+s19+$0x0] =	vst.idx.msk $0xffff, v23  }
0x744: {  	v20 =	vld [tilespmem:s6+$0xC0];
	[tilespmem:v40+s19+$0x0] =	vst.idx.msk $0xffff, v4;
	v18 =	vadd.s32 v60, v21;
	v3 =	vadd.f32 v3, v36  }
0x745: {  	v14 =	vadd.s32 v63, v37;
	v4 =	vadd.f32 v16, v36;
	v24 =	vld [tilespmem:s29+$0xE0];
	[tilespmem:v9+s19+$0x0] =	vst.idx.msk $0xffff, v7  }
0x746: {  	v0 =	vadd.f32 v0, v35;
	v16 =	vadd.s32 v29, v21;
	v7 =	vld [tilespmem:s29+$0xB0];
	[tilespmem:v10+s19+$0x0] =	vst.idx.msk $0xffff, v3  }
0x747: {  	v6 =	vadd.s32 v52, v37;
	v3 =	vadd.f32 v8, v36;
	v8 =	vld [tilespmem:s6+$0x10];
	[tilespmem:v2+s19+$0x0] =	vst.idx.msk $0xffff, v4  }
0x748: {  	[tilespmem:v42+s19+$0x0] =	vst.idx.msk $0xffff, v0;
	v0 =	vadd.s32 v31, v21;
	v9 =	vadd.f32 v19, v33;
	v10 =	vld [tilespmem:s29+$0x60]  }
0x749: {  	v4 =	vadd.f32 v5, v35;
	v5 =	vadd.f32 v11, v36;
	[tilespmem:v18+s19+$0x0] =	vst.idx.msk $0xffff, v3;
	v3 =	vld [tilespmem:s29+$0x130]  }
0x74a: {  	v15 =	vadd.s32 v1, v37;
	v11 =	vadd.s32 v47, v21;
	[tilespmem:v14+s19+$0x0] =	vst.idx.msk $0xffff, v9;
	v44 =	vld [tilespmem:s6+$0x50]  }
0x74b: {  	v43 =	vadd.f32 v12, v36;
	v12 =	vld [tilespmem:s6+$0x90];
	[tilespmem:v16+s19+$0x0] =	vst.idx.msk $0xffff, v5;
	v5 =	vadd.f32 v22, v36  }
0x74c: {  	v2 =	vadd.s32 v30, v21;
	[tilespmem:v6+s19+$0x0] =	vst.idx.msk $0xffff, v4;
	v6 =	vadd.f32 v7, v33;
	v7 =	vld [tilespmem:s29+$0x1A0]  }
0x74d: {  	v4 =	vadd.s32 v53, v21;
	v9 =	vld [tilespmem:s29+$0x160];
	[tilespmem:v0+s19+$0x0] =	vst.idx.msk $0xffff, v5;
	v8 =	vadd.f32 v8, v35  }
0x74e: {  	v17 =	vadd.s32 v17, v37;
	v5 =	vld [tilespmem:s29+$0x1F0];
	v0 =	vadd.f32 v10, v34  }
0x74f: {  	v13 =	vadd.f32 v13, v36;
	v10 =	vld [tilespmem:s6+$0x1D0];
	[tilespmem:v11+s19+$0x0] =	vst.idx.msk $0xffff, v8  }
0x750: {  	v8 =	vadd.f32 v12, v35;
	v12 =	vld [tilespmem:s6+$0x110];
	[tilespmem:v15+s19+$0x0] =	vst.idx.msk $0xffff, v0;
	v15 =	vadd.f32 v3, v33  }
0x751: {  	[tilespmem:v2+s19+$0x0] =	vst.idx.msk $0xffff, v13;
	v0 =	vadd.f32 v7, v34;
	v3 =	vadd.f32 v24, v34;
	v24 =	vld [tilespmem:$0x1FE20]  }
0x752: {  	v2 =	vadd.s32 v55, v37;
	[tilespmem:v4+s19+$0x0] =	vst.idx.msk $0xffff, v8;
	v7 =	vld [tilespmem:s29+$0x70]  }
0x753: {  	v38 =	vadd.s32 v62, v21;
	v4 =	vadd.s32 v57, v21;
	v8 =	vld [tilespmem:s6+$0x20];
	[tilespmem:v17+s19+$0x0] =	vst.idx.msk $0xffff, v0  }
0x754: {  	v9 =	vadd.f32 v9, v34;
	[tilespmem:v39+s19+$0x0] =	vst.idx.msk $0xffff, v6;
	v6 =	vadd.f32 v20, v36;
	v20 =	vld [tilespmem:$0x1FF00]  }
0x755: {  	v23 =	vadd.s32 v61, v21;
	v40 =	vadd.s32 v32, v21;
	v42 =	vadd.s32 v27, v21;
	v17 =	vld [tilespmem:s29+$0x1B0]  }
0x756: {  	v16 =	vadd.s32 v28, v21;
	[tilespmem:v41+s19+$0x0] =	vst.idx.msk $0xffff, v9;
	v0 =	vld [tilespmem:s6+$0x190];
	v11 =	vadd.f32 v10, v35  }
0x757: {  	v14 =	vadd.s32 v56, v37;
	v18 =	vadd.s32 v54, v37;
	[tilespmem:v2+s19+$0x0] =	vst.idx.msk $0xffff, v3;
	v19 =	vld [tilespmem:s29+$0x170]  }
0x758: {  	p0 =	slt.u32 s0, $0x78;
	v2 =	vadd.s32 v48, v37;
	v5 =	vadd.f32 v5, v33;
	[tilespmem:v4+s19+$0x0] =	vst.idx.msk $0xffff, v11;
	v11 =	vld [tilespmem:s29+$0xF0]  }
.Ltmp16:
0x759: {  	v3 =	vadd.s32 v50, v37;
	v9 =	vadd.f32 v12, v35;
	v12 =	vadd.s32 v51, v37;
	v4 =	vld [tilespmem:s6+$0xA0];
	(pc) =	sbr.rel @p0 .LBB2_35-.Ltmp16, $4  }
0x75a: {  	v10 =	vadd.s32 v24, v37;
	v37 =	vmov v21;
	v13 =	vadd.f32 v7, v33;
	[tilespmem:v23+s19+$0x0] =	vst.idx.msk $0xffff, v6;
	v23 =	vld [tilespmem:$0x1FFF0]  }
0x75b: {  	v6 =	vadd.f32 v8, v34;
	[tilespmem:v16+s19+$0x0] =	vst.idx.msk $0xffff, v9;
	v41 =	vadd.s32 v45, v37;
	v7 =	vld [tilespmem:s6+$0x1E0]  }
0x75c: {  	s29 =	smov.u32 s6;
	v9 =	vadd.s32 v49, v37;
	[tilespmem:v14+s19+$0x0] =	vst.idx.msk $0xffff, v5;
	v39 =	vadd.s32 v20, v37;
	v5 =	vld [tilespmem:s6+$0xD0]  }
0x75d: {  	v8 =	vld [tilespmem:s29+$0x120];
	s6 =	sadd.s32 $0x200, s6;
	[tilespmem:v18+s19+$0x0] =	vst.idx.msk $0xffff, v15;
	v14 =	vadd.f32 v17, v33;
	v15 =	vadd.f32 v19, v33  }
0x75e: {  	_ =	sdelay $0x3  }
0x75f: {  	[tilespmem:v38+s19+$0x0] =	vst.idx.msk $0xffff, v43  }
0x760: {  	[tilespmem:v10+s19+$0x0] =	vst.idx.msk $0xffff, v13;
	v16 =	vld [tilespmem:s29+$0x150]  }
0x761: {  	v17 =	vadd.s32 v58, v37;
	[tilespmem:v9+s19+$0x0] =	vst.idx.msk $0xffff, v6  }
0x762: {  	v31 =	vadd.s32 v52, v37;
	v11 =	vadd.f32 v11, v33;
	[tilespmem:v12+s19+$0x0] =	vst.idx.msk $0xffff, v15  }
0x763: {  	v0 =	vadd.f32 v0, v35;
	[tilespmem:v2+s19+$0x0] =	vst.idx.msk $0xffff, v14  }
0x764: {  	v2 =	vadd.f32 v44, v35;
	[tilespmem:v3+s19+$0x0] =	vst.idx.msk $0xffff, v11  }
0x765: {  	[tilespmem:v42+s19+$0x0] =	vst.idx.msk $0xffff, v0;
	v3 =	vadd.f32 v16, v35  }
0x766: {  	v5 =	vadd.f32 v5, v35;
	[tilespmem:v17+s19+$0x0] =	vst.idx.msk $0xffff, v2  }
0x767: {  	v32 =	vadd.s32 v59, v37;
	v35 =	vld [tilespmem:s29+$0x60];
	[tilespmem:v31+s19+$0x0] =	vst.idx.msk $0xffff, v3  }
0x768: {  	v2 =	vadd.s32 v46, v37;
	[tilespmem:v40+s19+$0x0] =	vst.idx.msk $0xffff, v5;
	v0 =	vld [tilespmem:s29+$0x160]  }
0x769: {  	v3 =	vadd.s32 v23, v37;
	v21 =	vld [tilespmem:$0x1FE60]  }
0x76a: {  	v36 =	vadd.s32 v1, v37;
	v4 =	vadd.f32 v4, v34;
	v40 =	vld [tilespmem:s29+$0xE0]  }
0x76b: {  	v43 =	vld [tilespmem:s29+$0x30];
	v7 =	vadd.f32 v7, v34  }
0x76c: {  	v45 =	vadd.s32 v55, v37;
	v38 =	vld [tilespmem:s29+$0x1A0];
	v8 =	vadd.f32 v8, v34;
	[tilespmem:v32+s19+$0x0] =	vst.idx.msk $0xffff, v4  }
0x76d: {  	v47 =	vadd.s32 v63, v37;
	[tilespmem:v2+s19+$0x0] =	vst.idx.msk $0xffff, v7;
	v2 =	vld [tilespmem:s29+$0xB0];
	v44 =	vadd.f32 v35, v34  }
0x76e: {  	[tilespmem:v3+s19+$0x0] =	vst.idx.msk $0xffff, v8;
	v3 =	vld [tilespmem:s29+$0x1F0];
	v42 =	vadd.s32 v21, v37;
	v0 =	vadd.f32 v0, v34  }
0x76f: {  	v6 =	vadd.f32 v40, v34;
	[tilespmem:v36+s19+$0x0] =	vst.idx.msk $0xffff, v44  }
0x770: {  	v8 =	vld [tilespmem:s29+$0x130];
	[tilespmem:v41+s19+$0x0] =	vst.idx.msk $0xffff, v0;
	v0 =	vadd.f32 v43, v33  }
0x771: {  	v49 =	vadd.s32 v56, v37;
	v5 =	vadd.f32 v38, v34;
	[tilespmem:v45+s19+$0x0] =	vst.idx.msk $0xffff, v6;
	v7 =	vld [tilespmem:s29+$0x70]  }
0x772: {  	v53 =	vadd.s32 v54, v37;
	v60 =	vadd.s32 v24, v37;
	v56 =	vld [tilespmem:s29+$0x170];
	[tilespmem:v47+s19+$0x0] =	vst.idx.msk $0xffff, v0  }
0x773: {  	v2 =	vadd.f32 v2, v33;
	v0 =	vadd.f32 v3, v33;
	v3 =	vld [tilespmem:s29+$0xF0];
	[tilespmem:v42+s19+$0x0] =	vst.idx.msk $0xffff, v5  }
0x774: {  	v22 =	vmov v57;
	v61 =	vadd.s32 v51, v37;
	v57 =	vld [tilespmem:s29+$0x1B0]  }
0x775: {  	[tilespmem:v39+s19+$0x0] =	vst.idx.msk $0xffff, v2;
	v2 =	vadd.s32 v50, v37;
	v8 =	vadd.f32 v8, v33  }
0x776: {  	v62 =	vadd.s32 v48, v37;
	v7 =	vadd.f32 v7, v33;
	[tilespmem:v49+s19+$0x0] =	vst.idx.msk $0xffff, v0  }
0x777: {  	s0 =	sshll.u32 s28, $0xA;
	[tilespmem:v53+s19+$0x0] =	vst.idx.msk $0xffff, v8;
	v0 =	vadd.f32 v56, v33  }
0x778: {  	s1 =	sshll.u32 s1, $0x10;
	s0 =	sand.u32 $0x1800, s0;
	[tilespmem:v60+s19+$0x0] =	vst.idx.msk $0xffff, v7;
	v3 =	vadd.f32 v3, v33  }
0x779: {  	s0 =	sor.u32 s0, s1;
	[tilespmem:v61+s19+$0x0] =	vst.idx.msk $0xffff, v0;
	v63 =	vadd.f32 v57, v33  }
0x77a: {  	s0 =	sshrl.u32 s0, $0x3;
	[tilespmem:v2+s19+$0x0] =	vst.idx.msk $0xffff, v3  }
0x77b: {  	s30 =	simm.s32 $0x18B00;
	s1 =	sadd.s32 s2, s0;
	[tilespmem:v62+s19+$0x0] =	vst.idx.msk $0xffff, v63  }
0x77c: {  	[hbm4b:s1+s3] =	stream.linear.scatter [tilespmem:s30], [sflag:$0x3], $0x80, $0x38;
	[tilespmem:$0x1D300] =	vst v63  }
0x77d: {  	s31 =	simm.s32 $0x18B90;
	s6 =	sadd.s32 $0x10, s1  }
0x77e: {  	[hbm4b:s6+s3] =	stream.linear.scatter [tilespmem:s31], [sflag:$0x3], $0x80, $0x38;
	[tilespmem:$0x1D300] =	vst v63  }
0x77f: {  	s12 =	simm.s32 $0x18CB0;
	s7 =	sadd.s32 $0x20, s1;
	s6 =	simm.s32 $0x18C20  }
0x780: {  	[hbm4b:s7+s3] =	stream.linear.scatter [tilespmem:s6], [sflag:$0x3], $0x80, $0x38;
	[tilespmem:$0x1D300] =	vst v63  }
0x781: {  	s14 =	simm.s32 $0x18D40;
	s24 =	simm.s32 $0x18DD0;
	s13 =	sadd.s32 $0x30, s1  }
0x782: {  	[hbm4b:s13+s3] =	stream.linear.scatter [tilespmem:s12], [sflag:$0x3], $0x80, $0x38;
	[tilespmem:$0x1D300] =	vst v63  }
0x783: {  	s0 =	simm.s32 $0x480;
	s18 =	sadd.s32 $0x40, s1;
	s28 =	sadd.s32 $0x70, s1  }
0x784: {  	[hbm4b:s18+s3] =	stream.linear.scatter [tilespmem:s14], [sflag:$0x3], $0x80, $0x38;
	[tilespmem:$0x1D300] =	vst v63  }
0x785: {  	s29 =	sadd.s32 $0x50, s1;
	s30 =	simm.s32 $0x18E60;
	s31 =	sadd.s32 $0x60, s1  }
0x786: {  	[hbm4b:s29+s3] =	stream.linear.scatter [tilespmem:s24], [sflag:$0x3], $0x80, $0x38;
	[tilespmem:$0x1D300] =	vst v63  }
0x787: {  	s1 =	sadd.s32 $0x400, s1;
	s6 =	simm.s32 $0x2400;
	s14 =	simm.s32 $0x18EF0  }
0x788: {  	[hbm4b:s31+s3] =	stream.linear.scatter [tilespmem:s30], [sflag:$0x3], $0x80, $0x38;
	[tilespmem:$0x1D300] =	vst v63  }
.LBB2_37:
0x789: {  	[hbm4b:s28+s3] =	stream.linear.scatter [tilespmem:s14], [sflag:$0x3], $0x80, $0x38;
	[tilespmem:$0x1D300] =	vst v63  }
0x78a: {  	s7 =	smov.u32 s0;
	s0 =	smov.u32 s6  }
0x78b: {  	s12 =	sadd.s32 $0x1200, s6;
	s0 =	sshra.s32 s0, $0x2;
	s13 =	sadd.s32 $0x18B00, s7  }
0x78c: {  	[hbm4b:s1+s3] =	stream.linear.scatter [tilespmem:s13], [sflag:$0x3], $0x80, $0x38;
	[tilespmem:$0x1D300] =	vst v63  }
0x78d: {  	p0 =	sne.s32 s6, $0x7E00;
	s6 =	sadd.s32 $0x18B90, s7;
	s13 =	sadd.s32 $0x10, s1  }
0x78e: {  	[hbm4b:s13+s3] =	stream.linear.scatter [tilespmem:s6], [sflag:$0x3], $0x80, $0x38;
	[tilespmem:$0x1D300] =	vst v63  }
0x78f: {  	s6 =	sadd.s32 $0x18C20, s7;
	s13 =	sadd.s32 $0x20, s1  }
0x790: {  	[hbm4b:s13+s3] =	stream.linear.scatter [tilespmem:s6], [sflag:$0x3], $0x80, $0x38;
	[tilespmem:$0x1D300] =	vst v63  }
0x791: {  	s6 =	sadd.s32 $0x18CB0, s7;
	s13 =	sadd.s32 $0x30, s1  }
0x792: {  	[hbm4b:s13+s3] =	stream.linear.scatter [tilespmem:s6], [sflag:$0x3], $0x80, $0x38;
	[tilespmem:$0x1D300] =	vst v63  }
0x793: {  	s6 =	sadd.s32 $0x18D40, s7;
	s13 =	sadd.s32 $0x40, s1  }
0x794: {  	[hbm4b:s13+s3] =	stream.linear.scatter [tilespmem:s6], [sflag:$0x3], $0x80, $0x38;
	[tilespmem:$0x1D300] =	vst v63  }
.Ltmp17:
0x795: {  	s6 =	sadd.s32 $0x18DD0, s7;
	s13 =	sadd.s32 $0x50, s1;
	(pc) =	sbr.rel @p0 .LBB2_37-.Ltmp17, $4  }
0x796: {  	[hbm4b:s13+s3] =	stream.linear.scatter [tilespmem:s6], [sflag:$0x3], $0x80, $0x38;
	[tilespmem:$0x1D300] =	vst v63  }
0x797: {  	s28 =	sadd.s32 $0x70, s1;
	s6 =	sadd.s32 $0x18E60, s7;
	s13 =	sadd.s32 $0x60, s1  }
0x798: {  	[hbm4b:s13+s3] =	stream.linear.scatter [tilespmem:s6], [sflag:$0x3], $0x80, $0x38;
	[tilespmem:$0x1D300] =	vst v63  }
0x799: {  	s14 =	sadd.s32 $0x18EF0, s7;
	s1 =	sadd.s32 $0x400, s1;
	s6 =	smov.u32 s12  }
0x79a: {  	[hbm4b:s28+s3] =	stream.linear.scatter [tilespmem:s14], [sflag:$0x3], $0x80, $0x38;
	[tilespmem:$0x1D300] =	vst v63  }
0x79b: {  	s6 =	sadd.s32 $0x18B00, s0  }
0x79c: {  	[hbm4b:s1+s3] =	stream.linear.scatter [tilespmem:s6], [sflag:$0x3], $0x80, $0x38;
	[tilespmem:$0x1D300] =	vst v63  }
0x79d: {  	s31 =	sadd.s32 $0x18B90, s0;
	s7 =	sadd.s32 $0x10, s1  }
0x79e: {  	[hbm4b:s7+s3] =	stream.linear.scatter [tilespmem:s31], [sflag:$0x3], $0x80, $0x38;
	[tilespmem:$0x1D300] =	vst v63  }
0x79f: {  	s12 =	sadd.s32 $0x18C20, s0;
	s13 =	sadd.s32 $0x20, s1  }
0x7a0: {  	[hbm4b:s13+s3] =	stream.linear.scatter [tilespmem:s12], [sflag:$0x3], $0x80, $0x38;
	[tilespmem:$0x1D300] =	vst v63  }
0x7a1: {  	s14 =	sadd.s32 $0x18CB0, s0;
	s18 =	sadd.s32 $0x30, s1  }
0x7a2: {  	[hbm4b:s18+s3] =	stream.linear.scatter [tilespmem:s14], [sflag:$0x3], $0x80, $0x38;
	[tilespmem:$0x1D300] =	vst v63  }
0x7a3: {  	s24 =	sadd.s32 $0x18D40, s0;
	s29 =	sadd.s32 $0x40, s1  }
0x7a4: {  	[hbm4b:s29+s3] =	stream.linear.scatter [tilespmem:s24], [sflag:$0x3], $0x80, $0x38;
	[tilespmem:$0x1D300] =	vst v63  }
0x7a5: {  	s30 =	sadd.s32 $0x18DD0, s0;
	s31 =	sadd.s32 $0x50, s1  }
0x7a6: {  	[hbm4b:s31+s3] =	stream.linear.scatter [tilespmem:s30], [sflag:$0x3], $0x80, $0x38;
	[tilespmem:$0x1D300] =	vst v63  }
0x7a7: {  	s12 =	sadd.s32 $0x18E60, s0;
	s13 =	sadd.s32 $0x60, s1  }
0x7a8: {  	[hbm4b:s13+s3] =	stream.linear.scatter [tilespmem:s12], [sflag:$0x3], $0x80, $0x38;
	[tilespmem:$0x1D300] =	vst v63  }
0x7a9: {  	s26 =	sadd.s32 s26, s10;
	s14 =	sadd.s32 $0x18EF0, s0;
	s18 =	sadd.s32 $0x70, s1  }
0x7aa: {  	[hbm4b:s18+s3] =	stream.linear.scatter [tilespmem:s14], [sflag:$0x3], $0x80, $0x38;
	[tilespmem:$0x1D300] =	vst v63  }
0x7ab: {  	s1 =	sshrl.u32 s26, $0x3;
	s24 =	simm.s32 $0x0;
	_ =	swait.ge [sflag:s22], $0x2000  }
0x7ac: {  	s29 =	sshll.u32 s1, $0x8;
	v0 =	vmov s24;
	[sflag:s22] =	ssyncset.done $0x0  }
0x7ad: {  	s30 =	sshra.s32 s29, $0x2;
	v0 =	vshrl.u32 v0, $0x3;
	v40 =	vld [tilespmem:$0x1FFB0];
	[sflag:s22] =	ssyncadd.s32 $0xFFFFE000  }
0x7ae: {  	s31 =	simm.s32 $0x16B00;
	v0 =	vshll.u32 v0, $0x3;
	v36 =	vld [tilespmem:s30+$0x1900]  }
0x7af: {  	v39 =	vbroadcast v0, $0x0;
	v2 =	vld [tilespmem:s31+$0x0]  }
0x7b0: {  	v31 =	vld [tilespmem:$0x1FEC0]  }
0x7b1: {  	v0 =	vadd.s32 v25, v39;
	v42 =	vld [tilespmem:$0x1FF40]  }
0x7b2: {  	v35 =	vld [tilespmem:s30+$0x1910]  }
0x7b3: {  	v3 =	vld [tilespmem:s31+$0x1C0]  }
0x7b4: {  	v4 =	vld [tilespmem:s31+$0x80];
	v2 =	vadd.f32 v2, v36  }
0x7b5: {  	v34 =	vld [tilespmem:s30+$0x1920]  }
0x7b6: {  	v33 =	vld [tilespmem:s30+$0x1930];
	[tilespmem:v0+s20+$0x0] =	vst.idx.msk $0xffff, v2  }
0x7b7: {  	v6 =	vadd.s32 v40, v39;
	v29 =	vld [tilespmem:$0x1FFD0]  }
0x7b8: {  	v5 =	vld [tilespmem:s31+$0x100];
	v7 =	vadd.s32 v31, v39;
	_ =	sdelay $0x1  }
0x7b9: {  	v9 =	vld [tilespmem:s31+$0x40];
	v8 =	vadd.s32 v42, v39;
	v0 =	vadd.f32 v3, v36  }
0x7ba: {  	v2 =	vadd.f32 v4, v36  }
0x7bb: {  	v4 =	vld [tilespmem:s31+$0x180];
	[tilespmem:v6+s20+$0x0] =	vst.idx.msk $0xffff, v0;
	v10 =	vadd.s32 v29, v39  }
0x7bc: {  	v5 =	vadd.f32 v5, v36;
	v3 =	vld [tilespmem:s31+$0x10];
	[tilespmem:v7+s20+$0x0] =	vst.idx.msk $0xffff, v2  }
0x7bd: {  	v43 =	vld [tilespmem:$0x1FFE0]  }
0x7be: {  	v44 =	vld [tilespmem:$0x1FF90];
	[tilespmem:v8+s20+$0x0] =	vst.idx.msk $0xffff, v5;
	v5 =	vadd.f32 v9, v36  }
0x7bf: {  	v2 =	vld [tilespmem:s31+$0x1D0]  }
0x7c0: {  	v56 =	vld [tilespmem:$0x1FED0];
	[tilespmem:v10+s20+$0x0] =	vst.idx.msk $0xffff, v5  }
0x7c1: {  	v41 =	vld [tilespmem:$0x1FF50]  }
0x7c2: {  	v0 =	vadd.s32 v43, v39;
	v28 =	vld [tilespmem:$0x1FF10]  }
0x7c3: {  	v7 =	vld [tilespmem:s31+$0x90];
	v6 =	vadd.s32 v44, v39  }
0x7c4: {  	v9 =	vadd.s32 v22, v39;
	v8 =	vld [tilespmem:s31+$0x110]  }
0x7c5: {  	v11 =	vld [tilespmem:s31+$0xC0];
	v3 =	vadd.f32 v3, v35;
	v12 =	vadd.s32 v56, v39  }
0x7c6: {  	v4 =	vadd.f32 v4, v36;
	v5 =	vadd.s32 v41, v39  }
0x7c7: {  	[tilespmem:v0+s20+$0x0] =	vst.idx.msk $0xffff, v3;
	v0 =	vadd.f32 v2, v35;
	v10 =	vadd.s32 v28, v39  }
0x7c8: {  	[tilespmem:v6+s20+$0x0] =	vst.idx.msk $0xffff, v4;
	v2 =	vadd.f32 v7, v35  }
0x7c9: {  	[tilespmem:v9+s20+$0x0] =	vst.idx.msk $0xffff, v0;
	v0 =	vadd.f32 v8, v35  }
0x7ca: {  	v13 =	vld [tilespmem:s31+$0x140];
	[tilespmem:v12+s20+$0x0] =	vst.idx.msk $0xffff, v2;
	v2 =	vadd.f32 v11, v36  }
0x7cb: {  	v61 =	vld [tilespmem:$0x1FF60];
	[tilespmem:v5+s20+$0x0] =	vst.idx.msk $0xffff, v0  }
0x7cc: {  	v14 =	vld [tilespmem:s31+$0x50];
	[tilespmem:v10+s20+$0x0] =	vst.idx.msk $0xffff, v2  }
0x7cd: {  	v49 =	vld [tilespmem:$0x1FDF0]  }
0x7ce: {  	v8 =	vld [tilespmem:s31+$0xA0]  }
0x7cf: {  	v3 =	vld [tilespmem:s31+$0x20]  }
0x7d0: {  	v19 =	vadd.s32 v59, v39;
	v4 =	vld [tilespmem:s31+$0x190]  }
0x7d1: {  	v57 =	vmov v22;
	v22 =	vadd.s32 v58, v39;
	v32 =	vld [tilespmem:$0x1FF20]  }
0x7d2: {  	v5 =	vld [tilespmem:s31+$0x120];
	v2 =	vadd.s32 v49, v39  }
0x7d3: {  	s0 =	simm.s32 $0x8;
	v7 =	vadd.s32 v61, v39;
	v8 =	vadd.f32 v8, v34;
	v27 =	vld [tilespmem:$0x1FFA0]  }
0x7d4: {  	v15 =	vmov s0;
	v16 =	vadd.s32 v23, v39;
	v14 =	vadd.f32 v14, v35;
	v12 =	vld [tilespmem:s31+$0xD0]  }
0x7d5: {  	v15 =	vshrl.u32 v15, $0x3;
	v3 =	vadd.f32 v3, v34;
	v45 =	vld [tilespmem:$0x1FF80];
	[tilespmem:v19+s20+$0x0] =	vst.idx.msk $0xffff, v8  }
0x7d6: {  	s28 =	simm.s32 $0x16D00;
	v15 =	vshll.u32 v15, $0x3;
	v6 =	vld [tilespmem:s31+$0x1E0];
	v0 =	vadd.f32 v13, v36;
	[tilespmem:v22+s20+$0x0] =	vst.idx.msk $0xffff, v14;
	v9 =	vadd.s32 v32, v39  }
0x7d7: {  	v37 =	vbroadcast v15, $0x0;
	v13 =	vld [tilespmem:s28+$0x40];
	[tilespmem:v2+s20+$0x0] =	vst.idx.msk $0xffff, v3;
	v3 =	vadd.f32 v5, v34  }
0x7d8: {  	[tilespmem:v7+s20+$0x0] =	vst.idx.msk $0xffff, v0;
	v0 =	vadd.s32 v46, v39;
	v2 =	vld [tilespmem:s28+$0x0]  }
0x7d9: {  	v8 =	vadd.s32 v29, v37;
	v7 =	vld [tilespmem:s28+$0x80];
	v12 =	vadd.f32 v12, v35;
	[tilespmem:v16+s20+$0x0] =	vst.idx.msk $0xffff, v3  }
0x7da: {  	v3 =	vadd.s32 v25, v37;
	v63 =	vld [tilespmem:$0x1FE00]  }
0x7db: {  	v15 =	vld [tilespmem:s28+$0x1C0];
	v6 =	vadd.f32 v6, v34;
	[tilespmem:v9+s20+$0x0] =	vst.idx.msk $0xffff, v12;
	v9 =	vadd.s32 v31, v37  }
0x7dc: {  	v47 =	vld [tilespmem:s31+$0x150];
	v13 =	vadd.f32 v13, v36;
	v10 =	vadd.s32 v27, v39  }
0x7dd: {  	v12 =	vld [tilespmem:s31+$0x30];
	[tilespmem:v0+s20+$0x0] =	vst.idx.msk $0xffff, v6;
	v2 =	vadd.f32 v2, v36  }
0x7de: {  	v7 =	vadd.f32 v7, v36;
	v5 =	vld [tilespmem:s28+$0x100];
	v0 =	vadd.s32 v52, v39;
	[tilespmem:v8+s20+$0x0] =	vst.idx.msk $0xffff, v13  }
0x7df: {  	v18 =	vld [tilespmem:s28+$0x180];
	[tilespmem:v3+s20+$0x0] =	vst.idx.msk $0xffff, v2;
	v3 =	vadd.f32 v4, v35;
	v14 =	vadd.s32 v63, v39  }
0x7e0: {  	v4 =	vadd.s32 v42, v37;
	[tilespmem:v9+s20+$0x0] =	vst.idx.msk $0xffff, v7  }
0x7e1: {  	v13 =	vadd.f32 v47, v35;
	v9 =	vadd.s32 v40, v37;
	[tilespmem:v10+s20+$0x0] =	vst.idx.msk $0xffff, v3;
	v3 =	vld [tilespmem:s28+$0x10]  }
0x7e2: {  	v15 =	vadd.f32 v15, v36;
	v12 =	vadd.f32 v12, v33;
	v7 =	vld [tilespmem:s31+$0x60];
	v10 =	vadd.s32 v44, v37  }
0x7e3: {  	v5 =	vadd.f32 v5, v36;
	[tilespmem:v0+s20+$0x0] =	vst.idx.msk $0xffff, v13;
	v0 =	vadd.s32 v43, v37;
	v13 =	vld [tilespmem:s28+$0x90]  }
0x7e4: {  	v16 =	vadd.s32 v1, v39;
	[tilespmem:v14+s20+$0x0] =	vst.idx.msk $0xffff, v12;
	v12 =	vadd.f32 v18, v36;
	v18 =	vld [tilespmem:s31+$0x1A0]  }
0x7e5: {  	v11 =	vadd.s32 v20, v39;
	[tilespmem:v4+s20+$0x0] =	vst.idx.msk $0xffff, v5;
	v5 =	vadd.s32 v56, v37  }
0x7e6: {  	v20 =	vadd.s32 v21, v39;
	[tilespmem:v9+s20+$0x0] =	vst.idx.msk $0xffff, v15;
	v3 =	vadd.f32 v3, v35  }
0x7e7: {  	v7 =	vadd.f32 v7, v34;
	[tilespmem:v10+s20+$0x0] =	vst.idx.msk $0xffff, v12  }
0x7e8: {  	v21 =	vld [tilespmem:s28+$0x140];
	[tilespmem:v0+s20+$0x0] =	vst.idx.msk $0xffff, v3;
	v0 =	vadd.f32 v13, v35  }
0x7e9: {  	v8 =	vld [tilespmem:s31+$0xB0];
	[tilespmem:v16+s20+$0x0] =	vst.idx.msk $0xffff, v7;
	v7 =	vadd.f32 v18, v34  }
0x7ea: {  	v2 =	vld [tilespmem:s31+$0xE0];
	[tilespmem:v5+s20+$0x0] =	vst.idx.msk $0xffff, v0  }
0x7eb: {  	v4 =	vld [tilespmem:s31+$0x130];
	[tilespmem:v20+s20+$0x0] =	vst.idx.msk $0xffff, v7  }
0x7ec: {  	v53 =	vmov v56;
	v56 =	vld [tilespmem:$0x1FEA0]  }
0x7ed: {  	v9 =	vadd.s32 v55, v39;
	v10 =	vld [tilespmem:s31+$0x160]  }
0x7ee: {  	v3 =	vld [tilespmem:s28+$0x1D0]  }
0x7ef: {  	v17 =	vadd.s32 v45, v39;
	v12 =	vld [tilespmem:s31+$0x1F0]  }
0x7f0: {  	v6 =	vld [tilespmem:s28+$0xC0];
	v5 =	vadd.s32 v57, v37;
	v0 =	vadd.f32 v2, v34  }
0x7f1: {  	v30 =	vmov v44;
	v8 =	vadd.f32 v8, v33;
	v44 =	vld [tilespmem:s28+$0x50];
	v7 =	vadd.s32 v56, v39  }
0x7f2: {  	v14 =	vadd.s32 v28, v37;
	v15 =	vld [tilespmem:s28+$0x110];
	v2 =	vadd.f32 v10, v34;
	[tilespmem:v9+s20+$0x0] =	vst.idx.msk $0xffff, v0  }
0x7f3: {  	v13 =	vld [tilespmem:s31+$0x70];
	v18 =	vadd.f32 v4, v33;
	v4 =	vadd.f32 v3, v35;
	[tilespmem:v11+s20+$0x0] =	vst.idx.msk $0xffff, v8  }
0x7f4: {  	v12 =	vadd.f32 v12, v33;
	v9 =	vld [tilespmem:s28+$0x20];
	[tilespmem:v17+s20+$0x0] =	vst.idx.msk $0xffff, v2  }
0x7f5: {  	v19 =	vld [tilespmem:s31+$0x1B0];
	[tilespmem:v5+s20+$0x0] =	vst.idx.msk $0xffff, v4  }
0x7f6: {  	v0 =	vld [tilespmem:s28+$0x190];
	v4 =	vadd.f32 v6, v36;
	[tilespmem:v7+s20+$0x0] =	vst.idx.msk $0xffff, v12  }
0x7f7: {  	v51 =	vmovc v52;
	v60 =	vmov v31;
	v26 =	vmov v29;
	v16 =	vadd.s32 v41, v37;
	v52 =	vld [tilespmem:$0x1FE50]  }
0x7f8: {  	v62 =	vmov v28;
	v38 =	vadd.s32 v61, v37;
	v8 =	vadd.s32 v54, v39;
	v17 =	vld [tilespmem:s31+$0x170];
	[tilespmem:v14+s20+$0x0] =	vst.idx.msk $0xffff, v4  }
0x7f9: {  	v29 =	vmovc v42;
	v31 =	vmovc v40;
	v47 =	vmov v43;
	v42 =	vadd.s32 v27, v37;
	v43 =	vadd.f32 v21, v36;
	v6 =	vld [tilespmem:$0x1FF00]  }
0x7fa: {  	v40 =	vadd.s32 v32, v37;
	v28 =	vmovc v41;
	v41 =	vadd.s32 v45, v37;
	v11 =	vld [tilespmem:s31+$0xF0];
	v5 =	vadd.f32 v15, v35  }
0x7fb: {  	v10 =	vadd.s32 v24, v39;
	v3 =	vadd.s32 v50, v39;
	v13 =	vadd.f32 v13, v33;
	v7 =	vld [tilespmem:s28+$0x1E0]  }
0x7fc: {  	v2 =	vadd.s32 v48, v39;
	v4 =	vld [tilespmem:s28+$0xA0];
	[tilespmem:v16+s20+$0x0] =	vst.idx.msk $0xffff, v5;
	v12 =	vadd.s32 v52, v39  }
0x7fd: {  	v15 =	vadd.f32 v17, v33;
	v14 =	vadd.f32 v19, v33;
	v5 =	vld [tilespmem:s28+$0xD0];
	[tilespmem:v8+s20+$0x0] =	vst.idx.msk $0xffff, v18  }
0x7fe: {  	s6 =	simm.s32 $0x16F00;
	v8 =	vld [tilespmem:s28+$0x120];
	v39 =	vadd.s32 v6, v37;
	v6 =	vadd.f32 v9, v34;
	v9 =	vadd.s32 v49, v37  }
.LBB2_39:
0x7ff: {  	v16 =	vld [tilespmem:s6+$0x40]  }
0x800: {  	s0 =	sadd.s32 $0x8, s0;
	v17 =	vld [tilespmem:$0x1FE60];
	[tilespmem:v10+s20+$0x0] =	vst.idx.msk $0xffff, v13  }
0x801: {  	v19 =	vadd.s32 v59, v37;
	v22 =	vld [tilespmem:s6+$0x1C0];
	[tilespmem:v12+s20+$0x0] =	vst.idx.msk $0xffff, v15;
	v10 =	vadd.f32 v11, v33;
	v11 =	vmov s0  }
0x802: {  	v13 =	vld [tilespmem:s6+$0x180];
	[tilespmem:v2+s20+$0x0] =	vst.idx.msk $0xffff, v14;
	v18 =	vadd.s32 v23, v37;
	v11 =	vshrl.u32 v11, $0x3  }
0x803: {  	v20 =	vadd.s32 v58, v37;
	v12 =	vld [tilespmem:s6+$0x140];
	[tilespmem:v38+s20+$0x0] =	vst.idx.msk $0xffff, v43;
	v2 =	vshll.u32 v11, $0x3  }
0x804: {  	v4 =	vadd.f32 v4, v34;
	[tilespmem:v3+s20+$0x0] =	vst.idx.msk $0xffff, v10;
	v3 =	vld [tilespmem:s6+$0x0];
	v21 =	vbroadcast v2, $0x0  }
0x805: {  	v11 =	vld [tilespmem:s6+$0x100];
	[tilespmem:v9+s20+$0x0] =	vst.idx.msk $0xffff, v6;
	v9 =	vadd.s32 v46, v37;
	v2 =	vadd.f32 v8, v34  }
0x806: {  	v23 =	vadd.f32 v44, v35;
	v8 =	vld [tilespmem:s6+$0x80];
	[tilespmem:v19+s20+$0x0] =	vst.idx.msk $0xffff, v4;
	v10 =	vadd.s32 v25, v21  }
0x807: {  	v4 =	vadd.f32 v5, v35;
	v5 =	vld [tilespmem:s28+$0x150];
	[tilespmem:v18+s20+$0x0] =	vst.idx.msk $0xffff, v2;
	v2 =	vadd.s32 v26, v21  }
0x808: {  	v7 =	vadd.f32 v7, v34;
	v44 =	vld [tilespmem:s28+$0x30];
	[tilespmem:v20+s20+$0x0] =	vst.idx.msk $0xffff, v23  }
0x809: {  	v20 =	vld [tilespmem:s6+$0xC0];
	v43 =	vadd.s32 v60, v21;
	[tilespmem:v40+s20+$0x0] =	vst.idx.msk $0xffff, v4;
	v3 =	vadd.f32 v3, v36  }
0x80a: {  	v4 =	vadd.f32 v16, v36;
	v24 =	vld [tilespmem:s28+$0xE0];
	[tilespmem:v9+s20+$0x0] =	vst.idx.msk $0xffff, v7  }
0x80b: {  	v0 =	vadd.f32 v0, v35;
	v6 =	vadd.s32 v51, v37;
	v7 =	vld [tilespmem:s28+$0xB0];
	[tilespmem:v10+s20+$0x0] =	vst.idx.msk $0xffff, v3  }
0x80c: {  	v16 =	vadd.s32 v29, v21;
	v3 =	vadd.f32 v8, v36;
	v8 =	vld [tilespmem:s6+$0x10];
	[tilespmem:v2+s20+$0x0] =	vst.idx.msk $0xffff, v4  }
0x80d: {  	v15 =	vadd.s32 v1, v37;
	v14 =	vadd.s32 v63, v37;
	[tilespmem:v42+s20+$0x0] =	vst.idx.msk $0xffff, v0;
	v10 =	vld [tilespmem:s28+$0x60]  }
0x80e: {  	v0 =	vadd.s32 v31, v21;
	v4 =	vadd.f32 v5, v35;
	[tilespmem:v43+s20+$0x0] =	vst.idx.msk $0xffff, v3;
	v3 =	vld [tilespmem:s28+$0x130]  }
0x80f: {  	v9 =	vadd.f32 v44, v33;
	v2 =	vadd.s32 v30, v21;
	v5 =	vadd.f32 v11, v36;
	v44 =	vld [tilespmem:s6+$0x50]  }
0x810: {  	v11 =	vadd.s32 v47, v21;
	v43 =	vadd.f32 v12, v36;
	v12 =	vld [tilespmem:s6+$0x90];
	[tilespmem:v6+s20+$0x0] =	vst.idx.msk $0xffff, v4  }
0x811: {  	v6 =	vadd.f32 v7, v33;
	v7 =	vld [tilespmem:s28+$0x1A0];
	[tilespmem:v16+s20+$0x0] =	vst.idx.msk $0xffff, v5;
	v5 =	vadd.f32 v22, v36  }
0x812: {  	v13 =	vadd.f32 v13, v36;
	[tilespmem:v14+s20+$0x0] =	vst.idx.msk $0xffff, v9;
	v4 =	vadd.s32 v53, v21;
	v22 =	vld [tilespmem:$0x1FE20]  }
0x813: {  	v17 =	vadd.s32 v17, v37;
	v9 =	vld [tilespmem:s28+$0x160];
	[tilespmem:v0+s20+$0x0] =	vst.idx.msk $0xffff, v5;
	v8 =	vadd.f32 v8, v35  }
0x814: {  	[tilespmem:v2+s20+$0x0] =	vst.idx.msk $0xffff, v13;
	v5 =	vld [tilespmem:s28+$0x1F0];
	v0 =	vadd.f32 v10, v34  }
0x815: {  	v10 =	vld [tilespmem:s6+$0x1D0];
	[tilespmem:v11+s20+$0x0] =	vst.idx.msk $0xffff, v8;
	v8 =	vadd.f32 v12, v35  }
0x816: {  	v38 =	vadd.s32 v61, v21;
	v12 =	vld [tilespmem:s6+$0x110];
	[tilespmem:v15+s20+$0x0] =	vst.idx.msk $0xffff, v0;
	v0 =	vadd.f32 v7, v34  }
0x817: {  	v23 =	vadd.s32 v62, v21;
	v2 =	vadd.s32 v55, v37;
	[tilespmem:v4+s20+$0x0] =	vst.idx.msk $0xffff, v8;
	v7 =	vld [tilespmem:s28+$0x70]  }
0x818: {  	v40 =	vadd.s32 v32, v21;
	v4 =	vadd.s32 v57, v21;
	v8 =	vld [tilespmem:s6+$0x20];
	[tilespmem:v17+s20+$0x0] =	vst.idx.msk $0xffff, v0  }
0x819: {  	v9 =	vadd.f32 v9, v34;
	[tilespmem:v39+s20+$0x0] =	vst.idx.msk $0xffff, v6;
	v6 =	vadd.f32 v20, v36;
	v20 =	vld [tilespmem:$0x1FF00]  }
0x81a: {  	v42 =	vadd.s32 v27, v21;
	v15 =	vadd.f32 v3, v33;
	v3 =	vadd.f32 v24, v34;
	v17 =	vld [tilespmem:s28+$0x1B0]  }
0x81b: {  	v16 =	vadd.s32 v28, v21;
	[tilespmem:v41+s20+$0x0] =	vst.idx.msk $0xffff, v9;
	v0 =	vld [tilespmem:s6+$0x190];
	v11 =	vadd.f32 v10, v35  }
0x81c: {  	v18 =	vadd.s32 v54, v37;
	v14 =	vadd.s32 v56, v37;
	[tilespmem:v2+s20+$0x0] =	vst.idx.msk $0xffff, v3;
	v19 =	vld [tilespmem:s28+$0x170]  }
0x81d: {  	p0 =	slt.u32 s0, $0x78;
	v2 =	vadd.s32 v48, v37;
	v3 =	vadd.s32 v50, v37;
	[tilespmem:v4+s20+$0x0] =	vst.idx.msk $0xffff, v11;
	v11 =	vld [tilespmem:s28+$0xF0]  }
.Ltmp18:
0x81e: {  	v10 =	vadd.s32 v22, v37;
	v9 =	vadd.f32 v12, v35;
	v12 =	vadd.s32 v52, v37;
	v37 =	vmovc v21;
	v4 =	vld [tilespmem:s6+$0xA0];
	(pc) =	sbr.rel @p0 .LBB2_39-.Ltmp18, $4  }
0x81f: {  	v5 =	vadd.f32 v5, v33;
	v41 =	vadd.s32 v45, v37;
	[tilespmem:v23+s20+$0x0] =	vst.idx.msk $0xffff, v6;
	v23 =	vld [tilespmem:$0x1FFF0]  }
0x820: {  	v13 =	vadd.f32 v7, v33;
	v6 =	vadd.f32 v8, v34;
	[tilespmem:v16+s20+$0x0] =	vst.idx.msk $0xffff, v9;
	v7 =	vld [tilespmem:s6+$0x1E0]  }
0x821: {  	s28 =	smov.u32 s6;
	v9 =	vadd.s32 v49, v37;
	[tilespmem:v14+s20+$0x0] =	vst.idx.msk $0xffff, v5;
	v39 =	vadd.s32 v20, v37;
	v5 =	vld [tilespmem:s6+$0xD0]  }
0x822: {  	v8 =	vld [tilespmem:s28+$0x120];
	s6 =	sadd.s32 $0x200, s6;
	[tilespmem:v18+s20+$0x0] =	vst.idx.msk $0xffff, v15;
	v14 =	vadd.f32 v17, v33;
	v15 =	vadd.f32 v19, v33  }
0x823: {  	_ =	sdelay $0x3  }
0x824: {  	[tilespmem:v38+s20+$0x0] =	vst.idx.msk $0xffff, v43  }
0x825: {  	[tilespmem:v10+s20+$0x0] =	vst.idx.msk $0xffff, v13  }
0x826: {  	v17 =	vadd.s32 v58, v37;
	[tilespmem:v9+s20+$0x0] =	vst.idx.msk $0xffff, v6;
	v16 =	vld [tilespmem:s28+$0x150]  }
0x827: {  	v11 =	vadd.f32 v11, v33;
	[tilespmem:v12+s20+$0x0] =	vst.idx.msk $0xffff, v15  }
0x828: {  	v49 =	vadd.s32 v51, v37;
	v0 =	vadd.f32 v0, v35;
	[tilespmem:v2+s20+$0x0] =	vst.idx.msk $0xffff, v14  }
0x829: {  	v53 =	vadd.f32 v44, v35;
	[tilespmem:v3+s20+$0x0] =	vst.idx.msk $0xffff, v11  }
0x82a: {  	[tilespmem:v42+s20+$0x0] =	vst.idx.msk $0xffff, v0;
	v5 =	vadd.f32 v5, v35  }
0x82b: {  	[tilespmem:v17+s20+$0x0] =	vst.idx.msk $0xffff, v53;
	v57 =	vadd.f32 v16, v35  }
0x82c: {  	[tilespmem:v40+s20+$0x0] =	vst.idx.msk $0xffff, v5  }
0x82d: {  	v60 =	vadd.s32 v59, v37;
	v62 =	vld [tilespmem:s28+$0x60];
	[tilespmem:v49+s20+$0x0] =	vst.idx.msk $0xffff, v57  }
0x82e: {  	v61 =	vadd.s32 v46, v37;
	v35 =	vld [tilespmem:$0x1FE60]  }
0x82f: {  	v16 =	vadd.s32 v23, v37;
	v32 =	vld [tilespmem:s28+$0xE0]  }
0x830: {  	v18 =	vadd.s32 v1, v37;
	v4 =	vadd.f32 v4, v34;
	v17 =	vld [tilespmem:s28+$0x160]  }
0x831: {  	v43 =	vadd.s32 v55, v37;
	v7 =	vadd.f32 v7, v34;
	v19 =	vld [tilespmem:s28+$0x1A0]  }
0x832: {  	v38 =	vld [tilespmem:s28+$0x30];
	v8 =	vadd.f32 v8, v34;
	[tilespmem:v60+s20+$0x0] =	vst.idx.msk $0xffff, v4  }
0x833: {  	[tilespmem:v61+s20+$0x0] =	vst.idx.msk $0xffff, v7;
	v40 =	vld [tilespmem:s28+$0xB0];
	v42 =	vadd.f32 v62, v34;
	v36 =	vadd.s32 v35, v37  }
0x834: {  	v44 =	vadd.s32 v63, v37;
	v45 =	vld [tilespmem:s28+$0x1F0];
	[tilespmem:v16+s20+$0x0] =	vst.idx.msk $0xffff, v8;
	v6 =	vadd.f32 v32, v34  }
0x835: {  	v8 =	vld [tilespmem:s28+$0x130];
	[tilespmem:v18+s20+$0x0] =	vst.idx.msk $0xffff, v42;
	v0 =	vadd.f32 v17, v34  }
0x836: {  	v46 =	vadd.s32 v56, v37;
	v5 =	vadd.f32 v19, v34;
	[tilespmem:v43+s20+$0x0] =	vst.idx.msk $0xffff, v6;
	v7 =	vld [tilespmem:s28+$0x70]  }
0x837: {  	v47 =	vadd.f32 v38, v33;
	v49 =	vadd.s32 v54, v37;
	v57 =	vld [tilespmem:s28+$0xF0];
	[tilespmem:v41+s20+$0x0] =	vst.idx.msk $0xffff, v0  }
0x838: {  	v21 =	vmov v55;
	v55 =	vadd.s32 v22, v37;
	v2 =	vadd.f32 v40, v33;
	v53 =	vld [tilespmem:s28+$0x170];
	[tilespmem:v36+s20+$0x0] =	vst.idx.msk $0xffff, v5  }
0x839: {  	[tilespmem:v44+s20+$0x0] =	vst.idx.msk $0xffff, v47;
	v61 =	vadd.s32 v50, v37;
	v56 =	vadd.f32 v45, v33;
	v54 =	vld [tilespmem:s28+$0x1B0]  }
0x83a: {  	v29 =	vmov v59;
	v59 =	vadd.s32 v52, v37;
	v8 =	vadd.f32 v8, v33;
	[tilespmem:v39+s20+$0x0] =	vst.idx.msk $0xffff, v2  }
0x83b: {  	v60 =	vadd.s32 v48, v37;
	[tilespmem:v46+s20+$0x0] =	vst.idx.msk $0xffff, v56;
	v7 =	vadd.f32 v7, v33  }
0x83c: {  	s0 =	sshll.u32 s26, $0xA;
	[tilespmem:v49+s20+$0x0] =	vst.idx.msk $0xffff, v8;
	v3 =	vadd.f32 v57, v33  }
0x83d: {  	s1 =	sshll.u32 s1, $0x10;
	s0 =	sand.u32 $0x1C00, s0;
	[tilespmem:v55+s20+$0x0] =	vst.idx.msk $0xffff, v7;
	v62 =	vadd.f32 v53, v33  }
0x83e: {  	s0 =	sor.u32 s0, s1;
	[tilespmem:v61+s20+$0x0] =	vst.idx.msk $0xffff, v3;
	v63 =	vadd.f32 v54, v33  }
0x83f: {  	s0 =	sshrl.u32 s0, $0x3;
	[tilespmem:v59+s20+$0x0] =	vst.idx.msk $0xffff, v62  }
0x840: {  	s6 =	simm.s32 $0x1AF00;
	s1 =	sadd.s32 s2, s0;
	[tilespmem:v60+s20+$0x0] =	vst.idx.msk $0xffff, v63  }
0x841: {  	[hbm4b:s1+s3] =	stream.linear.scatter [tilespmem:s6], [sflag:$0x4], $0x80, $0x38;
	[tilespmem:$0x1D300] =	vst v63  }
0x842: {  	s7 =	simm.s32 $0x1AF90;
	s6 =	sadd.s32 $0x10, s1  }
0x843: {  	[hbm4b:s6+s3] =	stream.linear.scatter [tilespmem:s7], [sflag:$0x4], $0x80, $0x38;
	[tilespmem:$0x1D300] =	vst v63  }
0x844: {  	s12 =	simm.s32 $0x1B020;
	s14 =	simm.s32 $0x1B0B0;
	s13 =	sadd.s32 $0x20, s1  }
0x845: {  	[hbm4b:s13+s3] =	stream.linear.scatter [tilespmem:s12], [sflag:$0x4], $0x80, $0x38;
	[tilespmem:$0x1D300] =	vst v63  }
0x846: {  	s24 =	simm.s32 $0x1B140;
	s30 =	simm.s32 $0x1B260;
	s18 =	sadd.s32 $0x30, s1  }
0x847: {  	[hbm4b:s18+s3] =	stream.linear.scatter [tilespmem:s14], [sflag:$0x4], $0x80, $0x38;
	[tilespmem:$0x1D300] =	vst v63  }
0x848: {  	s0 =	simm.s32 $0x480;
	s26 =	sadd.s32 $0x40, s1;
	s29 =	sadd.s32 $0x50, s1  }
0x849: {  	[hbm4b:s26+s3] =	stream.linear.scatter [tilespmem:s24], [sflag:$0x4], $0x80, $0x38;
	[tilespmem:$0x1D300] =	vst v63  }
0x84a: {  	s31 =	sadd.s32 $0x60, s1;
	s28 =	simm.s32 $0x1B1D0;
	s6 =	simm.s32 $0x2400  }
0x84b: {  	[hbm4b:s29+s3] =	stream.linear.scatter [tilespmem:s28], [sflag:$0x4], $0x80, $0x38;
	[tilespmem:$0x1D300] =	vst v63  }
0x84c: {  	s14 =	simm.s32 $0x1B2F0;
	s26 =	sadd.s32 $0x70, s1;
	s1 =	sadd.s32 $0x400, s1  }
0x84d: {  	v38 =	vmov v51;
	[hbm4b:s31+s3] =	stream.linear.scatter [tilespmem:s30], [sflag:$0x4], $0x80, $0x38;
	[tilespmem:$0x1D300] =	vst v63  }
.LBB2_41:
0x84e: {  	[hbm4b:s26+s3] =	stream.linear.scatter [tilespmem:s14], [sflag:$0x4], $0x80, $0x38;
	[tilespmem:$0x1D300] =	vst v63  }
0x84f: {  	s7 =	smov.u32 s0;
	s0 =	smov.u32 s6  }
0x850: {  	s12 =	sadd.s32 $0x1200, s6;
	s0 =	sshra.s32 s0, $0x2;
	s13 =	sadd.s32 $0x1AF00, s7  }
0x851: {  	[hbm4b:s1+s3] =	stream.linear.scatter [tilespmem:s13], [sflag:$0x4], $0x80, $0x38;
	[tilespmem:$0x1D300] =	vst v63  }
0x852: {  	p0 =	sne.s32 s6, $0x7E00;
	s6 =	sadd.s32 $0x1AF90, s7;
	s13 =	sadd.s32 $0x10, s1  }
0x853: {  	[hbm4b:s13+s3] =	stream.linear.scatter [tilespmem:s6], [sflag:$0x4], $0x80, $0x38;
	[tilespmem:$0x1D300] =	vst v63  }
0x854: {  	s6 =	sadd.s32 $0x1B020, s7;
	s13 =	sadd.s32 $0x20, s1  }
0x855: {  	[hbm4b:s13+s3] =	stream.linear.scatter [tilespmem:s6], [sflag:$0x4], $0x80, $0x38;
	[tilespmem:$0x1D300] =	vst v63  }
0x856: {  	s6 =	sadd.s32 $0x1B0B0, s7;
	s13 =	sadd.s32 $0x30, s1  }
0x857: {  	[hbm4b:s13+s3] =	stream.linear.scatter [tilespmem:s6], [sflag:$0x4], $0x80, $0x38;
	[tilespmem:$0x1D300] =	vst v63  }
0x858: {  	s6 =	sadd.s32 $0x1B140, s7;
	s13 =	sadd.s32 $0x40, s1  }
0x859: {  	[hbm4b:s13+s3] =	stream.linear.scatter [tilespmem:s6], [sflag:$0x4], $0x80, $0x38;
	[tilespmem:$0x1D300] =	vst v63  }
.Ltmp19:
0x85a: {  	s6 =	sadd.s32 $0x1B1D0, s7;
	s13 =	sadd.s32 $0x50, s1;
	(pc) =	sbr.rel @p0 .LBB2_41-.Ltmp19, $4  }
0x85b: {  	[hbm4b:s13+s3] =	stream.linear.scatter [tilespmem:s6], [sflag:$0x4], $0x80, $0x38;
	[tilespmem:$0x1D300] =	vst v63  }
0x85c: {  	s26 =	sadd.s32 $0x70, s1;
	s6 =	sadd.s32 $0x1B260, s7;
	s13 =	sadd.s32 $0x60, s1  }
0x85d: {  	[hbm4b:s13+s3] =	stream.linear.scatter [tilespmem:s6], [sflag:$0x4], $0x80, $0x38;
	[tilespmem:$0x1D300] =	vst v63  }
0x85e: {  	s14 =	sadd.s32 $0x1B2F0, s7;
	s1 =	sadd.s32 $0x400, s1;
	s6 =	smov.u32 s12  }
0x85f: {  	[hbm4b:s26+s3] =	stream.linear.scatter [tilespmem:s14], [sflag:$0x4], $0x80, $0x38;
	[tilespmem:$0x1D300] =	vst v63  }
0x860: {  	s6 =	sadd.s32 $0x1AF00, s0  }
0x861: {  	[hbm4b:s1+s3] =	stream.linear.scatter [tilespmem:s6], [sflag:$0x4], $0x80, $0x38;
	[tilespmem:$0x1D300] =	vst v63  }
0x862: {  	s29 =	sadd.s32 $0x1AF90, s0;
	s7 =	sadd.s32 $0x10, s1  }
0x863: {  	v24 =	vld [tilespmem:$0x1FFE0];
	[hbm4b:s7+s3] =	stream.linear.scatter [tilespmem:s29], [sflag:$0x4], $0x80, $0x38  }
0x864: {  	s30 =	sadd.s32 $0x1B020, s0;
	s31 =	sadd.s32 $0x20, s1;
	v18 =	vld [tilespmem:$0x1FEF0]  }
0x865: {  	v26 =	vld [tilespmem:$0x1FFD0];
	[hbm4b:s31+s3] =	stream.linear.scatter [tilespmem:s30], [sflag:$0x4], $0x80, $0x38  }
0x866: {  	s12 =	sadd.s32 $0x1B0B0, s0;
	s13 =	sadd.s32 $0x30, s1;
	v1 =	vld [tilespmem:$0x1FEC0]  }
0x867: {  	v63 =	vld [tilespmem:$0x1FF10];
	[hbm4b:s13+s3] =	stream.linear.scatter [tilespmem:s12], [sflag:$0x4], $0x80, $0x38  }
0x868: {  	s14 =	sadd.s32 $0x1B140, s0;
	s18 =	sadd.s32 $0x40, s1;
	s25 =	sadd.s32 $0x1, s25;
	v28 =	vld [tilespmem:$0x1FF20]  }
0x869: {  	v41 =	vld [tilespmem:$0x1FED0];
	[hbm4b:s18+s3] =	stream.linear.scatter [tilespmem:s14], [sflag:$0x4], $0x80, $0x38  }
0x86a: {  	s24 =	sadd.s32 $0x1B1D0, s0;
	s26 =	sadd.s32 $0x50, s1;
	v31 =	vld [tilespmem:$0x1FF40];
	p0 =	sne.s32 s25, $0x5  }
0x86b: {  	v61 =	vld [tilespmem:$0x1FF50];
	[hbm4b:s26+s3] =	stream.linear.scatter [tilespmem:s24], [sflag:$0x4], $0x80, $0x38  }
.Ltmp20:
0x86c: {  	v53 =	vld [tilespmem:$0x1FF90];
	(pc) =	sbr.rel @p0 .LBB2_2-.Ltmp20, $4  }
0x86d: {  	s28 =	sadd.s32 $0x1B260, s0;
	v30 =	vld [tilespmem:$0x1FFB0];
	s29 =	sadd.s32 $0x60, s1  }
0x86e: {  	v40 =	vld [tilespmem:$0x1FF60];
	[hbm4b:s29+s3] =	stream.linear.scatter [tilespmem:s28], [sflag:$0x4], $0x80, $0x38  }
0x86f: {  	v27 =	vld [tilespmem:$0x1FFA0];
	s30 =	sadd.s32 $0x1B2F0, s0;
	s31 =	sadd.s32 $0x70, s1  }
0x870: {  	v51 =	vld [tilespmem:$0x1FF80];
	[hbm4b:s31+s3] =	stream.linear.scatter [tilespmem:s30], [sflag:$0x4], $0x80, $0x38  }
0x871: {  	_ =	swait.ge [sflag:s17], $0xA000  }
0x872: {  	[sflag:s17] =	ssyncset.done $0x0  }
0x873: {  	[sflag:s17] =	ssyncadd.s32 $0xFFFF6000  }
0x874: {  	_ =	swait.ge [sflag:s21], $0x2000  }
0x875: {  	[sflag:s21] =	ssyncset.done $0x0  }
0x876: {  	[sflag:s21] =	ssyncadd.s32 $0xFFFFE000  }
0x877: {  	_ =	swait.ge [sflag:s22], $0x2000  }
0x878: {  	s1 =	rddreg [dreg:$0x6]  }
0x879: {  	s0 =	rddreg [dreg:$0x5];
	s1 =	sadd.s32 $0x1, s1  }
0x87a: {  	p0 =	sne.s32 s1, s0  }
.Ltmp21:
0x87b: {  	_ = 	snop;
	(pc) =	sbr.rel @p0 .LBB2_1-.Ltmp21, $3  }
0x87c: {  	_ =	sdelay $0x1  }
0x87d: {  	[sflag:s22] =	ssyncset.done $0x0  }
0x87e: {  	[sflag:s22] =	ssyncadd.s32 $0xFFFFE000  }
0x87f: {  	_ =	sfence.sel $0x180000  }
0x880: {  	[bflag:$0x0] =	sbarrier.arrive $0xFFFF  }
0x881: {  	_ =	strace $0x90000047  }
0x882: {  	s0 =	stileid.u32;
	[bflag:$0x2] =	sbarrier.arrive $0xFFFF  }
0x883: {  	p0 =	sne.s32 s0, $0x0;
	s0 =	rddreg [dreg:$0x2]  }
0x884: {  	s0 =	sadd.s32 @!p0 $0x100000, s0  }
0x885: {  	[sflag:s0] =	ssyncadd.tile.s32 @!p0 $0x1;
	_ =	shalt  }
.Lfunc_end2:
_tile_overlayer_lowered:
.L_overlay_start_2:
0x886: {  	(tag) =	ssettag $0x2  }
0x887: {  	s0 =	rddreg [dreg:$0x0];
	s2 =	stileid.u32  }
0x888: {  	s1 =	rddreg [dreg:$0x1];
	p0 =	sne.s32 s2, $0x0  }
0x889: {  	s3 =	rddreg [dreg:$0x2];
	[bflag:$0x3] =	sbarrier.arrive $0xFFFF;
	s2 =	simm.s32 @!p0 $0x1C05  }
0x88a: {  	[timem:s3], [sflag:s2] =	dma.local @!p0 [hbm:s0], s1  }
0x88b: {  	s0 =	simm.s32 @!p0 $0x5  }
0x88c: {  	_ =	swait.ge @!p0 [sflag:s0], s1  }
0x88d: {  	s1 =	ssub.s32 @!p0 $0x0, s1;
	[sflag:s0] =	ssyncset.done @!p0 $0x0  }
0x88e: {  	[sflag:s0] =	ssyncadd.s32 @!p0 s1  }
0x88f: {  	[bflag:$0x3] =	sbarrier.arrive $0xFFFF  }
0x890: {  	_ =	shalt  }

</sc_bundles>
